<compile_context>
chip_gen: v7x
topology: tpu7x:2x2x1
jax: 0.10.2.dev20260603
libtpu: 0.0.44.dev20260713+nightly
codegen_flags: <defaults>
</compile_context>

<pallas_src>
import functools

import jax
import jax.numpy as jnp
from jax import lax
from jax.experimental import pallas as pl
from jax.experimental.pallas import tpu as pltpu
from jax.experimental.pallas import tpu_sc as plsc

_N = 10000
_E = 320000
_F_IN = 128
_HID = 128
_C = 40
_C_PAD = 64

_NC = 2
_NS = 16
_NW = _NC * _NS
_K = 80
_EPW = _E // _NS
_NBLK = _EPW // _K
_RCHUNK = 80
_NCHUNK = _N // _RCHUNK


def _row_block(i):
    return (i, 0)


def _mm1_body(x_ref, w_ref, o_ref):
    o_ref[...] = lax.dot(x_ref[...], w_ref[0],
                         precision=lax.Precision.DEFAULT,
                         preferred_element_type=jnp.float32)


def _mm2_body(pa_ref, pb_ref, b1_ref, w2_ref, o_ref):
    a = jnp.maximum(jnp.concatenate([pa_ref[...], pb_ref[...]], axis=1)
                    + b1_ref[...], 0.0)
    o_ref[...] = lax.dot(a, w2_ref[0],
                         precision=lax.Precision.DEFAULT,
                         preferred_element_type=jnp.float32)


def _out_body(pa_ref, pb_ref, b2_ref, o_ref):
    z = jnp.concatenate([pa_ref[...], pb_ref[...]], axis=1)[:, :_C] + b2_ref[...]
    m = jnp.max(z, axis=1, keepdims=True)
    s = z - m
    lse = jnp.log(jnp.sum(jnp.exp(s), axis=1, keepdims=True))
    o_ref[...] = s - lse


def _make_spmm(D):
    nv = D // 16
    mesh = plsc.VectorSubcoreMesh(core_axis_name="c", subcore_axis_name="s")

    @functools.partial(
        pl.kernel,
        out_type=jax.ShapeDtypeStruct((_NC * _N, D), jnp.float32),
        mesh=mesh,
        compiler_params=pltpu.CompilerParams(use_tc_tiling_on_sc=False),
        scratch_types=[
            pltpu.VMEM((_NBLK, _K), jnp.int32),
            pltpu.VMEM((_NBLK, _K), jnp.int32),
            pltpu.VMEM((_NBLK, _K), jnp.float32),
            pltpu.VMEM((_K, D), jnp.float32),
            pltpu.VMEM((_K, D), jnp.float32),
            pltpu.VMEM((_RCHUNK, D), jnp.float32),
            pltpu.VMEM_SHARED((_N, D), jnp.float32),
            pltpu.SemaphoreType.DMA,
            pltpu.SemaphoreType.DMA,
        ],
    )
    def spmm(h_hbm, col_hbm, row_hbm, w_hbm, out_hbm,
             col_v, row_v, w_v, rows_a, rows_b, zbuf, acc_sh, sem_a, sem_b):
        cid = lax.axis_index("c")
        sid = lax.axis_index("s")
        wid = cid * _NS + sid

        pltpu.sync_copy(col_hbm.at[wid], col_v)
        pltpu.sync_copy(row_hbm.at[wid], row_v)
        pltpu.sync_copy(w_hbm.at[wid], w_v)

        zeros16 = jnp.zeros((16,), jnp.float32)

        def zrow(i, carry):
            for v in range(nv):
                zbuf[i, pl.ds(v * 16, 16)] = zeros16
            return carry

        lax.fori_loop(0, _RCHUNK, zrow, 0)

        def zchunk(c, carry):
            chunk = c * _NS + sid

            @pl.when(chunk < _NCHUNK)
            def _():
                pltpu.sync_copy(zbuf, acc_sh.at[pl.ds(chunk * _RCHUNK, _RCHUNK)])

            return carry

        lax.fori_loop(0, pl.cdiv(_NCHUNK, _NS), zchunk, 0)
        plsc.subcore_barrier()

        def scale_scatter(j, rows_v):
            @plsc.parallel_loop(0, _K, step=16)
            def _(k0):
                w16 = w_v[j, pl.ds(k0, 16)]
                for i in range(16):
                    wi = w16[i]
                    for v in range(nv):
                        sl = pl.ds(v * 16, 16)
                        rows_v[k0 + i, sl] = rows_v[k0 + i, sl] * wi

            pltpu.sync_copy(rows_v, acc_sh.at[row_v.at[j]], add=True)

        pltpu.async_copy(h_hbm.at[col_v.at[0]], rows_a, sem_a)

        def blk(p, carry):
            b0 = 2 * p
            b1 = b0 + 1
            pltpu.async_copy(h_hbm.at[col_v.at[b1]], rows_b, sem_b)
            pltpu.make_async_copy(h_hbm.at[col_v.at[b0]], rows_a, sem_a).wait()
            scale_scatter(b0, rows_a)

            @pl.when(b1 + 1 < _NBLK)
            def _():
                pltpu.async_copy(h_hbm.at[col_v.at[b1 + 1]], rows_a, sem_a)

            pltpu.make_async_copy(h_hbm.at[col_v.at[b1]], rows_b, sem_b).wait()
            scale_scatter(b1, rows_b)
            return carry

        lax.fori_loop(0, _NBLK // 2, blk, 0)
        plsc.subcore_barrier()

        def ochunk(c, carry):
            chunk = c * _NS + sid

            @pl.when(chunk < _NCHUNK)
            def _():
                off = chunk * _RCHUNK
                pltpu.sync_copy(acc_sh.at[pl.ds(off, _RCHUNK)],
                                out_hbm.at[pl.ds(cid * _N + off, _RCHUNK)])

            return carry

        lax.fori_loop(0, pl.cdiv(_NCHUNK, _NS), ochunk, 0)

    return spmm


_spmm_64 = _make_spmm(_HID // 2)
_spmm_32 = _make_spmm(_C_PAD // 2)

_RB = 1000
_NRB = _N // _RB


@jax.jit
def kernel(x, edge_index, edge_weight, W1, b1, W2, b2):
    rowc = edge_index[0].reshape(1, _NS, _NBLK, _K)
    colc = edge_index[1].reshape(1, _NS, _NBLK, _K)
    wc = edge_weight.reshape(1, _NS, _NBLK, _K)
    col3 = jnp.concatenate([colc, colc + _N], 0).reshape(_NW, _NBLK, _K)
    row3 = jnp.broadcast_to(rowc, (_NC, _NS, _NBLK, _K)).reshape(_NW, _NBLK, _K)
    w3 = jnp.broadcast_to(wc, (_NC, _NS, _NBLK, _K)).reshape(_NW, _NBLK, _K)
    W2p = jnp.pad(W2, ((0, 0), (0, _C_PAD - _C)))
    W1h = jnp.stack([W1[:, :_HID // 2], W1[:, _HID // 2:]])
    W2h = jnp.stack([W2p[:, :_C_PAD // 2], W2p[:, _C_PAD // 2:]])
    b1r = b1.reshape(1, _HID)
    b2r = b2.reshape(1, _C)

    h1s = pl.pallas_call(
        _mm1_body,
        grid=(2, _NRB),
        in_specs=[pl.BlockSpec((_RB, _F_IN), lambda j, i: (i, 0)),
                  pl.BlockSpec((1, _F_IN, _HID // 2), lambda j, i: (j, 0, 0))],
        out_specs=pl.BlockSpec((_RB, _HID // 2), lambda j, i: (j * _NRB + i, 0)),
        out_shape=jax.ShapeDtypeStruct((_NC * _N, _HID // 2), jnp.float32),
    )(x, W1h)

    p1 = _spmm_64(h1s, col3, row3, w3)

    h2s = pl.pallas_call(
        _mm2_body,
        grid=(2, _NRB),
        in_specs=[pl.BlockSpec((_RB, _HID // 2), lambda j, i: (i, 0)),
                  pl.BlockSpec((_RB, _HID // 2), lambda j, i: (i + _NRB, 0)),
                  pl.BlockSpec((1, _HID), lambda j, i: (0, 0)),
                  pl.BlockSpec((1, _HID, _C_PAD // 2), lambda j, i: (j, 0, 0))],
        out_specs=pl.BlockSpec((_RB, _C_PAD // 2), lambda j, i: (j * _NRB + i, 0)),
        out_shape=jax.ShapeDtypeStruct((_NC * _N, _C_PAD // 2), jnp.float32),
    )(p1, p1, b1r, W2h)

    p2 = _spmm_32(h2s, col3, row3, w3)

    out = pl.pallas_call(
        _out_body,
        grid=(_NRB,),
        in_specs=[pl.BlockSpec((_RB, _C_PAD // 2), _row_block),
                  pl.BlockSpec((_RB, _C_PAD // 2), lambda i: (i + _NRB, 0)),
                  pl.BlockSpec((1, _C), lambda i: (0, 0))],
        out_specs=pl.BlockSpec((_RB, _C), _row_block),
        out_shape=jax.ShapeDtypeStruct((_N, _C), jnp.float32),
    )(p2, p2, b2r)

    return out

# --- scband reference (transcript-rebuilt; emitter-appended) ---
"""Pipeline reference for scband-gcn-34626026340407 (READ-ONLY COPY).

The authoritative reference and input builder live on the scoring server;
editing this copy changes nothing except your own understanding.
"""

import jax, jax.numpy as jnp
import numpy as np

N = 10000
E = 320000
F_IN = 128
HID = 128
C = 40

def _xavier(key, shape, gain=1.414):
    fan_in, fan_out = shape[0], shape[1]
    a = gain * np.sqrt(6.0 / (fan_in + fan_out))
    return jax.random.uniform(key, shape, dtype=jnp.float32, minval=-a, maxval=a)

def setup_inputs(seed: int = 0) -> dict:
    key = jax.random.key(seed)
    ks = jax.random.split(key, 6)
    x = jax.random.normal(ks[0], (N, F_IN), dtype=jnp.float32)
    edge_index = jax.random.randint(ks[1], (2, E), 0, N, dtype=jnp.int32)
    edge_weight = jax.random.uniform(ks[2], (E,), dtype=jnp.float32)
    W1 = _xavier(ks[3], (F_IN, HID))
    b1 = jnp.zeros((HID,), dtype=jnp.float32)
    W2 = _xavier(ks[4], (HID, C))
    b2 = jnp.zeros((C,), dtype=jnp.float32)
    return {"x": x, "edge_index": edge_index, "edge_weight": edge_weight,
            "W1": W1, "b1": b1, "W2": W2, "b2": b2}

def _spmm(edge_index, edge_weight, h):
    # out[i] = sum_j adj[i, j] * h[j]  with adj in COO form (row, col, weight)
    row = edge_index[0]
    col = edge_index[1]
    gathered = jnp.take(h, col, axis=0) * edge_weight[:, None]
    return jax.ops.segment_sum(gathered, row, num_segments=N)

def reference(x, edge_index, edge_weight, W1, b1, W2, b2):
    # GCN forward in eval mode (dropout is identity when training=False)
    h = jnp.matmul(x, W1)
    h = _spmm(edge_index, edge_weight, h) + b1
    h = jax.nn.relu(h)
    h = jnp.matmul(h, W2)
    h = _spmm(edge_index, edge_weight, h) + b2
    return jax.nn.log_softmax(h, axis=1)

if __name__ == "__main__":
    import jax
    _d = setup_inputs()
    print(jax.jit(kernel)(*tuple(_d.values())))

</pallas_src>

<mosaic_0001>
#map = affine_map<(d0, d1) -> (0, 0)>
#map1 = affine_map<(d0, d1) -> (0, 0, 0)>
module attributes {stable_mosaic.version = 14 : i64} {
  func.func @spmm(%arg0: i32, %arg1: i32, %arg2: memref<20000x64xf32, #tpu.memory_space<hbm>>, %arg3: memref<32x250x80xi32, #tpu.memory_space<hbm>>, %arg4: memref<32x250x80xi32, #tpu.memory_space<hbm>>, %arg5: memref<32x250x80xf32, #tpu.memory_space<hbm>>, %arg6: memref<20000x64xf32, #tpu.memory_space<hbm>>, %arg7: memref<250x80xi32, #tpu.memory_space<vmem>>, %arg8: memref<250x80xi32, #tpu.memory_space<vmem>>, %arg9: memref<250x80xf32, #tpu.memory_space<vmem>>, %arg10: memref<80x64xf32, #tpu.memory_space<vmem>>, %arg11: memref<80x64xf32, #tpu.memory_space<vmem>>, %arg12: memref<80x64xf32, #tpu.memory_space<vmem>>, %arg13: memref<10000x64xf32, #tpu.memory_space<vmem_shared>>, %arg14: memref<!tpu.dma_semaphore, #tpu.memory_space<semaphore_mem>>, %arg15: memref<!tpu.dma_semaphore, #tpu.memory_space<semaphore_mem>>) attributes {dimension_semantics = [#tpu.dimension_semantics<core_parallel>, #tpu.dimension_semantics<subcore_parallel>], iteration_bounds = array<i64: 2, 16>, scalar_prefetch = 0 : i64, scratch_operands = 9 : i64, tpu.core_type = #tpu.core_type<sc_vector_subcore>, window_params = [{transform_indices = #map}, {transform_indices = #map1}, {transform_indices = #map1}, {transform_indices = #map1}, {transform_indices = #map}]} {
    %mul3A = arith.constant 16 : i32
    %mul3A_0 = arith.muli %arg0, %mul3A : i32
    %add3A = arith.addi %mul3A_0, %arg1 : i32
    "tpu.region"() ({
      %run_scoped3A = tpu.sem_alloc : memref<!tpu.dma_semaphore, #tpu.memory_space<semaphore_mem>>
      %dma_start3A_32 = arith.constant 0 : i32
      %dma_start3A_33 = arith.constant 0 : i32
      %dma_start3A_34 = tpu.memref_slice %arg3[%add3A, %dma_start3A_32, %dma_start3A_33] : memref<32x250x80xi32, #tpu.memory_space<hbm>> -> memref<1x250x80xi32, #tpu.memory_space<hbm>>
      %dma_start3A_35 = tpu.memref_squeeze %dma_start3A_34 : memref<1x250x80xi32, #tpu.memory_space<hbm>> -> memref<250x80xi32, #tpu.memory_space<hbm>>
      %dma_start3A_36 = arith.constant 0 : i32
      %dma_start3A_37 = arith.constant 0 : i32
      %dma_start3A_38 = tpu.memref_slice %arg3[%add3A, %dma_start3A_36, %dma_start3A_37] : memref<32x250x80xi32, #tpu.memory_space<hbm>> -> memref<1x250x80xi32, #tpu.memory_space<hbm>>
      %dma_start3A_39 = tpu.memref_squeeze %dma_start3A_38 : memref<1x250x80xi32, #tpu.memory_space<hbm>> -> memref<250x80xi32, #tpu.memory_space<hbm>>
      tpu.enqueue_dma source(%dma_start3A_39 : memref<250x80xi32, #tpu.memory_space<hbm>>) target(%arg7 : memref<250x80xi32, #tpu.memory_space<vmem>>) target_semaphore(%run_scoped3A : memref<!tpu.dma_semaphore, #tpu.memory_space<semaphore_mem>>)
      %dma_wait3A = arith.constant 0 : i32
      %dma_wait3A_40 = arith.constant 0 : i32
      %dma_wait3A_41 = tpu.memref_slice %arg3[%add3A, %dma_wait3A, %dma_wait3A_40] : memref<32x250x80xi32, #tpu.memory_space<hbm>> -> memref<1x250x80xi32, #tpu.memory_space<hbm>>
      %dma_wait3A_42 = tpu.memref_squeeze %dma_wait3A_41 : memref<1x250x80xi32, #tpu.memory_space<hbm>> -> memref<250x80xi32, #tpu.memory_space<hbm>>
      %dma_wait3A_43 = arith.constant 0 : i32
      %dma_wait3A_44 = arith.constant 0 : i32
      %dma_wait3A_45 = tpu.memref_slice %arg3[%add3A, %dma_wait3A_43, %dma_wait3A_44] : memref<32x250x80xi32, #tpu.memory_space<hbm>> -> memref<1x250x80xi32, #tpu.memory_space<hbm>>
      %dma_wait3A_46 = tpu.memref_squeeze %dma_wait3A_45 : memref<1x250x80xi32, #tpu.memory_space<hbm>> -> memref<250x80xi32, #tpu.memory_space<hbm>>
      tpu.wait_dma2 semaphore(%run_scoped3A : memref<!tpu.dma_semaphore, #tpu.memory_space<semaphore_mem>>) src(%dma_wait3A_46 : memref<250x80xi32, #tpu.memory_space<hbm>>) dst(%arg7 : memref<250x80xi32, #tpu.memory_space<vmem>>)
      tpu.yield
    }) : () -> ()
    "tpu.region"() ({
      %run_scoped3A = tpu.sem_alloc : memref<!tpu.dma_semaphore, #tpu.memory_space<semaphore_mem>>
      %dma_start3A_32 = arith.constant 0 : i32
      %dma_start3A_33 = arith.constant 0 : i32
      %dma_start3A_34 = tpu.memref_slice %arg4[%add3A, %dma_start3A_32, %dma_start3A_33] : memref<32x250x80xi32, #tpu.memory_space<hbm>> -> memref<1x250x80xi32, #tpu.memory_space<hbm>>
      %dma_start3A_35 = tpu.memref_squeeze %dma_start3A_34 : memref<1x250x80xi32, #tpu.memory_space<hbm>> -> memref<250x80xi32, #tpu.memory_space<hbm>>
      %dma_start3A_36 = arith.constant 0 : i32
      %dma_start3A_37 = arith.constant 0 : i32
      %dma_start3A_38 = tpu.memref_slice %arg4[%add3A, %dma_start3A_36, %dma_start3A_37] : memref<32x250x80xi32, #tpu.memory_space<hbm>> -> memref<1x250x80xi32, #tpu.memory_space<hbm>>
      %dma_start3A_39 = tpu.memref_squeeze %dma_start3A_38 : memref<1x250x80xi32, #tpu.memory_space<hbm>> -> memref<250x80xi32, #tpu.memory_space<hbm>>
      tpu.enqueue_dma source(%dma_start3A_39 : memref<250x80xi32, #tpu.memory_space<hbm>>) target(%arg8 : memref<250x80xi32, #tpu.memory_space<vmem>>) target_semaphore(%run_scoped3A : memref<!tpu.dma_semaphore, #tpu.memory_space<semaphore_mem>>)
      %dma_wait3A = arith.constant 0 : i32
      %dma_wait3A_40 = arith.constant 0 : i32
      %dma_wait3A_41 = tpu.memref_slice %arg4[%add3A, %dma_wait3A, %dma_wait3A_40] : memref<32x250x80xi32, #tpu.memory_space<hbm>> -> memref<1x250x80xi32, #tpu.memory_space<hbm>>
      %dma_wait3A_42 = tpu.memref_squeeze %dma_wait3A_41 : memref<1x250x80xi32, #tpu.memory_space<hbm>> -> memref<250x80xi32, #tpu.memory_space<hbm>>
      %dma_wait3A_43 = arith.constant 0 : i32
      %dma_wait3A_44 = arith.constant 0 : i32
      %dma_wait3A_45 = tpu.memref_slice %arg4[%add3A, %dma_wait3A_43, %dma_wait3A_44] : memref<32x250x80xi32, #tpu.memory_space<hbm>> -> memref<1x250x80xi32, #tpu.memory_space<hbm>>
      %dma_wait3A_46 = tpu.memref_squeeze %dma_wait3A_45 : memref<1x250x80xi32, #tpu.memory_space<hbm>> -> memref<250x80xi32, #tpu.memory_space<hbm>>
      tpu.wait_dma2 semaphore(%run_scoped3A : memref<!tpu.dma_semaphore, #tpu.memory_space<semaphore_mem>>) src(%dma_wait3A_46 : memref<250x80xi32, #tpu.memory_space<hbm>>) dst(%arg8 : memref<250x80xi32, #tpu.memory_space<vmem>>)
      tpu.yield
    }) : () -> ()
    "tpu.region"() ({
      %run_scoped3A = tpu.sem_alloc : memref<!tpu.dma_semaphore, #tpu.memory_space<semaphore_mem>>
      %dma_start3A_32 = arith.constant 0 : i32
      %dma_start3A_33 = arith.constant 0 : i32
      %dma_start3A_34 = tpu.memref_slice %arg5[%add3A, %dma_start3A_32, %dma_start3A_33] : memref<32x250x80xf32, #tpu.memory_space<hbm>> -> memref<1x250x80xf32, #tpu.memory_space<hbm>>
      %dma_start3A_35 = tpu.memref_squeeze %dma_start3A_34 : memref<1x250x80xf32, #tpu.memory_space<hbm>> -> memref<250x80xf32, #tpu.memory_space<hbm>>
      %dma_start3A_36 = arith.constant 0 : i32
      %dma_start3A_37 = arith.constant 0 : i32
      %dma_start3A_38 = tpu.memref_slice %arg5[%add3A, %dma_start3A_36, %dma_start3A_37] : memref<32x250x80xf32, #tpu.memory_space<hbm>> -> memref<1x250x80xf32, #tpu.memory_space<hbm>>
      %dma_start3A_39 = tpu.memref_squeeze %dma_start3A_38 : memref<1x250x80xf32, #tpu.memory_space<hbm>> -> memref<250x80xf32, #tpu.memory_space<hbm>>
      tpu.enqueue_dma source(%dma_start3A_39 : memref<250x80xf32, #tpu.memory_space<hbm>>) target(%arg9 : memref<250x80xf32, #tpu.memory_space<vmem>>) target_semaphore(%run_scoped3A : memref<!tpu.dma_semaphore, #tpu.memory_space<semaphore_mem>>)
      %dma_wait3A = arith.constant 0 : i32
      %dma_wait3A_40 = arith.constant 0 : i32
      %dma_wait3A_41 = tpu.memref_slice %arg5[%add3A, %dma_wait3A, %dma_wait3A_40] : memref<32x250x80xf32, #tpu.memory_space<hbm>> -> memref<1x250x80xf32, #tpu.memory_space<hbm>>
      %dma_wait3A_42 = tpu.memref_squeeze %dma_wait3A_41 : memref<1x250x80xf32, #tpu.memory_space<hbm>> -> memref<250x80xf32, #tpu.memory_space<hbm>>
      %dma_wait3A_43 = arith.constant 0 : i32
      %dma_wait3A_44 = arith.constant 0 : i32
      %dma_wait3A_45 = tpu.memref_slice %arg5[%add3A, %dma_wait3A_43, %dma_wait3A_44] : memref<32x250x80xf32, #tpu.memory_space<hbm>> -> memref<1x250x80xf32, #tpu.memory_space<hbm>>
      %dma_wait3A_46 = tpu.memref_squeeze %dma_wait3A_45 : memref<1x250x80xf32, #tpu.memory_space<hbm>> -> memref<250x80xf32, #tpu.memory_space<hbm>>
      tpu.wait_dma2 semaphore(%run_scoped3A : memref<!tpu.dma_semaphore, #tpu.memory_space<semaphore_mem>>) src(%dma_wait3A_46 : memref<250x80xf32, #tpu.memory_space<hbm>>) dst(%arg9 : memref<250x80xf32, #tpu.memory_space<vmem>>)
      tpu.yield
    }) : () -> ()
    %broadcast_in_dim3A = arith.constant 0.000000e+00 : f32
    %broadcast_in_dim3A_1 = vector.broadcast %broadcast_in_dim3A : f32 to vector<16xf32>
    %scan3A = arith.constant 0 : i32
    %scan3A_2 = arith.constant 0 : i32
    %scan3A_3 = arith.constant 80 : i32
    %scan3A_4 = arith.addi %scan3A_2, %scan3A_3 : i32
    %scan3A_5 = arith.constant 1 : i32
    scf.for %scan3A_32 = %scan3A_2 to %scan3A_4 step %scan3A_5  : i32 {
      %swap3A = arith.index_cast %scan3A_32 : i32 to index
      %swap3A_33 = arith.constant 0 : index
      %swap3A_34 = tpu.vector_load %arg12[%swap3A, %swap3A_33] {strides = array<i32>} : memref<80x64xf32, #tpu.memory_space<vmem>>, vector<1x16xf32>,
      %swap3A_35 = vector.shape_cast %swap3A_34 : vector<1x16xf32> to vector<16xf32>
      %swap3A_36 = vector.shape_cast %broadcast_in_dim3A_1 : vector<16xf32> to vector<1x16xf32>
      tpu.vector_store %arg12[%swap3A, %swap3A_33], %swap3A_36 {strides = array<i32>} : memref<80x64xf32, #tpu.memory_space<vmem>>, vector<1x16xf32>,
      %swap3A_37 = arith.index_cast %scan3A_32 : i32 to index
      %swap3A_38 = arith.constant 16 : index
      %swap3A_39 = tpu.vector_load %arg12[%swap3A_37, %swap3A_38] {strides = array<i32>} : memref<80x64xf32, #tpu.memory_space<vmem>>, vector<1x16xf32>,
      %swap3A_40 = vector.shape_cast %swap3A_39 : vector<1x16xf32> to vector<16xf32>
      %swap3A_41 = vector.shape_cast %broadcast_in_dim3A_1 : vector<16xf32> to vector<1x16xf32>
      tpu.vector_store %arg12[%swap3A_37, %swap3A_38], %swap3A_41 {strides = array<i32>} : memref<80x64xf32, #tpu.memory_space<vmem>>, vector<1x16xf32>,
      %swap3A_42 = arith.index_cast %scan3A_32 : i32 to index
      %swap3A_43 = arith.constant 32 : index
      %swap3A_44 = tpu.vector_load %arg12[%swap3A_42, %swap3A_43] {strides = array<i32>} : memref<80x64xf32, #tpu.memory_space<vmem>>, vector<1x16xf32>,
      %swap3A_45 = vector.shape_cast %swap3A_44 : vector<1x16xf32> to vector<16xf32>
      %swap3A_46 = vector.shape_cast %broadcast_in_dim3A_1 : vector<16xf32> to vector<1x16xf32>
      tpu.vector_store %arg12[%swap3A_42, %swap3A_43], %swap3A_46 {strides = array<i32>} : memref<80x64xf32, #tpu.memory_space<vmem>>, vector<1x16xf32>,
      %swap3A_47 = arith.index_cast %scan3A_32 : i32 to index
      %swap3A_48 = arith.constant 48 : index
      %swap3A_49 = tpu.vector_load %arg12[%swap3A_47, %swap3A_48] {strides = array<i32>} : memref<80x64xf32, #tpu.memory_space<vmem>>, vector<1x16xf32>,
      %swap3A_50 = vector.shape_cast %swap3A_49 : vector<1x16xf32> to vector<16xf32>
      %swap3A_51 = vector.shape_cast %broadcast_in_dim3A_1 : vector<16xf32> to vector<1x16xf32>
      tpu.vector_store %arg12[%swap3A_47, %swap3A_48], %swap3A_51 {strides = array<i32>} : memref<80x64xf32, #tpu.memory_space<vmem>>, vector<1x16xf32>,
    }
    %scan3A_6 = arith.constant 80 : i32
    %scan3A_7 = arith.constant 0 : i32
    %scan3A_8 = arith.constant 0 : i32
    %scan3A_9 = arith.constant 8 : i32
    %scan3A_10 = arith.addi %scan3A_8, %scan3A_9 : i32
    %scan3A_11 = arith.constant 1 : i32
    scf.for %scan3A_32 = %scan3A_8 to %scan3A_10 step %scan3A_11  : i32 {
      %mul3A_33 = arith.constant 16 : i32
      %mul3A_34 = arith.muli %scan3A_32, %mul3A_33 : i32
      %add3A_35 = arith.addi %mul3A_34, %arg1 : i32
      %lt3A = arith.constant 125 : i32
      %lt3A_36 = arith.cmpi slt, %add3A_35, %lt3A : i32
      %convert_element_type3A = arith.extui %lt3A_36 : i1 to i32
      %cond3A = arith.constant 0 : i32
      %cond3A_37 = arith.cmpi ne, %convert_element_type3A, %cond3A : i32
      scf.if %cond3A_37 {
        %mul3A_38 = arith.constant 80 : i32
        %mul3A_39 = arith.muli %add3A_35, %mul3A_38 : i32
        "tpu.region"() ({
          %run_scoped3A = tpu.sem_alloc : memref<!tpu.dma_semaphore, #tpu.memory_space<semaphore_mem>>
          %dma_start3A_40 = arith.constant 0 : i32
          %dma_start3A_41 = tpu.memref_slice %arg13[%mul3A_39, %dma_start3A_40] : memref<10000x64xf32, #tpu.memory_space<vmem_shared>> -> memref<80x64xf32, #tpu.memory_space<vmem_shared>>
          %dma_start3A_42 = arith.constant 0 : i32
          %dma_start3A_43 = tpu.memref_slice %arg13[%mul3A_39, %dma_start3A_42] : memref<10000x64xf32, #tpu.memory_space<vmem_shared>> -> memref<80x64xf32, #tpu.memory_space<vmem_shared>>
          tpu.enqueue_dma source(%arg12 : memref<80x64xf32, #tpu.memory_space<vmem>>) target(%dma_start3A_43 : memref<80x64xf32, #tpu.memory_space<vmem_shared>>) target_semaphore(%run_scoped3A : memref<!tpu.dma_semaphore, #tpu.memory_space<semaphore_mem>>)
          %dma_wait3A = arith.constant 0 : i32
          %dma_wait3A_44 = tpu.memref_slice %arg13[%mul3A_39, %dma_wait3A] : memref<10000x64xf32, #tpu.memory_space<vmem_shared>> -> memref<80x64xf32, #tpu.memory_space<vmem_shared>>
          %dma_wait3A_45 = arith.constant 0 : i32
          %dma_wait3A_46 = tpu.memref_slice %arg13[%mul3A_39, %dma_wait3A_45] : memref<10000x64xf32, #tpu.memory_space<vmem_shared>> -> memref<80x64xf32, #tpu.memory_space<vmem_shared>>
          tpu.wait_dma2 semaphore(%run_scoped3A : memref<!tpu.dma_semaphore, #tpu.memory_space<semaphore_mem>>) src(%arg12 : memref<80x64xf32, #tpu.memory_space<vmem>>) dst(%dma_wait3A_46 : memref<80x64xf32, #tpu.memory_space<vmem_shared>>)
          tpu.yield
        }) : () -> ()
      } else {
      }
    }
    %scan3A_12 = arith.constant 8 : i32
    %barrier3A = arith.constant 0 : index
    tpu.barrier barrier_id(%barrier3A)
    %dma_start3A = arith.constant 0 : i32
    %dma_start3A_13 = arith.constant 0 : i32
    %dma_start3A_14 = tpu.memref_slice %arg7[%dma_start3A, %dma_start3A_13] : memref<250x80xi32, #tpu.memory_space<vmem>> -> memref<1x80xi32, #tpu.memory_space<vmem>>
    %dma_start3A_15 = tpu.memref_squeeze %dma_start3A_14 : memref<1x80xi32, #tpu.memory_space<vmem>> -> memref<80xi32, #tpu.memory_space<vmem>>
    %dma_start3A_16 = arith.constant 0 : i32
    %dma_start3A_17 = arith.constant 0 : i32
    %dma_start3A_18 = tpu.memref_slice %arg2[%dma_start3A_16, %dma_start3A_17] : memref<20000x64xf32, #tpu.memory_space<hbm>> -> memref<20000x64xf32, #tpu.memory_space<hbm>>
    tpu.enqueue_indirect_dma source(%dma_start3A_18 : memref<20000x64xf32, #tpu.memory_space<hbm>>) target(%arg10 : memref<80x64xf32, #tpu.memory_space<vmem>>) offsets(%dma_start3A_15 : memref<80xi32, #tpu.memory_space<vmem>>) semaphore(%arg14 : memref<!tpu.dma_semaphore, #tpu.memory_space<semaphore_mem>>)
    %scan3A_19 = arith.constant 0 : i32
    %scan3A_20 = arith.constant 0 : i32
    %scan3A_21 = arith.constant 125 : i32
    %scan3A_22 = arith.addi %scan3A_20, %scan3A_21 : i32
    %scan3A_23 = arith.constant 1 : i32
    scf.for %scan3A_32 = %scan3A_20 to %scan3A_22 step %scan3A_23  : i32 {
      %mul3A_33 = arith.constant 2 : i32
      %mul3A_34 = arith.muli %mul3A_33, %scan3A_32 : i32
      %add3A_35 = arith.constant 1 : i32
      %add3A_36 = arith.addi %mul3A_34, %add3A_35 : i32
      %dma_start3A_37 = arith.constant 0 : i32
      %dma_start3A_38 = tpu.memref_slice %arg7[%add3A_36, %dma_start3A_37] : memref<250x80xi32, #tpu.memory_space<vmem>> -> memref<1x80xi32, #tpu.memory_space<vmem>>
      %dma_start3A_39 = tpu.memref_squeeze %dma_start3A_38 : memref<1x80xi32, #tpu.memory_space<vmem>> -> memref<80xi32, #tpu.memory_space<vmem>>
      %dma_start3A_40 = arith.constant 0 : i32
      %dma_start3A_41 = arith.constant 0 : i32
      %dma_start3A_42 = tpu.memref_slice %arg2[%dma_start3A_40, %dma_start3A_41] : memref<20000x64xf32, #tpu.memory_space<hbm>> -> memref<20000x64xf32, #tpu.memory_space<hbm>>
      tpu.enqueue_indirect_dma source(%dma_start3A_42 : memref<20000x64xf32, #tpu.memory_space<hbm>>) target(%arg11 : memref<80x64xf32, #tpu.memory_space<vmem>>) offsets(%dma_start3A_39 : memref<80xi32, #tpu.memory_space<vmem>>) semaphore(%arg15 : memref<!tpu.dma_semaphore, #tpu.memory_space<semaphore_mem>>)
      %dma_wait3A = arith.constant 0 : i32
      %dma_wait3A_43 = tpu.memref_slice %arg7[%mul3A_34, %dma_wait3A] : memref<250x80xi32, #tpu.memory_space<vmem>> -> memref<1x80xi32, #tpu.memory_space<vmem>>
      %dma_wait3A_44 = tpu.memref_squeeze %dma_wait3A_43 : memref<1x80xi32, #tpu.memory_space<vmem>> -> memref<80xi32, #tpu.memory_space<vmem>>
      %dma_wait3A_45 = arith.constant 0 : i32
      %dma_wait3A_46 = arith.constant 0 : i32
      %dma_wait3A_47 = tpu.memref_slice %arg2[%dma_wait3A_45, %dma_wait3A_46] : memref<20000x64xf32, #tpu.memory_space<hbm>> -> memref<20000x64xf32, #tpu.memory_space<hbm>>
      tpu.wait_indirect_dma semaphore(%arg14 : memref<!tpu.dma_semaphore, #tpu.memory_space<semaphore_mem>>) src(%dma_wait3A_47 : memref<20000x64xf32, #tpu.memory_space<hbm>>) dst(%arg10 : memref<80x64xf32, #tpu.memory_space<vmem>>)
      %parallel_loop3A = arith.constant 0 : i32
      %parallel_loop3A_48 = arith.constant 80 : i32
      %parallel_loop3A_49 = arith.constant 16 : i32
      scf.for %parallel_loop3A_63 = %parallel_loop3A to %parallel_loop3A_48 step %parallel_loop3A_49  : i32 {
        %parallel_loop3A_64 = arith.index_cast %mul3A_34 : i32 to index
        %parallel_loop3A_65 = arith.index_cast %parallel_loop3A_63 : i32 to index
        %parallel_loop3A_66 = tpu.vector_load %arg9[%parallel_loop3A_64, %parallel_loop3A_65] {strides = array<i32>} : memref<250x80xf32, #tpu.memory_space<vmem>>, vector<1x16xf32>,
        %parallel_loop3A_67 = vector.shape_cast %parallel_loop3A_66 : vector<1x16xf32> to vector<16xf32>
        %parallel_loop3A_68 = vector.extract_strided_slice %parallel_loop3A_67 {offsets = [0], sizes = [1], strides = [1]} : vector<16xf32> to vector<1xf32>
        %parallel_loop3A_69 = vector.extract %parallel_loop3A_68[0] : f32 from vector<1xf32>
        %parallel_loop3A_70 = arith.constant 0 : i32
        %parallel_loop3A_71 = arith.addi %parallel_loop3A_63, %parallel_loop3A_70 : i32
        %parallel_loop3A_72 = arith.index_cast %parallel_loop3A_71 : i32 to index
        %parallel_loop3A_73 = arith.constant 0 : index
        %parallel_loop3A_74 = tpu.vector_load %arg10[%parallel_loop3A_72, %parallel_loop3A_73] {strides = array<i32>} : memref<80x64xf32, #tpu.memory_space<vmem>>, vector<1x16xf32>,
        %parallel_loop3A_75 = vector.shape_cast %parallel_loop3A_74 : vector<1x16xf32> to vector<16xf32>
        %parallel_loop3A_76 = vector.broadcast %parallel_loop3A_69 : f32 to vector<16xf32>
        %parallel_loop3A_77 = arith.mulf %parallel_loop3A_75, %parallel_loop3A_76 : vector<16xf32>
        %parallel_loop3A_78 = arith.constant 0 : i32
        %parallel_loop3A_79 = arith.addi %parallel_loop3A_63, %parallel_loop3A_78 : i32
        %parallel_loop3A_80 = arith.index_cast %parallel_loop3A_79 : i32 to index
        %parallel_loop3A_81 = arith.constant 0 : index
        %parallel_loop3A_82 = tpu.vector_load %arg10[%parallel_loop3A_80, %parallel_loop3A_81] {strides = array<i32>} : memref<80x64xf32, #tpu.memory_space<vmem>>, vector<1x16xf32>,
        %parallel_loop3A_83 = vector.shape_cast %parallel_loop3A_82 : vector<1x16xf32> to vector<16xf32>
        %parallel_loop3A_84 = vector.shape_cast %parallel_loop3A_77 : vector<16xf32> to vector<1x16xf32>
        tpu.vector_store %arg10[%parallel_loop3A_80, %parallel_loop3A_81], %parallel_loop3A_84 {strides = array<i32>} : memref<80x64xf32, #tpu.memory_space<vmem>>, vector<1x16xf32>,
        %parallel_loop3A_85 = arith.constant 0 : i32
        %parallel_loop3A_86 = arith.addi %parallel_loop3A_63, %parallel_loop3A_85 : i32
        %parallel_loop3A_87 = arith.index_cast %parallel_loop3A_86 : i32 to index
        %parallel_loop3A_88 = arith.constant 16 : index
        %parallel_loop3A_89 = tpu.vector_load %arg10[%parallel_loop3A_87, %parallel_loop3A_88] {strides = array<i32>} : memref<80x64xf32, #tpu.memory_space<vmem>>, vector<1x16xf32>,
        %parallel_loop3A_90 = vector.shape_cast %parallel_loop3A_89 : vector<1x16xf32> to vector<16xf32>
        %parallel_loop3A_91 = vector.broadcast %parallel_loop3A_69 : f32 to vector<16xf32>
        %parallel_loop3A_92 = arith.mulf %parallel_loop3A_90, %parallel_loop3A_91 : vector<16xf32>
        %parallel_loop3A_93 = arith.constant 0 : i32
        %parallel_loop3A_94 = arith.addi %parallel_loop3A_63, %parallel_loop3A_93 : i32
        %parallel_loop3A_95 = arith.index_cast %parallel_loop3A_94 : i32 to index
        %parallel_loop3A_96 = arith.constant 16 : index
        %parallel_loop3A_97 = tpu.vector_load %arg10[%parallel_loop3A_95, %parallel_loop3A_96] {strides = array<i32>} : memref<80x64xf32, #tpu.memory_space<vmem>>, vector<1x16xf32>,
        %parallel_loop3A_98 = vector.shape_cast %parallel_loop3A_97 : vector<1x16xf32> to vector<16xf32>
        %parallel_loop3A_99 = vector.shape_cast %parallel_loop3A_92 : vector<16xf32> to vector<1x16xf32>
        tpu.vector_store %arg10[%parallel_loop3A_95, %parallel_loop3A_96], %parallel_loop3A_99 {strides = array<i32>} : memref<80x64xf32, #tpu.memory_space<vmem>>, vector<1x16xf32>,
        %parallel_loop3A_100 = arith.constant 0 : i32
        %parallel_loop3A_101 = arith.addi %parallel_loop3A_63, %parallel_loop3A_100 : i32
        %parallel_loop3A_102 = arith.index_cast %parallel_loop3A_101 : i32 to index
        %parallel_loop3A_103 = arith.constant 32 : index
        %parallel_loop3A_104 = tpu.vector_load %arg10[%parallel_loop3A_102, %parallel_loop3A_103] {strides = array<i32>} : memref<80x64xf32, #tpu.memory_space<vmem>>, vector<1x16xf32>,
        %parallel_loop3A_105 = vector.shape_cast %parallel_loop3A_104 : vector<1x16xf32> to vector<16xf32>
        %parallel_loop3A_106 = vector.broadcast %parallel_loop3A_69 : f32 to vector<16xf32>
        %parallel_loop3A_107 = arith.mulf %parallel_loop3A_105, %parallel_loop3A_106 : vector<16xf32>
        %parallel_loop3A_108 = arith.constant 0 : i32
        %parallel_loop3A_109 = arith.addi %parallel_loop3A_63, %parallel_loop3A_108 : i32
        %parallel_loop3A_110 = arith.index_cast %parallel_loop3A_109 : i32 to index
        %parallel_loop3A_111 = arith.constant 32 : index
        %parallel_loop3A_112 = tpu.vector_load %arg10[%parallel_loop3A_110, %parallel_loop3A_111] {strides = array<i32>} : memref<80x64xf32, #tpu.memory_space<vmem>>, vector<1x16xf32>,
        %parallel_loop3A_113 = vector.shape_cast %parallel_loop3A_112 : vector<1x16xf32> to vector<16xf32>
        %parallel_loop3A_114 = vector.shape_cast %parallel_loop3A_107 : vector<16xf32> to vector<1x16xf32>
        tpu.vector_store %arg10[%parallel_loop3A_110, %parallel_loop3A_111], %parallel_loop3A_114 {strides = array<i32>} : memref<80x64xf32, #tpu.memory_space<vmem>>, vector<1x16xf32>,
        %parallel_loop3A_115 = arith.constant 0 : i32
        %parallel_loop3A_116 = arith.addi %parallel_loop3A_63, %parallel_loop3A_115 : i32
        %parallel_loop3A_117 = arith.index_cast %parallel_loop3A_116 : i32 to index
        %parallel_loop3A_118 = arith.constant 48 : index
        %parallel_loop3A_119 = tpu.vector_load %arg10[%parallel_loop3A_117, %parallel_loop3A_118] {strides = array<i32>} : memref<80x64xf32, #tpu.memory_space<vmem>>, vector<1x16xf32>,
        %parallel_loop3A_120 = vector.shape_cast %parallel_loop3A_119 : vector<1x16xf32> to vector<16xf32>
        %parallel_loop3A_121 = vector.broadcast %parallel_loop3A_69 : f32 to vector<16xf32>
        %parallel_loop3A_122 = arith.mulf %parallel_loop3A_120, %parallel_loop3A_121 : vector<16xf32>
        %parallel_loop3A_123 = arith.constant 0 : i32
        %parallel_loop3A_124 = arith.addi %parallel_loop3A_63, %parallel_loop3A_123 : i32
        %parallel_loop3A_125 = arith.index_cast %parallel_loop3A_124 : i32 to index
        %parallel_loop3A_126 = arith.constant 48 : index
        %parallel_loop3A_127 = tpu.vector_load %arg10[%parallel_loop3A_125, %parallel_loop3A_126] {strides = array<i32>} : memref<80x64xf32, #tpu.memory_space<vmem>>, vector<1x16xf32>,
        %parallel_loop3A_128 = vector.shape_cast %parallel_loop3A_127 : vector<1x16xf32> to vector<16xf32>
        %parallel_loop3A_129 = vector.shape_cast %parallel_loop3A_122 : vector<16xf32> to vector<1x16xf32>
        tpu.vector_store %arg10[%parallel_loop3A_125, %parallel_loop3A_126], %parallel_loop3A_129 {strides = array<i32>} : memref<80x64xf32, #tpu.memory_space<vmem>>, vector<1x16xf32>,
        %parallel_loop3A_130 = vector.extract_strided_slice %parallel_loop3A_67 {offsets = [1], sizes = [1], strides = [1]} : vector<16xf32> to vector<1xf32>
        %parallel_loop3A_131 = vector.extract %parallel_loop3A_130[0] : f32 from vector<1xf32>
        %parallel_loop3A_132 = arith.constant 1 : i32
        %parallel_loop3A_133 = arith.addi %parallel_loop3A_63, %parallel_loop3A_132 : i32
        %parallel_loop3A_134 = arith.index_cast %parallel_loop3A_133 : i32 to index
        %parallel_loop3A_135 = arith.constant 0 : index
        %parallel_loop3A_136 = tpu.vector_load %arg10[%parallel_loop3A_134, %parallel_loop3A_135] {strides = array<i32>} : memref<80x64xf32, #tpu.memory_space<vmem>>, vector<1x16xf32>,
        %parallel_loop3A_137 = vector.shape_cast %parallel_loop3A_136 : vector<1x16xf32> to vector<16xf32>
        %parallel_loop3A_138 = vector.broadcast %parallel_loop3A_131 : f32 to vector<16xf32>
        %parallel_loop3A_139 = arith.mulf %parallel_loop3A_137, %parallel_loop3A_138 : vector<16xf32>
        %parallel_loop3A_140 = arith.constant 1 : i32
        %parallel_loop3A_141 = arith.addi %parallel_loop3A_63, %parallel_loop3A_140 : i32
        %parallel_loop3A_142 = arith.index_cast %parallel_loop3A_141 : i32 to index
        %parallel_loop3A_143 = arith.constant 0 : index
        %parallel_loop3A_144 = tpu.vector_load %arg10[%parallel_loop3A_142, %parallel_loop3A_143] {strides = array<i32>} : memref<80x64xf32, #tpu.memory_space<vmem>>, vector<1x16xf32>,
        %parallel_loop3A_145 = vector.shape_cast %parallel_loop3A_144 : vector<1x16xf32> to vector<16xf32>
        %parallel_loop3A_146 = vector.shape_cast %parallel_loop3A_139 : vector<16xf32> to vector<1x16xf32>
        tpu.vector_store %arg10[%parallel_loop3A_142, %parallel_loop3A_143], %parallel_loop3A_146 {strides = array<i32>} : memref<80x64xf32, #tpu.memory_space<vmem>>, vector<1x16xf32>,
        %parallel_loop3A_147 = arith.constant 1 : i32
        %parallel_loop3A_148 = arith.addi %parallel_loop3A_63, %parallel_loop3A_147 : i32
        %parallel_loop3A_149 = arith.index_cast %parallel_loop3A_148 : i32 to index
        %parallel_loop3A_150 = arith.constant 16 : index
        %parallel_loop3A_151 = tpu.vector_load %arg10[%parallel_loop3A_149, %parallel_loop3A_150] {strides = array<i32>} : memref<80x64xf32, #tpu.memory_space<vmem>>, vector<1x16xf32>,
        %parallel_loop3A_152 = vector.shape_cast %parallel_loop3A_151 : vector<1x16xf32> to vector<16xf32>
        %parallel_loop3A_153 = vector.broadcast %parallel_loop3A_131 : f32 to vector<16xf32>
        %parallel_loop3A_154 = arith.mulf %parallel_loop3A_152, %parallel_loop3A_153 : vector<16xf32>
        %parallel_loop3A_155 = arith.constant 1 : i32
        %parallel_loop3A_156 = arith.addi %parallel_loop3A_63, %parallel_loop3A_155 : i32
        %parallel_loop3A_157 = arith.index_cast %parallel_loop3A_156 : i32 to index
        %parallel_loop3A_158 = arith.constant 16 : index
        %parallel_loop3A_159 = tpu.vector_load %arg10[%parallel_loop3A_157, %parallel_loop3A_158] {strides = array<i32>} : memref<80x64xf32, #tpu.memory_space<vmem>>, vector<1x16xf32>,
        %parallel_loop3A_160 = vector.shape_cast %parallel_loop3A_159 : vector<1x16xf32> to vector<16xf32>
        %parallel_loop3A_161 = vector.shape_cast %parallel_loop3A_154 : vector<16xf32> to vector<1x16xf32>
        tpu.vector_store %arg10[%parallel_loop3A_157, %parallel_loop3A_158], %parallel_loop3A_161 {strides = array<i32>} : memref<80x64xf32, #tpu.memory_space<vmem>>, vector<1x16xf32>,
        %parallel_loop3A_162 = arith.constant 1 : i32
        %parallel_loop3A_163 = arith.addi %parallel_loop3A_63, %parallel_loop3A_162 : i32
        %parallel_loop3A_164 = arith.index_cast %parallel_loop3A_163 : i32 to index
        %parallel_loop3A_165 = arith.constant 32 : index
        %parallel_loop3A_166 = tpu.vector_load %arg10[%parallel_loop3A_164, %parallel_loop3A_165] {strides = array<i32>} : memref<80x64xf32, #tpu.memory_space<vmem>>, vector<1x16xf32>,
        %parallel_loop3A_167 = vector.shape_cast %parallel_loop3A_166 : vector<1x16xf32> to vector<16xf32>
        %parallel_loop3A_168 = vector.broadcast %parallel_loop3A_131 : f32 to vector<16xf32>
        %parallel_loop3A_169 = arith.mulf %parallel_loop3A_167, %parallel_loop3A_168 : vector<16xf32>
        %parallel_loop3A_170 = arith.constant 1 : i32
        %parallel_loop3A_171 = arith.addi %parallel_loop3A_63, %parallel_loop3A_170 : i32
        %parallel_loop3A_172 = arith.index_cast %parallel_loop3A_171 : i32 to index
        %parallel_loop3A_173 = arith.constant 32 : index
        %parallel_loop3A_174 = tpu.vector_load %arg10[%parallel_loop3A_172, %parallel_loop3A_173] {strides = array<i32>} : memref<80x64xf32, #tpu.memory_space<vmem>>, vector<1x16xf32>,
        %parallel_loop3A_175 = vector.shape_cast %parallel_loop3A_174 : vector<1x16xf32> to vector<16xf32>
        %parallel_loop3A_176 = vector.shape_cast %parallel_loop3A_169 : vector<16xf32> to vector<1x16xf32>
        tpu.vector_store %arg10[%parallel_loop3A_172, %parallel_loop3A_173], %parallel_loop3A_176 {strides = array<i32>} : memref<80x64xf32, #tpu.memory_space<vmem>>, vector<1x16xf32>,
        %parallel_loop3A_177 = arith.constant 1 : i32
        %parallel_loop3A_178 = arith.addi %parallel_loop3A_63, %parallel_loop3A_177 : i32
        %parallel_loop3A_179 = arith.index_cast %parallel_loop3A_178 : i32 to index
        %parallel_loop3A_180 = arith.constant 48 : index
        %parallel_loop3A_181 = tpu.vector_load %arg10[%parallel_loop3A_179, %parallel_loop3A_180] {strides = array<i32>} : memref<80x64xf32, #tpu.memory_space<vmem>>, vector<1x16xf32>,
        %parallel_loop3A_182 = vector.shape_cast %parallel_loop3A_181 : vector<1x16xf32> to vector<16xf32>
        %parallel_loop3A_183 = vector.broadcast %parallel_loop3A_131 : f32 to vector<16xf32>
        %parallel_loop3A_184 = arith.mulf %parallel_loop3A_182, %parallel_loop3A_183 : vector<16xf32>
        %parallel_loop3A_185 = arith.constant 1 : i32
        %parallel_loop3A_186 = arith.addi %parallel_loop3A_63, %parallel_loop3A_185 : i32
        %parallel_loop3A_187 = arith.index_cast %parallel_loop3A_186 : i32 to index
        %parallel_loop3A_188 = arith.constant 48 : index
        %parallel_loop3A_189 = tpu.vector_load %arg10[%parallel_loop3A_187, %parallel_loop3A_188] {strides = array<i32>} : memref<80x64xf32, #tpu.memory_space<vmem>>, vector<1x16xf32>,
        %parallel_loop3A_190 = vector.shape_cast %parallel_loop3A_189 : vector<1x16xf32> to vector<16xf32>
        %parallel_loop3A_191 = vector.shape_cast %parallel_loop3A_184 : vector<16xf32> to vector<1x16xf32>
        tpu.vector_store %arg10[%parallel_loop3A_187, %parallel_loop3A_188], %parallel_loop3A_191 {strides = array<i32>} : memref<80x64xf32, #tpu.memory_space<vmem>>, vector<1x16xf32>,
        %parallel_loop3A_192 = vector.extract_strided_slice %parallel_loop3A_67 {offsets = [2], sizes = [1], strides = [1]} : vector<16xf32> to vector<1xf32>
        %parallel_loop3A_193 = vector.extract %parallel_loop3A_192[0] : f32 from vector<1xf32>
        %parallel_loop3A_194 = arith.constant 2 : i32
        %parallel_loop3A_195 = arith.addi %parallel_loop3A_63, %parallel_loop3A_194 : i32
        %parallel_loop3A_196 = arith.index_cast %parallel_loop3A_195 : i32 to index
        %parallel_loop3A_197 = arith.constant 0 : index
        %parallel_loop3A_198 = tpu.vector_load %arg10[%parallel_loop3A_196, %parallel_loop3A_197] {strides = array<i32>} : memref<80x64xf32, #tpu.memory_space<vmem>>, vector<1x16xf32>,
        %parallel_loop3A_199 = vector.shape_cast %parallel_loop3A_198 : vector<1x16xf32> to vector<16xf32>
        %parallel_loop3A_200 = vector.broadcast %parallel_loop3A_193 : f32 to vector<16xf32>
        %parallel_loop3A_201 = arith.mulf %parallel_loop3A_199, %parallel_loop3A_200 : vector<16xf32>
        %parallel_loop3A_202 = arith.constant 2 : i32
        %parallel_loop3A_203 = arith.addi %parallel_loop3A_63, %parallel_loop3A_202 : i32
        %parallel_loop3A_204 = arith.index_cast %parallel_loop3A_203 : i32 to index
        %parallel_loop3A_205 = arith.constant 0 : index
        %parallel_loop3A_206 = tpu.vector_load %arg10[%parallel_loop3A_204, %parallel_loop3A_205] {strides = array<i32>} : memref<80x64xf32, #tpu.memory_space<vmem>>, vector<1x16xf32>,
        %parallel_loop3A_207 = vector.shape_cast %parallel_loop3A_206 : vector<1x16xf32> to vector<16xf32>
        %parallel_loop3A_208 = vector.shape_cast %parallel_loop3A_201 : vector<16xf32> to vector<1x16xf32>
        tpu.vector_store %arg10[%parallel_loop3A_204, %parallel_loop3A_205], %parallel_loop3A_208 {strides = array<i32>} : memref<80x64xf32, #tpu.memory_space<vmem>>, vector<1x16xf32>,
        %parallel_loop3A_209 = arith.constant 2 : i32
        %parallel_loop3A_210 = arith.addi %parallel_loop3A_63, %parallel_loop3A_209 : i32
        %parallel_loop3A_211 = arith.index_cast %parallel_loop3A_210 : i32 to index
        %parallel_loop3A_212 = arith.constant 16 : index
        %parallel_loop3A_213 = tpu.vector_load %arg10[%parallel_loop3A_211, %parallel_loop3A_212] {strides = array<i32>} : memref<80x64xf32, #tpu.memory_space<vmem>>, vector<1x16xf32>,
        %parallel_loop3A_214 = vector.shape_cast %parallel_loop3A_213 : vector<1x16xf32> to vector<16xf32>
        %parallel_loop3A_215 = vector.broadcast %parallel_loop3A_193 : f32 to vector<16xf32>
        %parallel_loop3A_216 = arith.mulf %parallel_loop3A_214, %parallel_loop3A_215 : vector<16xf32>
        %parallel_loop3A_217 = arith.constant 2 : i32
        %parallel_loop3A_218 = arith.addi %parallel_loop3A_63, %parallel_loop3A_217 : i32
        %parallel_loop3A_219 = arith.index_cast %parallel_loop3A_218 : i32 to index
        %parallel_loop3A_220 = arith.constant 16 : index
        %parallel_loop3A_221 = tpu.vector_load %arg10[%parallel_loop3A_219, %parallel_loop3A_220] {strides = array<i32>} : memref<80x64xf32, #tpu.memory_space<vmem>>, vector<1x16xf32>,
        %parallel_loop3A_222 = vector.shape_cast %parallel_loop3A_221 : vector<1x16xf32> to vector<16xf32>
        %parallel_loop3A_223 = vector.shape_cast %parallel_loop3A_216 : vector<16xf32> to vector<1x16xf32>
        tpu.vector_store %arg10[%parallel_loop3A_219, %parallel_loop3A_220], %parallel_loop3A_223 {strides = array<i32>} : memref<80x64xf32, #tpu.memory_space<vmem>>, vector<1x16xf32>,
        %parallel_loop3A_224 = arith.constant 2 : i32
        %parallel_loop3A_225 = arith.addi %parallel_loop3A_63, %parallel_loop3A_224 : i32
        %parallel_loop3A_226 = arith.index_cast %parallel_loop3A_225 : i32 to index
        %parallel_loop3A_227 = arith.constant 32 : index
        %parallel_loop3A_228 = tpu.vector_load %arg10[%parallel_loop3A_226, %parallel_loop3A_227] {strides = array<i32>} : memref<80x64xf32, #tpu.memory_space<vmem>>, vector<1x16xf32>,
        %parallel_loop3A_229 = vector.shape_cast %parallel_loop3A_228 : vector<1x16xf32> to vector<16xf32>
        %parallel_loop3A_230 = vector.broadcast %parallel_loop3A_193 : f32 to vector<16xf32>
        %parallel_loop3A_231 = arith.mulf %parallel_loop3A_229, %parallel_loop3A_230 : vector<16xf32>
        %parallel_loop3A_232 = arith.constant 2 : i32
        %parallel_loop3A_233 = arith.addi %parallel_loop3A_63, %parallel_loop3A_232 : i32
        %parallel_loop3A_234 = arith.index_cast %parallel_loop3A_233 : i32 to index
        %parallel_loop3A_235 = arith.constant 32 : index
        %parallel_loop3A_236 = tpu.vector_load %arg10[%parallel_loop3A_234, %parallel_loop3A_235] {strides = array<i32>} : memref<80x64xf32, #tpu.memory_space<vmem>>, vector<1x16xf32>,
        %parallel_loop3A_237 = vector.shape_cast %parallel_loop3A_236 : vector<1x16xf32> to vector<16xf32>
        %parallel_loop3A_238 = vector.shape_cast %parallel_loop3A_231 : vector<16xf32> to vector<1x16xf32>
        tpu.vector_store %arg10[%parallel_loop3A_234, %parallel_loop3A_235], %parallel_loop3A_238 {strides = array<i32>} : memref<80x64xf32, #tpu.memory_space<vmem>>, vector<1x16xf32>,
        %parallel_loop3A_239 = arith.constant 2 : i32
        %parallel_loop3A_240 = arith.addi %parallel_loop3A_63, %parallel_loop3A_239 : i32
        %parallel_loop3A_241 = arith.index_cast %parallel_loop3A_240 : i32 to index
        %parallel_loop3A_242 = arith.constant 48 : index
        %parallel_loop3A_243 = tpu.vector_load %arg10[%parallel_loop3A_241, %parallel_loop3A_242] {strides = array<i32>} : memref<80x64xf32, #tpu.memory_space<vmem>>, vector<1x16xf32>,
        %parallel_loop3A_244 = vector.shape_cast %parallel_loop3A_243 : vector<1x16xf32> to vector<16xf32>
        %parallel_loop3A_245 = vector.broadcast %parallel_loop3A_193 : f32 to vector<16xf32>
        %parallel_loop3A_246 = arith.mulf %parallel_loop3A_244, %parallel_loop3A_245 : vector<16xf32>
        %parallel_loop3A_247 = arith.constant 2 : i32
        %parallel_loop3A_248 = arith.addi %parallel_loop3A_63, %parallel_loop3A_247 : i32
        %parallel_loop3A_249 = arith.index_cast %parallel_loop3A_248 : i32 to index
        %parallel_loop3A_250 = arith.constant 48 : index
        %parallel_loop3A_251 = tpu.vector_load %arg10[%parallel_loop3A_249, %parallel_loop3A_250] {strides = array<i32>} : memref<80x64xf32, #tpu.memory_space<vmem>>, vector<1x16xf32>,
        %parallel_loop3A_252 = vector.shape_cast %parallel_loop3A_251 : vector<1x16xf32> to vector<16xf32>
        %parallel_loop3A_253 = vector.shape_cast %parallel_loop3A_246 : vector<16xf32> to vector<1x16xf32>
        tpu.vector_store %arg10[%parallel_loop3A_249, %parallel_loop3A_250], %parallel_loop3A_253 {strides = array<i32>} : memref<80x64xf32, #tpu.memory_space<vmem>>, vector<1x16xf32>,
        %parallel_loop3A_254 = vector.extract_strided_slice %parallel_loop3A_67 {offsets = [3], sizes = [1], strides = [1]} : vector<16xf32> to vector<1xf32>
        %parallel_loop3A_255 = vector.extract %parallel_loop3A_254[0] : f32 from vector<1xf32>
        %parallel_loop3A_256 = arith.constant 3 : i32
        %parallel_loop3A_257 = arith.addi %parallel_loop3A_63, %parallel_loop3A_256 : i32
        %parallel_loop3A_258 = arith.index_cast %parallel_loop3A_257 : i32 to index
        %parallel_loop3A_259 = arith.constant 0 : index
        %parallel_loop3A_260 = tpu.vector_load %arg10[%parallel_loop3A_258, %parallel_loop3A_259] {strides = array<i32>} : memref<80x64xf32, #tpu.memory_space<vmem>>, vector<1x16xf32>,
        %parallel_loop3A_261 = vector.shape_cast %parallel_loop3A_260 : vector<1x16xf32> to vector<16xf32>
        %parallel_loop3A_262 = vector.broadcast %parallel_loop3A_255 : f32 to vector<16xf32>
        %parallel_loop3A_263 = arith.mulf %parallel_loop3A_261, %parallel_loop3A_262 : vector<16xf32>
        %parallel_loop3A_264 = arith.constant 3 : i32
        %parallel_loop3A_265 = arith.addi %parallel_loop3A_63, %parallel_loop3A_264 : i32
        %parallel_loop3A_266 = arith.index_cast %parallel_loop3A_265 : i32 to index
        %parallel_loop3A_267 = arith.constant 0 : index
        %parallel_loop3A_268 = tpu.vector_load %arg10[%parallel_loop3A_266, %parallel_loop3A_267] {strides = array<i32>} : memref<80x64xf32, #tpu.memory_space<vmem>>, vector<1x16xf32>,
        %parallel_loop3A_269 = vector.shape_cast %parallel_loop3A_268 : vector<1x16xf32> to vector<16xf32>
        %parallel_loop3A_270 = vector.shape_cast %parallel_loop3A_263 : vector<16xf32> to vector<1x16xf32>
        tpu.vector_store %arg10[%parallel_loop3A_266, %parallel_loop3A_267], %parallel_loop3A_270 {strides = array<i32>} : memref<80x64xf32, #tpu.memory_space<vmem>>, vector<1x16xf32>,
        %parallel_loop3A_271 = arith.constant 3 : i32
        %parallel_loop3A_272 = arith.addi %parallel_loop3A_63, %parallel_loop3A_271 : i32
        %parallel_loop3A_273 = arith.index_cast %parallel_loop3A_272 : i32 to index
        %parallel_loop3A_274 = arith.constant 16 : index
        %parallel_loop3A_275 = tpu.vector_load %arg10[%parallel_loop3A_273, %parallel_loop3A_274] {strides = array<i32>} : memref<80x64xf32, #tpu.memory_space<vmem>>, vector<1x16xf32>,
        %parallel_loop3A_276 = vector.shape_cast %parallel_loop3A_275 : vector<1x16xf32> to vector<16xf32>
        %parallel_loop3A_277 = vector.broadcast %parallel_loop3A_255 : f32 to vector<16xf32>
        %parallel_loop3A_278 = arith.mulf %parallel_loop3A_276, %parallel_loop3A_277 : vector<16xf32>
        %parallel_loop3A_279 = arith.constant 3 : i32
        %parallel_loop3A_280 = arith.addi %parallel_loop3A_63, %parallel_loop3A_279 : i32
        %parallel_loop3A_281 = arith.index_cast %parallel_loop3A_280 : i32 to index
        %parallel_loop3A_282 = arith.constant 16 : index
        %parallel_loop3A_283 = tpu.vector_load %arg10[%parallel_loop3A_281, %parallel_loop3A_282] {strides = array<i32>} : memref<80x64xf32, #tpu.memory_space<vmem>>, vector<1x16xf32>,
        %parallel_loop3A_284 = vector.shape_cast %parallel_loop3A_283 : vector<1x16xf32> to vector<16xf32>
        %parallel_loop3A_285 = vector.shape_cast %parallel_loop3A_278 : vector<16xf32> to vector<1x16xf32>
        tpu.vector_store %arg10[%parallel_loop3A_281, %parallel_loop3A_282], %parallel_loop3A_285 {strides = array<i32>} : memref<80x64xf32, #tpu.memory_space<vmem>>, vector<1x16xf32>,
        %parallel_loop3A_286 = arith.constant 3 : i32
        %parallel_loop3A_287 = arith.addi %parallel_loop3A_63, %parallel_loop3A_286 : i32
        %parallel_loop3A_288 = arith.index_cast %parallel_loop3A_287 : i32 to index
        %parallel_loop3A_289 = arith.constant 32 : index
        %parallel_loop3A_290 = tpu.vector_load %arg10[%parallel_loop3A_288, %parallel_loop3A_289] {strides = array<i32>} : memref<80x64xf32, #tpu.memory_space<vmem>>, vector<1x16xf32>,
        %parallel_loop3A_291 = vector.shape_cast %parallel_loop3A_290 : vector<1x16xf32> to vector<16xf32>
        %parallel_loop3A_292 = vector.broadcast %parallel_loop3A_255 : f32 to vector<16xf32>
        %parallel_loop3A_293 = arith.mulf %parallel_loop3A_291, %parallel_loop3A_292 : vector<16xf32>
        %parallel_loop3A_294 = arith.constant 3 : i32
        %parallel_loop3A_295 = arith.addi %parallel_loop3A_63, %parallel_loop3A_294 : i32
        %parallel_loop3A_296 = arith.index_cast %parallel_loop3A_295 : i32 to index
        %parallel_loop3A_297 = arith.constant 32 : index
        %parallel_loop3A_298 = tpu.vector_load %arg10[%parallel_loop3A_296, %parallel_loop3A_297] {strides = array<i32>} : memref<80x64xf32, #tpu.memory_space<vmem>>, vector<1x16xf32>,
        %parallel_loop3A_299 = vector.shape_cast %parallel_loop3A_298 : vector<1x16xf32> to vector<16xf32>
        %parallel_loop3A_300 = vector.shape_cast %parallel_loop3A_293 : vector<16xf32> to vector<1x16xf32>
        tpu.vector_store %arg10[%parallel_loop3A_296, %parallel_loop3A_297], %parallel_loop3A_300 {strides = array<i32>} : memref<80x64xf32, #tpu.memory_space<vmem>>, vector<1x16xf32>,
        %parallel_loop3A_301 = arith.constant 3 : i32
        %parallel_loop3A_302 = arith.addi %parallel_loop3A_63, %parallel_loop3A_301 : i32
        %parallel_loop3A_303 = arith.index_cast %parallel_loop3A_302 : i32 to index
        %parallel_loop3A_304 = arith.constant 48 : index
        %parallel_loop3A_305 = tpu.vector_load %arg10[%parallel_loop3A_303, %parallel_loop3A_304] {strides = array<i32>} : memref<80x64xf32, #tpu.memory_space<vmem>>, vector<1x16xf32>,
        %parallel_loop3A_306 = vector.shape_cast %parallel_loop3A_305 : vector<1x16xf32> to vector<16xf32>
        %parallel_loop3A_307 = vector.broadcast %parallel_loop3A_255 : f32 to vector<16xf32>
        %parallel_loop3A_308 = arith.mulf %parallel_loop3A_306, %parallel_loop3A_307 : vector<16xf32>
        %parallel_loop3A_309 = arith.constant 3 : i32
        %parallel_loop3A_310 = arith.addi %parallel_loop3A_63, %parallel_loop3A_309 : i32
        %parallel_loop3A_311 = arith.index_cast %parallel_loop3A_310 : i32 to index
        %parallel_loop3A_312 = arith.constant 48 : index
        %parallel_loop3A_313 = tpu.vector_load %arg10[%parallel_loop3A_311, %parallel_loop3A_312] {strides = array<i32>} : memref<80x64xf32, #tpu.memory_space<vmem>>, vector<1x16xf32>,
        %parallel_loop3A_314 = vector.shape_cast %parallel_loop3A_313 : vector<1x16xf32> to vector<16xf32>
        %parallel_loop3A_315 = vector.shape_cast %parallel_loop3A_308 : vector<16xf32> to vector<1x16xf32>
        tpu.vector_store %arg10[%parallel_loop3A_311, %parallel_loop3A_312], %parallel_loop3A_315 {strides = array<i32>} : memref<80x64xf32, #tpu.memory_space<vmem>>, vector<1x16xf32>,
        %parallel_loop3A_316 = vector.extract_strided_slice %parallel_loop3A_67 {offsets = [4], sizes = [1], strides = [1]} : vector<16xf32> to vector<1xf32>
        %parallel_loop3A_317 = vector.extract %parallel_loop3A_316[0] : f32 from vector<1xf32>
        %parallel_loop3A_318 = arith.constant 4 : i32
        %parallel_loop3A_319 = arith.addi %parallel_loop3A_63, %parallel_loop3A_318 : i32
        %parallel_loop3A_320 = arith.index_cast %parallel_loop3A_319 : i32 to index
        %parallel_loop3A_321 = arith.constant 0 : index
        %parallel_loop3A_322 = tpu.vector_load %arg10[%parallel_loop3A_320, %parallel_loop3A_321] {strides = array<i32>} : memref<80x64xf32, #tpu.memory_space<vmem>>, vector<1x16xf32>,
        %parallel_loop3A_323 = vector.shape_cast %parallel_loop3A_322 : vector<1x16xf32> to vector<16xf32>
        %parallel_loop3A_324 = vector.broadcast %parallel_loop3A_317 : f32 to vector<16xf32>
        %parallel_loop3A_325 = arith.mulf %parallel_loop3A_323, %parallel_loop3A_324 : vector<16xf32>
        %parallel_loop3A_326 = arith.constant 4 : i32
        %parallel_loop3A_327 = arith.addi %parallel_loop3A_63, %parallel_loop3A_326 : i32
        %parallel_loop3A_328 = arith.index_cast %parallel_loop3A_327 : i32 to index
        %parallel_loop3A_329 = arith.constant 0 : index
        %parallel_loop3A_330 = tpu.vector_load %arg10[%parallel_loop3A_328, %parallel_loop3A_329] {strides = array<i32>} : memref<80x64xf32, #tpu.memory_space<vmem>>, vector<1x16xf32>,
        %parallel_loop3A_331 = vector.shape_cast %parallel_loop3A_330 : vector<1x16xf32> to vector<16xf32>
        %parallel_loop3A_332 = vector.shape_cast %parallel_loop3A_325 : vector<16xf32> to vector<1x16xf32>
        tpu.vector_store %arg10[%parallel_loop3A_328, %parallel_loop3A_329], %parallel_loop3A_332 {strides = array<i32>} : memref<80x64xf32, #tpu.memory_space<vmem>>, vector<1x16xf32>,
        %parallel_loop3A_333 = arith.constant 4 : i32
        %parallel_loop3A_334 = arith.addi %parallel_loop3A_63, %parallel_loop3A_333 : i32
        %parallel_loop3A_335 = arith.index_cast %parallel_loop3A_334 : i32 to index
        %parallel_loop3A_336 = arith.constant 16 : index
        %parallel_loop3A_337 = tpu.vector_load %arg10[%parallel_loop3A_335, %parallel_loop3A_336] {strides = array<i32>} : memref<80x64xf32, #tpu.memory_space<vmem>>, vector<1x16xf32>,
        %parallel_loop3A_338 = vector.shape_cast %parallel_loop3A_337 : vector<1x16xf32> to vector<16xf32>
        %parallel_loop3A_339 = vector.broadcast %parallel_loop3A_317 : f32 to vector<16xf32>
        %parallel_loop3A_340 = arith.mulf %parallel_loop3A_338, %parallel_loop3A_339 : vector<16xf32>
        %parallel_loop3A_341 = arith.constant 4 : i32
        %parallel_loop3A_342 = arith.addi %parallel_loop3A_63, %parallel_loop3A_341 : i32
        %parallel_loop3A_343 = arith.index_cast %parallel_loop3A_342 : i32 to index
        %parallel_loop3A_344 = arith.constant 16 : index
        %parallel_loop3A_345 = tpu.vector_load %arg10[%parallel_loop3A_343, %parallel_loop3A_344] {strides = array<i32>} : memref<80x64xf32, #tpu.memory_space<vmem>>, vector<1x16xf32>,
        %parallel_loop3A_346 = vector.shape_cast %parallel_loop3A_345 : vector<1x16xf32> to vector<16xf32>
        %parallel_loop3A_347 = vector.shape_cast %parallel_loop3A_340 : vector<16xf32> to vector<1x16xf32>
        tpu.vector_store %arg10[%parallel_loop3A_343, %parallel_loop3A_344], %parallel_loop3A_347 {strides = array<i32>} : memref<80x64xf32, #tpu.memory_space<vmem>>, vector<1x16xf32>,
        %parallel_loop3A_348 = arith.constant 4 : i32
        %parallel_loop3A_349 = arith.addi %parallel_loop3A_63, %parallel_loop3A_348 : i32
        %parallel_loop3A_350 = arith.index_cast %parallel_loop3A_349 : i32 to index
        %parallel_loop3A_351 = arith.constant 32 : index
        %parallel_loop3A_352 = tpu.vector_load %arg10[%parallel_loop3A_350, %parallel_loop3A_351] {strides = array<i32>} : memref<80x64xf32, #tpu.memory_space<vmem>>, vector<1x16xf32>,
        %parallel_loop3A_353 = vector.shape_cast %parallel_loop3A_352 : vector<1x16xf32> to vector<16xf32>
        %parallel_loop3A_354 = vector.broadcast %parallel_loop3A_317 : f32 to vector<16xf32>
        %parallel_loop3A_355 = arith.mulf %parallel_loop3A_353, %parallel_loop3A_354 : vector<16xf32>
        %parallel_loop3A_356 = arith.constant 4 : i32
        %parallel_loop3A_357 = arith.addi %parallel_loop3A_63, %parallel_loop3A_356 : i32
        %parallel_loop3A_358 = arith.index_cast %parallel_loop3A_357 : i32 to index
        %parallel_loop3A_359 = arith.constant 32 : index
        %parallel_loop3A_360 = tpu.vector_load %arg10[%parallel_loop3A_358, %parallel_loop3A_359] {strides = array<i32>} : memref<80x64xf32, #tpu.memory_space<vmem>>, vector<1x16xf32>,
        %parallel_loop3A_361 = vector.shape_cast %parallel_loop3A_360 : vector<1x16xf32> to vector<16xf32>
        %parallel_loop3A_362 = vector.shape_cast %parallel_loop3A_355 : vector<16xf32> to vector<1x16xf32>
        tpu.vector_store %arg10[%parallel_loop3A_358, %parallel_loop3A_359], %parallel_loop3A_362 {strides = array<i32>} : memref<80x64xf32, #tpu.memory_space<vmem>>, vector<1x16xf32>,
        %parallel_loop3A_363 = arith.constant 4 : i32
        %parallel_loop3A_364 = arith.addi %parallel_loop3A_63, %parallel_loop3A_363 : i32
        %parallel_loop3A_365 = arith.index_cast %parallel_loop3A_364 : i32 to index
        %parallel_loop3A_366 = arith.constant 48 : index
        %parallel_loop3A_367 = tpu.vector_load %arg10[%parallel_loop3A_365, %parallel_loop3A_366] {strides = array<i32>} : memref<80x64xf32, #tpu.memory_space<vmem>>, vector<1x16xf32>,
        %parallel_loop3A_368 = vector.shape_cast %parallel_loop3A_367 : vector<1x16xf32> to vector<16xf32>
        %parallel_loop3A_369 = vector.broadcast %parallel_loop3A_317 : f32 to vector<16xf32>
        %parallel_loop3A_370 = arith.mulf %parallel_loop3A_368, %parallel_loop3A_369 : vector<16xf32>
        %parallel_loop3A_371 = arith.constant 4 : i32
        %parallel_loop3A_372 = arith.addi %parallel_loop3A_63, %parallel_loop3A_371 : i32
        %parallel_loop3A_373 = arith.index_cast %parallel_loop3A_372 : i32 to index
        %parallel_loop3A_374 = arith.constant 48 : index
        %parallel_loop3A_375 = tpu.vector_load %arg10[%parallel_loop3A_373, %parallel_loop3A_374] {strides = array<i32>} : memref<80x64xf32, #tpu.memory_space<vmem>>, vector<1x16xf32>,
        %parallel_loop3A_376 = vector.shape_cast %parallel_loop3A_375 : vector<1x16xf32> to vector<16xf32>
        %parallel_loop3A_377 = vector.shape_cast %parallel_loop3A_370 : vector<16xf32> to vector<1x16xf32>
        tpu.vector_store %arg10[%parallel_loop3A_373, %parallel_loop3A_374], %parallel_loop3A_377 {strides = array<i32>} : memref<80x64xf32, #tpu.memory_space<vmem>>, vector<1x16xf32>,
        %parallel_loop3A_378 = vector.extract_strided_slice %parallel_loop3A_67 {offsets = [5], sizes = [1], strides = [1]} : vector<16xf32> to vector<1xf32>
        %parallel_loop3A_379 = vector.extract %parallel_loop3A_378[0] : f32 from vector<1xf32>
        %parallel_loop3A_380 = arith.constant 5 : i32
        %parallel_loop3A_381 = arith.addi %parallel_loop3A_63, %parallel_loop3A_380 : i32
        %parallel_loop3A_382 = arith.index_cast %parallel_loop3A_381 : i32 to index
        %parallel_loop3A_383 = arith.constant 0 : index
        %parallel_loop3A_384 = tpu.vector_load %arg10[%parallel_loop3A_382, %parallel_loop3A_383] {strides = array<i32>} : memref<80x64xf32, #tpu.memory_space<vmem>>, vector<1x16xf32>,
        %parallel_loop3A_385 = vector.shape_cast %parallel_loop3A_384 : vector<1x16xf32> to vector<16xf32>
        %parallel_loop3A_386 = vector.broadcast %parallel_loop3A_379 : f32 to vector<16xf32>
        %parallel_loop3A_387 = arith.mulf %parallel_loop3A_385, %parallel_loop3A_386 : vector<16xf32>
        %parallel_loop3A_388 = arith.constant 5 : i32
        %parallel_loop3A_389 = arith.addi %parallel_loop3A_63, %parallel_loop3A_388 : i32
        %parallel_loop3A_390 = arith.index_cast %parallel_loop3A_389 : i32 to index
        %parallel_loop3A_391 = arith.constant 0 : index
        %parallel_loop3A_392 = tpu.vector_load %arg10[%parallel_loop3A_390, %parallel_loop3A_391] {strides = array<i32>} : memref<80x64xf32, #tpu.memory_space<vmem>>, vector<1x16xf32>,
        %parallel_loop3A_393 = vector.shape_cast %parallel_loop3A_392 : vector<1x16xf32> to vector<16xf32>
        %parallel_loop3A_394 = vector.shape_cast %parallel_loop3A_387 : vector<16xf32> to vector<1x16xf32>
        tpu.vector_store %arg10[%parallel_loop3A_390, %parallel_loop3A_391], %parallel_loop3A_394 {strides = array<i32>} : memref<80x64xf32, #tpu.memory_space<vmem>>, vector<1x16xf32>,
        %parallel_loop3A_395 = arith.constant 5 : i32
        %parallel_loop3A_396 = arith.addi %parallel_loop3A_63, %parallel_loop3A_395 : i32
        %parallel_loop3A_397 = arith.index_cast %parallel_loop3A_396 : i32 to index
        %parallel_loop3A_398 = arith.constant 16 : index
        %parallel_loop3A_399 = tpu.vector_load %arg10[%parallel_loop3A_397, %parallel_loop3A_398] {strides = array<i32>} : memref<80x64xf32, #tpu.memory_space<vmem>>, vector<1x16xf32>,
        %parallel_loop3A_400 = vector.shape_cast %parallel_loop3A_399 : vector<1x16xf32> to vector<16xf32>
        %parallel_loop3A_401 = vector.broadcast %parallel_loop3A_379 : f32 to vector<16xf32>
        %parallel_loop3A_402 = arith.mulf %parallel_loop3A_400, %parallel_loop3A_401 : vector<16xf32>
        %parallel_loop3A_403 = arith.constant 5 : i32
        %parallel_loop3A_404 = arith.addi %parallel_loop3A_63, %parallel_loop3A_403 : i32
        %parallel_loop3A_405 = arith.index_cast %parallel_loop3A_404 : i32 to index
        %parallel_loop3A_406 = arith.constant 16 : index
        %parallel_loop3A_407 = tpu.vector_load %arg10[%parallel_loop3A_405, %parallel_loop3A_406] {strides = array<i32>} : memref<80x64xf32, #tpu.memory_space<vmem>>, vector<1x16xf32>,
        %parallel_loop3A_408 = vector.shape_cast %parallel_loop3A_407 : vector<1x16xf32> to vector<16xf32>
        %parallel_loop3A_409 = vector.shape_cast %parallel_loop3A_402 : vector<16xf32> to vector<1x16xf32>
        tpu.vector_store %arg10[%parallel_loop3A_405, %parallel_loop3A_406], %parallel_loop3A_409 {strides = array<i32>} : memref<80x64xf32, #tpu.memory_space<vmem>>, vector<1x16xf32>,
        %parallel_loop3A_410 = arith.constant 5 : i32
        %parallel_loop3A_411 = arith.addi %parallel_loop3A_63, %parallel_loop3A_410 : i32
        %parallel_loop3A_412 = arith.index_cast %parallel_loop3A_411 : i32 to index
        %parallel_loop3A_413 = arith.constant 32 : index
        %parallel_loop3A_414 = tpu.vector_load %arg10[%parallel_loop3A_412, %parallel_loop3A_413] {strides = array<i32>} : memref<80x64xf32, #tpu.memory_space<vmem>>, vector<1x16xf32>,
        %parallel_loop3A_415 = vector.shape_cast %parallel_loop3A_414 : vector<1x16xf32> to vector<16xf32>
        %parallel_loop3A_416 = vector.broadcast %parallel_loop3A_379 : f32 to vector<16xf32>
        %parallel_loop3A_417 = arith.mulf %parallel_loop3A_415, %parallel_loop3A_416 : vector<16xf32>
        %parallel_loop3A_418 = arith.constant 5 : i32
        %parallel_loop3A_419 = arith.addi %parallel_loop3A_63, %parallel_loop3A_418 : i32
        %parallel_loop3A_420 = arith.index_cast %parallel_loop3A_419 : i32 to index
        %parallel_loop3A_421 = arith.constant 32 : index
        %parallel_loop3A_422 = tpu.vector_load %arg10[%parallel_loop3A_420, %parallel_loop3A_421] {strides = array<i32>} : memref<80x64xf32, #tpu.memory_space<vmem>>, vector<1x16xf32>,
        %parallel_loop3A_423 = vector.shape_cast %parallel_loop3A_422 : vector<1x16xf32> to vector<16xf32>
        %parallel_loop3A_424 = vector.shape_cast %parallel_loop3A_417 : vector<16xf32> to vector<1x16xf32>
        tpu.vector_store %arg10[%parallel_loop3A_420, %parallel_loop3A_421], %parallel_loop3A_424 {strides = array<i32>} : memref<80x64xf32, #tpu.memory_space<vmem>>, vector<1x16xf32>,
        %parallel_loop3A_425 = arith.constant 5 : i32
        %parallel_loop3A_426 = arith.addi %parallel_loop3A_63, %parallel_loop3A_425 : i32
        %parallel_loop3A_427 = arith.index_cast %parallel_loop3A_426 : i32 to index
        %parallel_loop3A_428 = arith.constant 48 : index
        %parallel_loop3A_429 = tpu.vector_load %arg10[%parallel_loop3A_427, %parallel_loop3A_428] {strides = array<i32>} : memref<80x64xf32, #tpu.memory_space<vmem>>, vector<1x16xf32>,
        %parallel_loop3A_430 = vector.shape_cast %parallel_loop3A_429 : vector<1x16xf32> to vector<16xf32>
        %parallel_loop3A_431 = vector.broadcast %parallel_loop3A_379 : f32 to vector<16xf32>
        %parallel_loop3A_432 = arith.mulf %parallel_loop3A_430, %parallel_loop3A_431 : vector<16xf32>
        %parallel_loop3A_433 = arith.constant 5 : i32
        %parallel_loop3A_434 = arith.addi %parallel_loop3A_63, %parallel_loop3A_433 : i32
        %parallel_loop3A_435 = arith.index_cast %parallel_loop3A_434 : i32 to index
        %parallel_loop3A_436 = arith.constant 48 : index
        %parallel_loop3A_437 = tpu.vector_load %arg10[%parallel_loop3A_435, %parallel_loop3A_436] {strides = array<i32>} : memref<80x64xf32, #tpu.memory_space<vmem>>, vector<1x16xf32>,
        %parallel_loop3A_438 = vector.shape_cast %parallel_loop3A_437 : vector<1x16xf32> to vector<16xf32>
        %parallel_loop3A_439 = vector.shape_cast %parallel_loop3A_432 : vector<16xf32> to vector<1x16xf32>
        tpu.vector_store %arg10[%parallel_loop3A_435, %parallel_loop3A_436], %parallel_loop3A_439 {strides = array<i32>} : memref<80x64xf32, #tpu.memory_space<vmem>>, vector<1x16xf32>,
        %parallel_loop3A_440 = vector.extract_strided_slice %parallel_loop3A_67 {offsets = [6], sizes = [1], strides = [1]} : vector<16xf32> to vector<1xf32>
        %parallel_loop3A_441 = vector.extract %parallel_loop3A_440[0] : f32 from vector<1xf32>
        %parallel_loop3A_442 = arith.constant 6 : i32
        %parallel_loop3A_443 = arith.addi %parallel_loop3A_63, %parallel_loop3A_442 : i32
        %parallel_loop3A_444 = arith.index_cast %parallel_loop3A_443 : i32 to index
        %parallel_loop3A_445 = arith.constant 0 : index
        %parallel_loop3A_446 = tpu.vector_load %arg10[%parallel_loop3A_444, %parallel_loop3A_445] {strides = array<i32>} : memref<80x64xf32, #tpu.memory_space<vmem>>, vector<1x16xf32>,
        %parallel_loop3A_447 = vector.shape_cast %parallel_loop3A_446 : vector<1x16xf32> to vector<16xf32>
        %parallel_loop3A_448 = vector.broadcast %parallel_loop3A_441 : f32 to vector<16xf32>
        %parallel_loop3A_449 = arith.mulf %parallel_loop3A_447, %parallel_loop3A_448 : vector<16xf32>
        %parallel_loop3A_450 = arith.constant 6 : i32
        %parallel_loop3A_451 = arith.addi %parallel_loop3A_63, %parallel_loop3A_450 : i32
        %parallel_loop3A_452 = arith.index_cast %parallel_loop3A_451 : i32 to index
        %parallel_loop3A_453 = arith.constant 0 : index
        %parallel_loop3A_454 = tpu.vector_load %arg10[%parallel_loop3A_452, %parallel_loop3A_453] {strides = array<i32>} : memref<80x64xf32, #tpu.memory_space<vmem>>, vector<1x16xf32>,
        %parallel_loop3A_455 = vector.shape_cast %parallel_loop3A_454 : vector<1x16xf32> to vector<16xf32>
        %parallel_loop3A_456 = vector.shape_cast %parallel_loop3A_449 : vector<16xf32> to vector<1x16xf32>
        tpu.vector_store %arg10[%parallel_loop3A_452, %parallel_loop3A_453], %parallel_loop3A_456 {strides = array<i32>} : memref<80x64xf32, #tpu.memory_space<vmem>>, vector<1x16xf32>,
        %parallel_loop3A_457 = arith.constant 6 : i32
        %parallel_loop3A_458 = arith.addi %parallel_loop3A_63, %parallel_loop3A_457 : i32
        %parallel_loop3A_459 = arith.index_cast %parallel_loop3A_458 : i32 to index
        %parallel_loop3A_460 = arith.constant 16 : index
        %parallel_loop3A_461 = tpu.vector_load %arg10[%parallel_loop3A_459, %parallel_loop3A_460] {strides = array<i32>} : memref<80x64xf32, #tpu.memory_space<vmem>>, vector<1x16xf32>,
        %parallel_loop3A_462 = vector.shape_cast %parallel_loop3A_461 : vector<1x16xf32> to vector<16xf32>
        %parallel_loop3A_463 = vector.broadcast %parallel_loop3A_441 : f32 to vector<16xf32>
        %parallel_loop3A_464 = arith.mulf %parallel_loop3A_462, %parallel_loop3A_463 : vector<16xf32>
        %parallel_loop3A_465 = arith.constant 6 : i32
        %parallel_loop3A_466 = arith.addi %parallel_loop3A_63, %parallel_loop3A_465 : i32
        %parallel_loop3A_467 = arith.index_cast %parallel_loop3A_466 : i32 to index
        %parallel_loop3A_468 = arith.constant 16 : index
        %parallel_loop3A_469 = tpu.vector_load %arg10[%parallel_loop3A_467, %parallel_loop3A_468] {strides = array<i32>} : memref<80x64xf32, #tpu.memory_space<vmem>>, vector<1x16xf32>,
        %parallel_loop3A_470 = vector.shape_cast %parallel_loop3A_469 : vector<1x16xf32> to vector<16xf32>
        %parallel_loop3A_471 = vector.shape_cast %parallel_loop3A_464 : vector<16xf32> to vector<1x16xf32>
        tpu.vector_store %arg10[%parallel_loop3A_467, %parallel_loop3A_468], %parallel_loop3A_471 {strides = array<i32>} : memref<80x64xf32, #tpu.memory_space<vmem>>, vector<1x16xf32>,
        %parallel_loop3A_472 = arith.constant 6 : i32
        %parallel_loop3A_473 = arith.addi %parallel_loop3A_63, %parallel_loop3A_472 : i32
        %parallel_loop3A_474 = arith.index_cast %parallel_loop3A_473 : i32 to index
        %parallel_loop3A_475 = arith.constant 32 : index
        %parallel_loop3A_476 = tpu.vector_load %arg10[%parallel_loop3A_474, %parallel_loop3A_475] {strides = array<i32>} : memref<80x64xf32, #tpu.memory_space<vmem>>, vector<1x16xf32>,
        %parallel_loop3A_477 = vector.shape_cast %parallel_loop3A_476 : vector<1x16xf32> to vector<16xf32>
        %parallel_loop3A_478 = vector.broadcast %parallel_loop3A_441 : f32 to vector<16xf32>
        %parallel_loop3A_479 = arith.mulf %parallel_loop3A_477, %parallel_loop3A_478 : vector<16xf32>
        %parallel_loop3A_480 = arith.constant 6 : i32
        %parallel_loop3A_481 = arith.addi %parallel_loop3A_63, %parallel_loop3A_480 : i32
        %parallel_loop3A_482 = arith.index_cast %parallel_loop3A_481 : i32 to index
        %parallel_loop3A_483 = arith.constant 32 : index
        %parallel_loop3A_484 = tpu.vector_load %arg10[%parallel_loop3A_482, %parallel_loop3A_483] {strides = array<i32>} : memref<80x64xf32, #tpu.memory_space<vmem>>, vector<1x16xf32>,
        %parallel_loop3A_485 = vector.shape_cast %parallel_loop3A_484 : vector<1x16xf32> to vector<16xf32>
        %parallel_loop3A_486 = vector.shape_cast %parallel_loop3A_479 : vector<16xf32> to vector<1x16xf32>
        tpu.vector_store %arg10[%parallel_loop3A_482, %parallel_loop3A_483], %parallel_loop3A_486 {strides = array<i32>} : memref<80x64xf32, #tpu.memory_space<vmem>>, vector<1x16xf32>,
        %parallel_loop3A_487 = arith.constant 6 : i32
        %parallel_loop3A_488 = arith.addi %parallel_loop3A_63, %parallel_loop3A_487 : i32
        %parallel_loop3A_489 = arith.index_cast %parallel_loop3A_488 : i32 to index
        %parallel_loop3A_490 = arith.constant 48 : index
        %parallel_loop3A_491 = tpu.vector_load %arg10[%parallel_loop3A_489, %parallel_loop3A_490] {strides = array<i32>} : memref<80x64xf32, #tpu.memory_space<vmem>>, vector<1x16xf32>,
        %parallel_loop3A_492 = vector.shape_cast %parallel_loop3A_491 : vector<1x16xf32> to vector<16xf32>
        %parallel_loop3A_493 = vector.broadcast %parallel_loop3A_441 : f32 to vector<16xf32>
        %parallel_loop3A_494 = arith.mulf %parallel_loop3A_492, %parallel_loop3A_493 : vector<16xf32>
        %parallel_loop3A_495 = arith.constant 6 : i32
        %parallel_loop3A_496 = arith.addi %parallel_loop3A_63, %parallel_loop3A_495 : i32
        %parallel_loop3A_497 = arith.index_cast %parallel_loop3A_496 : i32 to index
        %parallel_loop3A_498 = arith.constant 48 : index
        %parallel_loop3A_499 = tpu.vector_load %arg10[%parallel_loop3A_497, %parallel_loop3A_498] {strides = array<i32>} : memref<80x64xf32, #tpu.memory_space<vmem>>, vector<1x16xf32>,
        %parallel_loop3A_500 = vector.shape_cast %parallel_loop3A_499 : vector<1x16xf32> to vector<16xf32>
        %parallel_loop3A_501 = vector.shape_cast %parallel_loop3A_494 : vector<16xf32> to vector<1x16xf32>
        tpu.vector_store %arg10[%parallel_loop3A_497, %parallel_loop3A_498], %parallel_loop3A_501 {strides = array<i32>} : memref<80x64xf32, #tpu.memory_space<vmem>>, vector<1x16xf32>,
        %parallel_loop3A_502 = vector.extract_strided_slice %parallel_loop3A_67 {offsets = [7], sizes = [1], strides = [1]} : vector<16xf32> to vector<1xf32>
        %parallel_loop3A_503 = vector.extract %parallel_loop3A_502[0] : f32 from vector<1xf32>
        %parallel_loop3A_504 = arith.constant 7 : i32
        %parallel_loop3A_505 = arith.addi %parallel_loop3A_63, %parallel_loop3A_504 : i32
        %parallel_loop3A_506 = arith.index_cast %parallel_loop3A_505 : i32 to index
        %parallel_loop3A_507 = arith.constant 0 : index
        %parallel_loop3A_508 = tpu.vector_load %arg10[%parallel_loop3A_506, %parallel_loop3A_507] {strides = array<i32>} : memref<80x64xf32, #tpu.memory_space<vmem>>, vector<1x16xf32>,
        %parallel_loop3A_509 = vector.shape_cast %parallel_loop3A_508 : vector<1x16xf32> to vector<16xf32>
        %parallel_loop3A_510 = vector.broadcast %parallel_loop3A_503 : f32 to vector<16xf32>
        %parallel_loop3A_511 = arith.mulf %parallel_loop3A_509, %parallel_loop3A_510 : vector<16xf32>
        %parallel_loop3A_512 = arith.constant 7 : i32
        %parallel_loop3A_513 = arith.addi %parallel_loop3A_63, %parallel_loop3A_512 : i32
        %parallel_loop3A_514 = arith.index_cast %parallel_loop3A_513 : i32 to index
        %parallel_loop3A_515 = arith.constant 0 : index
        %parallel_loop3A_516 = tpu.vector_load %arg10[%parallel_loop3A_514, %parallel_loop3A_515] {strides = array<i32>} : memref<80x64xf32, #tpu.memory_space<vmem>>, vector<1x16xf32>,
        %parallel_loop3A_517 = vector.shape_cast %parallel_loop3A_516 : vector<1x16xf32> to vector<16xf32>
        %parallel_loop3A_518 = vector.shape_cast %parallel_loop3A_511 : vector<16xf32> to vector<1x16xf32>
        tpu.vector_store %arg10[%parallel_loop3A_514, %parallel_loop3A_515], %parallel_loop3A_518 {strides = array<i32>} : memref<80x64xf32, #tpu.memory_space<vmem>>, vector<1x16xf32>,
        %parallel_loop3A_519 = arith.constant 7 : i32
        %parallel_loop3A_520 = arith.addi %parallel_loop3A_63, %parallel_loop3A_519 : i32
        %parallel_loop3A_521 = arith.index_cast %parallel_loop3A_520 : i32 to index
        %parallel_loop3A_522 = arith.constant 16 : index
        %parallel_loop3A_523 = tpu.vector_load %arg10[%parallel_loop3A_521, %parallel_loop3A_522] {strides = array<i32>} : memref<80x64xf32, #tpu.memory_space<vmem>>, vector<1x16xf32>,
        %parallel_loop3A_524 = vector.shape_cast %parallel_loop3A_523 : vector<1x16xf32> to vector<16xf32>
        %parallel_loop3A_525 = vector.broadcast %parallel_loop3A_503 : f32 to vector<16xf32>
        %parallel_loop3A_526 = arith.mulf %parallel_loop3A_524, %parallel_loop3A_525 : vector<16xf32>
        %parallel_loop3A_527 = arith.constant 7 : i32
        %parallel_loop3A_528 = arith.addi %parallel_loop3A_63, %parallel_loop3A_527 : i32
        %parallel_loop3A_529 = arith.index_cast %parallel_loop3A_528 : i32 to index
        %parallel_loop3A_530 = arith.constant 16 : index
        %parallel_loop3A_531 = tpu.vector_load %arg10[%parallel_loop3A_529, %parallel_loop3A_530] {strides = array<i32>} : memref<80x64xf32, #tpu.memory_space<vmem>>, vector<1x16xf32>,
        %parallel_loop3A_532 = vector.shape_cast %parallel_loop3A_531 : vector<1x16xf32> to vector<16xf32>
        %parallel_loop3A_533 = vector.shape_cast %parallel_loop3A_526 : vector<16xf32> to vector<1x16xf32>
        tpu.vector_store %arg10[%parallel_loop3A_529, %parallel_loop3A_530], %parallel_loop3A_533 {strides = array<i32>} : memref<80x64xf32, #tpu.memory_space<vmem>>, vector<1x16xf32>,
        %parallel_loop3A_534 = arith.constant 7 : i32
        %parallel_loop3A_535 = arith.addi %parallel_loop3A_63, %parallel_loop3A_534 : i32
        %parallel_loop3A_536 = arith.index_cast %parallel_loop3A_535 : i32 to index
        %parallel_loop3A_537 = arith.constant 32 : index
        %parallel_loop3A_538 = tpu.vector_load %arg10[%parallel_loop3A_536, %parallel_loop3A_537] {strides = array<i32>} : memref<80x64xf32, #tpu.memory_space<vmem>>, vector<1x16xf32>,
        %parallel_loop3A_539 = vector.shape_cast %parallel_loop3A_538 : vector<1x16xf32> to vector<16xf32>
        %parallel_loop3A_540 = vector.broadcast %parallel_loop3A_503 : f32 to vector<16xf32>
        %parallel_loop3A_541 = arith.mulf %parallel_loop3A_539, %parallel_loop3A_540 : vector<16xf32>
        %parallel_loop3A_542 = arith.constant 7 : i32
        %parallel_loop3A_543 = arith.addi %parallel_loop3A_63, %parallel_loop3A_542 : i32
        %parallel_loop3A_544 = arith.index_cast %parallel_loop3A_543 : i32 to index
        %parallel_loop3A_545 = arith.constant 32 : index
        %parallel_loop3A_546 = tpu.vector_load %arg10[%parallel_loop3A_544, %parallel_loop3A_545] {strides = array<i32>} : memref<80x64xf32, #tpu.memory_space<vmem>>, vector<1x16xf32>,
        %parallel_loop3A_547 = vector.shape_cast %parallel_loop3A_546 : vector<1x16xf32> to vector<16xf32>
        %parallel_loop3A_548 = vector.shape_cast %parallel_loop3A_541 : vector<16xf32> to vector<1x16xf32>
        tpu.vector_store %arg10[%parallel_loop3A_544, %parallel_loop3A_545], %parallel_loop3A_548 {strides = array<i32>} : memref<80x64xf32, #tpu.memory_space<vmem>>, vector<1x16xf32>,
        %parallel_loop3A_549 = arith.constant 7 : i32
        %parallel_loop3A_550 = arith.addi %parallel_loop3A_63, %parallel_loop3A_549 : i32
        %parallel_loop3A_551 = arith.index_cast %parallel_loop3A_550 : i32 to index
        %parallel_loop3A_552 = arith.constant 48 : index
        %parallel_loop3A_553 = tpu.vector_load %arg10[%parallel_loop3A_551, %parallel_loop3A_552] {strides = array<i32>} : memref<80x64xf32, #tpu.memory_space<vmem>>, vector<1x16xf32>,
        %parallel_loop3A_554 = vector.shape_cast %parallel_loop3A_553 : vector<1x16xf32> to vector<16xf32>
        %parallel_loop3A_555 = vector.broadcast %parallel_loop3A_503 : f32 to vector<16xf32>
        %parallel_loop3A_556 = arith.mulf %parallel_loop3A_554, %parallel_loop3A_555 : vector<16xf32>
        %parallel_loop3A_557 = arith.constant 7 : i32
        %parallel_loop3A_558 = arith.addi %parallel_loop3A_63, %parallel_loop3A_557 : i32
        %parallel_loop3A_559 = arith.index_cast %parallel_loop3A_558 : i32 to index
        %parallel_loop3A_560 = arith.constant 48 : index
        %parallel_loop3A_561 = tpu.vector_load %arg10[%parallel_loop3A_559, %parallel_loop3A_560] {strides = array<i32>} : memref<80x64xf32, #tpu.memory_space<vmem>>, vector<1x16xf32>,
        %parallel_loop3A_562 = vector.shape_cast %parallel_loop3A_561 : vector<1x16xf32> to vector<16xf32>
        %parallel_loop3A_563 = vector.shape_cast %parallel_loop3A_556 : vector<16xf32> to vector<1x16xf32>
        tpu.vector_store %arg10[%parallel_loop3A_559, %parallel_loop3A_560], %parallel_loop3A_563 {strides = array<i32>} : memref<80x64xf32, #tpu.memory_space<vmem>>, vector<1x16xf32>,
        %parallel_loop3A_564 = vector.extract_strided_slice %parallel_loop3A_67 {offsets = [8], sizes = [1], strides = [1]} : vector<16xf32> to vector<1xf32>
        %parallel_loop3A_565 = vector.extract %parallel_loop3A_564[0] : f32 from vector<1xf32>
        %parallel_loop3A_566 = arith.constant 8 : i32
        %parallel_loop3A_567 = arith.addi %parallel_loop3A_63, %parallel_loop3A_566 : i32
        %parallel_loop3A_568 = arith.index_cast %parallel_loop3A_567 : i32 to index
        %parallel_loop3A_569 = arith.constant 0 : index
        %parallel_loop3A_570 = tpu.vector_load %arg10[%parallel_loop3A_568, %parallel_loop3A_569] {strides = array<i32>} : memref<80x64xf32, #tpu.memory_space<vmem>>, vector<1x16xf32>,
        %parallel_loop3A_571 = vector.shape_cast %parallel_loop3A_570 : vector<1x16xf32> to vector<16xf32>
        %parallel_loop3A_572 = vector.broadcast %parallel_loop3A_565 : f32 to vector<16xf32>
        %parallel_loop3A_573 = arith.mulf %parallel_loop3A_571, %parallel_loop3A_572 : vector<16xf32>
        %parallel_loop3A_574 = arith.constant 8 : i32
        %parallel_loop3A_575 = arith.addi %parallel_loop3A_63, %parallel_loop3A_574 : i32
        %parallel_loop3A_576 = arith.index_cast %parallel_loop3A_575 : i32 to index
        %parallel_loop3A_577 = arith.constant 0 : index
        %parallel_loop3A_578 = tpu.vector_load %arg10[%parallel_loop3A_576, %parallel_loop3A_577] {strides = array<i32>} : memref<80x64xf32, #tpu.memory_space<vmem>>, vector<1x16xf32>,
        %parallel_loop3A_579 = vector.shape_cast %parallel_loop3A_578 : vector<1x16xf32> to vector<16xf32>
        %parallel_loop3A_580 = vector.shape_cast %parallel_loop3A_573 : vector<16xf32> to vector<1x16xf32>
        tpu.vector_store %arg10[%parallel_loop3A_576, %parallel_loop3A_577], %parallel_loop3A_580 {strides = array<i32>} : memref<80x64xf32, #tpu.memory_space<vmem>>, vector<1x16xf32>,
        %parallel_loop3A_581 = arith.constant 8 : i32
        %parallel_loop3A_582 = arith.addi %parallel_loop3A_63, %parallel_loop3A_581 : i32
        %parallel_loop3A_583 = arith.index_cast %parallel_loop3A_582 : i32 to index
        %parallel_loop3A_584 = arith.constant 16 : index
        %parallel_loop3A_585 = tpu.vector_load %arg10[%parallel_loop3A_583, %parallel_loop3A_584] {strides = array<i32>} : memref<80x64xf32, #tpu.memory_space<vmem>>, vector<1x16xf32>,
        %parallel_loop3A_586 = vector.shape_cast %parallel_loop3A_585 : vector<1x16xf32> to vector<16xf32>
        %parallel_loop3A_587 = vector.broadcast %parallel_loop3A_565 : f32 to vector<16xf32>
        %parallel_loop3A_588 = arith.mulf %parallel_loop3A_586, %parallel_loop3A_587 : vector<16xf32>
        %parallel_loop3A_589 = arith.constant 8 : i32
        %parallel_loop3A_590 = arith.addi %parallel_loop3A_63, %parallel_loop3A_589 : i32
        %parallel_loop3A_591 = arith.index_cast %parallel_loop3A_590 : i32 to index
        %parallel_loop3A_592 = arith.constant 16 : index
        %parallel_loop3A_593 = tpu.vector_load %arg10[%parallel_loop3A_591, %parallel_loop3A_592] {strides = array<i32>} : memref<80x64xf32, #tpu.memory_space<vmem>>, vector<1x16xf32>,
        %parallel_loop3A_594 = vector.shape_cast %parallel_loop3A_593 : vector<1x16xf32> to vector<16xf32>
        %parallel_loop3A_595 = vector.shape_cast %parallel_loop3A_588 : vector<16xf32> to vector<1x16xf32>
        tpu.vector_store %arg10[%parallel_loop3A_591, %parallel_loop3A_592], %parallel_loop3A_595 {strides = array<i32>} : memref<80x64xf32, #tpu.memory_space<vmem>>, vector<1x16xf32>,
        %parallel_loop3A_596 = arith.constant 8 : i32
        %parallel_loop3A_597 = arith.addi %parallel_loop3A_63, %parallel_loop3A_596 : i32
        %parallel_loop3A_598 = arith.index_cast %parallel_loop3A_597 : i32 to index
        %parallel_loop3A_599 = arith.constant 32 : index
        %parallel_loop3A_600 = tpu.vector_load %arg10[%parallel_loop3A_598, %parallel_loop3A_599] {strides = array<i32>} : memref<80x64xf32, #tpu.memory_space<vmem>>, vector<1x16xf32>,
        %parallel_loop3A_601 = vector.shape_cast %parallel_loop3A_600 : vector<1x16xf32> to vector<16xf32>
        %parallel_loop3A_602 = vector.broadcast %parallel_loop3A_565 : f32 to vector<16xf32>
        %parallel_loop3A_603 = arith.mulf %parallel_loop3A_601, %parallel_loop3A_602 : vector<16xf32>
        %parallel_loop3A_604 = arith.constant 8 : i32
        %parallel_loop3A_605 = arith.addi %parallel_loop3A_63, %parallel_loop3A_604 : i32
        %parallel_loop3A_606 = arith.index_cast %parallel_loop3A_605 : i32 to index
        %parallel_loop3A_607 = arith.constant 32 : index
        %parallel_loop3A_608 = tpu.vector_load %arg10[%parallel_loop3A_606, %parallel_loop3A_607] {strides = array<i32>} : memref<80x64xf32, #tpu.memory_space<vmem>>, vector<1x16xf32>,
        %parallel_loop3A_609 = vector.shape_cast %parallel_loop3A_608 : vector<1x16xf32> to vector<16xf32>
        %parallel_loop3A_610 = vector.shape_cast %parallel_loop3A_603 : vector<16xf32> to vector<1x16xf32>
        tpu.vector_store %arg10[%parallel_loop3A_606, %parallel_loop3A_607], %parallel_loop3A_610 {strides = array<i32>} : memref<80x64xf32, #tpu.memory_space<vmem>>, vector<1x16xf32>,
        %parallel_loop3A_611 = arith.constant 8 : i32
        %parallel_loop3A_612 = arith.addi %parallel_loop3A_63, %parallel_loop3A_611 : i32
        %parallel_loop3A_613 = arith.index_cast %parallel_loop3A_612 : i32 to index
        %parallel_loop3A_614 = arith.constant 48 : index
        %parallel_loop3A_615 = tpu.vector_load %arg10[%parallel_loop3A_613, %parallel_loop3A_614] {strides = array<i32>} : memref<80x64xf32, #tpu.memory_space<vmem>>, vector<1x16xf32>,
        %parallel_loop3A_616 = vector.shape_cast %parallel_loop3A_615 : vector<1x16xf32> to vector<16xf32>
        %parallel_loop3A_617 = vector.broadcast %parallel_loop3A_565 : f32 to vector<16xf32>
        %parallel_loop3A_618 = arith.mulf %parallel_loop3A_616, %parallel_loop3A_617 : vector<16xf32>
        %parallel_loop3A_619 = arith.constant 8 : i32
        %parallel_loop3A_620 = arith.addi %parallel_loop3A_63, %parallel_loop3A_619 : i32
        %parallel_loop3A_621 = arith.index_cast %parallel_loop3A_620 : i32 to index
        %parallel_loop3A_622 = arith.constant 48 : index
        %parallel_loop3A_623 = tpu.vector_load %arg10[%parallel_loop3A_621, %parallel_loop3A_622] {strides = array<i32>} : memref<80x64xf32, #tpu.memory_space<vmem>>, vector<1x16xf32>,
        %parallel_loop3A_624 = vector.shape_cast %parallel_loop3A_623 : vector<1x16xf32> to vector<16xf32>
        %parallel_loop3A_625 = vector.shape_cast %parallel_loop3A_618 : vector<16xf32> to vector<1x16xf32>
        tpu.vector_store %arg10[%parallel_loop3A_621, %parallel_loop3A_622], %parallel_loop3A_625 {strides = array<i32>} : memref<80x64xf32, #tpu.memory_space<vmem>>, vector<1x16xf32>,
        %parallel_loop3A_626 = vector.extract_strided_slice %parallel_loop3A_67 {offsets = [9], sizes = [1], strides = [1]} : vector<16xf32> to vector<1xf32>
        %parallel_loop3A_627 = vector.extract %parallel_loop3A_626[0] : f32 from vector<1xf32>
        %parallel_loop3A_628 = arith.constant 9 : i32
        %parallel_loop3A_629 = arith.addi %parallel_loop3A_63, %parallel_loop3A_628 : i32
        %parallel_loop3A_630 = arith.index_cast %parallel_loop3A_629 : i32 to index
        %parallel_loop3A_631 = arith.constant 0 : index
        %parallel_loop3A_632 = tpu.vector_load %arg10[%parallel_loop3A_630, %parallel_loop3A_631] {strides = array<i32>} : memref<80x64xf32, #tpu.memory_space<vmem>>, vector<1x16xf32>,
        %parallel_loop3A_633 = vector.shape_cast %parallel_loop3A_632 : vector<1x16xf32> to vector<16xf32>
        %parallel_loop3A_634 = vector.broadcast %parallel_loop3A_627 : f32 to vector<16xf32>
        %parallel_loop3A_635 = arith.mulf %parallel_loop3A_633, %parallel_loop3A_634 : vector<16xf32>
        %parallel_loop3A_636 = arith.constant 9 : i32
        %parallel_loop3A_637 = arith.addi %parallel_loop3A_63, %parallel_loop3A_636 : i32
        %parallel_loop3A_638 = arith.index_cast %parallel_loop3A_637 : i32 to index
        %parallel_loop3A_639 = arith.constant 0 : index
        %parallel_loop3A_640 = tpu.vector_load %arg10[%parallel_loop3A_638, %parallel_loop3A_639] {strides = array<i32>} : memref<80x64xf32, #tpu.memory_space<vmem>>, vector<1x16xf32>,
        %parallel_loop3A_641 = vector.shape_cast %parallel_loop3A_640 : vector<1x16xf32> to vector<16xf32>
        %parallel_loop3A_642 = vector.shape_cast %parallel_loop3A_635 : vector<16xf32> to vector<1x16xf32>
        tpu.vector_store %arg10[%parallel_loop3A_638, %parallel_loop3A_639], %parallel_loop3A_642 {strides = array<i32>} : memref<80x64xf32, #tpu.memory_space<vmem>>, vector<1x16xf32>,
        %parallel_loop3A_643 = arith.constant 9 : i32
        %parallel_loop3A_644 = arith.addi %parallel_loop3A_63, %parallel_loop3A_643 : i32
        %parallel_loop3A_645 = arith.index_cast %parallel_loop3A_644 : i32 to index
        %parallel_loop3A_646 = arith.constant 16 : index
        %parallel_loop3A_647 = tpu.vector_load %arg10[%parallel_loop3A_645, %parallel_loop3A_646] {strides = array<i32>} : memref<80x64xf32, #tpu.memory_space<vmem>>, vector<1x16xf32>,
        %parallel_loop3A_648 = vector.shape_cast %parallel_loop3A_647 : vector<1x16xf32> to vector<16xf32>
        %parallel_loop3A_649 = vector.broadcast %parallel_loop3A_627 : f32 to vector<16xf32>
        %parallel_loop3A_650 = arith.mulf %parallel_loop3A_648, %parallel_loop3A_649 : vector<16xf32>
        %parallel_loop3A_651 = arith.constant 9 : i32
        %parallel_loop3A_652 = arith.addi %parallel_loop3A_63, %parallel_loop3A_651 : i32
        %parallel_loop3A_653 = arith.index_cast %parallel_loop3A_652 : i32 to index
        %parallel_loop3A_654 = arith.constant 16 : index
        %parallel_loop3A_655 = tpu.vector_load %arg10[%parallel_loop3A_653, %parallel_loop3A_654] {strides = array<i32>} : memref<80x64xf32, #tpu.memory_space<vmem>>, vector<1x16xf32>,
        %parallel_loop3A_656 = vector.shape_cast %parallel_loop3A_655 : vector<1x16xf32> to vector<16xf32>
        %parallel_loop3A_657 = vector.shape_cast %parallel_loop3A_650 : vector<16xf32> to vector<1x16xf32>
        tpu.vector_store %arg10[%parallel_loop3A_653, %parallel_loop3A_654], %parallel_loop3A_657 {strides = array<i32>} : memref<80x64xf32, #tpu.memory_space<vmem>>, vector<1x16xf32>,
        %parallel_loop3A_658 = arith.constant 9 : i32
        %parallel_loop3A_659 = arith.addi %parallel_loop3A_63, %parallel_loop3A_658 : i32
        %parallel_loop3A_660 = arith.index_cast %parallel_loop3A_659 : i32 to index
        %parallel_loop3A_661 = arith.constant 32 : index
        %parallel_loop3A_662 = tpu.vector_load %arg10[%parallel_loop3A_660, %parallel_loop3A_661] {strides = array<i32>} : memref<80x64xf32, #tpu.memory_space<vmem>>, vector<1x16xf32>,
        %parallel_loop3A_663 = vector.shape_cast %parallel_loop3A_662 : vector<1x16xf32> to vector<16xf32>
        %parallel_loop3A_664 = vector.broadcast %parallel_loop3A_627 : f32 to vector<16xf32>
        %parallel_loop3A_665 = arith.mulf %parallel_loop3A_663, %parallel_loop3A_664 : vector<16xf32>
        %parallel_loop3A_666 = arith.constant 9 : i32
        %parallel_loop3A_667 = arith.addi %parallel_loop3A_63, %parallel_loop3A_666 : i32
        %parallel_loop3A_668 = arith.index_cast %parallel_loop3A_667 : i32 to index
        %parallel_loop3A_669 = arith.constant 32 : index
        %parallel_loop3A_670 = tpu.vector_load %arg10[%parallel_loop3A_668, %parallel_loop3A_669] {strides = array<i32>} : memref<80x64xf32, #tpu.memory_space<vmem>>, vector<1x16xf32>,
        %parallel_loop3A_671 = vector.shape_cast %parallel_loop3A_670 : vector<1x16xf32> to vector<16xf32>
        %parallel_loop3A_672 = vector.shape_cast %parallel_loop3A_665 : vector<16xf32> to vector<1x16xf32>
        tpu.vector_store %arg10[%parallel_loop3A_668, %parallel_loop3A_669], %parallel_loop3A_672 {strides = array<i32>} : memref<80x64xf32, #tpu.memory_space<vmem>>, vector<1x16xf32>,
        %parallel_loop3A_673 = arith.constant 9 : i32
        %parallel_loop3A_674 = arith.addi %parallel_loop3A_63, %parallel_loop3A_673 : i32
        %parallel_loop3A_675 = arith.index_cast %parallel_loop3A_674 : i32 to index
        %parallel_loop3A_676 = arith.constant 48 : index
        %parallel_loop3A_677 = tpu.vector_load %arg10[%parallel_loop3A_675, %parallel_loop3A_676] {strides = array<i32>} : memref<80x64xf32, #tpu.memory_space<vmem>>, vector<1x16xf32>,
        %parallel_loop3A_678 = vector.shape_cast %parallel_loop3A_677 : vector<1x16xf32> to vector<16xf32>
        %parallel_loop3A_679 = vector.broadcast %parallel_loop3A_627 : f32 to vector<16xf32>
        %parallel_loop3A_680 = arith.mulf %parallel_loop3A_678, %parallel_loop3A_679 : vector<16xf32>
        %parallel_loop3A_681 = arith.constant 9 : i32
        %parallel_loop3A_682 = arith.addi %parallel_loop3A_63, %parallel_loop3A_681 : i32
        %parallel_loop3A_683 = arith.index_cast %parallel_loop3A_682 : i32 to index
        %parallel_loop3A_684 = arith.constant 48 : index
        %parallel_loop3A_685 = tpu.vector_load %arg10[%parallel_loop3A_683, %parallel_loop3A_684] {strides = array<i32>} : memref<80x64xf32, #tpu.memory_space<vmem>>, vector<1x16xf32>,
        %parallel_loop3A_686 = vector.shape_cast %parallel_loop3A_685 : vector<1x16xf32> to vector<16xf32>
        %parallel_loop3A_687 = vector.shape_cast %parallel_loop3A_680 : vector<16xf32> to vector<1x16xf32>
        tpu.vector_store %arg10[%parallel_loop3A_683, %parallel_loop3A_684], %parallel_loop3A_687 {strides = array<i32>} : memref<80x64xf32, #tpu.memory_space<vmem>>, vector<1x16xf32>,
        %parallel_loop3A_688 = vector.extract_strided_slice %parallel_loop3A_67 {offsets = [10], sizes = [1], strides = [1]} : vector<16xf32> to vector<1xf32>
        %parallel_loop3A_689 = vector.extract %parallel_loop3A_688[0] : f32 from vector<1xf32>
        %parallel_loop3A_690 = arith.constant 10 : i32
        %parallel_loop3A_691 = arith.addi %parallel_loop3A_63, %parallel_loop3A_690 : i32
        %parallel_loop3A_692 = arith.index_cast %parallel_loop3A_691 : i32 to index
        %parallel_loop3A_693 = arith.constant 0 : index
        %parallel_loop3A_694 = tpu.vector_load %arg10[%parallel_loop3A_692, %parallel_loop3A_693] {strides = array<i32>} : memref<80x64xf32, #tpu.memory_space<vmem>>, vector<1x16xf32>,
        %parallel_loop3A_695 = vector.shape_cast %parallel_loop3A_694 : vector<1x16xf32> to vector<16xf32>
        %parallel_loop3A_696 = vector.broadcast %parallel_loop3A_689 : f32 to vector<16xf32>
        %parallel_loop3A_697 = arith.mulf %parallel_loop3A_695, %parallel_loop3A_696 : vector<16xf32>
        %parallel_loop3A_698 = arith.constant 10 : i32
        %parallel_loop3A_699 = arith.addi %parallel_loop3A_63, %parallel_loop3A_698 : i32
        %parallel_loop3A_700 = arith.index_cast %parallel_loop3A_699 : i32 to index
        %parallel_loop3A_701 = arith.constant 0 : index
        %parallel_loop3A_702 = tpu.vector_load %arg10[%parallel_loop3A_700, %parallel_loop3A_701] {strides = array<i32>} : memref<80x64xf32, #tpu.memory_space<vmem>>, vector<1x16xf32>,
        %parallel_loop3A_703 = vector.shape_cast %parallel_loop3A_702 : vector<1x16xf32> to vector<16xf32>
        %parallel_loop3A_704 = vector.shape_cast %parallel_loop3A_697 : vector<16xf32> to vector<1x16xf32>
        tpu.vector_store %arg10[%parallel_loop3A_700, %parallel_loop3A_701], %parallel_loop3A_704 {strides = array<i32>} : memref<80x64xf32, #tpu.memory_space<vmem>>, vector<1x16xf32>,
        %parallel_loop3A_705 = arith.constant 10 : i32
        %parallel_loop3A_706 = arith.addi %parallel_loop3A_63, %parallel_loop3A_705 : i32
        %parallel_loop3A_707 = arith.index_cast %parallel_loop3A_706 : i32 to index
        %parallel_loop3A_708 = arith.constant 16 : index
        %parallel_loop3A_709 = tpu.vector_load %arg10[%parallel_loop3A_707, %parallel_loop3A_708] {strides = array<i32>} : memref<80x64xf32, #tpu.memory_space<vmem>>, vector<1x16xf32>,
        %parallel_loop3A_710 = vector.shape_cast %parallel_loop3A_709 : vector<1x16xf32> to vector<16xf32>
        %parallel_loop3A_711 = vector.broadcast %parallel_loop3A_689 : f32 to vector<16xf32>
        %parallel_loop3A_712 = arith.mulf %parallel_loop3A_710, %parallel_loop3A_711 : vector<16xf32>
        %parallel_loop3A_713 = arith.constant 10 : i32
        %parallel_loop3A_714 = arith.addi %parallel_loop3A_63, %parallel_loop3A_713 : i32
        %parallel_loop3A_715 = arith.index_cast %parallel_loop3A_714 : i32 to index
        %parallel_loop3A_716 = arith.constant 16 : index
        %parallel_loop3A_717 = tpu.vector_load %arg10[%parallel_loop3A_715, %parallel_loop3A_716] {strides = array<i32>} : memref<80x64xf32, #tpu.memory_space<vmem>>, vector<1x16xf32>,
        %parallel_loop3A_718 = vector.shape_cast %parallel_loop3A_717 : vector<1x16xf32> to vector<16xf32>
        %parallel_loop3A_719 = vector.shape_cast %parallel_loop3A_712 : vector<16xf32> to vector<1x16xf32>
        tpu.vector_store %arg10[%parallel_loop3A_715, %parallel_loop3A_716], %parallel_loop3A_719 {strides = array<i32>} : memref<80x64xf32, #tpu.memory_space<vmem>>, vector<1x16xf32>,
        %parallel_loop3A_720 = arith.constant 10 : i32
        %parallel_loop3A_721 = arith.addi %parallel_loop3A_63, %parallel_loop3A_720 : i32
        %parallel_loop3A_722 = arith.index_cast %parallel_loop3A_721 : i32 to index
        %parallel_loop3A_723 = arith.constant 32 : index
        %parallel_loop3A_724 = tpu.vector_load %arg10[%parallel_loop3A_722, %parallel_loop3A_723] {strides = array<i32>} : memref<80x64xf32, #tpu.memory_space<vmem>>, vector<1x16xf32>,
        %parallel_loop3A_725 = vector.shape_cast %parallel_loop3A_724 : vector<1x16xf32> to vector<16xf32>
        %parallel_loop3A_726 = vector.broadcast %parallel_loop3A_689 : f32 to vector<16xf32>
        %parallel_loop3A_727 = arith.mulf %parallel_loop3A_725, %parallel_loop3A_726 : vector<16xf32>
        %parallel_loop3A_728 = arith.constant 10 : i32
        %parallel_loop3A_729 = arith.addi %parallel_loop3A_63, %parallel_loop3A_728 : i32
        %parallel_loop3A_730 = arith.index_cast %parallel_loop3A_729 : i32 to index
        %parallel_loop3A_731 = arith.constant 32 : index
        %parallel_loop3A_732 = tpu.vector_load %arg10[%parallel_loop3A_730, %parallel_loop3A_731] {strides = array<i32>} : memref<80x64xf32, #tpu.memory_space<vmem>>, vector<1x16xf32>,
        %parallel_loop3A_733 = vector.shape_cast %parallel_loop3A_732 : vector<1x16xf32> to vector<16xf32>
        %parallel_loop3A_734 = vector.shape_cast %parallel_loop3A_727 : vector<16xf32> to vector<1x16xf32>
        tpu.vector_store %arg10[%parallel_loop3A_730, %parallel_loop3A_731], %parallel_loop3A_734 {strides = array<i32>} : memref<80x64xf32, #tpu.memory_space<vmem>>, vector<1x16xf32>,
        %parallel_loop3A_735 = arith.constant 10 : i32
        %parallel_loop3A_736 = arith.addi %parallel_loop3A_63, %parallel_loop3A_735 : i32
        %parallel_loop3A_737 = arith.index_cast %parallel_loop3A_736 : i32 to index
        %parallel_loop3A_738 = arith.constant 48 : index
        %parallel_loop3A_739 = tpu.vector_load %arg10[%parallel_loop3A_737, %parallel_loop3A_738] {strides = array<i32>} : memref<80x64xf32, #tpu.memory_space<vmem>>, vector<1x16xf32>,
        %parallel_loop3A_740 = vector.shape_cast %parallel_loop3A_739 : vector<1x16xf32> to vector<16xf32>
        %parallel_loop3A_741 = vector.broadcast %parallel_loop3A_689 : f32 to vector<16xf32>
        %parallel_loop3A_742 = arith.mulf %parallel_loop3A_740, %parallel_loop3A_741 : vector<16xf32>
        %parallel_loop3A_743 = arith.constant 10 : i32
        %parallel_loop3A_744 = arith.addi %parallel_loop3A_63, %parallel_loop3A_743 : i32
        %parallel_loop3A_745 = arith.index_cast %parallel_loop3A_744 : i32 to index
        %parallel_loop3A_746 = arith.constant 48 : index
        %parallel_loop3A_747 = tpu.vector_load %arg10[%parallel_loop3A_745, %parallel_loop3A_746] {strides = array<i32>} : memref<80x64xf32, #tpu.memory_space<vmem>>, vector<1x16xf32>,
        %parallel_loop3A_748 = vector.shape_cast %parallel_loop3A_747 : vector<1x16xf32> to vector<16xf32>
        %parallel_loop3A_749 = vector.shape_cast %parallel_loop3A_742 : vector<16xf32> to vector<1x16xf32>
        tpu.vector_store %arg10[%parallel_loop3A_745, %parallel_loop3A_746], %parallel_loop3A_749 {strides = array<i32>} : memref<80x64xf32, #tpu.memory_space<vmem>>, vector<1x16xf32>,
        %parallel_loop3A_750 = vector.extract_strided_slice %parallel_loop3A_67 {offsets = [11], sizes = [1], strides = [1]} : vector<16xf32> to vector<1xf32>
        %parallel_loop3A_751 = vector.extract %parallel_loop3A_750[0] : f32 from vector<1xf32>
        %parallel_loop3A_752 = arith.constant 11 : i32
        %parallel_loop3A_753 = arith.addi %parallel_loop3A_63, %parallel_loop3A_752 : i32
        %parallel_loop3A_754 = arith.index_cast %parallel_loop3A_753 : i32 to index
        %parallel_loop3A_755 = arith.constant 0 : index
        %parallel_loop3A_756 = tpu.vector_load %arg10[%parallel_loop3A_754, %parallel_loop3A_755] {strides = array<i32>} : memref<80x64xf32, #tpu.memory_space<vmem>>, vector<1x16xf32>,
        %parallel_loop3A_757 = vector.shape_cast %parallel_loop3A_756 : vector<1x16xf32> to vector<16xf32>
        %parallel_loop3A_758 = vector.broadcast %parallel_loop3A_751 : f32 to vector<16xf32>
        %parallel_loop3A_759 = arith.mulf %parallel_loop3A_757, %parallel_loop3A_758 : vector<16xf32>
        %parallel_loop3A_760 = arith.constant 11 : i32
        %parallel_loop3A_761 = arith.addi %parallel_loop3A_63, %parallel_loop3A_760 : i32
        %parallel_loop3A_762 = arith.index_cast %parallel_loop3A_761 : i32 to index
        %parallel_loop3A_763 = arith.constant 0 : index
        %parallel_loop3A_764 = tpu.vector_load %arg10[%parallel_loop3A_762, %parallel_loop3A_763] {strides = array<i32>} : memref<80x64xf32, #tpu.memory_space<vmem>>, vector<1x16xf32>,
        %parallel_loop3A_765 = vector.shape_cast %parallel_loop3A_764 : vector<1x16xf32> to vector<16xf32>
        %parallel_loop3A_766 = vector.shape_cast %parallel_loop3A_759 : vector<16xf32> to vector<1x16xf32>
        tpu.vector_store %arg10[%parallel_loop3A_762, %parallel_loop3A_763], %parallel_loop3A_766 {strides = array<i32>} : memref<80x64xf32, #tpu.memory_space<vmem>>, vector<1x16xf32>,
        %parallel_loop3A_767 = arith.constant 11 : i32
        %parallel_loop3A_768 = arith.addi %parallel_loop3A_63, %parallel_loop3A_767 : i32
        %parallel_loop3A_769 = arith.index_cast %parallel_loop3A_768 : i32 to index
        %parallel_loop3A_770 = arith.constant 16 : index
        %parallel_loop3A_771 = tpu.vector_load %arg10[%parallel_loop3A_769, %parallel_loop3A_770] {strides = array<i32>} : memref<80x64xf32, #tpu.memory_space<vmem>>, vector<1x16xf32>,
        %parallel_loop3A_772 = vector.shape_cast %parallel_loop3A_771 : vector<1x16xf32> to vector<16xf32>
        %parallel_loop3A_773 = vector.broadcast %parallel_loop3A_751 : f32 to vector<16xf32>
        %parallel_loop3A_774 = arith.mulf %parallel_loop3A_772, %parallel_loop3A_773 : vector<16xf32>
        %parallel_loop3A_775 = arith.constant 11 : i32
        %parallel_loop3A_776 = arith.addi %parallel_loop3A_63, %parallel_loop3A_775 : i32
        %parallel_loop3A_777 = arith.index_cast %parallel_loop3A_776 : i32 to index
        %parallel_loop3A_778 = arith.constant 16 : index
        %parallel_loop3A_779 = tpu.vector_load %arg10[%parallel_loop3A_777, %parallel_loop3A_778] {strides = array<i32>} : memref<80x64xf32, #tpu.memory_space<vmem>>, vector<1x16xf32>,
        %parallel_loop3A_780 = vector.shape_cast %parallel_loop3A_779 : vector<1x16xf32> to vector<16xf32>
        %parallel_loop3A_781 = vector.shape_cast %parallel_loop3A_774 : vector<16xf32> to vector<1x16xf32>
        tpu.vector_store %arg10[%parallel_loop3A_777, %parallel_loop3A_778], %parallel_loop3A_781 {strides = array<i32>} : memref<80x64xf32, #tpu.memory_space<vmem>>, vector<1x16xf32>,
        %parallel_loop3A_782 = arith.constant 11 : i32
        %parallel_loop3A_783 = arith.addi %parallel_loop3A_63, %parallel_loop3A_782 : i32
        %parallel_loop3A_784 = arith.index_cast %parallel_loop3A_783 : i32 to index
        %parallel_loop3A_785 = arith.constant 32 : index
        %parallel_loop3A_786 = tpu.vector_load %arg10[%parallel_loop3A_784, %parallel_loop3A_785] {strides = array<i32>} : memref<80x64xf32, #tpu.memory_space<vmem>>, vector<1x16xf32>,
        %parallel_loop3A_787 = vector.shape_cast %parallel_loop3A_786 : vector<1x16xf32> to vector<16xf32>
        %parallel_loop3A_788 = vector.broadcast %parallel_loop3A_751 : f32 to vector<16xf32>
        %parallel_loop3A_789 = arith.mulf %parallel_loop3A_787, %parallel_loop3A_788 : vector<16xf32>
        %parallel_loop3A_790 = arith.constant 11 : i32
        %parallel_loop3A_791 = arith.addi %parallel_loop3A_63, %parallel_loop3A_790 : i32
        %parallel_loop3A_792 = arith.index_cast %parallel_loop3A_791 : i32 to index
        %parallel_loop3A_793 = arith.constant 32 : index
        %parallel_loop3A_794 = tpu.vector_load %arg10[%parallel_loop3A_792, %parallel_loop3A_793] {strides = array<i32>} : memref<80x64xf32, #tpu.memory_space<vmem>>, vector<1x16xf32>,
        %parallel_loop3A_795 = vector.shape_cast %parallel_loop3A_794 : vector<1x16xf32> to vector<16xf32>
        %parallel_loop3A_796 = vector.shape_cast %parallel_loop3A_789 : vector<16xf32> to vector<1x16xf32>
        tpu.vector_store %arg10[%parallel_loop3A_792, %parallel_loop3A_793], %parallel_loop3A_796 {strides = array<i32>} : memref<80x64xf32, #tpu.memory_space<vmem>>, vector<1x16xf32>,
        %parallel_loop3A_797 = arith.constant 11 : i32
        %parallel_loop3A_798 = arith.addi %parallel_loop3A_63, %parallel_loop3A_797 : i32
        %parallel_loop3A_799 = arith.index_cast %parallel_loop3A_798 : i32 to index
        %parallel_loop3A_800 = arith.constant 48 : index
        %parallel_loop3A_801 = tpu.vector_load %arg10[%parallel_loop3A_799, %parallel_loop3A_800] {strides = array<i32>} : memref<80x64xf32, #tpu.memory_space<vmem>>, vector<1x16xf32>,
        %parallel_loop3A_802 = vector.shape_cast %parallel_loop3A_801 : vector<1x16xf32> to vector<16xf32>
        %parallel_loop3A_803 = vector.broadcast %parallel_loop3A_751 : f32 to vector<16xf32>
        %parallel_loop3A_804 = arith.mulf %parallel_loop3A_802, %parallel_loop3A_803 : vector<16xf32>
        %parallel_loop3A_805 = arith.constant 11 : i32
        %parallel_loop3A_806 = arith.addi %parallel_loop3A_63, %parallel_loop3A_805 : i32
        %parallel_loop3A_807 = arith.index_cast %parallel_loop3A_806 : i32 to index
        %parallel_loop3A_808 = arith.constant 48 : index
        %parallel_loop3A_809 = tpu.vector_load %arg10[%parallel_loop3A_807, %parallel_loop3A_808] {strides = array<i32>} : memref<80x64xf32, #tpu.memory_space<vmem>>, vector<1x16xf32>,
        %parallel_loop3A_810 = vector.shape_cast %parallel_loop3A_809 : vector<1x16xf32> to vector<16xf32>
        %parallel_loop3A_811 = vector.shape_cast %parallel_loop3A_804 : vector<16xf32> to vector<1x16xf32>
        tpu.vector_store %arg10[%parallel_loop3A_807, %parallel_loop3A_808], %parallel_loop3A_811 {strides = array<i32>} : memref<80x64xf32, #tpu.memory_space<vmem>>, vector<1x16xf32>,
        %parallel_loop3A_812 = vector.extract_strided_slice %parallel_loop3A_67 {offsets = [12], sizes = [1], strides = [1]} : vector<16xf32> to vector<1xf32>
        %parallel_loop3A_813 = vector.extract %parallel_loop3A_812[0] : f32 from vector<1xf32>
        %parallel_loop3A_814 = arith.constant 12 : i32
        %parallel_loop3A_815 = arith.addi %parallel_loop3A_63, %parallel_loop3A_814 : i32
        %parallel_loop3A_816 = arith.index_cast %parallel_loop3A_815 : i32 to index
        %parallel_loop3A_817 = arith.constant 0 : index
        %parallel_loop3A_818 = tpu.vector_load %arg10[%parallel_loop3A_816, %parallel_loop3A_817] {strides = array<i32>} : memref<80x64xf32, #tpu.memory_space<vmem>>, vector<1x16xf32>,
        %parallel_loop3A_819 = vector.shape_cast %parallel_loop3A_818 : vector<1x16xf32> to vector<16xf32>
        %parallel_loop3A_820 = vector.broadcast %parallel_loop3A_813 : f32 to vector<16xf32>
        %parallel_loop3A_821 = arith.mulf %parallel_loop3A_819, %parallel_loop3A_820 : vector<16xf32>
        %parallel_loop3A_822 = arith.constant 12 : i32
        %parallel_loop3A_823 = arith.addi %parallel_loop3A_63, %parallel_loop3A_822 : i32
        %parallel_loop3A_824 = arith.index_cast %parallel_loop3A_823 : i32 to index
        %parallel_loop3A_825 = arith.constant 0 : index
        %parallel_loop3A_826 = tpu.vector_load %arg10[%parallel_loop3A_824, %parallel_loop3A_825] {strides = array<i32>} : memref<80x64xf32, #tpu.memory_space<vmem>>, vector<1x16xf32>,
        %parallel_loop3A_827 = vector.shape_cast %parallel_loop3A_826 : vector<1x16xf32> to vector<16xf32>
        %parallel_loop3A_828 = vector.shape_cast %parallel_loop3A_821 : vector<16xf32> to vector<1x16xf32>
        tpu.vector_store %arg10[%parallel_loop3A_824, %parallel_loop3A_825], %parallel_loop3A_828 {strides = array<i32>} : memref<80x64xf32, #tpu.memory_space<vmem>>, vector<1x16xf32>,
        %parallel_loop3A_829 = arith.constant 12 : i32
        %parallel_loop3A_830 = arith.addi %parallel_loop3A_63, %parallel_loop3A_829 : i32
        %parallel_loop3A_831 = arith.index_cast %parallel_loop3A_830 : i32 to index
        %parallel_loop3A_832 = arith.constant 16 : index
        %parallel_loop3A_833 = tpu.vector_load %arg10[%parallel_loop3A_831, %parallel_loop3A_832] {strides = array<i32>} : memref<80x64xf32, #tpu.memory_space<vmem>>, vector<1x16xf32>,
        %parallel_loop3A_834 = vector.shape_cast %parallel_loop3A_833 : vector<1x16xf32> to vector<16xf32>
        %parallel_loop3A_835 = vector.broadcast %parallel_loop3A_813 : f32 to vector<16xf32>
        %parallel_loop3A_836 = arith.mulf %parallel_loop3A_834, %parallel_loop3A_835 : vector<16xf32>
        %parallel_loop3A_837 = arith.constant 12 : i32
        %parallel_loop3A_838 = arith.addi %parallel_loop3A_63, %parallel_loop3A_837 : i32
        %parallel_loop3A_839 = arith.index_cast %parallel_loop3A_838 : i32 to index
        %parallel_loop3A_840 = arith.constant 16 : index
        %parallel_loop3A_841 = tpu.vector_load %arg10[%parallel_loop3A_839, %parallel_loop3A_840] {strides = array<i32>} : memref<80x64xf32, #tpu.memory_space<vmem>>, vector<1x16xf32>,
        %parallel_loop3A_842 = vector.shape_cast %parallel_loop3A_841 : vector<1x16xf32> to vector<16xf32>
        %parallel_loop3A_843 = vector.shape_cast %parallel_loop3A_836 : vector<16xf32> to vector<1x16xf32>
        tpu.vector_store %arg10[%parallel_loop3A_839, %parallel_loop3A_840], %parallel_loop3A_843 {strides = array<i32>} : memref<80x64xf32, #tpu.memory_space<vmem>>, vector<1x16xf32>,
        %parallel_loop3A_844 = arith.constant 12 : i32
        %parallel_loop3A_845 = arith.addi %parallel_loop3A_63, %parallel_loop3A_844 : i32
        %parallel_loop3A_846 = arith.index_cast %parallel_loop3A_845 : i32 to index
        %parallel_loop3A_847 = arith.constant 32 : index
        %parallel_loop3A_848 = tpu.vector_load %arg10[%parallel_loop3A_846, %parallel_loop3A_847] {strides = array<i32>} : memref<80x64xf32, #tpu.memory_space<vmem>>, vector<1x16xf32>,
        %parallel_loop3A_849 = vector.shape_cast %parallel_loop3A_848 : vector<1x16xf32> to vector<16xf32>
        %parallel_loop3A_850 = vector.broadcast %parallel_loop3A_813 : f32 to vector<16xf32>
        %parallel_loop3A_851 = arith.mulf %parallel_loop3A_849, %parallel_loop3A_850 : vector<16xf32>
        %parallel_loop3A_852 = arith.constant 12 : i32
        %parallel_loop3A_853 = arith.addi %parallel_loop3A_63, %parallel_loop3A_852 : i32
        %parallel_loop3A_854 = arith.index_cast %parallel_loop3A_853 : i32 to index
        %parallel_loop3A_855 = arith.constant 32 : index
        %parallel_loop3A_856 = tpu.vector_load %arg10[%parallel_loop3A_854, %parallel_loop3A_855] {strides = array<i32>} : memref<80x64xf32, #tpu.memory_space<vmem>>, vector<1x16xf32>,
        %parallel_loop3A_857 = vector.shape_cast %parallel_loop3A_856 : vector<1x16xf32> to vector<16xf32>
        %parallel_loop3A_858 = vector.shape_cast %parallel_loop3A_851 : vector<16xf32> to vector<1x16xf32>
        tpu.vector_store %arg10[%parallel_loop3A_854, %parallel_loop3A_855], %parallel_loop3A_858 {strides = array<i32>} : memref<80x64xf32, #tpu.memory_space<vmem>>, vector<1x16xf32>,
        %parallel_loop3A_859 = arith.constant 12 : i32
        %parallel_loop3A_860 = arith.addi %parallel_loop3A_63, %parallel_loop3A_859 : i32
        %parallel_loop3A_861 = arith.index_cast %parallel_loop3A_860 : i32 to index
        %parallel_loop3A_862 = arith.constant 48 : index
        %parallel_loop3A_863 = tpu.vector_load %arg10[%parallel_loop3A_861, %parallel_loop3A_862] {strides = array<i32>} : memref<80x64xf32, #tpu.memory_space<vmem>>, vector<1x16xf32>,
        %parallel_loop3A_864 = vector.shape_cast %parallel_loop3A_863 : vector<1x16xf32> to vector<16xf32>
        %parallel_loop3A_865 = vector.broadcast %parallel_loop3A_813 : f32 to vector<16xf32>
        %parallel_loop3A_866 = arith.mulf %parallel_loop3A_864, %parallel_loop3A_865 : vector<16xf32>
        %parallel_loop3A_867 = arith.constant 12 : i32
        %parallel_loop3A_868 = arith.addi %parallel_loop3A_63, %parallel_loop3A_867 : i32
        %parallel_loop3A_869 = arith.index_cast %parallel_loop3A_868 : i32 to index
        %parallel_loop3A_870 = arith.constant 48 : index
        %parallel_loop3A_871 = tpu.vector_load %arg10[%parallel_loop3A_869, %parallel_loop3A_870] {strides = array<i32>} : memref<80x64xf32, #tpu.memory_space<vmem>>, vector<1x16xf32>,
        %parallel_loop3A_872 = vector.shape_cast %parallel_loop3A_871 : vector<1x16xf32> to vector<16xf32>
        %parallel_loop3A_873 = vector.shape_cast %parallel_loop3A_866 : vector<16xf32> to vector<1x16xf32>
        tpu.vector_store %arg10[%parallel_loop3A_869, %parallel_loop3A_870], %parallel_loop3A_873 {strides = array<i32>} : memref<80x64xf32, #tpu.memory_space<vmem>>, vector<1x16xf32>,
        %parallel_loop3A_874 = vector.extract_strided_slice %parallel_loop3A_67 {offsets = [13], sizes = [1], strides = [1]} : vector<16xf32> to vector<1xf32>
        %parallel_loop3A_875 = vector.extract %parallel_loop3A_874[0] : f32 from vector<1xf32>
        %parallel_loop3A_876 = arith.constant 13 : i32
        %parallel_loop3A_877 = arith.addi %parallel_loop3A_63, %parallel_loop3A_876 : i32
        %parallel_loop3A_878 = arith.index_cast %parallel_loop3A_877 : i32 to index
        %parallel_loop3A_879 = arith.constant 0 : index
        %parallel_loop3A_880 = tpu.vector_load %arg10[%parallel_loop3A_878, %parallel_loop3A_879] {strides = array<i32>} : memref<80x64xf32, #tpu.memory_space<vmem>>, vector<1x16xf32>,
        %parallel_loop3A_881 = vector.shape_cast %parallel_loop3A_880 : vector<1x16xf32> to vector<16xf32>
        %parallel_loop3A_882 = vector.broadcast %parallel_loop3A_875 : f32 to vector<16xf32>
        %parallel_loop3A_883 = arith.mulf %parallel_loop3A_881, %parallel_loop3A_882 : vector<16xf32>
        %parallel_loop3A_884 = arith.constant 13 : i32
        %parallel_loop3A_885 = arith.addi %parallel_loop3A_63, %parallel_loop3A_884 : i32
        %parallel_loop3A_886 = arith.index_cast %parallel_loop3A_885 : i32 to index
        %parallel_loop3A_887 = arith.constant 0 : index
        %parallel_loop3A_888 = tpu.vector_load %arg10[%parallel_loop3A_886, %parallel_loop3A_887] {strides = array<i32>} : memref<80x64xf32, #tpu.memory_space<vmem>>, vector<1x16xf32>,
        %parallel_loop3A_889 = vector.shape_cast %parallel_loop3A_888 : vector<1x16xf32> to vector<16xf32>
        %parallel_loop3A_890 = vector.shape_cast %parallel_loop3A_883 : vector<16xf32> to vector<1x16xf32>
        tpu.vector_store %arg10[%parallel_loop3A_886, %parallel_loop3A_887], %parallel_loop3A_890 {strides = array<i32>} : memref<80x64xf32, #tpu.memory_space<vmem>>, vector<1x16xf32>,
        %parallel_loop3A_891 = arith.constant 13 : i32
        %parallel_loop3A_892 = arith.addi %parallel_loop3A_63, %parallel_loop3A_891 : i32
        %parallel_loop3A_893 = arith.index_cast %parallel_loop3A_892 : i32 to index
        %parallel_loop3A_894 = arith.constant 16 : index
        %parallel_loop3A_895 = tpu.vector_load %arg10[%parallel_loop3A_893, %parallel_loop3A_894] {strides = array<i32>} : memref<80x64xf32, #tpu.memory_space<vmem>>, vector<1x16xf32>,
        %parallel_loop3A_896 = vector.shape_cast %parallel_loop3A_895 : vector<1x16xf32> to vector<16xf32>
        %parallel_loop3A_897 = vector.broadcast %parallel_loop3A_875 : f32 to vector<16xf32>
        %parallel_loop3A_898 = arith.mulf %parallel_loop3A_896, %parallel_loop3A_897 : vector<16xf32>
        %parallel_loop3A_899 = arith.constant 13 : i32
        %parallel_loop3A_900 = arith.addi %parallel_loop3A_63, %parallel_loop3A_899 : i32
        %parallel_loop3A_901 = arith.index_cast %parallel_loop3A_900 : i32 to index
        %parallel_loop3A_902 = arith.constant 16 : index
        %parallel_loop3A_903 = tpu.vector_load %arg10[%parallel_loop3A_901, %parallel_loop3A_902] {strides = array<i32>} : memref<80x64xf32, #tpu.memory_space<vmem>>, vector<1x16xf32>,
        %parallel_loop3A_904 = vector.shape_cast %parallel_loop3A_903 : vector<1x16xf32> to vector<16xf32>
        %parallel_loop3A_905 = vector.shape_cast %parallel_loop3A_898 : vector<16xf32> to vector<1x16xf32>
        tpu.vector_store %arg10[%parallel_loop3A_901, %parallel_loop3A_902], %parallel_loop3A_905 {strides = array<i32>} : memref<80x64xf32, #tpu.memory_space<vmem>>, vector<1x16xf32>,
        %parallel_loop3A_906 = arith.constant 13 : i32
        %parallel_loop3A_907 = arith.addi %parallel_loop3A_63, %parallel_loop3A_906 : i32
        %parallel_loop3A_908 = arith.index_cast %parallel_loop3A_907 : i32 to index
        %parallel_loop3A_909 = arith.constant 32 : index
        %parallel_loop3A_910 = tpu.vector_load %arg10[%parallel_loop3A_908, %parallel_loop3A_909] {strides = array<i32>} : memref<80x64xf32, #tpu.memory_space<vmem>>, vector<1x16xf32>,
        %parallel_loop3A_911 = vector.shape_cast %parallel_loop3A_910 : vector<1x16xf32> to vector<16xf32>
        %parallel_loop3A_912 = vector.broadcast %parallel_loop3A_875 : f32 to vector<16xf32>
        %parallel_loop3A_913 = arith.mulf %parallel_loop3A_911, %parallel_loop3A_912 : vector<16xf32>
        %parallel_loop3A_914 = arith.constant 13 : i32
        %parallel_loop3A_915 = arith.addi %parallel_loop3A_63, %parallel_loop3A_914 : i32
        %parallel_loop3A_916 = arith.index_cast %parallel_loop3A_915 : i32 to index
        %parallel_loop3A_917 = arith.constant 32 : index
        %parallel_loop3A_918 = tpu.vector_load %arg10[%parallel_loop3A_916, %parallel_loop3A_917] {strides = array<i32>} : memref<80x64xf32, #tpu.memory_space<vmem>>, vector<1x16xf32>,
        %parallel_loop3A_919 = vector.shape_cast %parallel_loop3A_918 : vector<1x16xf32> to vector<16xf32>
        %parallel_loop3A_920 = vector.shape_cast %parallel_loop3A_913 : vector<16xf32> to vector<1x16xf32>
        tpu.vector_store %arg10[%parallel_loop3A_916, %parallel_loop3A_917], %parallel_loop3A_920 {strides = array<i32>} : memref<80x64xf32, #tpu.memory_space<vmem>>, vector<1x16xf32>,
        %parallel_loop3A_921 = arith.constant 13 : i32
        %parallel_loop3A_922 = arith.addi %parallel_loop3A_63, %parallel_loop3A_921 : i32
        %parallel_loop3A_923 = arith.index_cast %parallel_loop3A_922 : i32 to index
        %parallel_loop3A_924 = arith.constant 48 : index
        %parallel_loop3A_925 = tpu.vector_load %arg10[%parallel_loop3A_923, %parallel_loop3A_924] {strides = array<i32>} : memref<80x64xf32, #tpu.memory_space<vmem>>, vector<1x16xf32>,
        %parallel_loop3A_926 = vector.shape_cast %parallel_loop3A_925 : vector<1x16xf32> to vector<16xf32>
        %parallel_loop3A_927 = vector.broadcast %parallel_loop3A_875 : f32 to vector<16xf32>
        %parallel_loop3A_928 = arith.mulf %parallel_loop3A_926, %parallel_loop3A_927 : vector<16xf32>
        %parallel_loop3A_929 = arith.constant 13 : i32
        %parallel_loop3A_930 = arith.addi %parallel_loop3A_63, %parallel_loop3A_929 : i32
        %parallel_loop3A_931 = arith.index_cast %parallel_loop3A_930 : i32 to index
        %parallel_loop3A_932 = arith.constant 48 : index
        %parallel_loop3A_933 = tpu.vector_load %arg10[%parallel_loop3A_931, %parallel_loop3A_932] {strides = array<i32>} : memref<80x64xf32, #tpu.memory_space<vmem>>, vector<1x16xf32>,
        %parallel_loop3A_934 = vector.shape_cast %parallel_loop3A_933 : vector<1x16xf32> to vector<16xf32>
        %parallel_loop3A_935 = vector.shape_cast %parallel_loop3A_928 : vector<16xf32> to vector<1x16xf32>
        tpu.vector_store %arg10[%parallel_loop3A_931, %parallel_loop3A_932], %parallel_loop3A_935 {strides = array<i32>} : memref<80x64xf32, #tpu.memory_space<vmem>>, vector<1x16xf32>,
        %parallel_loop3A_936 = vector.extract_strided_slice %parallel_loop3A_67 {offsets = [14], sizes = [1], strides = [1]} : vector<16xf32> to vector<1xf32>
        %parallel_loop3A_937 = vector.extract %parallel_loop3A_936[0] : f32 from vector<1xf32>
        %parallel_loop3A_938 = arith.constant 14 : i32
        %parallel_loop3A_939 = arith.addi %parallel_loop3A_63, %parallel_loop3A_938 : i32
        %parallel_loop3A_940 = arith.index_cast %parallel_loop3A_939 : i32 to index
        %parallel_loop3A_941 = arith.constant 0 : index
        %parallel_loop3A_942 = tpu.vector_load %arg10[%parallel_loop3A_940, %parallel_loop3A_941] {strides = array<i32>} : memref<80x64xf32, #tpu.memory_space<vmem>>, vector<1x16xf32>,
        %parallel_loop3A_943 = vector.shape_cast %parallel_loop3A_942 : vector<1x16xf32> to vector<16xf32>
        %parallel_loop3A_944 = vector.broadcast %parallel_loop3A_937 : f32 to vector<16xf32>
        %parallel_loop3A_945 = arith.mulf %parallel_loop3A_943, %parallel_loop3A_944 : vector<16xf32>
        %parallel_loop3A_946 = arith.constant 14 : i32
        %parallel_loop3A_947 = arith.addi %parallel_loop3A_63, %parallel_loop3A_946 : i32
        %parallel_loop3A_948 = arith.index_cast %parallel_loop3A_947 : i32 to index
        %parallel_loop3A_949 = arith.constant 0 : index
        %parallel_loop3A_950 = tpu.vector_load %arg10[%parallel_loop3A_948, %parallel_loop3A_949] {strides = array<i32>} : memref<80x64xf32, #tpu.memory_space<vmem>>, vector<1x16xf32>,
        %parallel_loop3A_951 = vector.shape_cast %parallel_loop3A_950 : vector<1x16xf32> to vector<16xf32>
        %parallel_loop3A_952 = vector.shape_cast %parallel_loop3A_945 : vector<16xf32> to vector<1x16xf32>
        tpu.vector_store %arg10[%parallel_loop3A_948, %parallel_loop3A_949], %parallel_loop3A_952 {strides = array<i32>} : memref<80x64xf32, #tpu.memory_space<vmem>>, vector<1x16xf32>,
        %parallel_loop3A_953 = arith.constant 14 : i32
        %parallel_loop3A_954 = arith.addi %parallel_loop3A_63, %parallel_loop3A_953 : i32
        %parallel_loop3A_955 = arith.index_cast %parallel_loop3A_954 : i32 to index
        %parallel_loop3A_956 = arith.constant 16 : index
        %parallel_loop3A_957 = tpu.vector_load %arg10[%parallel_loop3A_955, %parallel_loop3A_956] {strides = array<i32>} : memref<80x64xf32, #tpu.memory_space<vmem>>, vector<1x16xf32>,
        %parallel_loop3A_958 = vector.shape_cast %parallel_loop3A_957 : vector<1x16xf32> to vector<16xf32>
        %parallel_loop3A_959 = vector.broadcast %parallel_loop3A_937 : f32 to vector<16xf32>
        %parallel_loop3A_960 = arith.mulf %parallel_loop3A_958, %parallel_loop3A_959 : vector<16xf32>
        %parallel_loop3A_961 = arith.constant 14 : i32
        %parallel_loop3A_962 = arith.addi %parallel_loop3A_63, %parallel_loop3A_961 : i32
        %parallel_loop3A_963 = arith.index_cast %parallel_loop3A_962 : i32 to index
        %parallel_loop3A_964 = arith.constant 16 : index
        %parallel_loop3A_965 = tpu.vector_load %arg10[%parallel_loop3A_963, %parallel_loop3A_964] {strides = array<i32>} : memref<80x64xf32, #tpu.memory_space<vmem>>, vector<1x16xf32>,
        %parallel_loop3A_966 = vector.shape_cast %parallel_loop3A_965 : vector<1x16xf32> to vector<16xf32>
        %parallel_loop3A_967 = vector.shape_cast %parallel_loop3A_960 : vector<16xf32> to vector<1x16xf32>
        tpu.vector_store %arg10[%parallel_loop3A_963, %parallel_loop3A_964], %parallel_loop3A_967 {strides = array<i32>} : memref<80x64xf32, #tpu.memory_space<vmem>>, vector<1x16xf32>,
        %parallel_loop3A_968 = arith.constant 14 : i32
        %parallel_loop3A_969 = arith.addi %parallel_loop3A_63, %parallel_loop3A_968 : i32
        %parallel_loop3A_970 = arith.index_cast %parallel_loop3A_969 : i32 to index
        %parallel_loop3A_971 = arith.constant 32 : index
        %parallel_loop3A_972 = tpu.vector_load %arg10[%parallel_loop3A_970, %parallel_loop3A_971] {strides = array<i32>} : memref<80x64xf32, #tpu.memory_space<vmem>>, vector<1x16xf32>,
        %parallel_loop3A_973 = vector.shape_cast %parallel_loop3A_972 : vector<1x16xf32> to vector<16xf32>
        %parallel_loop3A_974 = vector.broadcast %parallel_loop3A_937 : f32 to vector<16xf32>
        %parallel_loop3A_975 = arith.mulf %parallel_loop3A_973, %parallel_loop3A_974 : vector<16xf32>
        %parallel_loop3A_976 = arith.constant 14 : i32
        %parallel_loop3A_977 = arith.addi %parallel_loop3A_63, %parallel_loop3A_976 : i32
        %parallel_loop3A_978 = arith.index_cast %parallel_loop3A_977 : i32 to index
        %parallel_loop3A_979 = arith.constant 32 : index
        %parallel_loop3A_980 = tpu.vector_load %arg10[%parallel_loop3A_978, %parallel_loop3A_979] {strides = array<i32>} : memref<80x64xf32, #tpu.memory_space<vmem>>, vector<1x16xf32>,
        %parallel_loop3A_981 = vector.shape_cast %parallel_loop3A_980 : vector<1x16xf32> to vector<16xf32>
        %parallel_loop3A_982 = vector.shape_cast %parallel_loop3A_975 : vector<16xf32> to vector<1x16xf32>
        tpu.vector_store %arg10[%parallel_loop3A_978, %parallel_loop3A_979], %parallel_loop3A_982 {strides = array<i32>} : memref<80x64xf32, #tpu.memory_space<vmem>>, vector<1x16xf32>,
        %parallel_loop3A_983 = arith.constant 14 : i32
        %parallel_loop3A_984 = arith.addi %parallel_loop3A_63, %parallel_loop3A_983 : i32
        %parallel_loop3A_985 = arith.index_cast %parallel_loop3A_984 : i32 to index
        %parallel_loop3A_986 = arith.constant 48 : index
        %parallel_loop3A_987 = tpu.vector_load %arg10[%parallel_loop3A_985, %parallel_loop3A_986] {strides = array<i32>} : memref<80x64xf32, #tpu.memory_space<vmem>>, vector<1x16xf32>,
        %parallel_loop3A_988 = vector.shape_cast %parallel_loop3A_987 : vector<1x16xf32> to vector<16xf32>
        %parallel_loop3A_989 = vector.broadcast %parallel_loop3A_937 : f32 to vector<16xf32>
        %parallel_loop3A_990 = arith.mulf %parallel_loop3A_988, %parallel_loop3A_989 : vector<16xf32>
        %parallel_loop3A_991 = arith.constant 14 : i32
        %parallel_loop3A_992 = arith.addi %parallel_loop3A_63, %parallel_loop3A_991 : i32
        %parallel_loop3A_993 = arith.index_cast %parallel_loop3A_992 : i32 to index
        %parallel_loop3A_994 = arith.constant 48 : index
        %parallel_loop3A_995 = tpu.vector_load %arg10[%parallel_loop3A_993, %parallel_loop3A_994] {strides = array<i32>} : memref<80x64xf32, #tpu.memory_space<vmem>>, vector<1x16xf32>,
        %parallel_loop3A_996 = vector.shape_cast %parallel_loop3A_995 : vector<1x16xf32> to vector<16xf32>
        %parallel_loop3A_997 = vector.shape_cast %parallel_loop3A_990 : vector<16xf32> to vector<1x16xf32>
        tpu.vector_store %arg10[%parallel_loop3A_993, %parallel_loop3A_994], %parallel_loop3A_997 {strides = array<i32>} : memref<80x64xf32, #tpu.memory_space<vmem>>, vector<1x16xf32>,
        %parallel_loop3A_998 = vector.extract_strided_slice %parallel_loop3A_67 {offsets = [15], sizes = [1], strides = [1]} : vector<16xf32> to vector<1xf32>
        %parallel_loop3A_999 = vector.extract %parallel_loop3A_998[0] : f32 from vector<1xf32>
        %parallel_loop3A_1000 = arith.constant 15 : i32
        %parallel_loop3A_1001 = arith.addi %parallel_loop3A_63, %parallel_loop3A_1000 : i32
        %parallel_loop3A_1002 = arith.index_cast %parallel_loop3A_1001 : i32 to index
        %parallel_loop3A_1003 = arith.constant 0 : index
        %parallel_loop3A_1004 = tpu.vector_load %arg10[%parallel_loop3A_1002, %parallel_loop3A_1003] {strides = array<i32>} : memref<80x64xf32, #tpu.memory_space<vmem>>, vector<1x16xf32>,
        %parallel_loop3A_1005 = vector.shape_cast %parallel_loop3A_1004 : vector<1x16xf32> to vector<16xf32>
        %parallel_loop3A_1006 = vector.broadcast %parallel_loop3A_999 : f32 to vector<16xf32>
        %parallel_loop3A_1007 = arith.mulf %parallel_loop3A_1005, %parallel_loop3A_1006 : vector<16xf32>
        %parallel_loop3A_1008 = arith.constant 15 : i32
        %parallel_loop3A_1009 = arith.addi %parallel_loop3A_63, %parallel_loop3A_1008 : i32
        %parallel_loop3A_1010 = arith.index_cast %parallel_loop3A_1009 : i32 to index
        %parallel_loop3A_1011 = arith.constant 0 : index
        %parallel_loop3A_1012 = tpu.vector_load %arg10[%parallel_loop3A_1010, %parallel_loop3A_1011] {strides = array<i32>} : memref<80x64xf32, #tpu.memory_space<vmem>>, vector<1x16xf32>,
        %parallel_loop3A_1013 = vector.shape_cast %parallel_loop3A_1012 : vector<1x16xf32> to vector<16xf32>
        %parallel_loop3A_1014 = vector.shape_cast %parallel_loop3A_1007 : vector<16xf32> to vector<1x16xf32>
        tpu.vector_store %arg10[%parallel_loop3A_1010, %parallel_loop3A_1011], %parallel_loop3A_1014 {strides = array<i32>} : memref<80x64xf32, #tpu.memory_space<vmem>>, vector<1x16xf32>,
        %parallel_loop3A_1015 = arith.constant 15 : i32
        %parallel_loop3A_1016 = arith.addi %parallel_loop3A_63, %parallel_loop3A_1015 : i32
        %parallel_loop3A_1017 = arith.index_cast %parallel_loop3A_1016 : i32 to index
        %parallel_loop3A_1018 = arith.constant 16 : index
        %parallel_loop3A_1019 = tpu.vector_load %arg10[%parallel_loop3A_1017, %parallel_loop3A_1018] {strides = array<i32>} : memref<80x64xf32, #tpu.memory_space<vmem>>, vector<1x16xf32>,
        %parallel_loop3A_1020 = vector.shape_cast %parallel_loop3A_1019 : vector<1x16xf32> to vector<16xf32>
        %parallel_loop3A_1021 = vector.broadcast %parallel_loop3A_999 : f32 to vector<16xf32>
        %parallel_loop3A_1022 = arith.mulf %parallel_loop3A_1020, %parallel_loop3A_1021 : vector<16xf32>
        %parallel_loop3A_1023 = arith.constant 15 : i32
        %parallel_loop3A_1024 = arith.addi %parallel_loop3A_63, %parallel_loop3A_1023 : i32
        %parallel_loop3A_1025 = arith.index_cast %parallel_loop3A_1024 : i32 to index
        %parallel_loop3A_1026 = arith.constant 16 : index
        %parallel_loop3A_1027 = tpu.vector_load %arg10[%parallel_loop3A_1025, %parallel_loop3A_1026] {strides = array<i32>} : memref<80x64xf32, #tpu.memory_space<vmem>>, vector<1x16xf32>,
        %parallel_loop3A_1028 = vector.shape_cast %parallel_loop3A_1027 : vector<1x16xf32> to vector<16xf32>
        %parallel_loop3A_1029 = vector.shape_cast %parallel_loop3A_1022 : vector<16xf32> to vector<1x16xf32>
        tpu.vector_store %arg10[%parallel_loop3A_1025, %parallel_loop3A_1026], %parallel_loop3A_1029 {strides = array<i32>} : memref<80x64xf32, #tpu.memory_space<vmem>>, vector<1x16xf32>,
        %parallel_loop3A_1030 = arith.constant 15 : i32
        %parallel_loop3A_1031 = arith.addi %parallel_loop3A_63, %parallel_loop3A_1030 : i32
        %parallel_loop3A_1032 = arith.index_cast %parallel_loop3A_1031 : i32 to index
        %parallel_loop3A_1033 = arith.constant 32 : index
        %parallel_loop3A_1034 = tpu.vector_load %arg10[%parallel_loop3A_1032, %parallel_loop3A_1033] {strides = array<i32>} : memref<80x64xf32, #tpu.memory_space<vmem>>, vector<1x16xf32>,
        %parallel_loop3A_1035 = vector.shape_cast %parallel_loop3A_1034 : vector<1x16xf32> to vector<16xf32>
        %parallel_loop3A_1036 = vector.broadcast %parallel_loop3A_999 : f32 to vector<16xf32>
        %parallel_loop3A_1037 = arith.mulf %parallel_loop3A_1035, %parallel_loop3A_1036 : vector<16xf32>
        %parallel_loop3A_1038 = arith.constant 15 : i32
        %parallel_loop3A_1039 = arith.addi %parallel_loop3A_63, %parallel_loop3A_1038 : i32
        %parallel_loop3A_1040 = arith.index_cast %parallel_loop3A_1039 : i32 to index
        %parallel_loop3A_1041 = arith.constant 32 : index
        %parallel_loop3A_1042 = tpu.vector_load %arg10[%parallel_loop3A_1040, %parallel_loop3A_1041] {strides = array<i32>} : memref<80x64xf32, #tpu.memory_space<vmem>>, vector<1x16xf32>,
        %parallel_loop3A_1043 = vector.shape_cast %parallel_loop3A_1042 : vector<1x16xf32> to vector<16xf32>
        %parallel_loop3A_1044 = vector.shape_cast %parallel_loop3A_1037 : vector<16xf32> to vector<1x16xf32>
        tpu.vector_store %arg10[%parallel_loop3A_1040, %parallel_loop3A_1041], %parallel_loop3A_1044 {strides = array<i32>} : memref<80x64xf32, #tpu.memory_space<vmem>>, vector<1x16xf32>,
        %parallel_loop3A_1045 = arith.constant 15 : i32
        %parallel_loop3A_1046 = arith.addi %parallel_loop3A_63, %parallel_loop3A_1045 : i32
        %parallel_loop3A_1047 = arith.index_cast %parallel_loop3A_1046 : i32 to index
        %parallel_loop3A_1048 = arith.constant 48 : index
        %parallel_loop3A_1049 = tpu.vector_load %arg10[%parallel_loop3A_1047, %parallel_loop3A_1048] {strides = array<i32>} : memref<80x64xf32, #tpu.memory_space<vmem>>, vector<1x16xf32>,
        %parallel_loop3A_1050 = vector.shape_cast %parallel_loop3A_1049 : vector<1x16xf32> to vector<16xf32>
        %parallel_loop3A_1051 = vector.broadcast %parallel_loop3A_999 : f32 to vector<16xf32>
        %parallel_loop3A_1052 = arith.mulf %parallel_loop3A_1050, %parallel_loop3A_1051 : vector<16xf32>
        %parallel_loop3A_1053 = arith.constant 15 : i32
        %parallel_loop3A_1054 = arith.addi %parallel_loop3A_63, %parallel_loop3A_1053 : i32
        %parallel_loop3A_1055 = arith.index_cast %parallel_loop3A_1054 : i32 to index
        %parallel_loop3A_1056 = arith.constant 48 : index
        %parallel_loop3A_1057 = tpu.vector_load %arg10[%parallel_loop3A_1055, %parallel_loop3A_1056] {strides = array<i32>} : memref<80x64xf32, #tpu.memory_space<vmem>>, vector<1x16xf32>,
        %parallel_loop3A_1058 = vector.shape_cast %parallel_loop3A_1057 : vector<1x16xf32> to vector<16xf32>
        %parallel_loop3A_1059 = vector.shape_cast %parallel_loop3A_1052 : vector<16xf32> to vector<1x16xf32>
        tpu.vector_store %arg10[%parallel_loop3A_1055, %parallel_loop3A_1056], %parallel_loop3A_1059 {strides = array<i32>} : memref<80x64xf32, #tpu.memory_space<vmem>>, vector<1x16xf32>,
      } {sc.loop_unroll_factor = 1 : i64, sc.parallel_access}
      "tpu.region"() ({
        %run_scoped3A = tpu.sem_alloc : memref<!tpu.dma_semaphore, #tpu.memory_space<semaphore_mem>>
        %dma_start3A_63 = arith.constant 0 : i32
        %dma_start3A_64 = tpu.memref_slice %arg8[%mul3A_34, %dma_start3A_63] : memref<250x80xi32, #tpu.memory_space<vmem>> -> memref<1x80xi32, #tpu.memory_space<vmem>>
        %dma_start3A_65 = tpu.memref_squeeze %dma_start3A_64 : memref<1x80xi32, #tpu.memory_space<vmem>> -> memref<80xi32, #tpu.memory_space<vmem>>
        %dma_start3A_66 = arith.constant 0 : i32
        %dma_start3A_67 = arith.constant 0 : i32
        %dma_start3A_68 = tpu.memref_slice %arg13[%dma_start3A_66, %dma_start3A_67] : memref<10000x64xf32, #tpu.memory_space<vmem_shared>> -> memref<10000x64xf32, #tpu.memory_space<vmem_shared>>
        tpu.enqueue_indirect_dma source(%arg10 : memref<80x64xf32, #tpu.memory_space<vmem>>) target(%dma_start3A_68 : memref<10000x64xf32, #tpu.memory_space<vmem_shared>>) offsets(%dma_start3A_65 : memref<80xi32, #tpu.memory_space<vmem>>) semaphore(%run_scoped3A : memref<!tpu.dma_semaphore, #tpu.memory_space<semaphore_mem>>) {add = true}
        %dma_wait3A_69 = arith.constant 0 : i32
        %dma_wait3A_70 = tpu.memref_slice %arg8[%mul3A_34, %dma_wait3A_69] : memref<250x80xi32, #tpu.memory_space<vmem>> -> memref<1x80xi32, #tpu.memory_space<vmem>>
        %dma_wait3A_71 = tpu.memref_squeeze %dma_wait3A_70 : memref<1x80xi32, #tpu.memory_space<vmem>> -> memref<80xi32, #tpu.memory_space<vmem>>
        %dma_wait3A_72 = arith.constant 0 : i32
        %dma_wait3A_73 = arith.constant 0 : i32
        %dma_wait3A_74 = tpu.memref_slice %arg13[%dma_wait3A_72, %dma_wait3A_73] : memref<10000x64xf32, #tpu.memory_space<vmem_shared>> -> memref<10000x64xf32, #tpu.memory_space<vmem_shared>>
        tpu.wait_indirect_dma semaphore(%run_scoped3A : memref<!tpu.dma_semaphore, #tpu.memory_space<semaphore_mem>>) src(%arg10 : memref<80x64xf32, #tpu.memory_space<vmem>>) dst(%dma_wait3A_74 : memref<10000x64xf32, #tpu.memory_space<vmem_shared>>)
        tpu.yield
      }) : () -> ()
      %add3A_50 = arith.constant 1 : i32
      %add3A_51 = arith.addi %add3A_36, %add3A_50 : i32
      %lt3A = arith.constant 250 : i32
      %lt3A_52 = arith.cmpi slt, %add3A_51, %lt3A : i32
      %convert_element_type3A = arith.extui %lt3A_52 : i1 to i32
      %cond3A = arith.constant 0 : i32
      %cond3A_53 = arith.cmpi ne, %convert_element_type3A, %cond3A : i32
      scf.if %cond3A_53 {
        %add3A_63 = arith.constant 1 : i32
        %add3A_64 = arith.addi %add3A_36, %add3A_63 : i32
        %dma_start3A_65 = arith.constant 0 : i32
        %dma_start3A_66 = tpu.memref_slice %arg7[%add3A_64, %dma_start3A_65] : memref<250x80xi32, #tpu.memory_space<vmem>> -> memref<1x80xi32, #tpu.memory_space<vmem>>
        %dma_start3A_67 = tpu.memref_squeeze %dma_start3A_66 : memref<1x80xi32, #tpu.memory_space<vmem>> -> memref<80xi32, #tpu.memory_space<vmem>>
        %dma_start3A_68 = arith.constant 0 : i32
        %dma_start3A_69 = arith.constant 0 : i32
        %dma_start3A_70 = tpu.memref_slice %arg2[%dma_start3A_68, %dma_start3A_69] : memref<20000x64xf32, #tpu.memory_space<hbm>> -> memref<20000x64xf32, #tpu.memory_space<hbm>>
        tpu.enqueue_indirect_dma source(%dma_start3A_70 : memref<20000x64xf32, #tpu.memory_space<hbm>>) target(%arg10 : memref<80x64xf32, #tpu.memory_space<vmem>>) offsets(%dma_start3A_67 : memref<80xi32, #tpu.memory_space<vmem>>) semaphore(%arg14 : memref<!tpu.dma_semaphore, #tpu.memory_space<semaphore_mem>>)
      } else {
      }
      %dma_wait3A_54 = arith.constant 0 : i32
      %dma_wait3A_55 = tpu.memref_slice %arg7[%add3A_36, %dma_wait3A_54] : memref<250x80xi32, #tpu.memory_space<vmem>> -> memref<1x80xi32, #tpu.memory_space<vmem>>
      %dma_wait3A_56 = tpu.memref_squeeze %dma_wait3A_55 : memref<1x80xi32, #tpu.memory_space<vmem>> -> memref<80xi32, #tpu.memory_space<vmem>>
      %dma_wait3A_57 = arith.constant 0 : i32
      %dma_wait3A_58 = arith.constant 0 : i32
      %dma_wait3A_59 = tpu.memref_slice %arg2[%dma_wait3A_57, %dma_wait3A_58] : memref<20000x64xf32, #tpu.memory_space<hbm>> -> memref<20000x64xf32, #tpu.memory_space<hbm>>
      tpu.wait_indirect_dma semaphore(%arg15 : memref<!tpu.dma_semaphore, #tpu.memory_space<semaphore_mem>>) src(%dma_wait3A_59 : memref<20000x64xf32, #tpu.memory_space<hbm>>) dst(%arg11 : memref<80x64xf32, #tpu.memory_space<vmem>>)
      %parallel_loop3A_60 = arith.constant 0 : i32
      %parallel_loop3A_61 = arith.constant 80 : i32
      %parallel_loop3A_62 = arith.constant 16 : i32
      scf.for %parallel_loop3A_63 = %parallel_loop3A_60 to %parallel_loop3A_61 step %parallel_loop3A_62  : i32 {
        %parallel_loop3A_64 = arith.index_cast %add3A_36 : i32 to index
        %parallel_loop3A_65 = arith.index_cast %parallel_loop3A_63 : i32 to index
        %parallel_loop3A_66 = tpu.vector_load %arg9[%parallel_loop3A_64, %parallel_loop3A_65] {strides = array<i32>} : memref<250x80xf32, #tpu.memory_space<vmem>>, vector<1x16xf32>,
        %parallel_loop3A_67 = vector.shape_cast %parallel_loop3A_66 : vector<1x16xf32> to vector<16xf32>
        %parallel_loop3A_68 = vector.extract_strided_slice %parallel_loop3A_67 {offsets = [0], sizes = [1], strides = [1]} : vector<16xf32> to vector<1xf32>
        %parallel_loop3A_69 = vector.extract %parallel_loop3A_68[0] : f32 from vector<1xf32>
        %parallel_loop3A_70 = arith.constant 0 : i32
        %parallel_loop3A_71 = arith.addi %parallel_loop3A_63, %parallel_loop3A_70 : i32
        %parallel_loop3A_72 = arith.index_cast %parallel_loop3A_71 : i32 to index
        %parallel_loop3A_73 = arith.constant 0 : index
        %parallel_loop3A_74 = tpu.vector_load %arg11[%parallel_loop3A_72, %parallel_loop3A_73] {strides = array<i32>} : memref<80x64xf32, #tpu.memory_space<vmem>>, vector<1x16xf32>,
        %parallel_loop3A_75 = vector.shape_cast %parallel_loop3A_74 : vector<1x16xf32> to vector<16xf32>
        %parallel_loop3A_76 = vector.broadcast %parallel_loop3A_69 : f32 to vector<16xf32>
        %parallel_loop3A_77 = arith.mulf %parallel_loop3A_75, %parallel_loop3A_76 : vector<16xf32>
        %parallel_loop3A_78 = arith.constant 0 : i32
        %parallel_loop3A_79 = arith.addi %parallel_loop3A_63, %parallel_loop3A_78 : i32
        %parallel_loop3A_80 = arith.index_cast %parallel_loop3A_79 : i32 to index
        %parallel_loop3A_81 = arith.constant 0 : index
        %parallel_loop3A_82 = tpu.vector_load %arg11[%parallel_loop3A_80, %parallel_loop3A_81] {strides = array<i32>} : memref<80x64xf32, #tpu.memory_space<vmem>>, vector<1x16xf32>,
        %parallel_loop3A_83 = vector.shape_cast %parallel_loop3A_82 : vector<1x16xf32> to vector<16xf32>
        %parallel_loop3A_84 = vector.shape_cast %parallel_loop3A_77 : vector<16xf32> to vector<1x16xf32>
        tpu.vector_store %arg11[%parallel_loop3A_80, %parallel_loop3A_81], %parallel_loop3A_84 {strides = array<i32>} : memref<80x64xf32, #tpu.memory_space<vmem>>, vector<1x16xf32>,
        %parallel_loop3A_85 = arith.constant 0 : i32
        %parallel_loop3A_86 = arith.addi %parallel_loop3A_63, %parallel_loop3A_85 : i32
        %parallel_loop3A_87 = arith.index_cast %parallel_loop3A_86 : i32 to index
        %parallel_loop3A_88 = arith.constant 16 : index
        %parallel_loop3A_89 = tpu.vector_load %arg11[%parallel_loop3A_87, %parallel_loop3A_88] {strides = array<i32>} : memref<80x64xf32, #tpu.memory_space<vmem>>, vector<1x16xf32>,
        %parallel_loop3A_90 = vector.shape_cast %parallel_loop3A_89 : vector<1x16xf32> to vector<16xf32>
        %parallel_loop3A_91 = vector.broadcast %parallel_loop3A_69 : f32 to vector<16xf32>
        %parallel_loop3A_92 = arith.mulf %parallel_loop3A_90, %parallel_loop3A_91 : vector<16xf32>
        %parallel_loop3A_93 = arith.constant 0 : i32
        %parallel_loop3A_94 = arith.addi %parallel_loop3A_63, %parallel_loop3A_93 : i32
        %parallel_loop3A_95 = arith.index_cast %parallel_loop3A_94 : i32 to index
        %parallel_loop3A_96 = arith.constant 16 : index
        %parallel_loop3A_97 = tpu.vector_load %arg11[%parallel_loop3A_95, %parallel_loop3A_96] {strides = array<i32>} : memref<80x64xf32, #tpu.memory_space<vmem>>, vector<1x16xf32>,
        %parallel_loop3A_98 = vector.shape_cast %parallel_loop3A_97 : vector<1x16xf32> to vector<16xf32>
        %parallel_loop3A_99 = vector.shape_cast %parallel_loop3A_92 : vector<16xf32> to vector<1x16xf32>
        tpu.vector_store %arg11[%parallel_loop3A_95, %parallel_loop3A_96], %parallel_loop3A_99 {strides = array<i32>} : memref<80x64xf32, #tpu.memory_space<vmem>>, vector<1x16xf32>,
        %parallel_loop3A_100 = arith.constant 0 : i32
        %parallel_loop3A_101 = arith.addi %parallel_loop3A_63, %parallel_loop3A_100 : i32
        %parallel_loop3A_102 = arith.index_cast %parallel_loop3A_101 : i32 to index
        %parallel_loop3A_103 = arith.constant 32 : index
        %parallel_loop3A_104 = tpu.vector_load %arg11[%parallel_loop3A_102, %parallel_loop3A_103] {strides = array<i32>} : memref<80x64xf32, #tpu.memory_space<vmem>>, vector<1x16xf32>,
        %parallel_loop3A_105 = vector.shape_cast %parallel_loop3A_104 : vector<1x16xf32> to vector<16xf32>
        %parallel_loop3A_106 = vector.broadcast %parallel_loop3A_69 : f32 to vector<16xf32>
        %parallel_loop3A_107 = arith.mulf %parallel_loop3A_105, %parallel_loop3A_106 : vector<16xf32>
        %parallel_loop3A_108 = arith.constant 0 : i32
        %parallel_loop3A_109 = arith.addi %parallel_loop3A_63, %parallel_loop3A_108 : i32
        %parallel_loop3A_110 = arith.index_cast %parallel_loop3A_109 : i32 to index
        %parallel_loop3A_111 = arith.constant 32 : index
        %parallel_loop3A_112 = tpu.vector_load %arg11[%parallel_loop3A_110, %parallel_loop3A_111] {strides = array<i32>} : memref<80x64xf32, #tpu.memory_space<vmem>>, vector<1x16xf32>,
        %parallel_loop3A_113 = vector.shape_cast %parallel_loop3A_112 : vector<1x16xf32> to vector<16xf32>
        %parallel_loop3A_114 = vector.shape_cast %parallel_loop3A_107 : vector<16xf32> to vector<1x16xf32>
        tpu.vector_store %arg11[%parallel_loop3A_110, %parallel_loop3A_111], %parallel_loop3A_114 {strides = array<i32>} : memref<80x64xf32, #tpu.memory_space<vmem>>, vector<1x16xf32>,
        %parallel_loop3A_115 = arith.constant 0 : i32
        %parallel_loop3A_116 = arith.addi %parallel_loop3A_63, %parallel_loop3A_115 : i32
        %parallel_loop3A_117 = arith.index_cast %parallel_loop3A_116 : i32 to index
        %parallel_loop3A_118 = arith.constant 48 : index
        %parallel_loop3A_119 = tpu.vector_load %arg11[%parallel_loop3A_117, %parallel_loop3A_118] {strides = array<i32>} : memref<80x64xf32, #tpu.memory_space<vmem>>, vector<1x16xf32>,
        %parallel_loop3A_120 = vector.shape_cast %parallel_loop3A_119 : vector<1x16xf32> to vector<16xf32>
        %parallel_loop3A_121 = vector.broadcast %parallel_loop3A_69 : f32 to vector<16xf32>
        %parallel_loop3A_122 = arith.mulf %parallel_loop3A_120, %parallel_loop3A_121 : vector<16xf32>
        %parallel_loop3A_123 = arith.constant 0 : i32
        %parallel_loop3A_124 = arith.addi %parallel_loop3A_63, %parallel_loop3A_123 : i32
        %parallel_loop3A_125 = arith.index_cast %parallel_loop3A_124 : i32 to index
        %parallel_loop3A_126 = arith.constant 48 : index
        %parallel_loop3A_127 = tpu.vector_load %arg11[%parallel_loop3A_125, %parallel_loop3A_126] {strides = array<i32>} : memref<80x64xf32, #tpu.memory_space<vmem>>, vector<1x16xf32>,
        %parallel_loop3A_128 = vector.shape_cast %parallel_loop3A_127 : vector<1x16xf32> to vector<16xf32>
        %parallel_loop3A_129 = vector.shape_cast %parallel_loop3A_122 : vector<16xf32> to vector<1x16xf32>
        tpu.vector_store %arg11[%parallel_loop3A_125, %parallel_loop3A_126], %parallel_loop3A_129 {strides = array<i32>} : memref<80x64xf32, #tpu.memory_space<vmem>>, vector<1x16xf32>,
        %parallel_loop3A_130 = vector.extract_strided_slice %parallel_loop3A_67 {offsets = [1], sizes = [1], strides = [1]} : vector<16xf32> to vector<1xf32>
        %parallel_loop3A_131 = vector.extract %parallel_loop3A_130[0] : f32 from vector<1xf32>
        %parallel_loop3A_132 = arith.constant 1 : i32
        %parallel_loop3A_133 = arith.addi %parallel_loop3A_63, %parallel_loop3A_132 : i32
        %parallel_loop3A_134 = arith.index_cast %parallel_loop3A_133 : i32 to index
        %parallel_loop3A_135 = arith.constant 0 : index
        %parallel_loop3A_136 = tpu.vector_load %arg11[%parallel_loop3A_134, %parallel_loop3A_135] {strides = array<i32>} : memref<80x64xf32, #tpu.memory_space<vmem>>, vector<1x16xf32>,
        %parallel_loop3A_137 = vector.shape_cast %parallel_loop3A_136 : vector<1x16xf32> to vector<16xf32>
        %parallel_loop3A_138 = vector.broadcast %parallel_loop3A_131 : f32 to vector<16xf32>
        %parallel_loop3A_139 = arith.mulf %parallel_loop3A_137, %parallel_loop3A_138 : vector<16xf32>
        %parallel_loop3A_140 = arith.constant 1 : i32
        %parallel_loop3A_141 = arith.addi %parallel_loop3A_63, %parallel_loop3A_140 : i32
        %parallel_loop3A_142 = arith.index_cast %parallel_loop3A_141 : i32 to index
        %parallel_loop3A_143 = arith.constant 0 : index
        %parallel_loop3A_144 = tpu.vector_load %arg11[%parallel_loop3A_142, %parallel_loop3A_143] {strides = array<i32>} : memref<80x64xf32, #tpu.memory_space<vmem>>, vector<1x16xf32>,
        %parallel_loop3A_145 = vector.shape_cast %parallel_loop3A_144 : vector<1x16xf32> to vector<16xf32>
        %parallel_loop3A_146 = vector.shape_cast %parallel_loop3A_139 : vector<16xf32> to vector<1x16xf32>
        tpu.vector_store %arg11[%parallel_loop3A_142, %parallel_loop3A_143], %parallel_loop3A_146 {strides = array<i32>} : memref<80x64xf32, #tpu.memory_space<vmem>>, vector<1x16xf32>,
        %parallel_loop3A_147 = arith.constant 1 : i32
        %parallel_loop3A_148 = arith.addi %parallel_loop3A_63, %parallel_loop3A_147 : i32
        %parallel_loop3A_149 = arith.index_cast %parallel_loop3A_148 : i32 to index
        %parallel_loop3A_150 = arith.constant 16 : index
        %parallel_loop3A_151 = tpu.vector_load %arg11[%parallel_loop3A_149, %parallel_loop3A_150] {strides = array<i32>} : memref<80x64xf32, #tpu.memory_space<vmem>>, vector<1x16xf32>,
        %parallel_loop3A_152 = vector.shape_cast %parallel_loop3A_151 : vector<1x16xf32> to vector<16xf32>
        %parallel_loop3A_153 = vector.broadcast %parallel_loop3A_131 : f32 to vector<16xf32>
        %parallel_loop3A_154 = arith.mulf %parallel_loop3A_152, %parallel_loop3A_153 : vector<16xf32>
        %parallel_loop3A_155 = arith.constant 1 : i32
        %parallel_loop3A_156 = arith.addi %parallel_loop3A_63, %parallel_loop3A_155 : i32
        %parallel_loop3A_157 = arith.index_cast %parallel_loop3A_156 : i32 to index
        %parallel_loop3A_158 = arith.constant 16 : index
        %parallel_loop3A_159 = tpu.vector_load %arg11[%parallel_loop3A_157, %parallel_loop3A_158] {strides = array<i32>} : memref<80x64xf32, #tpu.memory_space<vmem>>, vector<1x16xf32>,
        %parallel_loop3A_160 = vector.shape_cast %parallel_loop3A_159 : vector<1x16xf32> to vector<16xf32>
        %parallel_loop3A_161 = vector.shape_cast %parallel_loop3A_154 : vector<16xf32> to vector<1x16xf32>
        tpu.vector_store %arg11[%parallel_loop3A_157, %parallel_loop3A_158], %parallel_loop3A_161 {strides = array<i32>} : memref<80x64xf32, #tpu.memory_space<vmem>>, vector<1x16xf32>,
        %parallel_loop3A_162 = arith.constant 1 : i32
        %parallel_loop3A_163 = arith.addi %parallel_loop3A_63, %parallel_loop3A_162 : i32
        %parallel_loop3A_164 = arith.index_cast %parallel_loop3A_163 : i32 to index
        %parallel_loop3A_165 = arith.constant 32 : index
        %parallel_loop3A_166 = tpu.vector_load %arg11[%parallel_loop3A_164, %parallel_loop3A_165] {strides = array<i32>} : memref<80x64xf32, #tpu.memory_space<vmem>>, vector<1x16xf32>,
        %parallel_loop3A_167 = vector.shape_cast %parallel_loop3A_166 : vector<1x16xf32> to vector<16xf32>
        %parallel_loop3A_168 = vector.broadcast %parallel_loop3A_131 : f32 to vector<16xf32>
        %parallel_loop3A_169 = arith.mulf %parallel_loop3A_167, %parallel_loop3A_168 : vector<16xf32>
        %parallel_loop3A_170 = arith.constant 1 : i32
        %parallel_loop3A_171 = arith.addi %parallel_loop3A_63, %parallel_loop3A_170 : i32
        %parallel_loop3A_172 = arith.index_cast %parallel_loop3A_171 : i32 to index
        %parallel_loop3A_173 = arith.constant 32 : index
        %parallel_loop3A_174 = tpu.vector_load %arg11[%parallel_loop3A_172, %parallel_loop3A_173] {strides = array<i32>} : memref<80x64xf32, #tpu.memory_space<vmem>>, vector<1x16xf32>,
        %parallel_loop3A_175 = vector.shape_cast %parallel_loop3A_174 : vector<1x16xf32> to vector<16xf32>
        %parallel_loop3A_176 = vector.shape_cast %parallel_loop3A_169 : vector<16xf32> to vector<1x16xf32>
        tpu.vector_store %arg11[%parallel_loop3A_172, %parallel_loop3A_173], %parallel_loop3A_176 {strides = array<i32>} : memref<80x64xf32, #tpu.memory_space<vmem>>, vector<1x16xf32>,
        %parallel_loop3A_177 = arith.constant 1 : i32
        %parallel_loop3A_178 = arith.addi %parallel_loop3A_63, %parallel_loop3A_177 : i32
        %parallel_loop3A_179 = arith.index_cast %parallel_loop3A_178 : i32 to index
        %parallel_loop3A_180 = arith.constant 48 : index
        %parallel_loop3A_181 = tpu.vector_load %arg11[%parallel_loop3A_179, %parallel_loop3A_180] {strides = array<i32>} : memref<80x64xf32, #tpu.memory_space<vmem>>, vector<1x16xf32>,
        %parallel_loop3A_182 = vector.shape_cast %parallel_loop3A_181 : vector<1x16xf32> to vector<16xf32>
        %parallel_loop3A_183 = vector.broadcast %parallel_loop3A_131 : f32 to vector<16xf32>
        %parallel_loop3A_184 = arith.mulf %parallel_loop3A_182, %parallel_loop3A_183 : vector<16xf32>
        %parallel_loop3A_185 = arith.constant 1 : i32
        %parallel_loop3A_186 = arith.addi %parallel_loop3A_63, %parallel_loop3A_185 : i32
        %parallel_loop3A_187 = arith.index_cast %parallel_loop3A_186 : i32 to index
        %parallel_loop3A_188 = arith.constant 48 : index
        %parallel_loop3A_189 = tpu.vector_load %arg11[%parallel_loop3A_187, %parallel_loop3A_188] {strides = array<i32>} : memref<80x64xf32, #tpu.memory_space<vmem>>, vector<1x16xf32>,
        %parallel_loop3A_190 = vector.shape_cast %parallel_loop3A_189 : vector<1x16xf32> to vector<16xf32>
        %parallel_loop3A_191 = vector.shape_cast %parallel_loop3A_184 : vector<16xf32> to vector<1x16xf32>
        tpu.vector_store %arg11[%parallel_loop3A_187, %parallel_loop3A_188], %parallel_loop3A_191 {strides = array<i32>} : memref<80x64xf32, #tpu.memory_space<vmem>>, vector<1x16xf32>,
        %parallel_loop3A_192 = vector.extract_strided_slice %parallel_loop3A_67 {offsets = [2], sizes = [1], strides = [1]} : vector<16xf32> to vector<1xf32>
        %parallel_loop3A_193 = vector.extract %parallel_loop3A_192[0] : f32 from vector<1xf32>
        %parallel_loop3A_194 = arith.constant 2 : i32
        %parallel_loop3A_195 = arith.addi %parallel_loop3A_63, %parallel_loop3A_194 : i32
        %parallel_loop3A_196 = arith.index_cast %parallel_loop3A_195 : i32 to index
        %parallel_loop3A_197 = arith.constant 0 : index
        %parallel_loop3A_198 = tpu.vector_load %arg11[%parallel_loop3A_196, %parallel_loop3A_197] {strides = array<i32>} : memref<80x64xf32, #tpu.memory_space<vmem>>, vector<1x16xf32>,
        %parallel_loop3A_199 = vector.shape_cast %parallel_loop3A_198 : vector<1x16xf32> to vector<16xf32>
        %parallel_loop3A_200 = vector.broadcast %parallel_loop3A_193 : f32 to vector<16xf32>
        %parallel_loop3A_201 = arith.mulf %parallel_loop3A_199, %parallel_loop3A_200 : vector<16xf32>
        %parallel_loop3A_202 = arith.constant 2 : i32
        %parallel_loop3A_203 = arith.addi %parallel_loop3A_63, %parallel_loop3A_202 : i32
        %parallel_loop3A_204 = arith.index_cast %parallel_loop3A_203 : i32 to index
        %parallel_loop3A_205 = arith.constant 0 : index
        %parallel_loop3A_206 = tpu.vector_load %arg11[%parallel_loop3A_204, %parallel_loop3A_205] {strides = array<i32>} : memref<80x64xf32, #tpu.memory_space<vmem>>, vector<1x16xf32>,
        %parallel_loop3A_207 = vector.shape_cast %parallel_loop3A_206 : vector<1x16xf32> to vector<16xf32>
        %parallel_loop3A_208 = vector.shape_cast %parallel_loop3A_201 : vector<16xf32> to vector<1x16xf32>
        tpu.vector_store %arg11[%parallel_loop3A_204, %parallel_loop3A_205], %parallel_loop3A_208 {strides = array<i32>} : memref<80x64xf32, #tpu.memory_space<vmem>>, vector<1x16xf32>,
        %parallel_loop3A_209 = arith.constant 2 : i32
        %parallel_loop3A_210 = arith.addi %parallel_loop3A_63, %parallel_loop3A_209 : i32
        %parallel_loop3A_211 = arith.index_cast %parallel_loop3A_210 : i32 to index
        %parallel_loop3A_212 = arith.constant 16 : index
        %parallel_loop3A_213 = tpu.vector_load %arg11[%parallel_loop3A_211, %parallel_loop3A_212] {strides = array<i32>} : memref<80x64xf32, #tpu.memory_space<vmem>>, vector<1x16xf32>,
        %parallel_loop3A_214 = vector.shape_cast %parallel_loop3A_213 : vector<1x16xf32> to vector<16xf32>
        %parallel_loop3A_215 = vector.broadcast %parallel_loop3A_193 : f32 to vector<16xf32>
        %parallel_loop3A_216 = arith.mulf %parallel_loop3A_214, %parallel_loop3A_215 : vector<16xf32>
        %parallel_loop3A_217 = arith.constant 2 : i32
        %parallel_loop3A_218 = arith.addi %parallel_loop3A_63, %parallel_loop3A_217 : i32
        %parallel_loop3A_219 = arith.index_cast %parallel_loop3A_218 : i32 to index
        %parallel_loop3A_220 = arith.constant 16 : index
        %parallel_loop3A_221 = tpu.vector_load %arg11[%parallel_loop3A_219, %parallel_loop3A_220] {strides = array<i32>} : memref<80x64xf32, #tpu.memory_space<vmem>>, vector<1x16xf32>,
        %parallel_loop3A_222 = vector.shape_cast %parallel_loop3A_221 : vector<1x16xf32> to vector<16xf32>
        %parallel_loop3A_223 = vector.shape_cast %parallel_loop3A_216 : vector<16xf32> to vector<1x16xf32>
        tpu.vector_store %arg11[%parallel_loop3A_219, %parallel_loop3A_220], %parallel_loop3A_223 {strides = array<i32>} : memref<80x64xf32, #tpu.memory_space<vmem>>, vector<1x16xf32>,
        %parallel_loop3A_224 = arith.constant 2 : i32
        %parallel_loop3A_225 = arith.addi %parallel_loop3A_63, %parallel_loop3A_224 : i32
        %parallel_loop3A_226 = arith.index_cast %parallel_loop3A_225 : i32 to index
        %parallel_loop3A_227 = arith.constant 32 : index
        %parallel_loop3A_228 = tpu.vector_load %arg11[%parallel_loop3A_226, %parallel_loop3A_227] {strides = array<i32>} : memref<80x64xf32, #tpu.memory_space<vmem>>, vector<1x16xf32>,
        %parallel_loop3A_229 = vector.shape_cast %parallel_loop3A_228 : vector<1x16xf32> to vector<16xf32>
        %parallel_loop3A_230 = vector.broadcast %parallel_loop3A_193 : f32 to vector<16xf32>
        %parallel_loop3A_231 = arith.mulf %parallel_loop3A_229, %parallel_loop3A_230 : vector<16xf32>
        %parallel_loop3A_232 = arith.constant 2 : i32
        %parallel_loop3A_233 = arith.addi %parallel_loop3A_63, %parallel_loop3A_232 : i32
        %parallel_loop3A_234 = arith.index_cast %parallel_loop3A_233 : i32 to index
        %parallel_loop3A_235 = arith.constant 32 : index
        %parallel_loop3A_236 = tpu.vector_load %arg11[%parallel_loop3A_234, %parallel_loop3A_235] {strides = array<i32>} : memref<80x64xf32, #tpu.memory_space<vmem>>, vector<1x16xf32>,
        %parallel_loop3A_237 = vector.shape_cast %parallel_loop3A_236 : vector<1x16xf32> to vector<16xf32>
        %parallel_loop3A_238 = vector.shape_cast %parallel_loop3A_231 : vector<16xf32> to vector<1x16xf32>
        tpu.vector_store %arg11[%parallel_loop3A_234, %parallel_loop3A_235], %parallel_loop3A_238 {strides = array<i32>} : memref<80x64xf32, #tpu.memory_space<vmem>>, vector<1x16xf32>,
        %parallel_loop3A_239 = arith.constant 2 : i32
        %parallel_loop3A_240 = arith.addi %parallel_loop3A_63, %parallel_loop3A_239 : i32
        %parallel_loop3A_241 = arith.index_cast %parallel_loop3A_240 : i32 to index
        %parallel_loop3A_242 = arith.constant 48 : index
        %parallel_loop3A_243 = tpu.vector_load %arg11[%parallel_loop3A_241, %parallel_loop3A_242] {strides = array<i32>} : memref<80x64xf32, #tpu.memory_space<vmem>>, vector<1x16xf32>,
        %parallel_loop3A_244 = vector.shape_cast %parallel_loop3A_243 : vector<1x16xf32> to vector<16xf32>
        %parallel_loop3A_245 = vector.broadcast %parallel_loop3A_193 : f32 to vector<16xf32>
        %parallel_loop3A_246 = arith.mulf %parallel_loop3A_244, %parallel_loop3A_245 : vector<16xf32>
        %parallel_loop3A_247 = arith.constant 2 : i32
        %parallel_loop3A_248 = arith.addi %parallel_loop3A_63, %parallel_loop3A_247 : i32
        %parallel_loop3A_249 = arith.index_cast %parallel_loop3A_248 : i32 to index
        %parallel_loop3A_250 = arith.constant 48 : index
        %parallel_loop3A_251 = tpu.vector_load %arg11[%parallel_loop3A_249, %parallel_loop3A_250] {strides = array<i32>} : memref<80x64xf32, #tpu.memory_space<vmem>>, vector<1x16xf32>,
        %parallel_loop3A_252 = vector.shape_cast %parallel_loop3A_251 : vector<1x16xf32> to vector<16xf32>
        %parallel_loop3A_253 = vector.shape_cast %parallel_loop3A_246 : vector<16xf32> to vector<1x16xf32>
        tpu.vector_store %arg11[%parallel_loop3A_249, %parallel_loop3A_250], %parallel_loop3A_253 {strides = array<i32>} : memref<80x64xf32, #tpu.memory_space<vmem>>, vector<1x16xf32>,
        %parallel_loop3A_254 = vector.extract_strided_slice %parallel_loop3A_67 {offsets = [3], sizes = [1], strides = [1]} : vector<16xf32> to vector<1xf32>
        %parallel_loop3A_255 = vector.extract %parallel_loop3A_254[0] : f32 from vector<1xf32>
        %parallel_loop3A_256 = arith.constant 3 : i32
        %parallel_loop3A_257 = arith.addi %parallel_loop3A_63, %parallel_loop3A_256 : i32
        %parallel_loop3A_258 = arith.index_cast %parallel_loop3A_257 : i32 to index
        %parallel_loop3A_259 = arith.constant 0 : index
        %parallel_loop3A_260 = tpu.vector_load %arg11[%parallel_loop3A_258, %parallel_loop3A_259] {strides = array<i32>} : memref<80x64xf32, #tpu.memory_space<vmem>>, vector<1x16xf32>,
        %parallel_loop3A_261 = vector.shape_cast %parallel_loop3A_260 : vector<1x16xf32> to vector<16xf32>
        %parallel_loop3A_262 = vector.broadcast %parallel_loop3A_255 : f32 to vector<16xf32>
        %parallel_loop3A_263 = arith.mulf %parallel_loop3A_261, %parallel_loop3A_262 : vector<16xf32>
        %parallel_loop3A_264 = arith.constant 3 : i32
        %parallel_loop3A_265 = arith.addi %parallel_loop3A_63, %parallel_loop3A_264 : i32
        %parallel_loop3A_266 = arith.index_cast %parallel_loop3A_265 : i32 to index
        %parallel_loop3A_267 = arith.constant 0 : index
        %parallel_loop3A_268 = tpu.vector_load %arg11[%parallel_loop3A_266, %parallel_loop3A_267] {strides = array<i32>} : memref<80x64xf32, #tpu.memory_space<vmem>>, vector<1x16xf32>,
        %parallel_loop3A_269 = vector.shape_cast %parallel_loop3A_268 : vector<1x16xf32> to vector<16xf32>
        %parallel_loop3A_270 = vector.shape_cast %parallel_loop3A_263 : vector<16xf32> to vector<1x16xf32>
        tpu.vector_store %arg11[%parallel_loop3A_266, %parallel_loop3A_267], %parallel_loop3A_270 {strides = array<i32>} : memref<80x64xf32, #tpu.memory_space<vmem>>, vector<1x16xf32>,
        %parallel_loop3A_271 = arith.constant 3 : i32
        %parallel_loop3A_272 = arith.addi %parallel_loop3A_63, %parallel_loop3A_271 : i32
        %parallel_loop3A_273 = arith.index_cast %parallel_loop3A_272 : i32 to index
        %parallel_loop3A_274 = arith.constant 16 : index
        %parallel_loop3A_275 = tpu.vector_load %arg11[%parallel_loop3A_273, %parallel_loop3A_274] {strides = array<i32>} : memref<80x64xf32, #tpu.memory_space<vmem>>, vector<1x16xf32>,
        %parallel_loop3A_276 = vector.shape_cast %parallel_loop3A_275 : vector<1x16xf32> to vector<16xf32>
        %parallel_loop3A_277 = vector.broadcast %parallel_loop3A_255 : f32 to vector<16xf32>
        %parallel_loop3A_278 = arith.mulf %parallel_loop3A_276, %parallel_loop3A_277 : vector<16xf32>
        %parallel_loop3A_279 = arith.constant 3 : i32
        %parallel_loop3A_280 = arith.addi %parallel_loop3A_63, %parallel_loop3A_279 : i32
        %parallel_loop3A_281 = arith.index_cast %parallel_loop3A_280 : i32 to index
        %parallel_loop3A_282 = arith.constant 16 : index
        %parallel_loop3A_283 = tpu.vector_load %arg11[%parallel_loop3A_281, %parallel_loop3A_282] {strides = array<i32>} : memref<80x64xf32, #tpu.memory_space<vmem>>, vector<1x16xf32>,
        %parallel_loop3A_284 = vector.shape_cast %parallel_loop3A_283 : vector<1x16xf32> to vector<16xf32>
        %parallel_loop3A_285 = vector.shape_cast %parallel_loop3A_278 : vector<16xf32> to vector<1x16xf32>
        tpu.vector_store %arg11[%parallel_loop3A_281, %parallel_loop3A_282], %parallel_loop3A_285 {strides = array<i32>} : memref<80x64xf32, #tpu.memory_space<vmem>>, vector<1x16xf32>,
        %parallel_loop3A_286 = arith.constant 3 : i32
        %parallel_loop3A_287 = arith.addi %parallel_loop3A_63, %parallel_loop3A_286 : i32
        %parallel_loop3A_288 = arith.index_cast %parallel_loop3A_287 : i32 to index
        %parallel_loop3A_289 = arith.constant 32 : index
        %parallel_loop3A_290 = tpu.vector_load %arg11[%parallel_loop3A_288, %parallel_loop3A_289] {strides = array<i32>} : memref<80x64xf32, #tpu.memory_space<vmem>>, vector<1x16xf32>,
        %parallel_loop3A_291 = vector.shape_cast %parallel_loop3A_290 : vector<1x16xf32> to vector<16xf32>
        %parallel_loop3A_292 = vector.broadcast %parallel_loop3A_255 : f32 to vector<16xf32>
        %parallel_loop3A_293 = arith.mulf %parallel_loop3A_291, %parallel_loop3A_292 : vector<16xf32>
        %parallel_loop3A_294 = arith.constant 3 : i32
        %parallel_loop3A_295 = arith.addi %parallel_loop3A_63, %parallel_loop3A_294 : i32
        %parallel_loop3A_296 = arith.index_cast %parallel_loop3A_295 : i32 to index
        %parallel_loop3A_297 = arith.constant 32 : index
        %parallel_loop3A_298 = tpu.vector_load %arg11[%parallel_loop3A_296, %parallel_loop3A_297] {strides = array<i32>} : memref<80x64xf32, #tpu.memory_space<vmem>>, vector<1x16xf32>,
        %parallel_loop3A_299 = vector.shape_cast %parallel_loop3A_298 : vector<1x16xf32> to vector<16xf32>
        %parallel_loop3A_300 = vector.shape_cast %parallel_loop3A_293 : vector<16xf32> to vector<1x16xf32>
        tpu.vector_store %arg11[%parallel_loop3A_296, %parallel_loop3A_297], %parallel_loop3A_300 {strides = array<i32>} : memref<80x64xf32, #tpu.memory_space<vmem>>, vector<1x16xf32>,
        %parallel_loop3A_301 = arith.constant 3 : i32
        %parallel_loop3A_302 = arith.addi %parallel_loop3A_63, %parallel_loop3A_301 : i32
        %parallel_loop3A_303 = arith.index_cast %parallel_loop3A_302 : i32 to index
        %parallel_loop3A_304 = arith.constant 48 : index
        %parallel_loop3A_305 = tpu.vector_load %arg11[%parallel_loop3A_303, %parallel_loop3A_304] {strides = array<i32>} : memref<80x64xf32, #tpu.memory_space<vmem>>, vector<1x16xf32>,
        %parallel_loop3A_306 = vector.shape_cast %parallel_loop3A_305 : vector<1x16xf32> to vector<16xf32>
        %parallel_loop3A_307 = vector.broadcast %parallel_loop3A_255 : f32 to vector<16xf32>
        %parallel_loop3A_308 = arith.mulf %parallel_loop3A_306, %parallel_loop3A_307 : vector<16xf32>
        %parallel_loop3A_309 = arith.constant 3 : i32
        %parallel_loop3A_310 = arith.addi %parallel_loop3A_63, %parallel_loop3A_309 : i32
        %parallel_loop3A_311 = arith.index_cast %parallel_loop3A_310 : i32 to index
        %parallel_loop3A_312 = arith.constant 48 : index
        %parallel_loop3A_313 = tpu.vector_load %arg11[%parallel_loop3A_311, %parallel_loop3A_312] {strides = array<i32>} : memref<80x64xf32, #tpu.memory_space<vmem>>, vector<1x16xf32>,
        %parallel_loop3A_314 = vector.shape_cast %parallel_loop3A_313 : vector<1x16xf32> to vector<16xf32>
        %parallel_loop3A_315 = vector.shape_cast %parallel_loop3A_308 : vector<16xf32> to vector<1x16xf32>
        tpu.vector_store %arg11[%parallel_loop3A_311, %parallel_loop3A_312], %parallel_loop3A_315 {strides = array<i32>} : memref<80x64xf32, #tpu.memory_space<vmem>>, vector<1x16xf32>,
        %parallel_loop3A_316 = vector.extract_strided_slice %parallel_loop3A_67 {offsets = [4], sizes = [1], strides = [1]} : vector<16xf32> to vector<1xf32>
        %parallel_loop3A_317 = vector.extract %parallel_loop3A_316[0] : f32 from vector<1xf32>
        %parallel_loop3A_318 = arith.constant 4 : i32
        %parallel_loop3A_319 = arith.addi %parallel_loop3A_63, %parallel_loop3A_318 : i32
        %parallel_loop3A_320 = arith.index_cast %parallel_loop3A_319 : i32 to index
        %parallel_loop3A_321 = arith.constant 0 : index
        %parallel_loop3A_322 = tpu.vector_load %arg11[%parallel_loop3A_320, %parallel_loop3A_321] {strides = array<i32>} : memref<80x64xf32, #tpu.memory_space<vmem>>, vector<1x16xf32>,
        %parallel_loop3A_323 = vector.shape_cast %parallel_loop3A_322 : vector<1x16xf32> to vector<16xf32>
        %parallel_loop3A_324 = vector.broadcast %parallel_loop3A_317 : f32 to vector<16xf32>
        %parallel_loop3A_325 = arith.mulf %parallel_loop3A_323, %parallel_loop3A_324 : vector<16xf32>
        %parallel_loop3A_326 = arith.constant 4 : i32
        %parallel_loop3A_327 = arith.addi %parallel_loop3A_63, %parallel_loop3A_326 : i32
        %parallel_loop3A_328 = arith.index_cast %parallel_loop3A_327 : i32 to index
        %parallel_loop3A_329 = arith.constant 0 : index
        %parallel_loop3A_330 = tpu.vector_load %arg11[%parallel_loop3A_328, %parallel_loop3A_329] {strides = array<i32>} : memref<80x64xf32, #tpu.memory_space<vmem>>, vector<1x16xf32>,
        %parallel_loop3A_331 = vector.shape_cast %parallel_loop3A_330 : vector<1x16xf32> to vector<16xf32>
        %parallel_loop3A_332 = vector.shape_cast %parallel_loop3A_325 : vector<16xf32> to vector<1x16xf32>
        tpu.vector_store %arg11[%parallel_loop3A_328, %parallel_loop3A_329], %parallel_loop3A_332 {strides = array<i32>} : memref<80x64xf32, #tpu.memory_space<vmem>>, vector<1x16xf32>,
        %parallel_loop3A_333 = arith.constant 4 : i32
        %parallel_loop3A_334 = arith.addi %parallel_loop3A_63, %parallel_loop3A_333 : i32
        %parallel_loop3A_335 = arith.index_cast %parallel_loop3A_334 : i32 to index
        %parallel_loop3A_336 = arith.constant 16 : index
        %parallel_loop3A_337 = tpu.vector_load %arg11[%parallel_loop3A_335, %parallel_loop3A_336] {strides = array<i32>} : memref<80x64xf32, #tpu.memory_space<vmem>>, vector<1x16xf32>,
        %parallel_loop3A_338 = vector.shape_cast %parallel_loop3A_337 : vector<1x16xf32> to vector<16xf32>
        %parallel_loop3A_339 = vector.broadcast %parallel_loop3A_317 : f32 to vector<16xf32>
        %parallel_loop3A_340 = arith.mulf %parallel_loop3A_338, %parallel_loop3A_339 : vector<16xf32>
        %parallel_loop3A_341 = arith.constant 4 : i32
        %parallel_loop3A_342 = arith.addi %parallel_loop3A_63, %parallel_loop3A_341 : i32
        %parallel_loop3A_343 = arith.index_cast %parallel_loop3A_342 : i32 to index
        %parallel_loop3A_344 = arith.constant 16 : index
        %parallel_loop3A_345 = tpu.vector_load %arg11[%parallel_loop3A_343, %parallel_loop3A_344] {strides = array<i32>} : memref<80x64xf32, #tpu.memory_space<vmem>>, vector<1x16xf32>,
        %parallel_loop3A_346 = vector.shape_cast %parallel_loop3A_345 : vector<1x16xf32> to vector<16xf32>
        %parallel_loop3A_347 = vector.shape_cast %parallel_loop3A_340 : vector<16xf32> to vector<1x16xf32>
        tpu.vector_store %arg11[%parallel_loop3A_343, %parallel_loop3A_344], %parallel_loop3A_347 {strides = array<i32>} : memref<80x64xf32, #tpu.memory_space<vmem>>, vector<1x16xf32>,
        %parallel_loop3A_348 = arith.constant 4 : i32
        %parallel_loop3A_349 = arith.addi %parallel_loop3A_63, %parallel_loop3A_348 : i32
        %parallel_loop3A_350 = arith.index_cast %parallel_loop3A_349 : i32 to index
        %parallel_loop3A_351 = arith.constant 32 : index
        %parallel_loop3A_352 = tpu.vector_load %arg11[%parallel_loop3A_350, %parallel_loop3A_351] {strides = array<i32>} : memref<80x64xf32, #tpu.memory_space<vmem>>, vector<1x16xf32>,
        %parallel_loop3A_353 = vector.shape_cast %parallel_loop3A_352 : vector<1x16xf32> to vector<16xf32>
        %parallel_loop3A_354 = vector.broadcast %parallel_loop3A_317 : f32 to vector<16xf32>
        %parallel_loop3A_355 = arith.mulf %parallel_loop3A_353, %parallel_loop3A_354 : vector<16xf32>
        %parallel_loop3A_356 = arith.constant 4 : i32
        %parallel_loop3A_357 = arith.addi %parallel_loop3A_63, %parallel_loop3A_356 : i32
        %parallel_loop3A_358 = arith.index_cast %parallel_loop3A_357 : i32 to index
        %parallel_loop3A_359 = arith.constant 32 : index
        %parallel_loop3A_360 = tpu.vector_load %arg11[%parallel_loop3A_358, %parallel_loop3A_359] {strides = array<i32>} : memref<80x64xf32, #tpu.memory_space<vmem>>, vector<1x16xf32>,
        %parallel_loop3A_361 = vector.shape_cast %parallel_loop3A_360 : vector<1x16xf32> to vector<16xf32>
        %parallel_loop3A_362 = vector.shape_cast %parallel_loop3A_355 : vector<16xf32> to vector<1x16xf32>
        tpu.vector_store %arg11[%parallel_loop3A_358, %parallel_loop3A_359], %parallel_loop3A_362 {strides = array<i32>} : memref<80x64xf32, #tpu.memory_space<vmem>>, vector<1x16xf32>,
        %parallel_loop3A_363 = arith.constant 4 : i32
        %parallel_loop3A_364 = arith.addi %parallel_loop3A_63, %parallel_loop3A_363 : i32
        %parallel_loop3A_365 = arith.index_cast %parallel_loop3A_364 : i32 to index
        %parallel_loop3A_366 = arith.constant 48 : index
        %parallel_loop3A_367 = tpu.vector_load %arg11[%parallel_loop3A_365, %parallel_loop3A_366] {strides = array<i32>} : memref<80x64xf32, #tpu.memory_space<vmem>>, vector<1x16xf32>,
        %parallel_loop3A_368 = vector.shape_cast %parallel_loop3A_367 : vector<1x16xf32> to vector<16xf32>
        %parallel_loop3A_369 = vector.broadcast %parallel_loop3A_317 : f32 to vector<16xf32>
        %parallel_loop3A_370 = arith.mulf %parallel_loop3A_368, %parallel_loop3A_369 : vector<16xf32>
        %parallel_loop3A_371 = arith.constant 4 : i32
        %parallel_loop3A_372 = arith.addi %parallel_loop3A_63, %parallel_loop3A_371 : i32
        %parallel_loop3A_373 = arith.index_cast %parallel_loop3A_372 : i32 to index
        %parallel_loop3A_374 = arith.constant 48 : index
        %parallel_loop3A_375 = tpu.vector_load %arg11[%parallel_loop3A_373, %parallel_loop3A_374] {strides = array<i32>} : memref<80x64xf32, #tpu.memory_space<vmem>>, vector<1x16xf32>,
        %parallel_loop3A_376 = vector.shape_cast %parallel_loop3A_375 : vector<1x16xf32> to vector<16xf32>
        %parallel_loop3A_377 = vector.shape_cast %parallel_loop3A_370 : vector<16xf32> to vector<1x16xf32>
        tpu.vector_store %arg11[%parallel_loop3A_373, %parallel_loop3A_374], %parallel_loop3A_377 {strides = array<i32>} : memref<80x64xf32, #tpu.memory_space<vmem>>, vector<1x16xf32>,
        %parallel_loop3A_378 = vector.extract_strided_slice %parallel_loop3A_67 {offsets = [5], sizes = [1], strides = [1]} : vector<16xf32> to vector<1xf32>
        %parallel_loop3A_379 = vector.extract %parallel_loop3A_378[0] : f32 from vector<1xf32>
        %parallel_loop3A_380 = arith.constant 5 : i32
        %parallel_loop3A_381 = arith.addi %parallel_loop3A_63, %parallel_loop3A_380 : i32
        %parallel_loop3A_382 = arith.index_cast %parallel_loop3A_381 : i32 to index
        %parallel_loop3A_383 = arith.constant 0 : index
        %parallel_loop3A_384 = tpu.vector_load %arg11[%parallel_loop3A_382, %parallel_loop3A_383] {strides = array<i32>} : memref<80x64xf32, #tpu.memory_space<vmem>>, vector<1x16xf32>,
        %parallel_loop3A_385 = vector.shape_cast %parallel_loop3A_384 : vector<1x16xf32> to vector<16xf32>
        %parallel_loop3A_386 = vector.broadcast %parallel_loop3A_379 : f32 to vector<16xf32>
        %parallel_loop3A_387 = arith.mulf %parallel_loop3A_385, %parallel_loop3A_386 : vector<16xf32>
        %parallel_loop3A_388 = arith.constant 5 : i32
        %parallel_loop3A_389 = arith.addi %parallel_loop3A_63, %parallel_loop3A_388 : i32
        %parallel_loop3A_390 = arith.index_cast %parallel_loop3A_389 : i32 to index
        %parallel_loop3A_391 = arith.constant 0 : index
        %parallel_loop3A_392 = tpu.vector_load %arg11[%parallel_loop3A_390, %parallel_loop3A_391] {strides = array<i32>} : memref<80x64xf32, #tpu.memory_space<vmem>>, vector<1x16xf32>,
        %parallel_loop3A_393 = vector.shape_cast %parallel_loop3A_392 : vector<1x16xf32> to vector<16xf32>
        %parallel_loop3A_394 = vector.shape_cast %parallel_loop3A_387 : vector<16xf32> to vector<1x16xf32>
        tpu.vector_store %arg11[%parallel_loop3A_390, %parallel_loop3A_391], %parallel_loop3A_394 {strides = array<i32>} : memref<80x64xf32, #tpu.memory_space<vmem>>, vector<1x16xf32>,
        %parallel_loop3A_395 = arith.constant 5 : i32
        %parallel_loop3A_396 = arith.addi %parallel_loop3A_63, %parallel_loop3A_395 : i32
        %parallel_loop3A_397 = arith.index_cast %parallel_loop3A_396 : i32 to index
        %parallel_loop3A_398 = arith.constant 16 : index
        %parallel_loop3A_399 = tpu.vector_load %arg11[%parallel_loop3A_397, %parallel_loop3A_398] {strides = array<i32>} : memref<80x64xf32, #tpu.memory_space<vmem>>, vector<1x16xf32>,
        %parallel_loop3A_400 = vector.shape_cast %parallel_loop3A_399 : vector<1x16xf32> to vector<16xf32>
        %parallel_loop3A_401 = vector.broadcast %parallel_loop3A_379 : f32 to vector<16xf32>
        %parallel_loop3A_402 = arith.mulf %parallel_loop3A_400, %parallel_loop3A_401 : vector<16xf32>
        %parallel_loop3A_403 = arith.constant 5 : i32
        %parallel_loop3A_404 = arith.addi %parallel_loop3A_63, %parallel_loop3A_403 : i32
        %parallel_loop3A_405 = arith.index_cast %parallel_loop3A_404 : i32 to index
        %parallel_loop3A_406 = arith.constant 16 : index
        %parallel_loop3A_407 = tpu.vector_load %arg11[%parallel_loop3A_405, %parallel_loop3A_406] {strides = array<i32>} : memref<80x64xf32, #tpu.memory_space<vmem>>, vector<1x16xf32>,
        %parallel_loop3A_408 = vector.shape_cast %parallel_loop3A_407 : vector<1x16xf32> to vector<16xf32>
        %parallel_loop3A_409 = vector.shape_cast %parallel_loop3A_402 : vector<16xf32> to vector<1x16xf32>
        tpu.vector_store %arg11[%parallel_loop3A_405, %parallel_loop3A_406], %parallel_loop3A_409 {strides = array<i32>} : memref<80x64xf32, #tpu.memory_space<vmem>>, vector<1x16xf32>,
        %parallel_loop3A_410 = arith.constant 5 : i32
        %parallel_loop3A_411 = arith.addi %parallel_loop3A_63, %parallel_loop3A_410 : i32
        %parallel_loop3A_412 = arith.index_cast %parallel_loop3A_411 : i32 to index
        %parallel_loop3A_413 = arith.constant 32 : index
        %parallel_loop3A_414 = tpu.vector_load %arg11[%parallel_loop3A_412, %parallel_loop3A_413] {strides = array<i32>} : memref<80x64xf32, #tpu.memory_space<vmem>>, vector<1x16xf32>,
        %parallel_loop3A_415 = vector.shape_cast %parallel_loop3A_414 : vector<1x16xf32> to vector<16xf32>
        %parallel_loop3A_416 = vector.broadcast %parallel_loop3A_379 : f32 to vector<16xf32>
        %parallel_loop3A_417 = arith.mulf %parallel_loop3A_415, %parallel_loop3A_416 : vector<16xf32>
        %parallel_loop3A_418 = arith.constant 5 : i32
        %parallel_loop3A_419 = arith.addi %parallel_loop3A_63, %parallel_loop3A_418 : i32
        %parallel_loop3A_420 = arith.index_cast %parallel_loop3A_419 : i32 to index
        %parallel_loop3A_421 = arith.constant 32 : index
        %parallel_loop3A_422 = tpu.vector_load %arg11[%parallel_loop3A_420, %parallel_loop3A_421] {strides = array<i32>} : memref<80x64xf32, #tpu.memory_space<vmem>>, vector<1x16xf32>,
        %parallel_loop3A_423 = vector.shape_cast %parallel_loop3A_422 : vector<1x16xf32> to vector<16xf32>
        %parallel_loop3A_424 = vector.shape_cast %parallel_loop3A_417 : vector<16xf32> to vector<1x16xf32>
        tpu.vector_store %arg11[%parallel_loop3A_420, %parallel_loop3A_421], %parallel_loop3A_424 {strides = array<i32>} : memref<80x64xf32, #tpu.memory_space<vmem>>, vector<1x16xf32>,
        %parallel_loop3A_425 = arith.constant 5 : i32
        %parallel_loop3A_426 = arith.addi %parallel_loop3A_63, %parallel_loop3A_425 : i32
        %parallel_loop3A_427 = arith.index_cast %parallel_loop3A_426 : i32 to index
        %parallel_loop3A_428 = arith.constant 48 : index
        %parallel_loop3A_429 = tpu.vector_load %arg11[%parallel_loop3A_427, %parallel_loop3A_428] {strides = array<i32>} : memref<80x64xf32, #tpu.memory_space<vmem>>, vector<1x16xf32>,
        %parallel_loop3A_430 = vector.shape_cast %parallel_loop3A_429 : vector<1x16xf32> to vector<16xf32>
        %parallel_loop3A_431 = vector.broadcast %parallel_loop3A_379 : f32 to vector<16xf32>
        %parallel_loop3A_432 = arith.mulf %parallel_loop3A_430, %parallel_loop3A_431 : vector<16xf32>
        %parallel_loop3A_433 = arith.constant 5 : i32
        %parallel_loop3A_434 = arith.addi %parallel_loop3A_63, %parallel_loop3A_433 : i32
        %parallel_loop3A_435 = arith.index_cast %parallel_loop3A_434 : i32 to index
        %parallel_loop3A_436 = arith.constant 48 : index
        %parallel_loop3A_437 = tpu.vector_load %arg11[%parallel_loop3A_435, %parallel_loop3A_436] {strides = array<i32>} : memref<80x64xf32, #tpu.memory_space<vmem>>, vector<1x16xf32>,
        %parallel_loop3A_438 = vector.shape_cast %parallel_loop3A_437 : vector<1x16xf32> to vector<16xf32>
        %parallel_loop3A_439 = vector.shape_cast %parallel_loop3A_432 : vector<16xf32> to vector<1x16xf32>
        tpu.vector_store %arg11[%parallel_loop3A_435, %parallel_loop3A_436], %parallel_loop3A_439 {strides = array<i32>} : memref<80x64xf32, #tpu.memory_space<vmem>>, vector<1x16xf32>,
        %parallel_loop3A_440 = vector.extract_strided_slice %parallel_loop3A_67 {offsets = [6], sizes = [1], strides = [1]} : vector<16xf32> to vector<1xf32>
        %parallel_loop3A_441 = vector.extract %parallel_loop3A_440[0] : f32 from vector<1xf32>
        %parallel_loop3A_442 = arith.constant 6 : i32
        %parallel_loop3A_443 = arith.addi %parallel_loop3A_63, %parallel_loop3A_442 : i32
        %parallel_loop3A_444 = arith.index_cast %parallel_loop3A_443 : i32 to index
        %parallel_loop3A_445 = arith.constant 0 : index
        %parallel_loop3A_446 = tpu.vector_load %arg11[%parallel_loop3A_444, %parallel_loop3A_445] {strides = array<i32>} : memref<80x64xf32, #tpu.memory_space<vmem>>, vector<1x16xf32>,
        %parallel_loop3A_447 = vector.shape_cast %parallel_loop3A_446 : vector<1x16xf32> to vector<16xf32>
        %parallel_loop3A_448 = vector.broadcast %parallel_loop3A_441 : f32 to vector<16xf32>
        %parallel_loop3A_449 = arith.mulf %parallel_loop3A_447, %parallel_loop3A_448 : vector<16xf32>
        %parallel_loop3A_450 = arith.constant 6 : i32
        %parallel_loop3A_451 = arith.addi %parallel_loop3A_63, %parallel_loop3A_450 : i32
        %parallel_loop3A_452 = arith.index_cast %parallel_loop3A_451 : i32 to index
        %parallel_loop3A_453 = arith.constant 0 : index
        %parallel_loop3A_454 = tpu.vector_load %arg11[%parallel_loop3A_452, %parallel_loop3A_453] {strides = array<i32>} : memref<80x64xf32, #tpu.memory_space<vmem>>, vector<1x16xf32>,
        %parallel_loop3A_455 = vector.shape_cast %parallel_loop3A_454 : vector<1x16xf32> to vector<16xf32>
        %parallel_loop3A_456 = vector.shape_cast %parallel_loop3A_449 : vector<16xf32> to vector<1x16xf32>
        tpu.vector_store %arg11[%parallel_loop3A_452, %parallel_loop3A_453], %parallel_loop3A_456 {strides = array<i32>} : memref<80x64xf32, #tpu.memory_space<vmem>>, vector<1x16xf32>,
        %parallel_loop3A_457 = arith.constant 6 : i32
        %parallel_loop3A_458 = arith.addi %parallel_loop3A_63, %parallel_loop3A_457 : i32
        %parallel_loop3A_459 = arith.index_cast %parallel_loop3A_458 : i32 to index
        %parallel_loop3A_460 = arith.constant 16 : index
        %parallel_loop3A_461 = tpu.vector_load %arg11[%parallel_loop3A_459, %parallel_loop3A_460] {strides = array<i32>} : memref<80x64xf32, #tpu.memory_space<vmem>>, vector<1x16xf32>,
        %parallel_loop3A_462 = vector.shape_cast %parallel_loop3A_461 : vector<1x16xf32> to vector<16xf32>
        %parallel_loop3A_463 = vector.broadcast %parallel_loop3A_441 : f32 to vector<16xf32>
        %parallel_loop3A_464 = arith.mulf %parallel_loop3A_462, %parallel_loop3A_463 : vector<16xf32>
        %parallel_loop3A_465 = arith.constant 6 : i32
        %parallel_loop3A_466 = arith.addi %parallel_loop3A_63, %parallel_loop3A_465 : i32
        %parallel_loop3A_467 = arith.index_cast %parallel_loop3A_466 : i32 to index
        %parallel_loop3A_468 = arith.constant 16 : index
        %parallel_loop3A_469 = tpu.vector_load %arg11[%parallel_loop3A_467, %parallel_loop3A_468] {strides = array<i32>} : memref<80x64xf32, #tpu.memory_space<vmem>>, vector<1x16xf32>,
        %parallel_loop3A_470 = vector.shape_cast %parallel_loop3A_469 : vector<1x16xf32> to vector<16xf32>
        %parallel_loop3A_471 = vector.shape_cast %parallel_loop3A_464 : vector<16xf32> to vector<1x16xf32>
        tpu.vector_store %arg11[%parallel_loop3A_467, %parallel_loop3A_468], %parallel_loop3A_471 {strides = array<i32>} : memref<80x64xf32, #tpu.memory_space<vmem>>, vector<1x16xf32>,
        %parallel_loop3A_472 = arith.constant 6 : i32
        %parallel_loop3A_473 = arith.addi %parallel_loop3A_63, %parallel_loop3A_472 : i32
        %parallel_loop3A_474 = arith.index_cast %parallel_loop3A_473 : i32 to index
        %parallel_loop3A_475 = arith.constant 32 : index
        %parallel_loop3A_476 = tpu.vector_load %arg11[%parallel_loop3A_474, %parallel_loop3A_475] {strides = array<i32>} : memref<80x64xf32, #tpu.memory_space<vmem>>, vector<1x16xf32>,
        %parallel_loop3A_477 = vector.shape_cast %parallel_loop3A_476 : vector<1x16xf32> to vector<16xf32>
        %parallel_loop3A_478 = vector.broadcast %parallel_loop3A_441 : f32 to vector<16xf32>
        %parallel_loop3A_479 = arith.mulf %parallel_loop3A_477, %parallel_loop3A_478 : vector<16xf32>
        %parallel_loop3A_480 = arith.constant 6 : i32
        %parallel_loop3A_481 = arith.addi %parallel_loop3A_63, %parallel_loop3A_480 : i32
        %parallel_loop3A_482 = arith.index_cast %parallel_loop3A_481 : i32 to index
        %parallel_loop3A_483 = arith.constant 32 : index
        %parallel_loop3A_484 = tpu.vector_load %arg11[%parallel_loop3A_482, %parallel_loop3A_483] {strides = array<i32>} : memref<80x64xf32, #tpu.memory_space<vmem>>, vector<1x16xf32>,
        %parallel_loop3A_485 = vector.shape_cast %parallel_loop3A_484 : vector<1x16xf32> to vector<16xf32>
        %parallel_loop3A_486 = vector.shape_cast %parallel_loop3A_479 : vector<16xf32> to vector<1x16xf32>
        tpu.vector_store %arg11[%parallel_loop3A_482, %parallel_loop3A_483], %parallel_loop3A_486 {strides = array<i32>} : memref<80x64xf32, #tpu.memory_space<vmem>>, vector<1x16xf32>,
        %parallel_loop3A_487 = arith.constant 6 : i32
        %parallel_loop3A_488 = arith.addi %parallel_loop3A_63, %parallel_loop3A_487 : i32
        %parallel_loop3A_489 = arith.index_cast %parallel_loop3A_488 : i32 to index
        %parallel_loop3A_490 = arith.constant 48 : index
        %parallel_loop3A_491 = tpu.vector_load %arg11[%parallel_loop3A_489, %parallel_loop3A_490] {strides = array<i32>} : memref<80x64xf32, #tpu.memory_space<vmem>>, vector<1x16xf32>,
        %parallel_loop3A_492 = vector.shape_cast %parallel_loop3A_491 : vector<1x16xf32> to vector<16xf32>
        %parallel_loop3A_493 = vector.broadcast %parallel_loop3A_441 : f32 to vector<16xf32>
        %parallel_loop3A_494 = arith.mulf %parallel_loop3A_492, %parallel_loop3A_493 : vector<16xf32>
        %parallel_loop3A_495 = arith.constant 6 : i32
        %parallel_loop3A_496 = arith.addi %parallel_loop3A_63, %parallel_loop3A_495 : i32
        %parallel_loop3A_497 = arith.index_cast %parallel_loop3A_496 : i32 to index
        %parallel_loop3A_498 = arith.constant 48 : index
        %parallel_loop3A_499 = tpu.vector_load %arg11[%parallel_loop3A_497, %parallel_loop3A_498] {strides = array<i32>} : memref<80x64xf32, #tpu.memory_space<vmem>>, vector<1x16xf32>,
        %parallel_loop3A_500 = vector.shape_cast %parallel_loop3A_499 : vector<1x16xf32> to vector<16xf32>
        %parallel_loop3A_501 = vector.shape_cast %parallel_loop3A_494 : vector<16xf32> to vector<1x16xf32>
        tpu.vector_store %arg11[%parallel_loop3A_497, %parallel_loop3A_498], %parallel_loop3A_501 {strides = array<i32>} : memref<80x64xf32, #tpu.memory_space<vmem>>, vector<1x16xf32>,
        %parallel_loop3A_502 = vector.extract_strided_slice %parallel_loop3A_67 {offsets = [7], sizes = [1], strides = [1]} : vector<16xf32> to vector<1xf32>
        %parallel_loop3A_503 = vector.extract %parallel_loop3A_502[0] : f32 from vector<1xf32>
        %parallel_loop3A_504 = arith.constant 7 : i32
        %parallel_loop3A_505 = arith.addi %parallel_loop3A_63, %parallel_loop3A_504 : i32
        %parallel_loop3A_506 = arith.index_cast %parallel_loop3A_505 : i32 to index
        %parallel_loop3A_507 = arith.constant 0 : index
        %parallel_loop3A_508 = tpu.vector_load %arg11[%parallel_loop3A_506, %parallel_loop3A_507] {strides = array<i32>} : memref<80x64xf32, #tpu.memory_space<vmem>>, vector<1x16xf32>,
        %parallel_loop3A_509 = vector.shape_cast %parallel_loop3A_508 : vector<1x16xf32> to vector<16xf32>
        %parallel_loop3A_510 = vector.broadcast %parallel_loop3A_503 : f32 to vector<16xf32>
        %parallel_loop3A_511 = arith.mulf %parallel_loop3A_509, %parallel_loop3A_510 : vector<16xf32>
        %parallel_loop3A_512 = arith.constant 7 : i32
        %parallel_loop3A_513 = arith.addi %parallel_loop3A_63, %parallel_loop3A_512 : i32
        %parallel_loop3A_514 = arith.index_cast %parallel_loop3A_513 : i32 to index
        %parallel_loop3A_515 = arith.constant 0 : index
        %parallel_loop3A_516 = tpu.vector_load %arg11[%parallel_loop3A_514, %parallel_loop3A_515] {strides = array<i32>} : memref<80x64xf32, #tpu.memory_space<vmem>>, vector<1x16xf32>,
        %parallel_loop3A_517 = vector.shape_cast %parallel_loop3A_516 : vector<1x16xf32> to vector<16xf32>
        %parallel_loop3A_518 = vector.shape_cast %parallel_loop3A_511 : vector<16xf32> to vector<1x16xf32>
        tpu.vector_store %arg11[%parallel_loop3A_514, %parallel_loop3A_515], %parallel_loop3A_518 {strides = array<i32>} : memref<80x64xf32, #tpu.memory_space<vmem>>, vector<1x16xf32>,
        %parallel_loop3A_519 = arith.constant 7 : i32
        %parallel_loop3A_520 = arith.addi %parallel_loop3A_63, %parallel_loop3A_519 : i32
        %parallel_loop3A_521 = arith.index_cast %parallel_loop3A_520 : i32 to index
        %parallel_loop3A_522 = arith.constant 16 : index
        %parallel_loop3A_523 = tpu.vector_load %arg11[%parallel_loop3A_521, %parallel_loop3A_522] {strides = array<i32>} : memref<80x64xf32, #tpu.memory_space<vmem>>, vector<1x16xf32>,
        %parallel_loop3A_524 = vector.shape_cast %parallel_loop3A_523 : vector<1x16xf32> to vector<16xf32>
        %parallel_loop3A_525 = vector.broadcast %parallel_loop3A_503 : f32 to vector<16xf32>
        %parallel_loop3A_526 = arith.mulf %parallel_loop3A_524, %parallel_loop3A_525 : vector<16xf32>
        %parallel_loop3A_527 = arith.constant 7 : i32
        %parallel_loop3A_528 = arith.addi %parallel_loop3A_63, %parallel_loop3A_527 : i32
        %parallel_loop3A_529 = arith.index_cast %parallel_loop3A_528 : i32 to index
        %parallel_loop3A_530 = arith.constant 16 : index
        %parallel_loop3A_531 = tpu.vector_load %arg11[%parallel_loop3A_529, %parallel_loop3A_530] {strides = array<i32>} : memref<80x64xf32, #tpu.memory_space<vmem>>, vector<1x16xf32>,
        %parallel_loop3A_532 = vector.shape_cast %parallel_loop3A_531 : vector<1x16xf32> to vector<16xf32>
        %parallel_loop3A_533 = vector.shape_cast %parallel_loop3A_526 : vector<16xf32> to vector<1x16xf32>
        tpu.vector_store %arg11[%parallel_loop3A_529, %parallel_loop3A_530], %parallel_loop3A_533 {strides = array<i32>} : memref<80x64xf32, #tpu.memory_space<vmem>>, vector<1x16xf32>,
        %parallel_loop3A_534 = arith.constant 7 : i32
        %parallel_loop3A_535 = arith.addi %parallel_loop3A_63, %parallel_loop3A_534 : i32
        %parallel_loop3A_536 = arith.index_cast %parallel_loop3A_535 : i32 to index
        %parallel_loop3A_537 = arith.constant 32 : index
        %parallel_loop3A_538 = tpu.vector_load %arg11[%parallel_loop3A_536, %parallel_loop3A_537] {strides = array<i32>} : memref<80x64xf32, #tpu.memory_space<vmem>>, vector<1x16xf32>,
        %parallel_loop3A_539 = vector.shape_cast %parallel_loop3A_538 : vector<1x16xf32> to vector<16xf32>
        %parallel_loop3A_540 = vector.broadcast %parallel_loop3A_503 : f32 to vector<16xf32>
        %parallel_loop3A_541 = arith.mulf %parallel_loop3A_539, %parallel_loop3A_540 : vector<16xf32>
        %parallel_loop3A_542 = arith.constant 7 : i32
        %parallel_loop3A_543 = arith.addi %parallel_loop3A_63, %parallel_loop3A_542 : i32
        %parallel_loop3A_544 = arith.index_cast %parallel_loop3A_543 : i32 to index
        %parallel_loop3A_545 = arith.constant 32 : index
        %parallel_loop3A_546 = tpu.vector_load %arg11[%parallel_loop3A_544, %parallel_loop3A_545] {strides = array<i32>} : memref<80x64xf32, #tpu.memory_space<vmem>>, vector<1x16xf32>,
        %parallel_loop3A_547 = vector.shape_cast %parallel_loop3A_546 : vector<1x16xf32> to vector<16xf32>
        %parallel_loop3A_548 = vector.shape_cast %parallel_loop3A_541 : vector<16xf32> to vector<1x16xf32>
        tpu.vector_store %arg11[%parallel_loop3A_544, %parallel_loop3A_545], %parallel_loop3A_548 {strides = array<i32>} : memref<80x64xf32, #tpu.memory_space<vmem>>, vector<1x16xf32>,
        %parallel_loop3A_549 = arith.constant 7 : i32
        %parallel_loop3A_550 = arith.addi %parallel_loop3A_63, %parallel_loop3A_549 : i32
        %parallel_loop3A_551 = arith.index_cast %parallel_loop3A_550 : i32 to index
        %parallel_loop3A_552 = arith.constant 48 : index
        %parallel_loop3A_553 = tpu.vector_load %arg11[%parallel_loop3A_551, %parallel_loop3A_552] {strides = array<i32>} : memref<80x64xf32, #tpu.memory_space<vmem>>, vector<1x16xf32>,
        %parallel_loop3A_554 = vector.shape_cast %parallel_loop3A_553 : vector<1x16xf32> to vector<16xf32>
        %parallel_loop3A_555 = vector.broadcast %parallel_loop3A_503 : f32 to vector<16xf32>
        %parallel_loop3A_556 = arith.mulf %parallel_loop3A_554, %parallel_loop3A_555 : vector<16xf32>
        %parallel_loop3A_557 = arith.constant 7 : i32
        %parallel_loop3A_558 = arith.addi %parallel_loop3A_63, %parallel_loop3A_557 : i32
        %parallel_loop3A_559 = arith.index_cast %parallel_loop3A_558 : i32 to index
        %parallel_loop3A_560 = arith.constant 48 : index
        %parallel_loop3A_561 = tpu.vector_load %arg11[%parallel_loop3A_559, %parallel_loop3A_560] {strides = array<i32>} : memref<80x64xf32, #tpu.memory_space<vmem>>, vector<1x16xf32>,
        %parallel_loop3A_562 = vector.shape_cast %parallel_loop3A_561 : vector<1x16xf32> to vector<16xf32>
        %parallel_loop3A_563 = vector.shape_cast %parallel_loop3A_556 : vector<16xf32> to vector<1x16xf32>
        tpu.vector_store %arg11[%parallel_loop3A_559, %parallel_loop3A_560], %parallel_loop3A_563 {strides = array<i32>} : memref<80x64xf32, #tpu.memory_space<vmem>>, vector<1x16xf32>,
        %parallel_loop3A_564 = vector.extract_strided_slice %parallel_loop3A_67 {offsets = [8], sizes = [1], strides = [1]} : vector<16xf32> to vector<1xf32>
        %parallel_loop3A_565 = vector.extract %parallel_loop3A_564[0] : f32 from vector<1xf32>
        %parallel_loop3A_566 = arith.constant 8 : i32
        %parallel_loop3A_567 = arith.addi %parallel_loop3A_63, %parallel_loop3A_566 : i32
        %parallel_loop3A_568 = arith.index_cast %parallel_loop3A_567 : i32 to index
        %parallel_loop3A_569 = arith.constant 0 : index
        %parallel_loop3A_570 = tpu.vector_load %arg11[%parallel_loop3A_568, %parallel_loop3A_569] {strides = array<i32>} : memref<80x64xf32, #tpu.memory_space<vmem>>, vector<1x16xf32>,
        %parallel_loop3A_571 = vector.shape_cast %parallel_loop3A_570 : vector<1x16xf32> to vector<16xf32>
        %parallel_loop3A_572 = vector.broadcast %parallel_loop3A_565 : f32 to vector<16xf32>
        %parallel_loop3A_573 = arith.mulf %parallel_loop3A_571, %parallel_loop3A_572 : vector<16xf32>
        %parallel_loop3A_574 = arith.constant 8 : i32
        %parallel_loop3A_575 = arith.addi %parallel_loop3A_63, %parallel_loop3A_574 : i32
        %parallel_loop3A_576 = arith.index_cast %parallel_loop3A_575 : i32 to index
        %parallel_loop3A_577 = arith.constant 0 : index
        %parallel_loop3A_578 = tpu.vector_load %arg11[%parallel_loop3A_576, %parallel_loop3A_577] {strides = array<i32>} : memref<80x64xf32, #tpu.memory_space<vmem>>, vector<1x16xf32>,
        %parallel_loop3A_579 = vector.shape_cast %parallel_loop3A_578 : vector<1x16xf32> to vector<16xf32>
        %parallel_loop3A_580 = vector.shape_cast %parallel_loop3A_573 : vector<16xf32> to vector<1x16xf32>
        tpu.vector_store %arg11[%parallel_loop3A_576, %parallel_loop3A_577], %parallel_loop3A_580 {strides = array<i32>} : memref<80x64xf32, #tpu.memory_space<vmem>>, vector<1x16xf32>,
        %parallel_loop3A_581 = arith.constant 8 : i32
        %parallel_loop3A_582 = arith.addi %parallel_loop3A_63, %parallel_loop3A_581 : i32
        %parallel_loop3A_583 = arith.index_cast %parallel_loop3A_582 : i32 to index
        %parallel_loop3A_584 = arith.constant 16 : index
        %parallel_loop3A_585 = tpu.vector_load %arg11[%parallel_loop3A_583, %parallel_loop3A_584] {strides = array<i32>} : memref<80x64xf32, #tpu.memory_space<vmem>>, vector<1x16xf32>,
        %parallel_loop3A_586 = vector.shape_cast %parallel_loop3A_585 : vector<1x16xf32> to vector<16xf32>
        %parallel_loop3A_587 = vector.broadcast %parallel_loop3A_565 : f32 to vector<16xf32>
        %parallel_loop3A_588 = arith.mulf %parallel_loop3A_586, %parallel_loop3A_587 : vector<16xf32>
        %parallel_loop3A_589 = arith.constant 8 : i32
        %parallel_loop3A_590 = arith.addi %parallel_loop3A_63, %parallel_loop3A_589 : i32
        %parallel_loop3A_591 = arith.index_cast %parallel_loop3A_590 : i32 to index
        %parallel_loop3A_592 = arith.constant 16 : index
        %parallel_loop3A_593 = tpu.vector_load %arg11[%parallel_loop3A_591, %parallel_loop3A_592] {strides = array<i32>} : memref<80x64xf32, #tpu.memory_space<vmem>>, vector<1x16xf32>,
        %parallel_loop3A_594 = vector.shape_cast %parallel_loop3A_593 : vector<1x16xf32> to vector<16xf32>
        %parallel_loop3A_595 = vector.shape_cast %parallel_loop3A_588 : vector<16xf32> to vector<1x16xf32>
        tpu.vector_store %arg11[%parallel_loop3A_591, %parallel_loop3A_592], %parallel_loop3A_595 {strides = array<i32>} : memref<80x64xf32, #tpu.memory_space<vmem>>, vector<1x16xf32>,
        %parallel_loop3A_596 = arith.constant 8 : i32
        %parallel_loop3A_597 = arith.addi %parallel_loop3A_63, %parallel_loop3A_596 : i32
        %parallel_loop3A_598 = arith.index_cast %parallel_loop3A_597 : i32 to index
        %parallel_loop3A_599 = arith.constant 32 : index
        %parallel_loop3A_600 = tpu.vector_load %arg11[%parallel_loop3A_598, %parallel_loop3A_599] {strides = array<i32>} : memref<80x64xf32, #tpu.memory_space<vmem>>, vector<1x16xf32>,
        %parallel_loop3A_601 = vector.shape_cast %parallel_loop3A_600 : vector<1x16xf32> to vector<16xf32>
        %parallel_loop3A_602 = vector.broadcast %parallel_loop3A_565 : f32 to vector<16xf32>
        %parallel_loop3A_603 = arith.mulf %parallel_loop3A_601, %parallel_loop3A_602 : vector<16xf32>
        %parallel_loop3A_604 = arith.constant 8 : i32
        %parallel_loop3A_605 = arith.addi %parallel_loop3A_63, %parallel_loop3A_604 : i32
        %parallel_loop3A_606 = arith.index_cast %parallel_loop3A_605 : i32 to index
        %parallel_loop3A_607 = arith.constant 32 : index
        %parallel_loop3A_608 = tpu.vector_load %arg11[%parallel_loop3A_606, %parallel_loop3A_607] {strides = array<i32>} : memref<80x64xf32, #tpu.memory_space<vmem>>, vector<1x16xf32>,
        %parallel_loop3A_609 = vector.shape_cast %parallel_loop3A_608 : vector<1x16xf32> to vector<16xf32>
        %parallel_loop3A_610 = vector.shape_cast %parallel_loop3A_603 : vector<16xf32> to vector<1x16xf32>
        tpu.vector_store %arg11[%parallel_loop3A_606, %parallel_loop3A_607], %parallel_loop3A_610 {strides = array<i32>} : memref<80x64xf32, #tpu.memory_space<vmem>>, vector<1x16xf32>,
        %parallel_loop3A_611 = arith.constant 8 : i32
        %parallel_loop3A_612 = arith.addi %parallel_loop3A_63, %parallel_loop3A_611 : i32
        %parallel_loop3A_613 = arith.index_cast %parallel_loop3A_612 : i32 to index
        %parallel_loop3A_614 = arith.constant 48 : index
        %parallel_loop3A_615 = tpu.vector_load %arg11[%parallel_loop3A_613, %parallel_loop3A_614] {strides = array<i32>} : memref<80x64xf32, #tpu.memory_space<vmem>>, vector<1x16xf32>,
        %parallel_loop3A_616 = vector.shape_cast %parallel_loop3A_615 : vector<1x16xf32> to vector<16xf32>
        %parallel_loop3A_617 = vector.broadcast %parallel_loop3A_565 : f32 to vector<16xf32>
        %parallel_loop3A_618 = arith.mulf %parallel_loop3A_616, %parallel_loop3A_617 : vector<16xf32>
        %parallel_loop3A_619 = arith.constant 8 : i32
        %parallel_loop3A_620 = arith.addi %parallel_loop3A_63, %parallel_loop3A_619 : i32
        %parallel_loop3A_621 = arith.index_cast %parallel_loop3A_620 : i32 to index
        %parallel_loop3A_622 = arith.constant 48 : index
        %parallel_loop3A_623 = tpu.vector_load %arg11[%parallel_loop3A_621, %parallel_loop3A_622] {strides = array<i32>} : memref<80x64xf32, #tpu.memory_space<vmem>>, vector<1x16xf32>,
        %parallel_loop3A_624 = vector.shape_cast %parallel_loop3A_623 : vector<1x16xf32> to vector<16xf32>
        %parallel_loop3A_625 = vector.shape_cast %parallel_loop3A_618 : vector<16xf32> to vector<1x16xf32>
        tpu.vector_store %arg11[%parallel_loop3A_621, %parallel_loop3A_622], %parallel_loop3A_625 {strides = array<i32>} : memref<80x64xf32, #tpu.memory_space<vmem>>, vector<1x16xf32>,
        %parallel_loop3A_626 = vector.extract_strided_slice %parallel_loop3A_67 {offsets = [9], sizes = [1], strides = [1]} : vector<16xf32> to vector<1xf32>
        %parallel_loop3A_627 = vector.extract %parallel_loop3A_626[0] : f32 from vector<1xf32>
        %parallel_loop3A_628 = arith.constant 9 : i32
        %parallel_loop3A_629 = arith.addi %parallel_loop3A_63, %parallel_loop3A_628 : i32
        %parallel_loop3A_630 = arith.index_cast %parallel_loop3A_629 : i32 to index
        %parallel_loop3A_631 = arith.constant 0 : index
        %parallel_loop3A_632 = tpu.vector_load %arg11[%parallel_loop3A_630, %parallel_loop3A_631] {strides = array<i32>} : memref<80x64xf32, #tpu.memory_space<vmem>>, vector<1x16xf32>,
        %parallel_loop3A_633 = vector.shape_cast %parallel_loop3A_632 : vector<1x16xf32> to vector<16xf32>
        %parallel_loop3A_634 = vector.broadcast %parallel_loop3A_627 : f32 to vector<16xf32>
        %parallel_loop3A_635 = arith.mulf %parallel_loop3A_633, %parallel_loop3A_634 : vector<16xf32>
        %parallel_loop3A_636 = arith.constant 9 : i32
        %parallel_loop3A_637 = arith.addi %parallel_loop3A_63, %parallel_loop3A_636 : i32
        %parallel_loop3A_638 = arith.index_cast %parallel_loop3A_637 : i32 to index
        %parallel_loop3A_639 = arith.constant 0 : index
        %parallel_loop3A_640 = tpu.vector_load %arg11[%parallel_loop3A_638, %parallel_loop3A_639] {strides = array<i32>} : memref<80x64xf32, #tpu.memory_space<vmem>>, vector<1x16xf32>,
        %parallel_loop3A_641 = vector.shape_cast %parallel_loop3A_640 : vector<1x16xf32> to vector<16xf32>
        %parallel_loop3A_642 = vector.shape_cast %parallel_loop3A_635 : vector<16xf32> to vector<1x16xf32>
        tpu.vector_store %arg11[%parallel_loop3A_638, %parallel_loop3A_639], %parallel_loop3A_642 {strides = array<i32>} : memref<80x64xf32, #tpu.memory_space<vmem>>, vector<1x16xf32>,
        %parallel_loop3A_643 = arith.constant 9 : i32
        %parallel_loop3A_644 = arith.addi %parallel_loop3A_63, %parallel_loop3A_643 : i32
        %parallel_loop3A_645 = arith.index_cast %parallel_loop3A_644 : i32 to index
        %parallel_loop3A_646 = arith.constant 16 : index
        %parallel_loop3A_647 = tpu.vector_load %arg11[%parallel_loop3A_645, %parallel_loop3A_646] {strides = array<i32>} : memref<80x64xf32, #tpu.memory_space<vmem>>, vector<1x16xf32>,
        %parallel_loop3A_648 = vector.shape_cast %parallel_loop3A_647 : vector<1x16xf32> to vector<16xf32>
        %parallel_loop3A_649 = vector.broadcast %parallel_loop3A_627 : f32 to vector<16xf32>
        %parallel_loop3A_650 = arith.mulf %parallel_loop3A_648, %parallel_loop3A_649 : vector<16xf32>
        %parallel_loop3A_651 = arith.constant 9 : i32
        %parallel_loop3A_652 = arith.addi %parallel_loop3A_63, %parallel_loop3A_651 : i32
        %parallel_loop3A_653 = arith.index_cast %parallel_loop3A_652 : i32 to index
        %parallel_loop3A_654 = arith.constant 16 : index
        %parallel_loop3A_655 = tpu.vector_load %arg11[%parallel_loop3A_653, %parallel_loop3A_654] {strides = array<i32>} : memref<80x64xf32, #tpu.memory_space<vmem>>, vector<1x16xf32>,
        %parallel_loop3A_656 = vector.shape_cast %parallel_loop3A_655 : vector<1x16xf32> to vector<16xf32>
        %parallel_loop3A_657 = vector.shape_cast %parallel_loop3A_650 : vector<16xf32> to vector<1x16xf32>
        tpu.vector_store %arg11[%parallel_loop3A_653, %parallel_loop3A_654], %parallel_loop3A_657 {strides = array<i32>} : memref<80x64xf32, #tpu.memory_space<vmem>>, vector<1x16xf32>,
        %parallel_loop3A_658 = arith.constant 9 : i32
        %parallel_loop3A_659 = arith.addi %parallel_loop3A_63, %parallel_loop3A_658 : i32
        %parallel_loop3A_660 = arith.index_cast %parallel_loop3A_659 : i32 to index
        %parallel_loop3A_661 = arith.constant 32 : index
        %parallel_loop3A_662 = tpu.vector_load %arg11[%parallel_loop3A_660, %parallel_loop3A_661] {strides = array<i32>} : memref<80x64xf32, #tpu.memory_space<vmem>>, vector<1x16xf32>,
        %parallel_loop3A_663 = vector.shape_cast %parallel_loop3A_662 : vector<1x16xf32> to vector<16xf32>
        %parallel_loop3A_664 = vector.broadcast %parallel_loop3A_627 : f32 to vector<16xf32>
        %parallel_loop3A_665 = arith.mulf %parallel_loop3A_663, %parallel_loop3A_664 : vector<16xf32>
        %parallel_loop3A_666 = arith.constant 9 : i32
        %parallel_loop3A_667 = arith.addi %parallel_loop3A_63, %parallel_loop3A_666 : i32
        %parallel_loop3A_668 = arith.index_cast %parallel_loop3A_667 : i32 to index
        %parallel_loop3A_669 = arith.constant 32 : index
        %parallel_loop3A_670 = tpu.vector_load %arg11[%parallel_loop3A_668, %parallel_loop3A_669] {strides = array<i32>} : memref<80x64xf32, #tpu.memory_space<vmem>>, vector<1x16xf32>,
        %parallel_loop3A_671 = vector.shape_cast %parallel_loop3A_670 : vector<1x16xf32> to vector<16xf32>
        %parallel_loop3A_672 = vector.shape_cast %parallel_loop3A_665 : vector<16xf32> to vector<1x16xf32>
        tpu.vector_store %arg11[%parallel_loop3A_668, %parallel_loop3A_669], %parallel_loop3A_672 {strides = array<i32>} : memref<80x64xf32, #tpu.memory_space<vmem>>, vector<1x16xf32>,
        %parallel_loop3A_673 = arith.constant 9 : i32
        %parallel_loop3A_674 = arith.addi %parallel_loop3A_63, %parallel_loop3A_673 : i32
        %parallel_loop3A_675 = arith.index_cast %parallel_loop3A_674 : i32 to index
        %parallel_loop3A_676 = arith.constant 48 : index
        %parallel_loop3A_677 = tpu.vector_load %arg11[%parallel_loop3A_675, %parallel_loop3A_676] {strides = array<i32>} : memref<80x64xf32, #tpu.memory_space<vmem>>, vector<1x16xf32>,
        %parallel_loop3A_678 = vector.shape_cast %parallel_loop3A_677 : vector<1x16xf32> to vector<16xf32>
        %parallel_loop3A_679 = vector.broadcast %parallel_loop3A_627 : f32 to vector<16xf32>
        %parallel_loop3A_680 = arith.mulf %parallel_loop3A_678, %parallel_loop3A_679 : vector<16xf32>
        %parallel_loop3A_681 = arith.constant 9 : i32
        %parallel_loop3A_682 = arith.addi %parallel_loop3A_63, %parallel_loop3A_681 : i32
        %parallel_loop3A_683 = arith.index_cast %parallel_loop3A_682 : i32 to index
        %parallel_loop3A_684 = arith.constant 48 : index
        %parallel_loop3A_685 = tpu.vector_load %arg11[%parallel_loop3A_683, %parallel_loop3A_684] {strides = array<i32>} : memref<80x64xf32, #tpu.memory_space<vmem>>, vector<1x16xf32>,
        %parallel_loop3A_686 = vector.shape_cast %parallel_loop3A_685 : vector<1x16xf32> to vector<16xf32>
        %parallel_loop3A_687 = vector.shape_cast %parallel_loop3A_680 : vector<16xf32> to vector<1x16xf32>
        tpu.vector_store %arg11[%parallel_loop3A_683, %parallel_loop3A_684], %parallel_loop3A_687 {strides = array<i32>} : memref<80x64xf32, #tpu.memory_space<vmem>>, vector<1x16xf32>,
        %parallel_loop3A_688 = vector.extract_strided_slice %parallel_loop3A_67 {offsets = [10], sizes = [1], strides = [1]} : vector<16xf32> to vector<1xf32>
        %parallel_loop3A_689 = vector.extract %parallel_loop3A_688[0] : f32 from vector<1xf32>
        %parallel_loop3A_690 = arith.constant 10 : i32
        %parallel_loop3A_691 = arith.addi %parallel_loop3A_63, %parallel_loop3A_690 : i32
        %parallel_loop3A_692 = arith.index_cast %parallel_loop3A_691 : i32 to index
        %parallel_loop3A_693 = arith.constant 0 : index
        %parallel_loop3A_694 = tpu.vector_load %arg11[%parallel_loop3A_692, %parallel_loop3A_693] {strides = array<i32>} : memref<80x64xf32, #tpu.memory_space<vmem>>, vector<1x16xf32>,
        %parallel_loop3A_695 = vector.shape_cast %parallel_loop3A_694 : vector<1x16xf32> to vector<16xf32>
        %parallel_loop3A_696 = vector.broadcast %parallel_loop3A_689 : f32 to vector<16xf32>
        %parallel_loop3A_697 = arith.mulf %parallel_loop3A_695, %parallel_loop3A_696 : vector<16xf32>
        %parallel_loop3A_698 = arith.constant 10 : i32
        %parallel_loop3A_699 = arith.addi %parallel_loop3A_63, %parallel_loop3A_698 : i32
        %parallel_loop3A_700 = arith.index_cast %parallel_loop3A_699 : i32 to index
        %parallel_loop3A_701 = arith.constant 0 : index
        %parallel_loop3A_702 = tpu.vector_load %arg11[%parallel_loop3A_700, %parallel_loop3A_701] {strides = array<i32>} : memref<80x64xf32, #tpu.memory_space<vmem>>, vector<1x16xf32>,
        %parallel_loop3A_703 = vector.shape_cast %parallel_loop3A_702 : vector<1x16xf32> to vector<16xf32>
        %parallel_loop3A_704 = vector.shape_cast %parallel_loop3A_697 : vector<16xf32> to vector<1x16xf32>
        tpu.vector_store %arg11[%parallel_loop3A_700, %parallel_loop3A_701], %parallel_loop3A_704 {strides = array<i32>} : memref<80x64xf32, #tpu.memory_space<vmem>>, vector<1x16xf32>,
        %parallel_loop3A_705 = arith.constant 10 : i32
        %parallel_loop3A_706 = arith.addi %parallel_loop3A_63, %parallel_loop3A_705 : i32
        %parallel_loop3A_707 = arith.index_cast %parallel_loop3A_706 : i32 to index
        %parallel_loop3A_708 = arith.constant 16 : index
        %parallel_loop3A_709 = tpu.vector_load %arg11[%parallel_loop3A_707, %parallel_loop3A_708] {strides = array<i32>} : memref<80x64xf32, #tpu.memory_space<vmem>>, vector<1x16xf32>,
        %parallel_loop3A_710 = vector.shape_cast %parallel_loop3A_709 : vector<1x16xf32> to vector<16xf32>
        %parallel_loop3A_711 = vector.broadcast %parallel_loop3A_689 : f32 to vector<16xf32>
        %parallel_loop3A_712 = arith.mulf %parallel_loop3A_710, %parallel_loop3A_711 : vector<16xf32>
        %parallel_loop3A_713 = arith.constant 10 : i32
        %parallel_loop3A_714 = arith.addi %parallel_loop3A_63, %parallel_loop3A_713 : i32
        %parallel_loop3A_715 = arith.index_cast %parallel_loop3A_714 : i32 to index
        %parallel_loop3A_716 = arith.constant 16 : index
        %parallel_loop3A_717 = tpu.vector_load %arg11[%parallel_loop3A_715, %parallel_loop3A_716] {strides = array<i32>} : memref<80x64xf32, #tpu.memory_space<vmem>>, vector<1x16xf32>,
        %parallel_loop3A_718 = vector.shape_cast %parallel_loop3A_717 : vector<1x16xf32> to vector<16xf32>
        %parallel_loop3A_719 = vector.shape_cast %parallel_loop3A_712 : vector<16xf32> to vector<1x16xf32>
        tpu.vector_store %arg11[%parallel_loop3A_715, %parallel_loop3A_716], %parallel_loop3A_719 {strides = array<i32>} : memref<80x64xf32, #tpu.memory_space<vmem>>, vector<1x16xf32>,
        %parallel_loop3A_720 = arith.constant 10 : i32
        %parallel_loop3A_721 = arith.addi %parallel_loop3A_63, %parallel_loop3A_720 : i32
        %parallel_loop3A_722 = arith.index_cast %parallel_loop3A_721 : i32 to index
        %parallel_loop3A_723 = arith.constant 32 : index
        %parallel_loop3A_724 = tpu.vector_load %arg11[%parallel_loop3A_722, %parallel_loop3A_723] {strides = array<i32>} : memref<80x64xf32, #tpu.memory_space<vmem>>, vector<1x16xf32>,
        %parallel_loop3A_725 = vector.shape_cast %parallel_loop3A_724 : vector<1x16xf32> to vector<16xf32>
        %parallel_loop3A_726 = vector.broadcast %parallel_loop3A_689 : f32 to vector<16xf32>
        %parallel_loop3A_727 = arith.mulf %parallel_loop3A_725, %parallel_loop3A_726 : vector<16xf32>
        %parallel_loop3A_728 = arith.constant 10 : i32
        %parallel_loop3A_729 = arith.addi %parallel_loop3A_63, %parallel_loop3A_728 : i32
        %parallel_loop3A_730 = arith.index_cast %parallel_loop3A_729 : i32 to index
        %parallel_loop3A_731 = arith.constant 32 : index
        %parallel_loop3A_732 = tpu.vector_load %arg11[%parallel_loop3A_730, %parallel_loop3A_731] {strides = array<i32>} : memref<80x64xf32, #tpu.memory_space<vmem>>, vector<1x16xf32>,
        %parallel_loop3A_733 = vector.shape_cast %parallel_loop3A_732 : vector<1x16xf32> to vector<16xf32>
        %parallel_loop3A_734 = vector.shape_cast %parallel_loop3A_727 : vector<16xf32> to vector<1x16xf32>
        tpu.vector_store %arg11[%parallel_loop3A_730, %parallel_loop3A_731], %parallel_loop3A_734 {strides = array<i32>} : memref<80x64xf32, #tpu.memory_space<vmem>>, vector<1x16xf32>,
        %parallel_loop3A_735 = arith.constant 10 : i32
        %parallel_loop3A_736 = arith.addi %parallel_loop3A_63, %parallel_loop3A_735 : i32
        %parallel_loop3A_737 = arith.index_cast %parallel_loop3A_736 : i32 to index
        %parallel_loop3A_738 = arith.constant 48 : index
        %parallel_loop3A_739 = tpu.vector_load %arg11[%parallel_loop3A_737, %parallel_loop3A_738] {strides = array<i32>} : memref<80x64xf32, #tpu.memory_space<vmem>>, vector<1x16xf32>,
        %parallel_loop3A_740 = vector.shape_cast %parallel_loop3A_739 : vector<1x16xf32> to vector<16xf32>
        %parallel_loop3A_741 = vector.broadcast %parallel_loop3A_689 : f32 to vector<16xf32>
        %parallel_loop3A_742 = arith.mulf %parallel_loop3A_740, %parallel_loop3A_741 : vector<16xf32>
        %parallel_loop3A_743 = arith.constant 10 : i32
        %parallel_loop3A_744 = arith.addi %parallel_loop3A_63, %parallel_loop3A_743 : i32
        %parallel_loop3A_745 = arith.index_cast %parallel_loop3A_744 : i32 to index
        %parallel_loop3A_746 = arith.constant 48 : index
        %parallel_loop3A_747 = tpu.vector_load %arg11[%parallel_loop3A_745, %parallel_loop3A_746] {strides = array<i32>} : memref<80x64xf32, #tpu.memory_space<vmem>>, vector<1x16xf32>,
        %parallel_loop3A_748 = vector.shape_cast %parallel_loop3A_747 : vector<1x16xf32> to vector<16xf32>
        %parallel_loop3A_749 = vector.shape_cast %parallel_loop3A_742 : vector<16xf32> to vector<1x16xf32>
        tpu.vector_store %arg11[%parallel_loop3A_745, %parallel_loop3A_746], %parallel_loop3A_749 {strides = array<i32>} : memref<80x64xf32, #tpu.memory_space<vmem>>, vector<1x16xf32>,
        %parallel_loop3A_750 = vector.extract_strided_slice %parallel_loop3A_67 {offsets = [11], sizes = [1], strides = [1]} : vector<16xf32> to vector<1xf32>
        %parallel_loop3A_751 = vector.extract %parallel_loop3A_750[0] : f32 from vector<1xf32>
        %parallel_loop3A_752 = arith.constant 11 : i32
        %parallel_loop3A_753 = arith.addi %parallel_loop3A_63, %parallel_loop3A_752 : i32
        %parallel_loop3A_754 = arith.index_cast %parallel_loop3A_753 : i32 to index
        %parallel_loop3A_755 = arith.constant 0 : index
        %parallel_loop3A_756 = tpu.vector_load %arg11[%parallel_loop3A_754, %parallel_loop3A_755] {strides = array<i32>} : memref<80x64xf32, #tpu.memory_space<vmem>>, vector<1x16xf32>,
        %parallel_loop3A_757 = vector.shape_cast %parallel_loop3A_756 : vector<1x16xf32> to vector<16xf32>
        %parallel_loop3A_758 = vector.broadcast %parallel_loop3A_751 : f32 to vector<16xf32>
        %parallel_loop3A_759 = arith.mulf %parallel_loop3A_757, %parallel_loop3A_758 : vector<16xf32>
        %parallel_loop3A_760 = arith.constant 11 : i32
        %parallel_loop3A_761 = arith.addi %parallel_loop3A_63, %parallel_loop3A_760 : i32
        %parallel_loop3A_762 = arith.index_cast %parallel_loop3A_761 : i32 to index
        %parallel_loop3A_763 = arith.constant 0 : index
        %parallel_loop3A_764 = tpu.vector_load %arg11[%parallel_loop3A_762, %parallel_loop3A_763] {strides = array<i32>} : memref<80x64xf32, #tpu.memory_space<vmem>>, vector<1x16xf32>,
        %parallel_loop3A_765 = vector.shape_cast %parallel_loop3A_764 : vector<1x16xf32> to vector<16xf32>
        %parallel_loop3A_766 = vector.shape_cast %parallel_loop3A_759 : vector<16xf32> to vector<1x16xf32>
        tpu.vector_store %arg11[%parallel_loop3A_762, %parallel_loop3A_763], %parallel_loop3A_766 {strides = array<i32>} : memref<80x64xf32, #tpu.memory_space<vmem>>, vector<1x16xf32>,
        %parallel_loop3A_767 = arith.constant 11 : i32
        %parallel_loop3A_768 = arith.addi %parallel_loop3A_63, %parallel_loop3A_767 : i32
        %parallel_loop3A_769 = arith.index_cast %parallel_loop3A_768 : i32 to index
        %parallel_loop3A_770 = arith.constant 16 : index
        %parallel_loop3A_771 = tpu.vector_load %arg11[%parallel_loop3A_769, %parallel_loop3A_770] {strides = array<i32>} : memref<80x64xf32, #tpu.memory_space<vmem>>, vector<1x16xf32>,
        %parallel_loop3A_772 = vector.shape_cast %parallel_loop3A_771 : vector<1x16xf32> to vector<16xf32>
        %parallel_loop3A_773 = vector.broadcast %parallel_loop3A_751 : f32 to vector<16xf32>
        %parallel_loop3A_774 = arith.mulf %parallel_loop3A_772, %parallel_loop3A_773 : vector<16xf32>
        %parallel_loop3A_775 = arith.constant 11 : i32
        %parallel_loop3A_776 = arith.addi %parallel_loop3A_63, %parallel_loop3A_775 : i32
        %parallel_loop3A_777 = arith.index_cast %parallel_loop3A_776 : i32 to index
        %parallel_loop3A_778 = arith.constant 16 : index
        %parallel_loop3A_779 = tpu.vector_load %arg11[%parallel_loop3A_777, %parallel_loop3A_778] {strides = array<i32>} : memref<80x64xf32, #tpu.memory_space<vmem>>, vector<1x16xf32>,
        %parallel_loop3A_780 = vector.shape_cast %parallel_loop3A_779 : vector<1x16xf32> to vector<16xf32>
        %parallel_loop3A_781 = vector.shape_cast %parallel_loop3A_774 : vector<16xf32> to vector<1x16xf32>
        tpu.vector_store %arg11[%parallel_loop3A_777, %parallel_loop3A_778], %parallel_loop3A_781 {strides = array<i32>} : memref<80x64xf32, #tpu.memory_space<vmem>>, vector<1x16xf32>,
        %parallel_loop3A_782 = arith.constant 11 : i32
        %parallel_loop3A_783 = arith.addi %parallel_loop3A_63, %parallel_loop3A_782 : i32
        %parallel_loop3A_784 = arith.index_cast %parallel_loop3A_783 : i32 to index
        %parallel_loop3A_785 = arith.constant 32 : index
        %parallel_loop3A_786 = tpu.vector_load %arg11[%parallel_loop3A_784, %parallel_loop3A_785] {strides = array<i32>} : memref<80x64xf32, #tpu.memory_space<vmem>>, vector<1x16xf32>,
        %parallel_loop3A_787 = vector.shape_cast %parallel_loop3A_786 : vector<1x16xf32> to vector<16xf32>
        %parallel_loop3A_788 = vector.broadcast %parallel_loop3A_751 : f32 to vector<16xf32>
        %parallel_loop3A_789 = arith.mulf %parallel_loop3A_787, %parallel_loop3A_788 : vector<16xf32>
        %parallel_loop3A_790 = arith.constant 11 : i32
        %parallel_loop3A_791 = arith.addi %parallel_loop3A_63, %parallel_loop3A_790 : i32
        %parallel_loop3A_792 = arith.index_cast %parallel_loop3A_791 : i32 to index
        %parallel_loop3A_793 = arith.constant 32 : index
        %parallel_loop3A_794 = tpu.vector_load %arg11[%parallel_loop3A_792, %parallel_loop3A_793] {strides = array<i32>} : memref<80x64xf32, #tpu.memory_space<vmem>>, vector<1x16xf32>,
        %parallel_loop3A_795 = vector.shape_cast %parallel_loop3A_794 : vector<1x16xf32> to vector<16xf32>
        %parallel_loop3A_796 = vector.shape_cast %parallel_loop3A_789 : vector<16xf32> to vector<1x16xf32>
        tpu.vector_store %arg11[%parallel_loop3A_792, %parallel_loop3A_793], %parallel_loop3A_796 {strides = array<i32>} : memref<80x64xf32, #tpu.memory_space<vmem>>, vector<1x16xf32>,
        %parallel_loop3A_797 = arith.constant 11 : i32
        %parallel_loop3A_798 = arith.addi %parallel_loop3A_63, %parallel_loop3A_797 : i32
        %parallel_loop3A_799 = arith.index_cast %parallel_loop3A_798 : i32 to index
        %parallel_loop3A_800 = arith.constant 48 : index
        %parallel_loop3A_801 = tpu.vector_load %arg11[%parallel_loop3A_799, %parallel_loop3A_800] {strides = array<i32>} : memref<80x64xf32, #tpu.memory_space<vmem>>, vector<1x16xf32>,
        %parallel_loop3A_802 = vector.shape_cast %parallel_loop3A_801 : vector<1x16xf32> to vector<16xf32>
        %parallel_loop3A_803 = vector.broadcast %parallel_loop3A_751 : f32 to vector<16xf32>
        %parallel_loop3A_804 = arith.mulf %parallel_loop3A_802, %parallel_loop3A_803 : vector<16xf32>
        %parallel_loop3A_805 = arith.constant 11 : i32
        %parallel_loop3A_806 = arith.addi %parallel_loop3A_63, %parallel_loop3A_805 : i32
        %parallel_loop3A_807 = arith.index_cast %parallel_loop3A_806 : i32 to index
        %parallel_loop3A_808 = arith.constant 48 : index
        %parallel_loop3A_809 = tpu.vector_load %arg11[%parallel_loop3A_807, %parallel_loop3A_808] {strides = array<i32>} : memref<80x64xf32, #tpu.memory_space<vmem>>, vector<1x16xf32>,
        %parallel_loop3A_810 = vector.shape_cast %parallel_loop3A_809 : vector<1x16xf32> to vector<16xf32>
        %parallel_loop3A_811 = vector.shape_cast %parallel_loop3A_804 : vector<16xf32> to vector<1x16xf32>
        tpu.vector_store %arg11[%parallel_loop3A_807, %parallel_loop3A_808], %parallel_loop3A_811 {strides = array<i32>} : memref<80x64xf32, #tpu.memory_space<vmem>>, vector<1x16xf32>,
        %parallel_loop3A_812 = vector.extract_strided_slice %parallel_loop3A_67 {offsets = [12], sizes = [1], strides = [1]} : vector<16xf32> to vector<1xf32>
        %parallel_loop3A_813 = vector.extract %parallel_loop3A_812[0] : f32 from vector<1xf32>
        %parallel_loop3A_814 = arith.constant 12 : i32
        %parallel_loop3A_815 = arith.addi %parallel_loop3A_63, %parallel_loop3A_814 : i32
        %parallel_loop3A_816 = arith.index_cast %parallel_loop3A_815 : i32 to index
        %parallel_loop3A_817 = arith.constant 0 : index
        %parallel_loop3A_818 = tpu.vector_load %arg11[%parallel_loop3A_816, %parallel_loop3A_817] {strides = array<i32>} : memref<80x64xf32, #tpu.memory_space<vmem>>, vector<1x16xf32>,
        %parallel_loop3A_819 = vector.shape_cast %parallel_loop3A_818 : vector<1x16xf32> to vector<16xf32>
        %parallel_loop3A_820 = vector.broadcast %parallel_loop3A_813 : f32 to vector<16xf32>
        %parallel_loop3A_821 = arith.mulf %parallel_loop3A_819, %parallel_loop3A_820 : vector<16xf32>
        %parallel_loop3A_822 = arith.constant 12 : i32
        %parallel_loop3A_823 = arith.addi %parallel_loop3A_63, %parallel_loop3A_822 : i32
        %parallel_loop3A_824 = arith.index_cast %parallel_loop3A_823 : i32 to index
        %parallel_loop3A_825 = arith.constant 0 : index
        %parallel_loop3A_826 = tpu.vector_load %arg11[%parallel_loop3A_824, %parallel_loop3A_825] {strides = array<i32>} : memref<80x64xf32, #tpu.memory_space<vmem>>, vector<1x16xf32>,
        %parallel_loop3A_827 = vector.shape_cast %parallel_loop3A_826 : vector<1x16xf32> to vector<16xf32>
        %parallel_loop3A_828 = vector.shape_cast %parallel_loop3A_821 : vector<16xf32> to vector<1x16xf32>
        tpu.vector_store %arg11[%parallel_loop3A_824, %parallel_loop3A_825], %parallel_loop3A_828 {strides = array<i32>} : memref<80x64xf32, #tpu.memory_space<vmem>>, vector<1x16xf32>,
        %parallel_loop3A_829 = arith.constant 12 : i32
        %parallel_loop3A_830 = arith.addi %parallel_loop3A_63, %parallel_loop3A_829 : i32
        %parallel_loop3A_831 = arith.index_cast %parallel_loop3A_830 : i32 to index
        %parallel_loop3A_832 = arith.constant 16 : index
        %parallel_loop3A_833 = tpu.vector_load %arg11[%parallel_loop3A_831, %parallel_loop3A_832] {strides = array<i32>} : memref<80x64xf32, #tpu.memory_space<vmem>>, vector<1x16xf32>,
        %parallel_loop3A_834 = vector.shape_cast %parallel_loop3A_833 : vector<1x16xf32> to vector<16xf32>
        %parallel_loop3A_835 = vector.broadcast %parallel_loop3A_813 : f32 to vector<16xf32>
        %parallel_loop3A_836 = arith.mulf %parallel_loop3A_834, %parallel_loop3A_835 : vector<16xf32>
        %parallel_loop3A_837 = arith.constant 12 : i32
        %parallel_loop3A_838 = arith.addi %parallel_loop3A_63, %parallel_loop3A_837 : i32
        %parallel_loop3A_839 = arith.index_cast %parallel_loop3A_838 : i32 to index
        %parallel_loop3A_840 = arith.constant 16 : index
        %parallel_loop3A_841 = tpu.vector_load %arg11[%parallel_loop3A_839, %parallel_loop3A_840] {strides = array<i32>} : memref<80x64xf32, #tpu.memory_space<vmem>>, vector<1x16xf32>,
        %parallel_loop3A_842 = vector.shape_cast %parallel_loop3A_841 : vector<1x16xf32> to vector<16xf32>
        %parallel_loop3A_843 = vector.shape_cast %parallel_loop3A_836 : vector<16xf32> to vector<1x16xf32>
        tpu.vector_store %arg11[%parallel_loop3A_839, %parallel_loop3A_840], %parallel_loop3A_843 {strides = array<i32>} : memref<80x64xf32, #tpu.memory_space<vmem>>, vector<1x16xf32>,
        %parallel_loop3A_844 = arith.constant 12 : i32
        %parallel_loop3A_845 = arith.addi %parallel_loop3A_63, %parallel_loop3A_844 : i32
        %parallel_loop3A_846 = arith.index_cast %parallel_loop3A_845 : i32 to index
        %parallel_loop3A_847 = arith.constant 32 : index
        %parallel_loop3A_848 = tpu.vector_load %arg11[%parallel_loop3A_846, %parallel_loop3A_847] {strides = array<i32>} : memref<80x64xf32, #tpu.memory_space<vmem>>, vector<1x16xf32>,
        %parallel_loop3A_849 = vector.shape_cast %parallel_loop3A_848 : vector<1x16xf32> to vector<16xf32>
        %parallel_loop3A_850 = vector.broadcast %parallel_loop3A_813 : f32 to vector<16xf32>
        %parallel_loop3A_851 = arith.mulf %parallel_loop3A_849, %parallel_loop3A_850 : vector<16xf32>
        %parallel_loop3A_852 = arith.constant 12 : i32
        %parallel_loop3A_853 = arith.addi %parallel_loop3A_63, %parallel_loop3A_852 : i32
        %parallel_loop3A_854 = arith.index_cast %parallel_loop3A_853 : i32 to index
        %parallel_loop3A_855 = arith.constant 32 : index
        %parallel_loop3A_856 = tpu.vector_load %arg11[%parallel_loop3A_854, %parallel_loop3A_855] {strides = array<i32>} : memref<80x64xf32, #tpu.memory_space<vmem>>, vector<1x16xf32>,
        %parallel_loop3A_857 = vector.shape_cast %parallel_loop3A_856 : vector<1x16xf32> to vector<16xf32>
        %parallel_loop3A_858 = vector.shape_cast %parallel_loop3A_851 : vector<16xf32> to vector<1x16xf32>
        tpu.vector_store %arg11[%parallel_loop3A_854, %parallel_loop3A_855], %parallel_loop3A_858 {strides = array<i32>} : memref<80x64xf32, #tpu.memory_space<vmem>>, vector<1x16xf32>,
        %parallel_loop3A_859 = arith.constant 12 : i32
        %parallel_loop3A_860 = arith.addi %parallel_loop3A_63, %parallel_loop3A_859 : i32
        %parallel_loop3A_861 = arith.index_cast %parallel_loop3A_860 : i32 to index
        %parallel_loop3A_862 = arith.constant 48 : index
        %parallel_loop3A_863 = tpu.vector_load %arg11[%parallel_loop3A_861, %parallel_loop3A_862] {strides = array<i32>} : memref<80x64xf32, #tpu.memory_space<vmem>>, vector<1x16xf32>,
        %parallel_loop3A_864 = vector.shape_cast %parallel_loop3A_863 : vector<1x16xf32> to vector<16xf32>
        %parallel_loop3A_865 = vector.broadcast %parallel_loop3A_813 : f32 to vector<16xf32>
        %parallel_loop3A_866 = arith.mulf %parallel_loop3A_864, %parallel_loop3A_865 : vector<16xf32>
        %parallel_loop3A_867 = arith.constant 12 : i32
        %parallel_loop3A_868 = arith.addi %parallel_loop3A_63, %parallel_loop3A_867 : i32
        %parallel_loop3A_869 = arith.index_cast %parallel_loop3A_868 : i32 to index
        %parallel_loop3A_870 = arith.constant 48 : index
        %parallel_loop3A_871 = tpu.vector_load %arg11[%parallel_loop3A_869, %parallel_loop3A_870] {strides = array<i32>} : memref<80x64xf32, #tpu.memory_space<vmem>>, vector<1x16xf32>,
        %parallel_loop3A_872 = vector.shape_cast %parallel_loop3A_871 : vector<1x16xf32> to vector<16xf32>
        %parallel_loop3A_873 = vector.shape_cast %parallel_loop3A_866 : vector<16xf32> to vector<1x16xf32>
        tpu.vector_store %arg11[%parallel_loop3A_869, %parallel_loop3A_870], %parallel_loop3A_873 {strides = array<i32>} : memref<80x64xf32, #tpu.memory_space<vmem>>, vector<1x16xf32>,
        %parallel_loop3A_874 = vector.extract_strided_slice %parallel_loop3A_67 {offsets = [13], sizes = [1], strides = [1]} : vector<16xf32> to vector<1xf32>
        %parallel_loop3A_875 = vector.extract %parallel_loop3A_874[0] : f32 from vector<1xf32>
        %parallel_loop3A_876 = arith.constant 13 : i32
        %parallel_loop3A_877 = arith.addi %parallel_loop3A_63, %parallel_loop3A_876 : i32
        %parallel_loop3A_878 = arith.index_cast %parallel_loop3A_877 : i32 to index
        %parallel_loop3A_879 = arith.constant 0 : index
        %parallel_loop3A_880 = tpu.vector_load %arg11[%parallel_loop3A_878, %parallel_loop3A_879] {strides = array<i32>} : memref<80x64xf32, #tpu.memory_space<vmem>>, vector<1x16xf32>,
        %parallel_loop3A_881 = vector.shape_cast %parallel_loop3A_880 : vector<1x16xf32> to vector<16xf32>
        %parallel_loop3A_882 = vector.broadcast %parallel_loop3A_875 : f32 to vector<16xf32>
        %parallel_loop3A_883 = arith.mulf %parallel_loop3A_881, %parallel_loop3A_882 : vector<16xf32>
        %parallel_loop3A_884 = arith.constant 13 : i32
        %parallel_loop3A_885 = arith.addi %parallel_loop3A_63, %parallel_loop3A_884 : i32
        %parallel_loop3A_886 = arith.index_cast %parallel_loop3A_885 : i32 to index
        %parallel_loop3A_887 = arith.constant 0 : index
        %parallel_loop3A_888 = tpu.vector_load %arg11[%parallel_loop3A_886, %parallel_loop3A_887] {strides = array<i32>} : memref<80x64xf32, #tpu.memory_space<vmem>>, vector<1x16xf32>,
        %parallel_loop3A_889 = vector.shape_cast %parallel_loop3A_888 : vector<1x16xf32> to vector<16xf32>
        %parallel_loop3A_890 = vector.shape_cast %parallel_loop3A_883 : vector<16xf32> to vector<1x16xf32>
        tpu.vector_store %arg11[%parallel_loop3A_886, %parallel_loop3A_887], %parallel_loop3A_890 {strides = array<i32>} : memref<80x64xf32, #tpu.memory_space<vmem>>, vector<1x16xf32>,
        %parallel_loop3A_891 = arith.constant 13 : i32
        %parallel_loop3A_892 = arith.addi %parallel_loop3A_63, %parallel_loop3A_891 : i32
        %parallel_loop3A_893 = arith.index_cast %parallel_loop3A_892 : i32 to index
        %parallel_loop3A_894 = arith.constant 16 : index
        %parallel_loop3A_895 = tpu.vector_load %arg11[%parallel_loop3A_893, %parallel_loop3A_894] {strides = array<i32>} : memref<80x64xf32, #tpu.memory_space<vmem>>, vector<1x16xf32>,
        %parallel_loop3A_896 = vector.shape_cast %parallel_loop3A_895 : vector<1x16xf32> to vector<16xf32>
        %parallel_loop3A_897 = vector.broadcast %parallel_loop3A_875 : f32 to vector<16xf32>
        %parallel_loop3A_898 = arith.mulf %parallel_loop3A_896, %parallel_loop3A_897 : vector<16xf32>
        %parallel_loop3A_899 = arith.constant 13 : i32
        %parallel_loop3A_900 = arith.addi %parallel_loop3A_63, %parallel_loop3A_899 : i32
        %parallel_loop3A_901 = arith.index_cast %parallel_loop3A_900 : i32 to index
        %parallel_loop3A_902 = arith.constant 16 : index
        %parallel_loop3A_903 = tpu.vector_load %arg11[%parallel_loop3A_901, %parallel_loop3A_902] {strides = array<i32>} : memref<80x64xf32, #tpu.memory_space<vmem>>, vector<1x16xf32>,
        %parallel_loop3A_904 = vector.shape_cast %parallel_loop3A_903 : vector<1x16xf32> to vector<16xf32>
        %parallel_loop3A_905 = vector.shape_cast %parallel_loop3A_898 : vector<16xf32> to vector<1x16xf32>
        tpu.vector_store %arg11[%parallel_loop3A_901, %parallel_loop3A_902], %parallel_loop3A_905 {strides = array<i32>} : memref<80x64xf32, #tpu.memory_space<vmem>>, vector<1x16xf32>,
        %parallel_loop3A_906 = arith.constant 13 : i32
        %parallel_loop3A_907 = arith.addi %parallel_loop3A_63, %parallel_loop3A_906 : i32
        %parallel_loop3A_908 = arith.index_cast %parallel_loop3A_907 : i32 to index
        %parallel_loop3A_909 = arith.constant 32 : index
        %parallel_loop3A_910 = tpu.vector_load %arg11[%parallel_loop3A_908, %parallel_loop3A_909] {strides = array<i32>} : memref<80x64xf32, #tpu.memory_space<vmem>>, vector<1x16xf32>,
        %parallel_loop3A_911 = vector.shape_cast %parallel_loop3A_910 : vector<1x16xf32> to vector<16xf32>
        %parallel_loop3A_912 = vector.broadcast %parallel_loop3A_875 : f32 to vector<16xf32>
        %parallel_loop3A_913 = arith.mulf %parallel_loop3A_911, %parallel_loop3A_912 : vector<16xf32>
        %parallel_loop3A_914 = arith.constant 13 : i32
        %parallel_loop3A_915 = arith.addi %parallel_loop3A_63, %parallel_loop3A_914 : i32
        %parallel_loop3A_916 = arith.index_cast %parallel_loop3A_915 : i32 to index
        %parallel_loop3A_917 = arith.constant 32 : index
        %parallel_loop3A_918 = tpu.vector_load %arg11[%parallel_loop3A_916, %parallel_loop3A_917] {strides = array<i32>} : memref<80x64xf32, #tpu.memory_space<vmem>>, vector<1x16xf32>,
        %parallel_loop3A_919 = vector.shape_cast %parallel_loop3A_918 : vector<1x16xf32> to vector<16xf32>
        %parallel_loop3A_920 = vector.shape_cast %parallel_loop3A_913 : vector<16xf32> to vector<1x16xf32>
        tpu.vector_store %arg11[%parallel_loop3A_916, %parallel_loop3A_917], %parallel_loop3A_920 {strides = array<i32>} : memref<80x64xf32, #tpu.memory_space<vmem>>, vector<1x16xf32>,
        %parallel_loop3A_921 = arith.constant 13 : i32
        %parallel_loop3A_922 = arith.addi %parallel_loop3A_63, %parallel_loop3A_921 : i32
        %parallel_loop3A_923 = arith.index_cast %parallel_loop3A_922 : i32 to index
        %parallel_loop3A_924 = arith.constant 48 : index
        %parallel_loop3A_925 = tpu.vector_load %arg11[%parallel_loop3A_923, %parallel_loop3A_924] {strides = array<i32>} : memref<80x64xf32, #tpu.memory_space<vmem>>, vector<1x16xf32>,
        %parallel_loop3A_926 = vector.shape_cast %parallel_loop3A_925 : vector<1x16xf32> to vector<16xf32>
        %parallel_loop3A_927 = vector.broadcast %parallel_loop3A_875 : f32 to vector<16xf32>
        %parallel_loop3A_928 = arith.mulf %parallel_loop3A_926, %parallel_loop3A_927 : vector<16xf32>
        %parallel_loop3A_929 = arith.constant 13 : i32
        %parallel_loop3A_930 = arith.addi %parallel_loop3A_63, %parallel_loop3A_929 : i32
        %parallel_loop3A_931 = arith.index_cast %parallel_loop3A_930 : i32 to index
        %parallel_loop3A_932 = arith.constant 48 : index
        %parallel_loop3A_933 = tpu.vector_load %arg11[%parallel_loop3A_931, %parallel_loop3A_932] {strides = array<i32>} : memref<80x64xf32, #tpu.memory_space<vmem>>, vector<1x16xf32>,
        %parallel_loop3A_934 = vector.shape_cast %parallel_loop3A_933 : vector<1x16xf32> to vector<16xf32>
        %parallel_loop3A_935 = vector.shape_cast %parallel_loop3A_928 : vector<16xf32> to vector<1x16xf32>
        tpu.vector_store %arg11[%parallel_loop3A_931, %parallel_loop3A_932], %parallel_loop3A_935 {strides = array<i32>} : memref<80x64xf32, #tpu.memory_space<vmem>>, vector<1x16xf32>,
        %parallel_loop3A_936 = vector.extract_strided_slice %parallel_loop3A_67 {offsets = [14], sizes = [1], strides = [1]} : vector<16xf32> to vector<1xf32>
        %parallel_loop3A_937 = vector.extract %parallel_loop3A_936[0] : f32 from vector<1xf32>
        %parallel_loop3A_938 = arith.constant 14 : i32
        %parallel_loop3A_939 = arith.addi %parallel_loop3A_63, %parallel_loop3A_938 : i32
        %parallel_loop3A_940 = arith.index_cast %parallel_loop3A_939 : i32 to index
        %parallel_loop3A_941 = arith.constant 0 : index
        %parallel_loop3A_942 = tpu.vector_load %arg11[%parallel_loop3A_940, %parallel_loop3A_941] {strides = array<i32>} : memref<80x64xf32, #tpu.memory_space<vmem>>, vector<1x16xf32>,
        %parallel_loop3A_943 = vector.shape_cast %parallel_loop3A_942 : vector<1x16xf32> to vector<16xf32>
        %parallel_loop3A_944 = vector.broadcast %parallel_loop3A_937 : f32 to vector<16xf32>
        %parallel_loop3A_945 = arith.mulf %parallel_loop3A_943, %parallel_loop3A_944 : vector<16xf32>
        %parallel_loop3A_946 = arith.constant 14 : i32
        %parallel_loop3A_947 = arith.addi %parallel_loop3A_63, %parallel_loop3A_946 : i32
        %parallel_loop3A_948 = arith.index_cast %parallel_loop3A_947 : i32 to index
        %parallel_loop3A_949 = arith.constant 0 : index
        %parallel_loop3A_950 = tpu.vector_load %arg11[%parallel_loop3A_948, %parallel_loop3A_949] {strides = array<i32>} : memref<80x64xf32, #tpu.memory_space<vmem>>, vector<1x16xf32>,
        %parallel_loop3A_951 = vector.shape_cast %parallel_loop3A_950 : vector<1x16xf32> to vector<16xf32>
        %parallel_loop3A_952 = vector.shape_cast %parallel_loop3A_945 : vector<16xf32> to vector<1x16xf32>
        tpu.vector_store %arg11[%parallel_loop3A_948, %parallel_loop3A_949], %parallel_loop3A_952 {strides = array<i32>} : memref<80x64xf32, #tpu.memory_space<vmem>>, vector<1x16xf32>,
        %parallel_loop3A_953 = arith.constant 14 : i32
        %parallel_loop3A_954 = arith.addi %parallel_loop3A_63, %parallel_loop3A_953 : i32
        %parallel_loop3A_955 = arith.index_cast %parallel_loop3A_954 : i32 to index
        %parallel_loop3A_956 = arith.constant 16 : index
        %parallel_loop3A_957 = tpu.vector_load %arg11[%parallel_loop3A_955, %parallel_loop3A_956] {strides = array<i32>} : memref<80x64xf32, #tpu.memory_space<vmem>>, vector<1x16xf32>,
        %parallel_loop3A_958 = vector.shape_cast %parallel_loop3A_957 : vector<1x16xf32> to vector<16xf32>
        %parallel_loop3A_959 = vector.broadcast %parallel_loop3A_937 : f32 to vector<16xf32>
        %parallel_loop3A_960 = arith.mulf %parallel_loop3A_958, %parallel_loop3A_959 : vector<16xf32>
        %parallel_loop3A_961 = arith.constant 14 : i32
        %parallel_loop3A_962 = arith.addi %parallel_loop3A_63, %parallel_loop3A_961 : i32
        %parallel_loop3A_963 = arith.index_cast %parallel_loop3A_962 : i32 to index
        %parallel_loop3A_964 = arith.constant 16 : index
        %parallel_loop3A_965 = tpu.vector_load %arg11[%parallel_loop3A_963, %parallel_loop3A_964] {strides = array<i32>} : memref<80x64xf32, #tpu.memory_space<vmem>>, vector<1x16xf32>,
        %parallel_loop3A_966 = vector.shape_cast %parallel_loop3A_965 : vector<1x16xf32> to vector<16xf32>
        %parallel_loop3A_967 = vector.shape_cast %parallel_loop3A_960 : vector<16xf32> to vector<1x16xf32>
        tpu.vector_store %arg11[%parallel_loop3A_963, %parallel_loop3A_964], %parallel_loop3A_967 {strides = array<i32>} : memref<80x64xf32, #tpu.memory_space<vmem>>, vector<1x16xf32>,
        %parallel_loop3A_968 = arith.constant 14 : i32
        %parallel_loop3A_969 = arith.addi %parallel_loop3A_63, %parallel_loop3A_968 : i32
        %parallel_loop3A_970 = arith.index_cast %parallel_loop3A_969 : i32 to index
        %parallel_loop3A_971 = arith.constant 32 : index
        %parallel_loop3A_972 = tpu.vector_load %arg11[%parallel_loop3A_970, %parallel_loop3A_971] {strides = array<i32>} : memref<80x64xf32, #tpu.memory_space<vmem>>, vector<1x16xf32>,
        %parallel_loop3A_973 = vector.shape_cast %parallel_loop3A_972 : vector<1x16xf32> to vector<16xf32>
        %parallel_loop3A_974 = vector.broadcast %parallel_loop3A_937 : f32 to vector<16xf32>
        %parallel_loop3A_975 = arith.mulf %parallel_loop3A_973, %parallel_loop3A_974 : vector<16xf32>
        %parallel_loop3A_976 = arith.constant 14 : i32
        %parallel_loop3A_977 = arith.addi %parallel_loop3A_63, %parallel_loop3A_976 : i32
        %parallel_loop3A_978 = arith.index_cast %parallel_loop3A_977 : i32 to index
        %parallel_loop3A_979 = arith.constant 32 : index
        %parallel_loop3A_980 = tpu.vector_load %arg11[%parallel_loop3A_978, %parallel_loop3A_979] {strides = array<i32>} : memref<80x64xf32, #tpu.memory_space<vmem>>, vector<1x16xf32>,
        %parallel_loop3A_981 = vector.shape_cast %parallel_loop3A_980 : vector<1x16xf32> to vector<16xf32>
        %parallel_loop3A_982 = vector.shape_cast %parallel_loop3A_975 : vector<16xf32> to vector<1x16xf32>
        tpu.vector_store %arg11[%parallel_loop3A_978, %parallel_loop3A_979], %parallel_loop3A_982 {strides = array<i32>} : memref<80x64xf32, #tpu.memory_space<vmem>>, vector<1x16xf32>,
        %parallel_loop3A_983 = arith.constant 14 : i32
        %parallel_loop3A_984 = arith.addi %parallel_loop3A_63, %parallel_loop3A_983 : i32
        %parallel_loop3A_985 = arith.index_cast %parallel_loop3A_984 : i32 to index
        %parallel_loop3A_986 = arith.constant 48 : index
        %parallel_loop3A_987 = tpu.vector_load %arg11[%parallel_loop3A_985, %parallel_loop3A_986] {strides = array<i32>} : memref<80x64xf32, #tpu.memory_space<vmem>>, vector<1x16xf32>,
        %parallel_loop3A_988 = vector.shape_cast %parallel_loop3A_987 : vector<1x16xf32> to vector<16xf32>
        %parallel_loop3A_989 = vector.broadcast %parallel_loop3A_937 : f32 to vector<16xf32>
        %parallel_loop3A_990 = arith.mulf %parallel_loop3A_988, %parallel_loop3A_989 : vector<16xf32>
        %parallel_loop3A_991 = arith.constant 14 : i32
        %parallel_loop3A_992 = arith.addi %parallel_loop3A_63, %parallel_loop3A_991 : i32
        %parallel_loop3A_993 = arith.index_cast %parallel_loop3A_992 : i32 to index
        %parallel_loop3A_994 = arith.constant 48 : index
        %parallel_loop3A_995 = tpu.vector_load %arg11[%parallel_loop3A_993, %parallel_loop3A_994] {strides = array<i32>} : memref<80x64xf32, #tpu.memory_space<vmem>>, vector<1x16xf32>,
        %parallel_loop3A_996 = vector.shape_cast %parallel_loop3A_995 : vector<1x16xf32> to vector<16xf32>
        %parallel_loop3A_997 = vector.shape_cast %parallel_loop3A_990 : vector<16xf32> to vector<1x16xf32>
        tpu.vector_store %arg11[%parallel_loop3A_993, %parallel_loop3A_994], %parallel_loop3A_997 {strides = array<i32>} : memref<80x64xf32, #tpu.memory_space<vmem>>, vector<1x16xf32>,
        %parallel_loop3A_998 = vector.extract_strided_slice %parallel_loop3A_67 {offsets = [15], sizes = [1], strides = [1]} : vector<16xf32> to vector<1xf32>
        %parallel_loop3A_999 = vector.extract %parallel_loop3A_998[0] : f32 from vector<1xf32>
        %parallel_loop3A_1000 = arith.constant 15 : i32
        %parallel_loop3A_1001 = arith.addi %parallel_loop3A_63, %parallel_loop3A_1000 : i32
        %parallel_loop3A_1002 = arith.index_cast %parallel_loop3A_1001 : i32 to index
        %parallel_loop3A_1003 = arith.constant 0 : index
        %parallel_loop3A_1004 = tpu.vector_load %arg11[%parallel_loop3A_1002, %parallel_loop3A_1003] {strides = array<i32>} : memref<80x64xf32, #tpu.memory_space<vmem>>, vector<1x16xf32>,
        %parallel_loop3A_1005 = vector.shape_cast %parallel_loop3A_1004 : vector<1x16xf32> to vector<16xf32>
        %parallel_loop3A_1006 = vector.broadcast %parallel_loop3A_999 : f32 to vector<16xf32>
        %parallel_loop3A_1007 = arith.mulf %parallel_loop3A_1005, %parallel_loop3A_1006 : vector<16xf32>
        %parallel_loop3A_1008 = arith.constant 15 : i32
        %parallel_loop3A_1009 = arith.addi %parallel_loop3A_63, %parallel_loop3A_1008 : i32
        %parallel_loop3A_1010 = arith.index_cast %parallel_loop3A_1009 : i32 to index
        %parallel_loop3A_1011 = arith.constant 0 : index
        %parallel_loop3A_1012 = tpu.vector_load %arg11[%parallel_loop3A_1010, %parallel_loop3A_1011] {strides = array<i32>} : memref<80x64xf32, #tpu.memory_space<vmem>>, vector<1x16xf32>,
        %parallel_loop3A_1013 = vector.shape_cast %parallel_loop3A_1012 : vector<1x16xf32> to vector<16xf32>
        %parallel_loop3A_1014 = vector.shape_cast %parallel_loop3A_1007 : vector<16xf32> to vector<1x16xf32>
        tpu.vector_store %arg11[%parallel_loop3A_1010, %parallel_loop3A_1011], %parallel_loop3A_1014 {strides = array<i32>} : memref<80x64xf32, #tpu.memory_space<vmem>>, vector<1x16xf32>,
        %parallel_loop3A_1015 = arith.constant 15 : i32
        %parallel_loop3A_1016 = arith.addi %parallel_loop3A_63, %parallel_loop3A_1015 : i32
        %parallel_loop3A_1017 = arith.index_cast %parallel_loop3A_1016 : i32 to index
        %parallel_loop3A_1018 = arith.constant 16 : index
        %parallel_loop3A_1019 = tpu.vector_load %arg11[%parallel_loop3A_1017, %parallel_loop3A_1018] {strides = array<i32>} : memref<80x64xf32, #tpu.memory_space<vmem>>, vector<1x16xf32>,
        %parallel_loop3A_1020 = vector.shape_cast %parallel_loop3A_1019 : vector<1x16xf32> to vector<16xf32>
        %parallel_loop3A_1021 = vector.broadcast %parallel_loop3A_999 : f32 to vector<16xf32>
        %parallel_loop3A_1022 = arith.mulf %parallel_loop3A_1020, %parallel_loop3A_1021 : vector<16xf32>
        %parallel_loop3A_1023 = arith.constant 15 : i32
        %parallel_loop3A_1024 = arith.addi %parallel_loop3A_63, %parallel_loop3A_1023 : i32
        %parallel_loop3A_1025 = arith.index_cast %parallel_loop3A_1024 : i32 to index
        %parallel_loop3A_1026 = arith.constant 16 : index
        %parallel_loop3A_1027 = tpu.vector_load %arg11[%parallel_loop3A_1025, %parallel_loop3A_1026] {strides = array<i32>} : memref<80x64xf32, #tpu.memory_space<vmem>>, vector<1x16xf32>,
        %parallel_loop3A_1028 = vector.shape_cast %parallel_loop3A_1027 : vector<1x16xf32> to vector<16xf32>
        %parallel_loop3A_1029 = vector.shape_cast %parallel_loop3A_1022 : vector<16xf32> to vector<1x16xf32>
        tpu.vector_store %arg11[%parallel_loop3A_1025, %parallel_loop3A_1026], %parallel_loop3A_1029 {strides = array<i32>} : memref<80x64xf32, #tpu.memory_space<vmem>>, vector<1x16xf32>,
        %parallel_loop3A_1030 = arith.constant 15 : i32
        %parallel_loop3A_1031 = arith.addi %parallel_loop3A_63, %parallel_loop3A_1030 : i32
        %parallel_loop3A_1032 = arith.index_cast %parallel_loop3A_1031 : i32 to index
        %parallel_loop3A_1033 = arith.constant 32 : index
        %parallel_loop3A_1034 = tpu.vector_load %arg11[%parallel_loop3A_1032, %parallel_loop3A_1033] {strides = array<i32>} : memref<80x64xf32, #tpu.memory_space<vmem>>, vector<1x16xf32>,
        %parallel_loop3A_1035 = vector.shape_cast %parallel_loop3A_1034 : vector<1x16xf32> to vector<16xf32>
        %parallel_loop3A_1036 = vector.broadcast %parallel_loop3A_999 : f32 to vector<16xf32>
        %parallel_loop3A_1037 = arith.mulf %parallel_loop3A_1035, %parallel_loop3A_1036 : vector<16xf32>
        %parallel_loop3A_1038 = arith.constant 15 : i32
        %parallel_loop3A_1039 = arith.addi %parallel_loop3A_63, %parallel_loop3A_1038 : i32
        %parallel_loop3A_1040 = arith.index_cast %parallel_loop3A_1039 : i32 to index
        %parallel_loop3A_1041 = arith.constant 32 : index
        %parallel_loop3A_1042 = tpu.vector_load %arg11[%parallel_loop3A_1040, %parallel_loop3A_1041] {strides = array<i32>} : memref<80x64xf32, #tpu.memory_space<vmem>>, vector<1x16xf32>,
        %parallel_loop3A_1043 = vector.shape_cast %parallel_loop3A_1042 : vector<1x16xf32> to vector<16xf32>
        %parallel_loop3A_1044 = vector.shape_cast %parallel_loop3A_1037 : vector<16xf32> to vector<1x16xf32>
        tpu.vector_store %arg11[%parallel_loop3A_1040, %parallel_loop3A_1041], %parallel_loop3A_1044 {strides = array<i32>} : memref<80x64xf32, #tpu.memory_space<vmem>>, vector<1x16xf32>,
        %parallel_loop3A_1045 = arith.constant 15 : i32
        %parallel_loop3A_1046 = arith.addi %parallel_loop3A_63, %parallel_loop3A_1045 : i32
        %parallel_loop3A_1047 = arith.index_cast %parallel_loop3A_1046 : i32 to index
        %parallel_loop3A_1048 = arith.constant 48 : index
        %parallel_loop3A_1049 = tpu.vector_load %arg11[%parallel_loop3A_1047, %parallel_loop3A_1048] {strides = array<i32>} : memref<80x64xf32, #tpu.memory_space<vmem>>, vector<1x16xf32>,
        %parallel_loop3A_1050 = vector.shape_cast %parallel_loop3A_1049 : vector<1x16xf32> to vector<16xf32>
        %parallel_loop3A_1051 = vector.broadcast %parallel_loop3A_999 : f32 to vector<16xf32>
        %parallel_loop3A_1052 = arith.mulf %parallel_loop3A_1050, %parallel_loop3A_1051 : vector<16xf32>
        %parallel_loop3A_1053 = arith.constant 15 : i32
        %parallel_loop3A_1054 = arith.addi %parallel_loop3A_63, %parallel_loop3A_1053 : i32
        %parallel_loop3A_1055 = arith.index_cast %parallel_loop3A_1054 : i32 to index
        %parallel_loop3A_1056 = arith.constant 48 : index
        %parallel_loop3A_1057 = tpu.vector_load %arg11[%parallel_loop3A_1055, %parallel_loop3A_1056] {strides = array<i32>} : memref<80x64xf32, #tpu.memory_space<vmem>>, vector<1x16xf32>,
        %parallel_loop3A_1058 = vector.shape_cast %parallel_loop3A_1057 : vector<1x16xf32> to vector<16xf32>
        %parallel_loop3A_1059 = vector.shape_cast %parallel_loop3A_1052 : vector<16xf32> to vector<1x16xf32>
        tpu.vector_store %arg11[%parallel_loop3A_1055, %parallel_loop3A_1056], %parallel_loop3A_1059 {strides = array<i32>} : memref<80x64xf32, #tpu.memory_space<vmem>>, vector<1x16xf32>,
      } {sc.loop_unroll_factor = 1 : i64, sc.parallel_access}
      "tpu.region"() ({
        %run_scoped3A = tpu.sem_alloc : memref<!tpu.dma_semaphore, #tpu.memory_space<semaphore_mem>>
        %dma_start3A_63 = arith.constant 0 : i32
        %dma_start3A_64 = tpu.memref_slice %arg8[%add3A_36, %dma_start3A_63] : memref<250x80xi32, #tpu.memory_space<vmem>> -> memref<1x80xi32, #tpu.memory_space<vmem>>
        %dma_start3A_65 = tpu.memref_squeeze %dma_start3A_64 : memref<1x80xi32, #tpu.memory_space<vmem>> -> memref<80xi32, #tpu.memory_space<vmem>>
        %dma_start3A_66 = arith.constant 0 : i32
        %dma_start3A_67 = arith.constant 0 : i32
        %dma_start3A_68 = tpu.memref_slice %arg13[%dma_start3A_66, %dma_start3A_67] : memref<10000x64xf32, #tpu.memory_space<vmem_shared>> -> memref<10000x64xf32, #tpu.memory_space<vmem_shared>>
        tpu.enqueue_indirect_dma source(%arg11 : memref<80x64xf32, #tpu.memory_space<vmem>>) target(%dma_start3A_68 : memref<10000x64xf32, #tpu.memory_space<vmem_shared>>) offsets(%dma_start3A_65 : memref<80xi32, #tpu.memory_space<vmem>>) semaphore(%run_scoped3A : memref<!tpu.dma_semaphore, #tpu.memory_space<semaphore_mem>>) {add = true}
        %dma_wait3A_69 = arith.constant 0 : i32
        %dma_wait3A_70 = tpu.memref_slice %arg8[%add3A_36, %dma_wait3A_69] : memref<250x80xi32, #tpu.memory_space<vmem>> -> memref<1x80xi32, #tpu.memory_space<vmem>>
        %dma_wait3A_71 = tpu.memref_squeeze %dma_wait3A_70 : memref<1x80xi32, #tpu.memory_space<vmem>> -> memref<80xi32, #tpu.memory_space<vmem>>
        %dma_wait3A_72 = arith.constant 0 : i32
        %dma_wait3A_73 = arith.constant 0 : i32
        %dma_wait3A_74 = tpu.memref_slice %arg13[%dma_wait3A_72, %dma_wait3A_73] : memref<10000x64xf32, #tpu.memory_space<vmem_shared>> -> memref<10000x64xf32, #tpu.memory_space<vmem_shared>>
        tpu.wait_indirect_dma semaphore(%run_scoped3A : memref<!tpu.dma_semaphore, #tpu.memory_space<semaphore_mem>>) src(%arg11 : memref<80x64xf32, #tpu.memory_space<vmem>>) dst(%dma_wait3A_74 : memref<10000x64xf32, #tpu.memory_space<vmem_shared>>)
        tpu.yield
      }) : () -> ()
    }
    %scan3A_24 = arith.constant 125 : i32
    %barrier3A_25 = arith.constant 0 : index
    tpu.barrier barrier_id(%barrier3A_25)
    %scan3A_26 = arith.constant 0 : i32
    %scan3A_27 = arith.constant 0 : i32
    %scan3A_28 = arith.constant 8 : i32
    %scan3A_29 = arith.addi %scan3A_27, %scan3A_28 : i32
    %scan3A_30 = arith.constant 1 : i32
    scf.for %scan3A_32 = %scan3A_27 to %scan3A_29 step %scan3A_30  : i32 {
      %mul3A_33 = arith.constant 16 : i32
      %mul3A_34 = arith.muli %scan3A_32, %mul3A_33 : i32
      %add3A_35 = arith.addi %mul3A_34, %arg1 : i32
      %lt3A = arith.constant 125 : i32
      %lt3A_36 = arith.cmpi slt, %add3A_35, %lt3A : i32
      %convert_element_type3A = arith.extui %lt3A_36 : i1 to i32
      %cond3A = arith.constant 0 : i32
      %cond3A_37 = arith.cmpi ne, %convert_element_type3A, %cond3A : i32
      scf.if %cond3A_37 {
        %mul3A_38 = arith.constant 80 : i32
        %mul3A_39 = arith.muli %add3A_35, %mul3A_38 : i32
        %mul3A_40 = arith.constant 10000 : i32
        %mul3A_41 = arith.muli %arg0, %mul3A_40 : i32
        %add3A_42 = arith.addi %mul3A_41, %mul3A_39 : i32
        "tpu.region"() ({
          %run_scoped3A = tpu.sem_alloc : memref<!tpu.dma_semaphore, #tpu.memory_space<semaphore_mem>>
          %dma_start3A_43 = arith.constant 0 : i32
          %dma_start3A_44 = tpu.memref_slice %arg6[%add3A_42, %dma_start3A_43] : memref<20000x64xf32, #tpu.memory_space<hbm>> -> memref<80x64xf32, #tpu.memory_space<hbm>>
          %dma_start3A_45 = arith.constant 0 : i32
          %dma_start3A_46 = tpu.memref_slice %arg13[%mul3A_39, %dma_start3A_45] : memref<10000x64xf32, #tpu.memory_space<vmem_shared>> -> memref<80x64xf32, #tpu.memory_space<vmem_shared>>
          tpu.enqueue_dma source(%dma_start3A_46 : memref<80x64xf32, #tpu.memory_space<vmem_shared>>) target(%dma_start3A_44 : memref<80x64xf32, #tpu.memory_space<hbm>>) target_semaphore(%run_scoped3A : memref<!tpu.dma_semaphore, #tpu.memory_space<semaphore_mem>>)
          %dma_wait3A = arith.constant 0 : i32
          %dma_wait3A_47 = tpu.memref_slice %arg6[%add3A_42, %dma_wait3A] : memref<20000x64xf32, #tpu.memory_space<hbm>> -> memref<80x64xf32, #tpu.memory_space<hbm>>
          %dma_wait3A_48 = arith.constant 0 : i32
          %dma_wait3A_49 = tpu.memref_slice %arg13[%mul3A_39, %dma_wait3A_48] : memref<10000x64xf32, #tpu.memory_space<vmem_shared>> -> memref<80x64xf32, #tpu.memory_space<vmem_shared>>
          tpu.wait_dma2 semaphore(%run_scoped3A : memref<!tpu.dma_semaphore, #tpu.memory_space<semaphore_mem>>) src(%dma_wait3A_49 : memref<80x64xf32, #tpu.memory_space<vmem_shared>>) dst(%dma_wait3A_47 : memref<80x64xf32, #tpu.memory_space<hbm>>)
          tpu.yield
        }) : () -> ()
      } else {
      }
    }
    %scan3A_31 = arith.constant 8 : i32
    return
  }
}

#map = affine_map<(d0, d1) -> (0, 0)>
#map1 = affine_map<(d0, d1) -> (0, 0, 0)>
module attributes {stable_mosaic.version = 14 : i64} {
  func.func @spmm(%arg0: i32, %arg1: i32, %arg2: memref<20000x32xf32, #tpu.memory_space<hbm>>, %arg3: memref<32x250x80xi32, #tpu.memory_space<hbm>>, %arg4: memref<32x250x80xi32, #tpu.memory_space<hbm>>, %arg5: memref<32x250x80xf32, #tpu.memory_space<hbm>>, %arg6: memref<20000x32xf32, #tpu.memory_space<hbm>>, %arg7: memref<250x80xi32, #tpu.memory_space<vmem>>, %arg8: memref<250x80xi32, #tpu.memory_space<vmem>>, %arg9: memref<250x80xf32, #tpu.memory_space<vmem>>, %arg10: memref<80x32xf32, #tpu.memory_space<vmem>>, %arg11: memref<80x32xf32, #tpu.memory_space<vmem>>, %arg12: memref<80x32xf32, #tpu.memory_space<vmem>>, %arg13: memref<10000x32xf32, #tpu.memory_space<vmem_shared>>, %arg14: memref<!tpu.dma_semaphore, #tpu.memory_space<semaphore_mem>>, %arg15: memref<!tpu.dma_semaphore, #tpu.memory_space<semaphore_mem>>) attributes {dimension_semantics = [#tpu.dimension_semantics<core_parallel>, #tpu.dimension_semantics<subcore_parallel>], iteration_bounds = array<i64: 2, 16>, scalar_prefetch = 0 : i64, scratch_operands = 9 : i64, tpu.core_type = #tpu.core_type<sc_vector_subcore>, window_params = [{transform_indices = #map}, {transform_indices = #map1}, {transform_indices = #map1}, {transform_indices = #map1}, {transform_indices = #map}]} {
    %mul3A = arith.constant 16 : i32
    %mul3A_0 = arith.muli %arg0, %mul3A : i32
    %add3A = arith.addi %mul3A_0, %arg1 : i32
    "tpu.region"() ({
      %run_scoped3A = tpu.sem_alloc : memref<!tpu.dma_semaphore, #tpu.memory_space<semaphore_mem>>
      %dma_start3A_32 = arith.constant 0 : i32
      %dma_start3A_33 = arith.constant 0 : i32
      %dma_start3A_34 = tpu.memref_slice %arg3[%add3A, %dma_start3A_32, %dma_start3A_33] : memref<32x250x80xi32, #tpu.memory_space<hbm>> -> memref<1x250x80xi32, #tpu.memory_space<hbm>>
      %dma_start3A_35 = tpu.memref_squeeze %dma_start3A_34 : memref<1x250x80xi32, #tpu.memory_space<hbm>> -> memref<250x80xi32, #tpu.memory_space<hbm>>
      %dma_start3A_36 = arith.constant 0 : i32
      %dma_start3A_37 = arith.constant 0 : i32
      %dma_start3A_38 = tpu.memref_slice %arg3[%add3A, %dma_start3A_36, %dma_start3A_37] : memref<32x250x80xi32, #tpu.memory_space<hbm>> -> memref<1x250x80xi32, #tpu.memory_space<hbm>>
      %dma_start3A_39 = tpu.memref_squeeze %dma_start3A_38 : memref<1x250x80xi32, #tpu.memory_space<hbm>> -> memref<250x80xi32, #tpu.memory_space<hbm>>
      tpu.enqueue_dma source(%dma_start3A_39 : memref<250x80xi32, #tpu.memory_space<hbm>>) target(%arg7 : memref<250x80xi32, #tpu.memory_space<vmem>>) target_semaphore(%run_scoped3A : memref<!tpu.dma_semaphore, #tpu.memory_space<semaphore_mem>>)
      %dma_wait3A = arith.constant 0 : i32
      %dma_wait3A_40 = arith.constant 0 : i32
      %dma_wait3A_41 = tpu.memref_slice %arg3[%add3A, %dma_wait3A, %dma_wait3A_40] : memref<32x250x80xi32, #tpu.memory_space<hbm>> -> memref<1x250x80xi32, #tpu.memory_space<hbm>>
      %dma_wait3A_42 = tpu.memref_squeeze %dma_wait3A_41 : memref<1x250x80xi32, #tpu.memory_space<hbm>> -> memref<250x80xi32, #tpu.memory_space<hbm>>
      %dma_wait3A_43 = arith.constant 0 : i32
      %dma_wait3A_44 = arith.constant 0 : i32
      %dma_wait3A_45 = tpu.memref_slice %arg3[%add3A, %dma_wait3A_43, %dma_wait3A_44] : memref<32x250x80xi32, #tpu.memory_space<hbm>> -> memref<1x250x80xi32, #tpu.memory_space<hbm>>
      %dma_wait3A_46 = tpu.memref_squeeze %dma_wait3A_45 : memref<1x250x80xi32, #tpu.memory_space<hbm>> -> memref<250x80xi32, #tpu.memory_space<hbm>>
      tpu.wait_dma2 semaphore(%run_scoped3A : memref<!tpu.dma_semaphore, #tpu.memory_space<semaphore_mem>>) src(%dma_wait3A_46 : memref<250x80xi32, #tpu.memory_space<hbm>>) dst(%arg7 : memref<250x80xi32, #tpu.memory_space<vmem>>)
      tpu.yield
    }) : () -> ()
    "tpu.region"() ({
      %run_scoped3A = tpu.sem_alloc : memref<!tpu.dma_semaphore, #tpu.memory_space<semaphore_mem>>
      %dma_start3A_32 = arith.constant 0 : i32
      %dma_start3A_33 = arith.constant 0 : i32
      %dma_start3A_34 = tpu.memref_slice %arg4[%add3A, %dma_start3A_32, %dma_start3A_33] : memref<32x250x80xi32, #tpu.memory_space<hbm>> -> memref<1x250x80xi32, #tpu.memory_space<hbm>>
      %dma_start3A_35 = tpu.memref_squeeze %dma_start3A_34 : memref<1x250x80xi32, #tpu.memory_space<hbm>> -> memref<250x80xi32, #tpu.memory_space<hbm>>
      %dma_start3A_36 = arith.constant 0 : i32
      %dma_start3A_37 = arith.constant 0 : i32
      %dma_start3A_38 = tpu.memref_slice %arg4[%add3A, %dma_start3A_36, %dma_start3A_37] : memref<32x250x80xi32, #tpu.memory_space<hbm>> -> memref<1x250x80xi32, #tpu.memory_space<hbm>>
      %dma_start3A_39 = tpu.memref_squeeze %dma_start3A_38 : memref<1x250x80xi32, #tpu.memory_space<hbm>> -> memref<250x80xi32, #tpu.memory_space<hbm>>
      tpu.enqueue_dma source(%dma_start3A_39 : memref<250x80xi32, #tpu.memory_space<hbm>>) target(%arg8 : memref<250x80xi32, #tpu.memory_space<vmem>>) target_semaphore(%run_scoped3A : memref<!tpu.dma_semaphore, #tpu.memory_space<semaphore_mem>>)
      %dma_wait3A = arith.constant 0 : i32
      %dma_wait3A_40 = arith.constant 0 : i32
      %dma_wait3A_41 = tpu.memref_slice %arg4[%add3A, %dma_wait3A, %dma_wait3A_40] : memref<32x250x80xi32, #tpu.memory_space<hbm>> -> memref<1x250x80xi32, #tpu.memory_space<hbm>>
      %dma_wait3A_42 = tpu.memref_squeeze %dma_wait3A_41 : memref<1x250x80xi32, #tpu.memory_space<hbm>> -> memref<250x80xi32, #tpu.memory_space<hbm>>
      %dma_wait3A_43 = arith.constant 0 : i32
      %dma_wait3A_44 = arith.constant 0 : i32
      %dma_wait3A_45 = tpu.memref_slice %arg4[%add3A, %dma_wait3A_43, %dma_wait3A_44] : memref<32x250x80xi32, #tpu.memory_space<hbm>> -> memref<1x250x80xi32, #tpu.memory_space<hbm>>
      %dma_wait3A_46 = tpu.memref_squeeze %dma_wait3A_45 : memref<1x250x80xi32, #tpu.memory_space<hbm>> -> memref<250x80xi32, #tpu.memory_space<hbm>>
      tpu.wait_dma2 semaphore(%run_scoped3A : memref<!tpu.dma_semaphore, #tpu.memory_space<semaphore_mem>>) src(%dma_wait3A_46 : memref<250x80xi32, #tpu.memory_space<hbm>>) dst(%arg8 : memref<250x80xi32, #tpu.memory_space<vmem>>)
      tpu.yield
    }) : () -> ()
    "tpu.region"() ({
      %run_scoped3A = tpu.sem_alloc : memref<!tpu.dma_semaphore, #tpu.memory_space<semaphore_mem>>
      %dma_start3A_32 = arith.constant 0 : i32
      %dma_start3A_33 = arith.constant 0 : i32
      %dma_start3A_34 = tpu.memref_slice %arg5[%add3A, %dma_start3A_32, %dma_start3A_33] : memref<32x250x80xf32, #tpu.memory_space<hbm>> -> memref<1x250x80xf32, #tpu.memory_space<hbm>>
      %dma_start3A_35 = tpu.memref_squeeze %dma_start3A_34 : memref<1x250x80xf32, #tpu.memory_space<hbm>> -> memref<250x80xf32, #tpu.memory_space<hbm>>
      %dma_start3A_36 = arith.constant 0 : i32
      %dma_start3A_37 = arith.constant 0 : i32
      %dma_start3A_38 = tpu.memref_slice %arg5[%add3A, %dma_start3A_36, %dma_start3A_37] : memref<32x250x80xf32, #tpu.memory_space<hbm>> -> memref<1x250x80xf32, #tpu.memory_space<hbm>>
      %dma_start3A_39 = tpu.memref_squeeze %dma_start3A_38 : memref<1x250x80xf32, #tpu.memory_space<hbm>> -> memref<250x80xf32, #tpu.memory_space<hbm>>
      tpu.enqueue_dma source(%dma_start3A_39 : memref<250x80xf32, #tpu.memory_space<hbm>>) target(%arg9 : memref<250x80xf32, #tpu.memory_space<vmem>>) target_semaphore(%run_scoped3A : memref<!tpu.dma_semaphore, #tpu.memory_space<semaphore_mem>>)
      %dma_wait3A = arith.constant 0 : i32
      %dma_wait3A_40 = arith.constant 0 : i32
      %dma_wait3A_41 = tpu.memref_slice %arg5[%add3A, %dma_wait3A, %dma_wait3A_40] : memref<32x250x80xf32, #tpu.memory_space<hbm>> -> memref<1x250x80xf32, #tpu.memory_space<hbm>>
      %dma_wait3A_42 = tpu.memref_squeeze %dma_wait3A_41 : memref<1x250x80xf32, #tpu.memory_space<hbm>> -> memref<250x80xf32, #tpu.memory_space<hbm>>
      %dma_wait3A_43 = arith.constant 0 : i32
      %dma_wait3A_44 = arith.constant 0 : i32
      %dma_wait3A_45 = tpu.memref_slice %arg5[%add3A, %dma_wait3A_43, %dma_wait3A_44] : memref<32x250x80xf32, #tpu.memory_space<hbm>> -> memref<1x250x80xf32, #tpu.memory_space<hbm>>
      %dma_wait3A_46 = tpu.memref_squeeze %dma_wait3A_45 : memref<1x250x80xf32, #tpu.memory_space<hbm>> -> memref<250x80xf32, #tpu.memory_space<hbm>>
      tpu.wait_dma2 semaphore(%run_scoped3A : memref<!tpu.dma_semaphore, #tpu.memory_space<semaphore_mem>>) src(%dma_wait3A_46 : memref<250x80xf32, #tpu.memory_space<hbm>>) dst(%arg9 : memref<250x80xf32, #tpu.memory_space<vmem>>)
      tpu.yield
    }) : () -> ()
    %broadcast_in_dim3A = arith.constant 0.000000e+00 : f32
    %broadcast_in_dim3A_1 = vector.broadcast %broadcast_in_dim3A : f32 to vector<16xf32>
    %scan3A = arith.constant 0 : i32
    %scan3A_2 = arith.constant 0 : i32
    %scan3A_3 = arith.constant 80 : i32
    %scan3A_4 = arith.addi %scan3A_2, %scan3A_3 : i32
    %scan3A_5 = arith.constant 1 : i32
    scf.for %scan3A_32 = %scan3A_2 to %scan3A_4 step %scan3A_5  : i32 {
      %swap3A = arith.index_cast %scan3A_32 : i32 to index
      %swap3A_33 = arith.constant 0 : index
      %swap3A_34 = tpu.vector_load %arg12[%swap3A, %swap3A_33] {strides = array<i32>} : memref<80x32xf32, #tpu.memory_space<vmem>>, vector<1x16xf32>,
      %swap3A_35 = vector.shape_cast %swap3A_34 : vector<1x16xf32> to vector<16xf32>
      %swap3A_36 = vector.shape_cast %broadcast_in_dim3A_1 : vector<16xf32> to vector<1x16xf32>
      tpu.vector_store %arg12[%swap3A, %swap3A_33], %swap3A_36 {strides = array<i32>} : memref<80x32xf32, #tpu.memory_space<vmem>>, vector<1x16xf32>,
      %swap3A_37 = arith.index_cast %scan3A_32 : i32 to index
      %swap3A_38 = arith.constant 16 : index
      %swap3A_39 = tpu.vector_load %arg12[%swap3A_37, %swap3A_38] {strides = array<i32>} : memref<80x32xf32, #tpu.memory_space<vmem>>, vector<1x16xf32>,
      %swap3A_40 = vector.shape_cast %swap3A_39 : vector<1x16xf32> to vector<16xf32>
      %swap3A_41 = vector.shape_cast %broadcast_in_dim3A_1 : vector<16xf32> to vector<1x16xf32>
      tpu.vector_store %arg12[%swap3A_37, %swap3A_38], %swap3A_41 {strides = array<i32>} : memref<80x32xf32, #tpu.memory_space<vmem>>, vector<1x16xf32>,
    }
    %scan3A_6 = arith.constant 80 : i32
    %scan3A_7 = arith.constant 0 : i32
    %scan3A_8 = arith.constant 0 : i32
    %scan3A_9 = arith.constant 8 : i32
    %scan3A_10 = arith.addi %scan3A_8, %scan3A_9 : i32
    %scan3A_11 = arith.constant 1 : i32
    scf.for %scan3A_32 = %scan3A_8 to %scan3A_10 step %scan3A_11  : i32 {
      %mul3A_33 = arith.constant 16 : i32
      %mul3A_34 = arith.muli %scan3A_32, %mul3A_33 : i32
      %add3A_35 = arith.addi %mul3A_34, %arg1 : i32
      %lt3A = arith.constant 125 : i32
      %lt3A_36 = arith.cmpi slt, %add3A_35, %lt3A : i32
      %convert_element_type3A = arith.extui %lt3A_36 : i1 to i32
      %cond3A = arith.constant 0 : i32
      %cond3A_37 = arith.cmpi ne, %convert_element_type3A, %cond3A : i32
      scf.if %cond3A_37 {
        %mul3A_38 = arith.constant 80 : i32
        %mul3A_39 = arith.muli %add3A_35, %mul3A_38 : i32
        "tpu.region"() ({
          %run_scoped3A = tpu.sem_alloc : memref<!tpu.dma_semaphore, #tpu.memory_space<semaphore_mem>>
          %dma_start3A_40 = arith.constant 0 : i32
          %dma_start3A_41 = tpu.memref_slice %arg13[%mul3A_39, %dma_start3A_40] : memref<10000x32xf32, #tpu.memory_space<vmem_shared>> -> memref<80x32xf32, #tpu.memory_space<vmem_shared>>
          %dma_start3A_42 = arith.constant 0 : i32
          %dma_start3A_43 = tpu.memref_slice %arg13[%mul3A_39, %dma_start3A_42] : memref<10000x32xf32, #tpu.memory_space<vmem_shared>> -> memref<80x32xf32, #tpu.memory_space<vmem_shared>>
          tpu.enqueue_dma source(%arg12 : memref<80x32xf32, #tpu.memory_space<vmem>>) target(%dma_start3A_43 : memref<80x32xf32, #tpu.memory_space<vmem_shared>>) target_semaphore(%run_scoped3A : memref<!tpu.dma_semaphore, #tpu.memory_space<semaphore_mem>>)
          %dma_wait3A = arith.constant 0 : i32
          %dma_wait3A_44 = tpu.memref_slice %arg13[%mul3A_39, %dma_wait3A] : memref<10000x32xf32, #tpu.memory_space<vmem_shared>> -> memref<80x32xf32, #tpu.memory_space<vmem_shared>>
          %dma_wait3A_45 = arith.constant 0 : i32
          %dma_wait3A_46 = tpu.memref_slice %arg13[%mul3A_39, %dma_wait3A_45] : memref<10000x32xf32, #tpu.memory_space<vmem_shared>> -> memref<80x32xf32, #tpu.memory_space<vmem_shared>>
          tpu.wait_dma2 semaphore(%run_scoped3A : memref<!tpu.dma_semaphore, #tpu.memory_space<semaphore_mem>>) src(%arg12 : memref<80x32xf32, #tpu.memory_space<vmem>>) dst(%dma_wait3A_46 : memref<80x32xf32, #tpu.memory_space<vmem_shared>>)
          tpu.yield
        }) : () -> ()
      } else {
      }
    }
    %scan3A_12 = arith.constant 8 : i32
    %barrier3A = arith.constant 0 : index
    tpu.barrier barrier_id(%barrier3A)
    %dma_start3A = arith.constant 0 : i32
    %dma_start3A_13 = arith.constant 0 : i32
    %dma_start3A_14 = tpu.memref_slice %arg7[%dma_start3A, %dma_start3A_13] : memref<250x80xi32, #tpu.memory_space<vmem>> -> memref<1x80xi32, #tpu.memory_space<vmem>>
    %dma_start3A_15 = tpu.memref_squeeze %dma_start3A_14 : memref<1x80xi32, #tpu.memory_space<vmem>> -> memref<80xi32, #tpu.memory_space<vmem>>
    %dma_start3A_16 = arith.constant 0 : i32
    %dma_start3A_17 = arith.constant 0 : i32
    %dma_start3A_18 = tpu.memref_slice %arg2[%dma_start3A_16, %dma_start3A_17] : memref<20000x32xf32, #tpu.memory_space<hbm>> -> memref<20000x32xf32, #tpu.memory_space<hbm>>
    tpu.enqueue_indirect_dma source(%dma_start3A_18 : memref<20000x32xf32, #tpu.memory_space<hbm>>) target(%arg10 : memref<80x32xf32, #tpu.memory_space<vmem>>) offsets(%dma_start3A_15 : memref<80xi32, #tpu.memory_space<vmem>>) semaphore(%arg14 : memref<!tpu.dma_semaphore, #tpu.memory_space<semaphore_mem>>)
    %scan3A_19 = arith.constant 0 : i32
    %scan3A_20 = arith.constant 0 : i32
    %scan3A_21 = arith.constant 125 : i32
    %scan3A_22 = arith.addi %scan3A_20, %scan3A_21 : i32
    %scan3A_23 = arith.constant 1 : i32
    scf.for %scan3A_32 = %scan3A_20 to %scan3A_22 step %scan3A_23  : i32 {
      %mul3A_33 = arith.constant 2 : i32
      %mul3A_34 = arith.muli %mul3A_33, %scan3A_32 : i32
      %add3A_35 = arith.constant 1 : i32
      %add3A_36 = arith.addi %mul3A_34, %add3A_35 : i32
      %dma_start3A_37 = arith.constant 0 : i32
      %dma_start3A_38 = tpu.memref_slice %arg7[%add3A_36, %dma_start3A_37] : memref<250x80xi32, #tpu.memory_space<vmem>> -> memref<1x80xi32, #tpu.memory_space<vmem>>
      %dma_start3A_39 = tpu.memref_squeeze %dma_start3A_38 : memref<1x80xi32, #tpu.memory_space<vmem>> -> memref<80xi32, #tpu.memory_space<vmem>>
      %dma_start3A_40 = arith.constant 0 : i32
      %dma_start3A_41 = arith.constant 0 : i32
      %dma_start3A_42 = tpu.memref_slice %arg2[%dma_start3A_40, %dma_start3A_41] : memref<20000x32xf32, #tpu.memory_space<hbm>> -> memref<20000x32xf32, #tpu.memory_space<hbm>>
      tpu.enqueue_indirect_dma source(%dma_start3A_42 : memref<20000x32xf32, #tpu.memory_space<hbm>>) target(%arg11 : memref<80x32xf32, #tpu.memory_space<vmem>>) offsets(%dma_start3A_39 : memref<80xi32, #tpu.memory_space<vmem>>) semaphore(%arg15 : memref<!tpu.dma_semaphore, #tpu.memory_space<semaphore_mem>>)
      %dma_wait3A = arith.constant 0 : i32
      %dma_wait3A_43 = tpu.memref_slice %arg7[%mul3A_34, %dma_wait3A] : memref<250x80xi32, #tpu.memory_space<vmem>> -> memref<1x80xi32, #tpu.memory_space<vmem>>
      %dma_wait3A_44 = tpu.memref_squeeze %dma_wait3A_43 : memref<1x80xi32, #tpu.memory_space<vmem>> -> memref<80xi32, #tpu.memory_space<vmem>>
      %dma_wait3A_45 = arith.constant 0 : i32
      %dma_wait3A_46 = arith.constant 0 : i32
      %dma_wait3A_47 = tpu.memref_slice %arg2[%dma_wait3A_45, %dma_wait3A_46] : memref<20000x32xf32, #tpu.memory_space<hbm>> -> memref<20000x32xf32, #tpu.memory_space<hbm>>
      tpu.wait_indirect_dma semaphore(%arg14 : memref<!tpu.dma_semaphore, #tpu.memory_space<semaphore_mem>>) src(%dma_wait3A_47 : memref<20000x32xf32, #tpu.memory_space<hbm>>) dst(%arg10 : memref<80x32xf32, #tpu.memory_space<vmem>>)
      %parallel_loop3A = arith.constant 0 : i32
      %parallel_loop3A_48 = arith.constant 80 : i32
      %parallel_loop3A_49 = arith.constant 16 : i32
      scf.for %parallel_loop3A_63 = %parallel_loop3A to %parallel_loop3A_48 step %parallel_loop3A_49  : i32 {
        %parallel_loop3A_64 = arith.index_cast %mul3A_34 : i32 to index
        %parallel_loop3A_65 = arith.index_cast %parallel_loop3A_63 : i32 to index
        %parallel_loop3A_66 = tpu.vector_load %arg9[%parallel_loop3A_64, %parallel_loop3A_65] {strides = array<i32>} : memref<250x80xf32, #tpu.memory_space<vmem>>, vector<1x16xf32>,
        %parallel_loop3A_67 = vector.shape_cast %parallel_loop3A_66 : vector<1x16xf32> to vector<16xf32>
        %parallel_loop3A_68 = vector.extract_strided_slice %parallel_loop3A_67 {offsets = [0], sizes = [1], strides = [1]} : vector<16xf32> to vector<1xf32>
        %parallel_loop3A_69 = vector.extract %parallel_loop3A_68[0] : f32 from vector<1xf32>
        %parallel_loop3A_70 = arith.constant 0 : i32
        %parallel_loop3A_71 = arith.addi %parallel_loop3A_63, %parallel_loop3A_70 : i32
        %parallel_loop3A_72 = arith.index_cast %parallel_loop3A_71 : i32 to index
        %parallel_loop3A_73 = arith.constant 0 : index
        %parallel_loop3A_74 = tpu.vector_load %arg10[%parallel_loop3A_72, %parallel_loop3A_73] {strides = array<i32>} : memref<80x32xf32, #tpu.memory_space<vmem>>, vector<1x16xf32>,
        %parallel_loop3A_75 = vector.shape_cast %parallel_loop3A_74 : vector<1x16xf32> to vector<16xf32>
        %parallel_loop3A_76 = vector.broadcast %parallel_loop3A_69 : f32 to vector<16xf32>
        %parallel_loop3A_77 = arith.mulf %parallel_loop3A_75, %parallel_loop3A_76 : vector<16xf32>
        %parallel_loop3A_78 = arith.constant 0 : i32
        %parallel_loop3A_79 = arith.addi %parallel_loop3A_63, %parallel_loop3A_78 : i32
        %parallel_loop3A_80 = arith.index_cast %parallel_loop3A_79 : i32 to index
        %parallel_loop3A_81 = arith.constant 0 : index
        %parallel_loop3A_82 = tpu.vector_load %arg10[%parallel_loop3A_80, %parallel_loop3A_81] {strides = array<i32>} : memref<80x32xf32, #tpu.memory_space<vmem>>, vector<1x16xf32>,
        %parallel_loop3A_83 = vector.shape_cast %parallel_loop3A_82 : vector<1x16xf32> to vector<16xf32>
        %parallel_loop3A_84 = vector.shape_cast %parallel_loop3A_77 : vector<16xf32> to vector<1x16xf32>
        tpu.vector_store %arg10[%parallel_loop3A_80, %parallel_loop3A_81], %parallel_loop3A_84 {strides = array<i32>} : memref<80x32xf32, #tpu.memory_space<vmem>>, vector<1x16xf32>,
        %parallel_loop3A_85 = arith.constant 0 : i32
        %parallel_loop3A_86 = arith.addi %parallel_loop3A_63, %parallel_loop3A_85 : i32
        %parallel_loop3A_87 = arith.index_cast %parallel_loop3A_86 : i32 to index
        %parallel_loop3A_88 = arith.constant 16 : index
        %parallel_loop3A_89 = tpu.vector_load %arg10[%parallel_loop3A_87, %parallel_loop3A_88] {strides = array<i32>} : memref<80x32xf32, #tpu.memory_space<vmem>>, vector<1x16xf32>,
        %parallel_loop3A_90 = vector.shape_cast %parallel_loop3A_89 : vector<1x16xf32> to vector<16xf32>
        %parallel_loop3A_91 = vector.broadcast %parallel_loop3A_69 : f32 to vector<16xf32>
        %parallel_loop3A_92 = arith.mulf %parallel_loop3A_90, %parallel_loop3A_91 : vector<16xf32>
        %parallel_loop3A_93 = arith.constant 0 : i32
        %parallel_loop3A_94 = arith.addi %parallel_loop3A_63, %parallel_loop3A_93 : i32
        %parallel_loop3A_95 = arith.index_cast %parallel_loop3A_94 : i32 to index
        %parallel_loop3A_96 = arith.constant 16 : index
        %parallel_loop3A_97 = tpu.vector_load %arg10[%parallel_loop3A_95, %parallel_loop3A_96] {strides = array<i32>} : memref<80x32xf32, #tpu.memory_space<vmem>>, vector<1x16xf32>,
        %parallel_loop3A_98 = vector.shape_cast %parallel_loop3A_97 : vector<1x16xf32> to vector<16xf32>
        %parallel_loop3A_99 = vector.shape_cast %parallel_loop3A_92 : vector<16xf32> to vector<1x16xf32>
        tpu.vector_store %arg10[%parallel_loop3A_95, %parallel_loop3A_96], %parallel_loop3A_99 {strides = array<i32>} : memref<80x32xf32, #tpu.memory_space<vmem>>, vector<1x16xf32>,
        %parallel_loop3A_100 = vector.extract_strided_slice %parallel_loop3A_67 {offsets = [1], sizes = [1], strides = [1]} : vector<16xf32> to vector<1xf32>
        %parallel_loop3A_101 = vector.extract %parallel_loop3A_100[0] : f32 from vector<1xf32>
        %parallel_loop3A_102 = arith.constant 1 : i32
        %parallel_loop3A_103 = arith.addi %parallel_loop3A_63, %parallel_loop3A_102 : i32
        %parallel_loop3A_104 = arith.index_cast %parallel_loop3A_103 : i32 to index
        %parallel_loop3A_105 = arith.constant 0 : index
        %parallel_loop3A_106 = tpu.vector_load %arg10[%parallel_loop3A_104, %parallel_loop3A_105] {strides = array<i32>} : memref<80x32xf32, #tpu.memory_space<vmem>>, vector<1x16xf32>,
        %parallel_loop3A_107 = vector.shape_cast %parallel_loop3A_106 : vector<1x16xf32> to vector<16xf32>
        %parallel_loop3A_108 = vector.broadcast %parallel_loop3A_101 : f32 to vector<16xf32>
        %parallel_loop3A_109 = arith.mulf %parallel_loop3A_107, %parallel_loop3A_108 : vector<16xf32>
        %parallel_loop3A_110 = arith.constant 1 : i32
        %parallel_loop3A_111 = arith.addi %parallel_loop3A_63, %parallel_loop3A_110 : i32
        %parallel_loop3A_112 = arith.index_cast %parallel_loop3A_111 : i32 to index
        %parallel_loop3A_113 = arith.constant 0 : index
        %parallel_loop3A_114 = tpu.vector_load %arg10[%parallel_loop3A_112, %parallel_loop3A_113] {strides = array<i32>} : memref<80x32xf32, #tpu.memory_space<vmem>>, vector<1x16xf32>,
        %parallel_loop3A_115 = vector.shape_cast %parallel_loop3A_114 : vector<1x16xf32> to vector<16xf32>
        %parallel_loop3A_116 = vector.shape_cast %parallel_loop3A_109 : vector<16xf32> to vector<1x16xf32>
        tpu.vector_store %arg10[%parallel_loop3A_112, %parallel_loop3A_113], %parallel_loop3A_116 {strides = array<i32>} : memref<80x32xf32, #tpu.memory_space<vmem>>, vector<1x16xf32>,
        %parallel_loop3A_117 = arith.constant 1 : i32
        %parallel_loop3A_118 = arith.addi %parallel_loop3A_63, %parallel_loop3A_117 : i32
        %parallel_loop3A_119 = arith.index_cast %parallel_loop3A_118 : i32 to index
        %parallel_loop3A_120 = arith.constant 16 : index
        %parallel_loop3A_121 = tpu.vector_load %arg10[%parallel_loop3A_119, %parallel_loop3A_120] {strides = array<i32>} : memref<80x32xf32, #tpu.memory_space<vmem>>, vector<1x16xf32>,
        %parallel_loop3A_122 = vector.shape_cast %parallel_loop3A_121 : vector<1x16xf32> to vector<16xf32>
        %parallel_loop3A_123 = vector.broadcast %parallel_loop3A_101 : f32 to vector<16xf32>
        %parallel_loop3A_124 = arith.mulf %parallel_loop3A_122, %parallel_loop3A_123 : vector<16xf32>
        %parallel_loop3A_125 = arith.constant 1 : i32
        %parallel_loop3A_126 = arith.addi %parallel_loop3A_63, %parallel_loop3A_125 : i32
        %parallel_loop3A_127 = arith.index_cast %parallel_loop3A_126 : i32 to index
        %parallel_loop3A_128 = arith.constant 16 : index
        %parallel_loop3A_129 = tpu.vector_load %arg10[%parallel_loop3A_127, %parallel_loop3A_128] {strides = array<i32>} : memref<80x32xf32, #tpu.memory_space<vmem>>, vector<1x16xf32>,
        %parallel_loop3A_130 = vector.shape_cast %parallel_loop3A_129 : vector<1x16xf32> to vector<16xf32>
        %parallel_loop3A_131 = vector.shape_cast %parallel_loop3A_124 : vector<16xf32> to vector<1x16xf32>
        tpu.vector_store %arg10[%parallel_loop3A_127, %parallel_loop3A_128], %parallel_loop3A_131 {strides = array<i32>} : memref<80x32xf32, #tpu.memory_space<vmem>>, vector<1x16xf32>,
        %parallel_loop3A_132 = vector.extract_strided_slice %parallel_loop3A_67 {offsets = [2], sizes = [1], strides = [1]} : vector<16xf32> to vector<1xf32>
        %parallel_loop3A_133 = vector.extract %parallel_loop3A_132[0] : f32 from vector<1xf32>
        %parallel_loop3A_134 = arith.constant 2 : i32
        %parallel_loop3A_135 = arith.addi %parallel_loop3A_63, %parallel_loop3A_134 : i32
        %parallel_loop3A_136 = arith.index_cast %parallel_loop3A_135 : i32 to index
        %parallel_loop3A_137 = arith.constant 0 : index
        %parallel_loop3A_138 = tpu.vector_load %arg10[%parallel_loop3A_136, %parallel_loop3A_137] {strides = array<i32>} : memref<80x32xf32, #tpu.memory_space<vmem>>, vector<1x16xf32>,
        %parallel_loop3A_139 = vector.shape_cast %parallel_loop3A_138 : vector<1x16xf32> to vector<16xf32>
        %parallel_loop3A_140 = vector.broadcast %parallel_loop3A_133 : f32 to vector<16xf32>
        %parallel_loop3A_141 = arith.mulf %parallel_loop3A_139, %parallel_loop3A_140 : vector<16xf32>
        %parallel_loop3A_142 = arith.constant 2 : i32
        %parallel_loop3A_143 = arith.addi %parallel_loop3A_63, %parallel_loop3A_142 : i32
        %parallel_loop3A_144 = arith.index_cast %parallel_loop3A_143 : i32 to index
        %parallel_loop3A_145 = arith.constant 0 : index
        %parallel_loop3A_146 = tpu.vector_load %arg10[%parallel_loop3A_144, %parallel_loop3A_145] {strides = array<i32>} : memref<80x32xf32, #tpu.memory_space<vmem>>, vector<1x16xf32>,
        %parallel_loop3A_147 = vector.shape_cast %parallel_loop3A_146 : vector<1x16xf32> to vector<16xf32>
        %parallel_loop3A_148 = vector.shape_cast %parallel_loop3A_141 : vector<16xf32> to vector<1x16xf32>
        tpu.vector_store %arg10[%parallel_loop3A_144, %parallel_loop3A_145], %parallel_loop3A_148 {strides = array<i32>} : memref<80x32xf32, #tpu.memory_space<vmem>>, vector<1x16xf32>,
        %parallel_loop3A_149 = arith.constant 2 : i32
        %parallel_loop3A_150 = arith.addi %parallel_loop3A_63, %parallel_loop3A_149 : i32
        %parallel_loop3A_151 = arith.index_cast %parallel_loop3A_150 : i32 to index
        %parallel_loop3A_152 = arith.constant 16 : index
        %parallel_loop3A_153 = tpu.vector_load %arg10[%parallel_loop3A_151, %parallel_loop3A_152] {strides = array<i32>} : memref<80x32xf32, #tpu.memory_space<vmem>>, vector<1x16xf32>,
        %parallel_loop3A_154 = vector.shape_cast %parallel_loop3A_153 : vector<1x16xf32> to vector<16xf32>
        %parallel_loop3A_155 = vector.broadcast %parallel_loop3A_133 : f32 to vector<16xf32>
        %parallel_loop3A_156 = arith.mulf %parallel_loop3A_154, %parallel_loop3A_155 : vector<16xf32>
        %parallel_loop3A_157 = arith.constant 2 : i32
        %parallel_loop3A_158 = arith.addi %parallel_loop3A_63, %parallel_loop3A_157 : i32
        %parallel_loop3A_159 = arith.index_cast %parallel_loop3A_158 : i32 to index
        %parallel_loop3A_160 = arith.constant 16 : index
        %parallel_loop3A_161 = tpu.vector_load %arg10[%parallel_loop3A_159, %parallel_loop3A_160] {strides = array<i32>} : memref<80x32xf32, #tpu.memory_space<vmem>>, vector<1x16xf32>,
        %parallel_loop3A_162 = vector.shape_cast %parallel_loop3A_161 : vector<1x16xf32> to vector<16xf32>
        %parallel_loop3A_163 = vector.shape_cast %parallel_loop3A_156 : vector<16xf32> to vector<1x16xf32>
        tpu.vector_store %arg10[%parallel_loop3A_159, %parallel_loop3A_160], %parallel_loop3A_163 {strides = array<i32>} : memref<80x32xf32, #tpu.memory_space<vmem>>, vector<1x16xf32>,
        %parallel_loop3A_164 = vector.extract_strided_slice %parallel_loop3A_67 {offsets = [3], sizes = [1], strides = [1]} : vector<16xf32> to vector<1xf32>
        %parallel_loop3A_165 = vector.extract %parallel_loop3A_164[0] : f32 from vector<1xf32>
        %parallel_loop3A_166 = arith.constant 3 : i32
        %parallel_loop3A_167 = arith.addi %parallel_loop3A_63, %parallel_loop3A_166 : i32
        %parallel_loop3A_168 = arith.index_cast %parallel_loop3A_167 : i32 to index
        %parallel_loop3A_169 = arith.constant 0 : index
        %parallel_loop3A_170 = tpu.vector_load %arg10[%parallel_loop3A_168, %parallel_loop3A_169] {strides = array<i32>} : memref<80x32xf32, #tpu.memory_space<vmem>>, vector<1x16xf32>,
        %parallel_loop3A_171 = vector.shape_cast %parallel_loop3A_170 : vector<1x16xf32> to vector<16xf32>
        %parallel_loop3A_172 = vector.broadcast %parallel_loop3A_165 : f32 to vector<16xf32>
        %parallel_loop3A_173 = arith.mulf %parallel_loop3A_171, %parallel_loop3A_172 : vector<16xf32>
        %parallel_loop3A_174 = arith.constant 3 : i32
        %parallel_loop3A_175 = arith.addi %parallel_loop3A_63, %parallel_loop3A_174 : i32
        %parallel_loop3A_176 = arith.index_cast %parallel_loop3A_175 : i32 to index
        %parallel_loop3A_177 = arith.constant 0 : index
        %parallel_loop3A_178 = tpu.vector_load %arg10[%parallel_loop3A_176, %parallel_loop3A_177] {strides = array<i32>} : memref<80x32xf32, #tpu.memory_space<vmem>>, vector<1x16xf32>,
        %parallel_loop3A_179 = vector.shape_cast %parallel_loop3A_178 : vector<1x16xf32> to vector<16xf32>
        %parallel_loop3A_180 = vector.shape_cast %parallel_loop3A_173 : vector<16xf32> to vector<1x16xf32>
        tpu.vector_store %arg10[%parallel_loop3A_176, %parallel_loop3A_177], %parallel_loop3A_180 {strides = array<i32>} : memref<80x32xf32, #tpu.memory_space<vmem>>, vector<1x16xf32>,
        %parallel_loop3A_181 = arith.constant 3 : i32
        %parallel_loop3A_182 = arith.addi %parallel_loop3A_63, %parallel_loop3A_181 : i32
        %parallel_loop3A_183 = arith.index_cast %parallel_loop3A_182 : i32 to index
        %parallel_loop3A_184 = arith.constant 16 : index
        %parallel_loop3A_185 = tpu.vector_load %arg10[%parallel_loop3A_183, %parallel_loop3A_184] {strides = array<i32>} : memref<80x32xf32, #tpu.memory_space<vmem>>, vector<1x16xf32>,
        %parallel_loop3A_186 = vector.shape_cast %parallel_loop3A_185 : vector<1x16xf32> to vector<16xf32>
        %parallel_loop3A_187 = vector.broadcast %parallel_loop3A_165 : f32 to vector<16xf32>
        %parallel_loop3A_188 = arith.mulf %parallel_loop3A_186, %parallel_loop3A_187 : vector<16xf32>
        %parallel_loop3A_189 = arith.constant 3 : i32
        %parallel_loop3A_190 = arith.addi %parallel_loop3A_63, %parallel_loop3A_189 : i32
        %parallel_loop3A_191 = arith.index_cast %parallel_loop3A_190 : i32 to index
        %parallel_loop3A_192 = arith.constant 16 : index
        %parallel_loop3A_193 = tpu.vector_load %arg10[%parallel_loop3A_191, %parallel_loop3A_192] {strides = array<i32>} : memref<80x32xf32, #tpu.memory_space<vmem>>, vector<1x16xf32>,
        %parallel_loop3A_194 = vector.shape_cast %parallel_loop3A_193 : vector<1x16xf32> to vector<16xf32>
        %parallel_loop3A_195 = vector.shape_cast %parallel_loop3A_188 : vector<16xf32> to vector<1x16xf32>
        tpu.vector_store %arg10[%parallel_loop3A_191, %parallel_loop3A_192], %parallel_loop3A_195 {strides = array<i32>} : memref<80x32xf32, #tpu.memory_space<vmem>>, vector<1x16xf32>,
        %parallel_loop3A_196 = vector.extract_strided_slice %parallel_loop3A_67 {offsets = [4], sizes = [1], strides = [1]} : vector<16xf32> to vector<1xf32>
        %parallel_loop3A_197 = vector.extract %parallel_loop3A_196[0] : f32 from vector<1xf32>
        %parallel_loop3A_198 = arith.constant 4 : i32
        %parallel_loop3A_199 = arith.addi %parallel_loop3A_63, %parallel_loop3A_198 : i32
        %parallel_loop3A_200 = arith.index_cast %parallel_loop3A_199 : i32 to index
        %parallel_loop3A_201 = arith.constant 0 : index
        %parallel_loop3A_202 = tpu.vector_load %arg10[%parallel_loop3A_200, %parallel_loop3A_201] {strides = array<i32>} : memref<80x32xf32, #tpu.memory_space<vmem>>, vector<1x16xf32>,
        %parallel_loop3A_203 = vector.shape_cast %parallel_loop3A_202 : vector<1x16xf32> to vector<16xf32>
        %parallel_loop3A_204 = vector.broadcast %parallel_loop3A_197 : f32 to vector<16xf32>
        %parallel_loop3A_205 = arith.mulf %parallel_loop3A_203, %parallel_loop3A_204 : vector<16xf32>
        %parallel_loop3A_206 = arith.constant 4 : i32
        %parallel_loop3A_207 = arith.addi %parallel_loop3A_63, %parallel_loop3A_206 : i32
        %parallel_loop3A_208 = arith.index_cast %parallel_loop3A_207 : i32 to index
        %parallel_loop3A_209 = arith.constant 0 : index
        %parallel_loop3A_210 = tpu.vector_load %arg10[%parallel_loop3A_208, %parallel_loop3A_209] {strides = array<i32>} : memref<80x32xf32, #tpu.memory_space<vmem>>, vector<1x16xf32>,
        %parallel_loop3A_211 = vector.shape_cast %parallel_loop3A_210 : vector<1x16xf32> to vector<16xf32>
        %parallel_loop3A_212 = vector.shape_cast %parallel_loop3A_205 : vector<16xf32> to vector<1x16xf32>
        tpu.vector_store %arg10[%parallel_loop3A_208, %parallel_loop3A_209], %parallel_loop3A_212 {strides = array<i32>} : memref<80x32xf32, #tpu.memory_space<vmem>>, vector<1x16xf32>,
        %parallel_loop3A_213 = arith.constant 4 : i32
        %parallel_loop3A_214 = arith.addi %parallel_loop3A_63, %parallel_loop3A_213 : i32
        %parallel_loop3A_215 = arith.index_cast %parallel_loop3A_214 : i32 to index
        %parallel_loop3A_216 = arith.constant 16 : index
        %parallel_loop3A_217 = tpu.vector_load %arg10[%parallel_loop3A_215, %parallel_loop3A_216] {strides = array<i32>} : memref<80x32xf32, #tpu.memory_space<vmem>>, vector<1x16xf32>,
        %parallel_loop3A_218 = vector.shape_cast %parallel_loop3A_217 : vector<1x16xf32> to vector<16xf32>
        %parallel_loop3A_219 = vector.broadcast %parallel_loop3A_197 : f32 to vector<16xf32>
        %parallel_loop3A_220 = arith.mulf %parallel_loop3A_218, %parallel_loop3A_219 : vector<16xf32>
        %parallel_loop3A_221 = arith.constant 4 : i32
        %parallel_loop3A_222 = arith.addi %parallel_loop3A_63, %parallel_loop3A_221 : i32
        %parallel_loop3A_223 = arith.index_cast %parallel_loop3A_222 : i32 to index
        %parallel_loop3A_224 = arith.constant 16 : index
        %parallel_loop3A_225 = tpu.vector_load %arg10[%parallel_loop3A_223, %parallel_loop3A_224] {strides = array<i32>} : memref<80x32xf32, #tpu.memory_space<vmem>>, vector<1x16xf32>,
        %parallel_loop3A_226 = vector.shape_cast %parallel_loop3A_225 : vector<1x16xf32> to vector<16xf32>
        %parallel_loop3A_227 = vector.shape_cast %parallel_loop3A_220 : vector<16xf32> to vector<1x16xf32>
        tpu.vector_store %arg10[%parallel_loop3A_223, %parallel_loop3A_224], %parallel_loop3A_227 {strides = array<i32>} : memref<80x32xf32, #tpu.memory_space<vmem>>, vector<1x16xf32>,
        %parallel_loop3A_228 = vector.extract_strided_slice %parallel_loop3A_67 {offsets = [5], sizes = [1], strides = [1]} : vector<16xf32> to vector<1xf32>
        %parallel_loop3A_229 = vector.extract %parallel_loop3A_228[0] : f32 from vector<1xf32>
        %parallel_loop3A_230 = arith.constant 5 : i32
        %parallel_loop3A_231 = arith.addi %parallel_loop3A_63, %parallel_loop3A_230 : i32
        %parallel_loop3A_232 = arith.index_cast %parallel_loop3A_231 : i32 to index
        %parallel_loop3A_233 = arith.constant 0 : index
        %parallel_loop3A_234 = tpu.vector_load %arg10[%parallel_loop3A_232, %parallel_loop3A_233] {strides = array<i32>} : memref<80x32xf32, #tpu.memory_space<vmem>>, vector<1x16xf32>,
        %parallel_loop3A_235 = vector.shape_cast %parallel_loop3A_234 : vector<1x16xf32> to vector<16xf32>
        %parallel_loop3A_236 = vector.broadcast %parallel_loop3A_229 : f32 to vector<16xf32>
        %parallel_loop3A_237 = arith.mulf %parallel_loop3A_235, %parallel_loop3A_236 : vector<16xf32>
        %parallel_loop3A_238 = arith.constant 5 : i32
        %parallel_loop3A_239 = arith.addi %parallel_loop3A_63, %parallel_loop3A_238 : i32
        %parallel_loop3A_240 = arith.index_cast %parallel_loop3A_239 : i32 to index
        %parallel_loop3A_241 = arith.constant 0 : index
        %parallel_loop3A_242 = tpu.vector_load %arg10[%parallel_loop3A_240, %parallel_loop3A_241] {strides = array<i32>} : memref<80x32xf32, #tpu.memory_space<vmem>>, vector<1x16xf32>,
        %parallel_loop3A_243 = vector.shape_cast %parallel_loop3A_242 : vector<1x16xf32> to vector<16xf32>
        %parallel_loop3A_244 = vector.shape_cast %parallel_loop3A_237 : vector<16xf32> to vector<1x16xf32>
        tpu.vector_store %arg10[%parallel_loop3A_240, %parallel_loop3A_241], %parallel_loop3A_244 {strides = array<i32>} : memref<80x32xf32, #tpu.memory_space<vmem>>, vector<1x16xf32>,
        %parallel_loop3A_245 = arith.constant 5 : i32
        %parallel_loop3A_246 = arith.addi %parallel_loop3A_63, %parallel_loop3A_245 : i32
        %parallel_loop3A_247 = arith.index_cast %parallel_loop3A_246 : i32 to index
        %parallel_loop3A_248 = arith.constant 16 : index
        %parallel_loop3A_249 = tpu.vector_load %arg10[%parallel_loop3A_247, %parallel_loop3A_248] {strides = array<i32>} : memref<80x32xf32, #tpu.memory_space<vmem>>, vector<1x16xf32>,
        %parallel_loop3A_250 = vector.shape_cast %parallel_loop3A_249 : vector<1x16xf32> to vector<16xf32>
        %parallel_loop3A_251 = vector.broadcast %parallel_loop3A_229 : f32 to vector<16xf32>
        %parallel_loop3A_252 = arith.mulf %parallel_loop3A_250, %parallel_loop3A_251 : vector<16xf32>
        %parallel_loop3A_253 = arith.constant 5 : i32
        %parallel_loop3A_254 = arith.addi %parallel_loop3A_63, %parallel_loop3A_253 : i32
        %parallel_loop3A_255 = arith.index_cast %parallel_loop3A_254 : i32 to index
        %parallel_loop3A_256 = arith.constant 16 : index
        %parallel_loop3A_257 = tpu.vector_load %arg10[%parallel_loop3A_255, %parallel_loop3A_256] {strides = array<i32>} : memref<80x32xf32, #tpu.memory_space<vmem>>, vector<1x16xf32>,
        %parallel_loop3A_258 = vector.shape_cast %parallel_loop3A_257 : vector<1x16xf32> to vector<16xf32>
        %parallel_loop3A_259 = vector.shape_cast %parallel_loop3A_252 : vector<16xf32> to vector<1x16xf32>
        tpu.vector_store %arg10[%parallel_loop3A_255, %parallel_loop3A_256], %parallel_loop3A_259 {strides = array<i32>} : memref<80x32xf32, #tpu.memory_space<vmem>>, vector<1x16xf32>,
        %parallel_loop3A_260 = vector.extract_strided_slice %parallel_loop3A_67 {offsets = [6], sizes = [1], strides = [1]} : vector<16xf32> to vector<1xf32>
        %parallel_loop3A_261 = vector.extract %parallel_loop3A_260[0] : f32 from vector<1xf32>
        %parallel_loop3A_262 = arith.constant 6 : i32
        %parallel_loop3A_263 = arith.addi %parallel_loop3A_63, %parallel_loop3A_262 : i32
        %parallel_loop3A_264 = arith.index_cast %parallel_loop3A_263 : i32 to index
        %parallel_loop3A_265 = arith.constant 0 : index
        %parallel_loop3A_266 = tpu.vector_load %arg10[%parallel_loop3A_264, %parallel_loop3A_265] {strides = array<i32>} : memref<80x32xf32, #tpu.memory_space<vmem>>, vector<1x16xf32>,
        %parallel_loop3A_267 = vector.shape_cast %parallel_loop3A_266 : vector<1x16xf32> to vector<16xf32>
        %parallel_loop3A_268 = vector.broadcast %parallel_loop3A_261 : f32 to vector<16xf32>
        %parallel_loop3A_269 = arith.mulf %parallel_loop3A_267, %parallel_loop3A_268 : vector<16xf32>
        %parallel_loop3A_270 = arith.constant 6 : i32
        %parallel_loop3A_271 = arith.addi %parallel_loop3A_63, %parallel_loop3A_270 : i32
        %parallel_loop3A_272 = arith.index_cast %parallel_loop3A_271 : i32 to index
        %parallel_loop3A_273 = arith.constant 0 : index
        %parallel_loop3A_274 = tpu.vector_load %arg10[%parallel_loop3A_272, %parallel_loop3A_273] {strides = array<i32>} : memref<80x32xf32, #tpu.memory_space<vmem>>, vector<1x16xf32>,
        %parallel_loop3A_275 = vector.shape_cast %parallel_loop3A_274 : vector<1x16xf32> to vector<16xf32>
        %parallel_loop3A_276 = vector.shape_cast %parallel_loop3A_269 : vector<16xf32> to vector<1x16xf32>
        tpu.vector_store %arg10[%parallel_loop3A_272, %parallel_loop3A_273], %parallel_loop3A_276 {strides = array<i32>} : memref<80x32xf32, #tpu.memory_space<vmem>>, vector<1x16xf32>,
        %parallel_loop3A_277 = arith.constant 6 : i32
        %parallel_loop3A_278 = arith.addi %parallel_loop3A_63, %parallel_loop3A_277 : i32
        %parallel_loop3A_279 = arith.index_cast %parallel_loop3A_278 : i32 to index
        %parallel_loop3A_280 = arith.constant 16 : index
        %parallel_loop3A_281 = tpu.vector_load %arg10[%parallel_loop3A_279, %parallel_loop3A_280] {strides = array<i32>} : memref<80x32xf32, #tpu.memory_space<vmem>>, vector<1x16xf32>,
        %parallel_loop3A_282 = vector.shape_cast %parallel_loop3A_281 : vector<1x16xf32> to vector<16xf32>
        %parallel_loop3A_283 = vector.broadcast %parallel_loop3A_261 : f32 to vector<16xf32>
        %parallel_loop3A_284 = arith.mulf %parallel_loop3A_282, %parallel_loop3A_283 : vector<16xf32>
        %parallel_loop3A_285 = arith.constant 6 : i32
        %parallel_loop3A_286 = arith.addi %parallel_loop3A_63, %parallel_loop3A_285 : i32
        %parallel_loop3A_287 = arith.index_cast %parallel_loop3A_286 : i32 to index
        %parallel_loop3A_288 = arith.constant 16 : index
        %parallel_loop3A_289 = tpu.vector_load %arg10[%parallel_loop3A_287, %parallel_loop3A_288] {strides = array<i32>} : memref<80x32xf32, #tpu.memory_space<vmem>>, vector<1x16xf32>,
        %parallel_loop3A_290 = vector.shape_cast %parallel_loop3A_289 : vector<1x16xf32> to vector<16xf32>
        %parallel_loop3A_291 = vector.shape_cast %parallel_loop3A_284 : vector<16xf32> to vector<1x16xf32>
        tpu.vector_store %arg10[%parallel_loop3A_287, %parallel_loop3A_288], %parallel_loop3A_291 {strides = array<i32>} : memref<80x32xf32, #tpu.memory_space<vmem>>, vector<1x16xf32>,
        %parallel_loop3A_292 = vector.extract_strided_slice %parallel_loop3A_67 {offsets = [7], sizes = [1], strides = [1]} : vector<16xf32> to vector<1xf32>
        %parallel_loop3A_293 = vector.extract %parallel_loop3A_292[0] : f32 from vector<1xf32>
        %parallel_loop3A_294 = arith.constant 7 : i32
        %parallel_loop3A_295 = arith.addi %parallel_loop3A_63, %parallel_loop3A_294 : i32
        %parallel_loop3A_296 = arith.index_cast %parallel_loop3A_295 : i32 to index
        %parallel_loop3A_297 = arith.constant 0 : index
        %parallel_loop3A_298 = tpu.vector_load %arg10[%parallel_loop3A_296, %parallel_loop3A_297] {strides = array<i32>} : memref<80x32xf32, #tpu.memory_space<vmem>>, vector<1x16xf32>,
        %parallel_loop3A_299 = vector.shape_cast %parallel_loop3A_298 : vector<1x16xf32> to vector<16xf32>
        %parallel_loop3A_300 = vector.broadcast %parallel_loop3A_293 : f32 to vector<16xf32>
        %parallel_loop3A_301 = arith.mulf %parallel_loop3A_299, %parallel_loop3A_300 : vector<16xf32>
        %parallel_loop3A_302 = arith.constant 7 : i32
        %parallel_loop3A_303 = arith.addi %parallel_loop3A_63, %parallel_loop3A_302 : i32
        %parallel_loop3A_304 = arith.index_cast %parallel_loop3A_303 : i32 to index
        %parallel_loop3A_305 = arith.constant 0 : index
        %parallel_loop3A_306 = tpu.vector_load %arg10[%parallel_loop3A_304, %parallel_loop3A_305] {strides = array<i32>} : memref<80x32xf32, #tpu.memory_space<vmem>>, vector<1x16xf32>,
        %parallel_loop3A_307 = vector.shape_cast %parallel_loop3A_306 : vector<1x16xf32> to vector<16xf32>
        %parallel_loop3A_308 = vector.shape_cast %parallel_loop3A_301 : vector<16xf32> to vector<1x16xf32>
        tpu.vector_store %arg10[%parallel_loop3A_304, %parallel_loop3A_305], %parallel_loop3A_308 {strides = array<i32>} : memref<80x32xf32, #tpu.memory_space<vmem>>, vector<1x16xf32>,
        %parallel_loop3A_309 = arith.constant 7 : i32
        %parallel_loop3A_310 = arith.addi %parallel_loop3A_63, %parallel_loop3A_309 : i32
        %parallel_loop3A_311 = arith.index_cast %parallel_loop3A_310 : i32 to index
        %parallel_loop3A_312 = arith.constant 16 : index
        %parallel_loop3A_313 = tpu.vector_load %arg10[%parallel_loop3A_311, %parallel_loop3A_312] {strides = array<i32>} : memref<80x32xf32, #tpu.memory_space<vmem>>, vector<1x16xf32>,
        %parallel_loop3A_314 = vector.shape_cast %parallel_loop3A_313 : vector<1x16xf32> to vector<16xf32>
        %parallel_loop3A_315 = vector.broadcast %parallel_loop3A_293 : f32 to vector<16xf32>
        %parallel_loop3A_316 = arith.mulf %parallel_loop3A_314, %parallel_loop3A_315 : vector<16xf32>
        %parallel_loop3A_317 = arith.constant 7 : i32
        %parallel_loop3A_318 = arith.addi %parallel_loop3A_63, %parallel_loop3A_317 : i32
        %parallel_loop3A_319 = arith.index_cast %parallel_loop3A_318 : i32 to index
        %parallel_loop3A_320 = arith.constant 16 : index
        %parallel_loop3A_321 = tpu.vector_load %arg10[%parallel_loop3A_319, %parallel_loop3A_320] {strides = array<i32>} : memref<80x32xf32, #tpu.memory_space<vmem>>, vector<1x16xf32>,
        %parallel_loop3A_322 = vector.shape_cast %parallel_loop3A_321 : vector<1x16xf32> to vector<16xf32>
        %parallel_loop3A_323 = vector.shape_cast %parallel_loop3A_316 : vector<16xf32> to vector<1x16xf32>
        tpu.vector_store %arg10[%parallel_loop3A_319, %parallel_loop3A_320], %parallel_loop3A_323 {strides = array<i32>} : memref<80x32xf32, #tpu.memory_space<vmem>>, vector<1x16xf32>,
        %parallel_loop3A_324 = vector.extract_strided_slice %parallel_loop3A_67 {offsets = [8], sizes = [1], strides = [1]} : vector<16xf32> to vector<1xf32>
        %parallel_loop3A_325 = vector.extract %parallel_loop3A_324[0] : f32 from vector<1xf32>
        %parallel_loop3A_326 = arith.constant 8 : i32
        %parallel_loop3A_327 = arith.addi %parallel_loop3A_63, %parallel_loop3A_326 : i32
        %parallel_loop3A_328 = arith.index_cast %parallel_loop3A_327 : i32 to index
        %parallel_loop3A_329 = arith.constant 0 : index
        %parallel_loop3A_330 = tpu.vector_load %arg10[%parallel_loop3A_328, %parallel_loop3A_329] {strides = array<i32>} : memref<80x32xf32, #tpu.memory_space<vmem>>, vector<1x16xf32>,
        %parallel_loop3A_331 = vector.shape_cast %parallel_loop3A_330 : vector<1x16xf32> to vector<16xf32>
        %parallel_loop3A_332 = vector.broadcast %parallel_loop3A_325 : f32 to vector<16xf32>
        %parallel_loop3A_333 = arith.mulf %parallel_loop3A_331, %parallel_loop3A_332 : vector<16xf32>
        %parallel_loop3A_334 = arith.constant 8 : i32
        %parallel_loop3A_335 = arith.addi %parallel_loop3A_63, %parallel_loop3A_334 : i32
        %parallel_loop3A_336 = arith.index_cast %parallel_loop3A_335 : i32 to index
        %parallel_loop3A_337 = arith.constant 0 : index
        %parallel_loop3A_338 = tpu.vector_load %arg10[%parallel_loop3A_336, %parallel_loop3A_337] {strides = array<i32>} : memref<80x32xf32, #tpu.memory_space<vmem>>, vector<1x16xf32>,
        %parallel_loop3A_339 = vector.shape_cast %parallel_loop3A_338 : vector<1x16xf32> to vector<16xf32>
        %parallel_loop3A_340 = vector.shape_cast %parallel_loop3A_333 : vector<16xf32> to vector<1x16xf32>
        tpu.vector_store %arg10[%parallel_loop3A_336, %parallel_loop3A_337], %parallel_loop3A_340 {strides = array<i32>} : memref<80x32xf32, #tpu.memory_space<vmem>>, vector<1x16xf32>,
        %parallel_loop3A_341 = arith.constant 8 : i32
        %parallel_loop3A_342 = arith.addi %parallel_loop3A_63, %parallel_loop3A_341 : i32
        %parallel_loop3A_343 = arith.index_cast %parallel_loop3A_342 : i32 to index
        %parallel_loop3A_344 = arith.constant 16 : index
        %parallel_loop3A_345 = tpu.vector_load %arg10[%parallel_loop3A_343, %parallel_loop3A_344] {strides = array<i32>} : memref<80x32xf32, #tpu.memory_space<vmem>>, vector<1x16xf32>,
        %parallel_loop3A_346 = vector.shape_cast %parallel_loop3A_345 : vector<1x16xf32> to vector<16xf32>
        %parallel_loop3A_347 = vector.broadcast %parallel_loop3A_325 : f32 to vector<16xf32>
        %parallel_loop3A_348 = arith.mulf %parallel_loop3A_346, %parallel_loop3A_347 : vector<16xf32>
        %parallel_loop3A_349 = arith.constant 8 : i32
        %parallel_loop3A_350 = arith.addi %parallel_loop3A_63, %parallel_loop3A_349 : i32
        %parallel_loop3A_351 = arith.index_cast %parallel_loop3A_350 : i32 to index
        %parallel_loop3A_352 = arith.constant 16 : index
        %parallel_loop3A_353 = tpu.vector_load %arg10[%parallel_loop3A_351, %parallel_loop3A_352] {strides = array<i32>} : memref<80x32xf32, #tpu.memory_space<vmem>>, vector<1x16xf32>,
        %parallel_loop3A_354 = vector.shape_cast %parallel_loop3A_353 : vector<1x16xf32> to vector<16xf32>
        %parallel_loop3A_355 = vector.shape_cast %parallel_loop3A_348 : vector<16xf32> to vector<1x16xf32>
        tpu.vector_store %arg10[%parallel_loop3A_351, %parallel_loop3A_352], %parallel_loop3A_355 {strides = array<i32>} : memref<80x32xf32, #tpu.memory_space<vmem>>, vector<1x16xf32>,
        %parallel_loop3A_356 = vector.extract_strided_slice %parallel_loop3A_67 {offsets = [9], sizes = [1], strides = [1]} : vector<16xf32> to vector<1xf32>
        %parallel_loop3A_357 = vector.extract %parallel_loop3A_356[0] : f32 from vector<1xf32>
        %parallel_loop3A_358 = arith.constant 9 : i32
        %parallel_loop3A_359 = arith.addi %parallel_loop3A_63, %parallel_loop3A_358 : i32
        %parallel_loop3A_360 = arith.index_cast %parallel_loop3A_359 : i32 to index
        %parallel_loop3A_361 = arith.constant 0 : index
        %parallel_loop3A_362 = tpu.vector_load %arg10[%parallel_loop3A_360, %parallel_loop3A_361] {strides = array<i32>} : memref<80x32xf32, #tpu.memory_space<vmem>>, vector<1x16xf32>,
        %parallel_loop3A_363 = vector.shape_cast %parallel_loop3A_362 : vector<1x16xf32> to vector<16xf32>
        %parallel_loop3A_364 = vector.broadcast %parallel_loop3A_357 : f32 to vector<16xf32>
        %parallel_loop3A_365 = arith.mulf %parallel_loop3A_363, %parallel_loop3A_364 : vector<16xf32>
        %parallel_loop3A_366 = arith.constant 9 : i32
        %parallel_loop3A_367 = arith.addi %parallel_loop3A_63, %parallel_loop3A_366 : i32
        %parallel_loop3A_368 = arith.index_cast %parallel_loop3A_367 : i32 to index
        %parallel_loop3A_369 = arith.constant 0 : index
        %parallel_loop3A_370 = tpu.vector_load %arg10[%parallel_loop3A_368, %parallel_loop3A_369] {strides = array<i32>} : memref<80x32xf32, #tpu.memory_space<vmem>>, vector<1x16xf32>,
        %parallel_loop3A_371 = vector.shape_cast %parallel_loop3A_370 : vector<1x16xf32> to vector<16xf32>
        %parallel_loop3A_372 = vector.shape_cast %parallel_loop3A_365 : vector<16xf32> to vector<1x16xf32>
        tpu.vector_store %arg10[%parallel_loop3A_368, %parallel_loop3A_369], %parallel_loop3A_372 {strides = array<i32>} : memref<80x32xf32, #tpu.memory_space<vmem>>, vector<1x16xf32>,
        %parallel_loop3A_373 = arith.constant 9 : i32
        %parallel_loop3A_374 = arith.addi %parallel_loop3A_63, %parallel_loop3A_373 : i32
        %parallel_loop3A_375 = arith.index_cast %parallel_loop3A_374 : i32 to index
        %parallel_loop3A_376 = arith.constant 16 : index
        %parallel_loop3A_377 = tpu.vector_load %arg10[%parallel_loop3A_375, %parallel_loop3A_376] {strides = array<i32>} : memref<80x32xf32, #tpu.memory_space<vmem>>, vector<1x16xf32>,
        %parallel_loop3A_378 = vector.shape_cast %parallel_loop3A_377 : vector<1x16xf32> to vector<16xf32>
        %parallel_loop3A_379 = vector.broadcast %parallel_loop3A_357 : f32 to vector<16xf32>
        %parallel_loop3A_380 = arith.mulf %parallel_loop3A_378, %parallel_loop3A_379 : vector<16xf32>
        %parallel_loop3A_381 = arith.constant 9 : i32
        %parallel_loop3A_382 = arith.addi %parallel_loop3A_63, %parallel_loop3A_381 : i32
        %parallel_loop3A_383 = arith.index_cast %parallel_loop3A_382 : i32 to index
        %parallel_loop3A_384 = arith.constant 16 : index
        %parallel_loop3A_385 = tpu.vector_load %arg10[%parallel_loop3A_383, %parallel_loop3A_384] {strides = array<i32>} : memref<80x32xf32, #tpu.memory_space<vmem>>, vector<1x16xf32>,
        %parallel_loop3A_386 = vector.shape_cast %parallel_loop3A_385 : vector<1x16xf32> to vector<16xf32>
        %parallel_loop3A_387 = vector.shape_cast %parallel_loop3A_380 : vector<16xf32> to vector<1x16xf32>
        tpu.vector_store %arg10[%parallel_loop3A_383, %parallel_loop3A_384], %parallel_loop3A_387 {strides = array<i32>} : memref<80x32xf32, #tpu.memory_space<vmem>>, vector<1x16xf32>,
        %parallel_loop3A_388 = vector.extract_strided_slice %parallel_loop3A_67 {offsets = [10], sizes = [1], strides = [1]} : vector<16xf32> to vector<1xf32>
        %parallel_loop3A_389 = vector.extract %parallel_loop3A_388[0] : f32 from vector<1xf32>
        %parallel_loop3A_390 = arith.constant 10 : i32
        %parallel_loop3A_391 = arith.addi %parallel_loop3A_63, %parallel_loop3A_390 : i32
        %parallel_loop3A_392 = arith.index_cast %parallel_loop3A_391 : i32 to index
        %parallel_loop3A_393 = arith.constant 0 : index
        %parallel_loop3A_394 = tpu.vector_load %arg10[%parallel_loop3A_392, %parallel_loop3A_393] {strides = array<i32>} : memref<80x32xf32, #tpu.memory_space<vmem>>, vector<1x16xf32>,
        %parallel_loop3A_395 = vector.shape_cast %parallel_loop3A_394 : vector<1x16xf32> to vector<16xf32>
        %parallel_loop3A_396 = vector.broadcast %parallel_loop3A_389 : f32 to vector<16xf32>
        %parallel_loop3A_397 = arith.mulf %parallel_loop3A_395, %parallel_loop3A_396 : vector<16xf32>
        %parallel_loop3A_398 = arith.constant 10 : i32
        %parallel_loop3A_399 = arith.addi %parallel_loop3A_63, %parallel_loop3A_398 : i32
        %parallel_loop3A_400 = arith.index_cast %parallel_loop3A_399 : i32 to index
        %parallel_loop3A_401 = arith.constant 0 : index
        %parallel_loop3A_402 = tpu.vector_load %arg10[%parallel_loop3A_400, %parallel_loop3A_401] {strides = array<i32>} : memref<80x32xf32, #tpu.memory_space<vmem>>, vector<1x16xf32>,
        %parallel_loop3A_403 = vector.shape_cast %parallel_loop3A_402 : vector<1x16xf32> to vector<16xf32>
        %parallel_loop3A_404 = vector.shape_cast %parallel_loop3A_397 : vector<16xf32> to vector<1x16xf32>
        tpu.vector_store %arg10[%parallel_loop3A_400, %parallel_loop3A_401], %parallel_loop3A_404 {strides = array<i32>} : memref<80x32xf32, #tpu.memory_space<vmem>>, vector<1x16xf32>,
        %parallel_loop3A_405 = arith.constant 10 : i32
        %parallel_loop3A_406 = arith.addi %parallel_loop3A_63, %parallel_loop3A_405 : i32
        %parallel_loop3A_407 = arith.index_cast %parallel_loop3A_406 : i32 to index
        %parallel_loop3A_408 = arith.constant 16 : index
        %parallel_loop3A_409 = tpu.vector_load %arg10[%parallel_loop3A_407, %parallel_loop3A_408] {strides = array<i32>} : memref<80x32xf32, #tpu.memory_space<vmem>>, vector<1x16xf32>,
        %parallel_loop3A_410 = vector.shape_cast %parallel_loop3A_409 : vector<1x16xf32> to vector<16xf32>
        %parallel_loop3A_411 = vector.broadcast %parallel_loop3A_389 : f32 to vector<16xf32>
        %parallel_loop3A_412 = arith.mulf %parallel_loop3A_410, %parallel_loop3A_411 : vector<16xf32>
        %parallel_loop3A_413 = arith.constant 10 : i32
        %parallel_loop3A_414 = arith.addi %parallel_loop3A_63, %parallel_loop3A_413 : i32
        %parallel_loop3A_415 = arith.index_cast %parallel_loop3A_414 : i32 to index
        %parallel_loop3A_416 = arith.constant 16 : index
        %parallel_loop3A_417 = tpu.vector_load %arg10[%parallel_loop3A_415, %parallel_loop3A_416] {strides = array<i32>} : memref<80x32xf32, #tpu.memory_space<vmem>>, vector<1x16xf32>,
        %parallel_loop3A_418 = vector.shape_cast %parallel_loop3A_417 : vector<1x16xf32> to vector<16xf32>
        %parallel_loop3A_419 = vector.shape_cast %parallel_loop3A_412 : vector<16xf32> to vector<1x16xf32>
        tpu.vector_store %arg10[%parallel_loop3A_415, %parallel_loop3A_416], %parallel_loop3A_419 {strides = array<i32>} : memref<80x32xf32, #tpu.memory_space<vmem>>, vector<1x16xf32>,
        %parallel_loop3A_420 = vector.extract_strided_slice %parallel_loop3A_67 {offsets = [11], sizes = [1], strides = [1]} : vector<16xf32> to vector<1xf32>
        %parallel_loop3A_421 = vector.extract %parallel_loop3A_420[0] : f32 from vector<1xf32>
        %parallel_loop3A_422 = arith.constant 11 : i32
        %parallel_loop3A_423 = arith.addi %parallel_loop3A_63, %parallel_loop3A_422 : i32
        %parallel_loop3A_424 = arith.index_cast %parallel_loop3A_423 : i32 to index
        %parallel_loop3A_425 = arith.constant 0 : index
        %parallel_loop3A_426 = tpu.vector_load %arg10[%parallel_loop3A_424, %parallel_loop3A_425] {strides = array<i32>} : memref<80x32xf32, #tpu.memory_space<vmem>>, vector<1x16xf32>,
        %parallel_loop3A_427 = vector.shape_cast %parallel_loop3A_426 : vector<1x16xf32> to vector<16xf32>
        %parallel_loop3A_428 = vector.broadcast %parallel_loop3A_421 : f32 to vector<16xf32>
        %parallel_loop3A_429 = arith.mulf %parallel_loop3A_427, %parallel_loop3A_428 : vector<16xf32>
        %parallel_loop3A_430 = arith.constant 11 : i32
        %parallel_loop3A_431 = arith.addi %parallel_loop3A_63, %parallel_loop3A_430 : i32
        %parallel_loop3A_432 = arith.index_cast %parallel_loop3A_431 : i32 to index
        %parallel_loop3A_433 = arith.constant 0 : index
        %parallel_loop3A_434 = tpu.vector_load %arg10[%parallel_loop3A_432, %parallel_loop3A_433] {strides = array<i32>} : memref<80x32xf32, #tpu.memory_space<vmem>>, vector<1x16xf32>,
        %parallel_loop3A_435 = vector.shape_cast %parallel_loop3A_434 : vector<1x16xf32> to vector<16xf32>
        %parallel_loop3A_436 = vector.shape_cast %parallel_loop3A_429 : vector<16xf32> to vector<1x16xf32>
        tpu.vector_store %arg10[%parallel_loop3A_432, %parallel_loop3A_433], %parallel_loop3A_436 {strides = array<i32>} : memref<80x32xf32, #tpu.memory_space<vmem>>, vector<1x16xf32>,
        %parallel_loop3A_437 = arith.constant 11 : i32
        %parallel_loop3A_438 = arith.addi %parallel_loop3A_63, %parallel_loop3A_437 : i32
        %parallel_loop3A_439 = arith.index_cast %parallel_loop3A_438 : i32 to index
        %parallel_loop3A_440 = arith.constant 16 : index
        %parallel_loop3A_441 = tpu.vector_load %arg10[%parallel_loop3A_439, %parallel_loop3A_440] {strides = array<i32>} : memref<80x32xf32, #tpu.memory_space<vmem>>, vector<1x16xf32>,
        %parallel_loop3A_442 = vector.shape_cast %parallel_loop3A_441 : vector<1x16xf32> to vector<16xf32>
        %parallel_loop3A_443 = vector.broadcast %parallel_loop3A_421 : f32 to vector<16xf32>
        %parallel_loop3A_444 = arith.mulf %parallel_loop3A_442, %parallel_loop3A_443 : vector<16xf32>
        %parallel_loop3A_445 = arith.constant 11 : i32
        %parallel_loop3A_446 = arith.addi %parallel_loop3A_63, %parallel_loop3A_445 : i32
        %parallel_loop3A_447 = arith.index_cast %parallel_loop3A_446 : i32 to index
        %parallel_loop3A_448 = arith.constant 16 : index
        %parallel_loop3A_449 = tpu.vector_load %arg10[%parallel_loop3A_447, %parallel_loop3A_448] {strides = array<i32>} : memref<80x32xf32, #tpu.memory_space<vmem>>, vector<1x16xf32>,
        %parallel_loop3A_450 = vector.shape_cast %parallel_loop3A_449 : vector<1x16xf32> to vector<16xf32>
        %parallel_loop3A_451 = vector.shape_cast %parallel_loop3A_444 : vector<16xf32> to vector<1x16xf32>
        tpu.vector_store %arg10[%parallel_loop3A_447, %parallel_loop3A_448], %parallel_loop3A_451 {strides = array<i32>} : memref<80x32xf32, #tpu.memory_space<vmem>>, vector<1x16xf32>,
        %parallel_loop3A_452 = vector.extract_strided_slice %parallel_loop3A_67 {offsets = [12], sizes = [1], strides = [1]} : vector<16xf32> to vector<1xf32>
        %parallel_loop3A_453 = vector.extract %parallel_loop3A_452[0] : f32 from vector<1xf32>
        %parallel_loop3A_454 = arith.constant 12 : i32
        %parallel_loop3A_455 = arith.addi %parallel_loop3A_63, %parallel_loop3A_454 : i32
        %parallel_loop3A_456 = arith.index_cast %parallel_loop3A_455 : i32 to index
        %parallel_loop3A_457 = arith.constant 0 : index
        %parallel_loop3A_458 = tpu.vector_load %arg10[%parallel_loop3A_456, %parallel_loop3A_457] {strides = array<i32>} : memref<80x32xf32, #tpu.memory_space<vmem>>, vector<1x16xf32>,
        %parallel_loop3A_459 = vector.shape_cast %parallel_loop3A_458 : vector<1x16xf32> to vector<16xf32>
        %parallel_loop3A_460 = vector.broadcast %parallel_loop3A_453 : f32 to vector<16xf32>
        %parallel_loop3A_461 = arith.mulf %parallel_loop3A_459, %parallel_loop3A_460 : vector<16xf32>
        %parallel_loop3A_462 = arith.constant 12 : i32
        %parallel_loop3A_463 = arith.addi %parallel_loop3A_63, %parallel_loop3A_462 : i32
        %parallel_loop3A_464 = arith.index_cast %parallel_loop3A_463 : i32 to index
        %parallel_loop3A_465 = arith.constant 0 : index
        %parallel_loop3A_466 = tpu.vector_load %arg10[%parallel_loop3A_464, %parallel_loop3A_465] {strides = array<i32>} : memref<80x32xf32, #tpu.memory_space<vmem>>, vector<1x16xf32>,
        %parallel_loop3A_467 = vector.shape_cast %parallel_loop3A_466 : vector<1x16xf32> to vector<16xf32>
        %parallel_loop3A_468 = vector.shape_cast %parallel_loop3A_461 : vector<16xf32> to vector<1x16xf32>
        tpu.vector_store %arg10[%parallel_loop3A_464, %parallel_loop3A_465], %parallel_loop3A_468 {strides = array<i32>} : memref<80x32xf32, #tpu.memory_space<vmem>>, vector<1x16xf32>,
        %parallel_loop3A_469 = arith.constant 12 : i32
        %parallel_loop3A_470 = arith.addi %parallel_loop3A_63, %parallel_loop3A_469 : i32
        %parallel_loop3A_471 = arith.index_cast %parallel_loop3A_470 : i32 to index
        %parallel_loop3A_472 = arith.constant 16 : index
        %parallel_loop3A_473 = tpu.vector_load %arg10[%parallel_loop3A_471, %parallel_loop3A_472] {strides = array<i32>} : memref<80x32xf32, #tpu.memory_space<vmem>>, vector<1x16xf32>,
        %parallel_loop3A_474 = vector.shape_cast %parallel_loop3A_473 : vector<1x16xf32> to vector<16xf32>
        %parallel_loop3A_475 = vector.broadcast %parallel_loop3A_453 : f32 to vector<16xf32>
        %parallel_loop3A_476 = arith.mulf %parallel_loop3A_474, %parallel_loop3A_475 : vector<16xf32>
        %parallel_loop3A_477 = arith.constant 12 : i32
        %parallel_loop3A_478 = arith.addi %parallel_loop3A_63, %parallel_loop3A_477 : i32
        %parallel_loop3A_479 = arith.index_cast %parallel_loop3A_478 : i32 to index
        %parallel_loop3A_480 = arith.constant 16 : index
        %parallel_loop3A_481 = tpu.vector_load %arg10[%parallel_loop3A_479, %parallel_loop3A_480] {strides = array<i32>} : memref<80x32xf32, #tpu.memory_space<vmem>>, vector<1x16xf32>,
        %parallel_loop3A_482 = vector.shape_cast %parallel_loop3A_481 : vector<1x16xf32> to vector<16xf32>
        %parallel_loop3A_483 = vector.shape_cast %parallel_loop3A_476 : vector<16xf32> to vector<1x16xf32>
        tpu.vector_store %arg10[%parallel_loop3A_479, %parallel_loop3A_480], %parallel_loop3A_483 {strides = array<i32>} : memref<80x32xf32, #tpu.memory_space<vmem>>, vector<1x16xf32>,
        %parallel_loop3A_484 = vector.extract_strided_slice %parallel_loop3A_67 {offsets = [13], sizes = [1], strides = [1]} : vector<16xf32> to vector<1xf32>
        %parallel_loop3A_485 = vector.extract %parallel_loop3A_484[0] : f32 from vector<1xf32>
        %parallel_loop3A_486 = arith.constant 13 : i32
        %parallel_loop3A_487 = arith.addi %parallel_loop3A_63, %parallel_loop3A_486 : i32
        %parallel_loop3A_488 = arith.index_cast %parallel_loop3A_487 : i32 to index
        %parallel_loop3A_489 = arith.constant 0 : index
        %parallel_loop3A_490 = tpu.vector_load %arg10[%parallel_loop3A_488, %parallel_loop3A_489] {strides = array<i32>} : memref<80x32xf32, #tpu.memory_space<vmem>>, vector<1x16xf32>,
        %parallel_loop3A_491 = vector.shape_cast %parallel_loop3A_490 : vector<1x16xf32> to vector<16xf32>
        %parallel_loop3A_492 = vector.broadcast %parallel_loop3A_485 : f32 to vector<16xf32>
        %parallel_loop3A_493 = arith.mulf %parallel_loop3A_491, %parallel_loop3A_492 : vector<16xf32>
        %parallel_loop3A_494 = arith.constant 13 : i32
        %parallel_loop3A_495 = arith.addi %parallel_loop3A_63, %parallel_loop3A_494 : i32
        %parallel_loop3A_496 = arith.index_cast %parallel_loop3A_495 : i32 to index
        %parallel_loop3A_497 = arith.constant 0 : index
        %parallel_loop3A_498 = tpu.vector_load %arg10[%parallel_loop3A_496, %parallel_loop3A_497] {strides = array<i32>} : memref<80x32xf32, #tpu.memory_space<vmem>>, vector<1x16xf32>,
        %parallel_loop3A_499 = vector.shape_cast %parallel_loop3A_498 : vector<1x16xf32> to vector<16xf32>
        %parallel_loop3A_500 = vector.shape_cast %parallel_loop3A_493 : vector<16xf32> to vector<1x16xf32>
        tpu.vector_store %arg10[%parallel_loop3A_496, %parallel_loop3A_497], %parallel_loop3A_500 {strides = array<i32>} : memref<80x32xf32, #tpu.memory_space<vmem>>, vector<1x16xf32>,
        %parallel_loop3A_501 = arith.constant 13 : i32
        %parallel_loop3A_502 = arith.addi %parallel_loop3A_63, %parallel_loop3A_501 : i32
        %parallel_loop3A_503 = arith.index_cast %parallel_loop3A_502 : i32 to index
        %parallel_loop3A_504 = arith.constant 16 : index
        %parallel_loop3A_505 = tpu.vector_load %arg10[%parallel_loop3A_503, %parallel_loop3A_504] {strides = array<i32>} : memref<80x32xf32, #tpu.memory_space<vmem>>, vector<1x16xf32>,
        %parallel_loop3A_506 = vector.shape_cast %parallel_loop3A_505 : vector<1x16xf32> to vector<16xf32>
        %parallel_loop3A_507 = vector.broadcast %parallel_loop3A_485 : f32 to vector<16xf32>
        %parallel_loop3A_508 = arith.mulf %parallel_loop3A_506, %parallel_loop3A_507 : vector<16xf32>
        %parallel_loop3A_509 = arith.constant 13 : i32
        %parallel_loop3A_510 = arith.addi %parallel_loop3A_63, %parallel_loop3A_509 : i32
        %parallel_loop3A_511 = arith.index_cast %parallel_loop3A_510 : i32 to index
        %parallel_loop3A_512 = arith.constant 16 : index
        %parallel_loop3A_513 = tpu.vector_load %arg10[%parallel_loop3A_511, %parallel_loop3A_512] {strides = array<i32>} : memref<80x32xf32, #tpu.memory_space<vmem>>, vector<1x16xf32>,
        %parallel_loop3A_514 = vector.shape_cast %parallel_loop3A_513 : vector<1x16xf32> to vector<16xf32>
        %parallel_loop3A_515 = vector.shape_cast %parallel_loop3A_508 : vector<16xf32> to vector<1x16xf32>
        tpu.vector_store %arg10[%parallel_loop3A_511, %parallel_loop3A_512], %parallel_loop3A_515 {strides = array<i32>} : memref<80x32xf32, #tpu.memory_space<vmem>>, vector<1x16xf32>,
        %parallel_loop3A_516 = vector.extract_strided_slice %parallel_loop3A_67 {offsets = [14], sizes = [1], strides = [1]} : vector<16xf32> to vector<1xf32>
        %parallel_loop3A_517 = vector.extract %parallel_loop3A_516[0] : f32 from vector<1xf32>
        %parallel_loop3A_518 = arith.constant 14 : i32
        %parallel_loop3A_519 = arith.addi %parallel_loop3A_63, %parallel_loop3A_518 : i32
        %parallel_loop3A_520 = arith.index_cast %parallel_loop3A_519 : i32 to index
        %parallel_loop3A_521 = arith.constant 0 : index
        %parallel_loop3A_522 = tpu.vector_load %arg10[%parallel_loop3A_520, %parallel_loop3A_521] {strides = array<i32>} : memref<80x32xf32, #tpu.memory_space<vmem>>, vector<1x16xf32>,
        %parallel_loop3A_523 = vector.shape_cast %parallel_loop3A_522 : vector<1x16xf32> to vector<16xf32>
        %parallel_loop3A_524 = vector.broadcast %parallel_loop3A_517 : f32 to vector<16xf32>
        %parallel_loop3A_525 = arith.mulf %parallel_loop3A_523, %parallel_loop3A_524 : vector<16xf32>
        %parallel_loop3A_526 = arith.constant 14 : i32
        %parallel_loop3A_527 = arith.addi %parallel_loop3A_63, %parallel_loop3A_526 : i32
        %parallel_loop3A_528 = arith.index_cast %parallel_loop3A_527 : i32 to index
        %parallel_loop3A_529 = arith.constant 0 : index
        %parallel_loop3A_530 = tpu.vector_load %arg10[%parallel_loop3A_528, %parallel_loop3A_529] {strides = array<i32>} : memref<80x32xf32, #tpu.memory_space<vmem>>, vector<1x16xf32>,
        %parallel_loop3A_531 = vector.shape_cast %parallel_loop3A_530 : vector<1x16xf32> to vector<16xf32>
        %parallel_loop3A_532 = vector.shape_cast %parallel_loop3A_525 : vector<16xf32> to vector<1x16xf32>
        tpu.vector_store %arg10[%parallel_loop3A_528, %parallel_loop3A_529], %parallel_loop3A_532 {strides = array<i32>} : memref<80x32xf32, #tpu.memory_space<vmem>>, vector<1x16xf32>,
        %parallel_loop3A_533 = arith.constant 14 : i32
        %parallel_loop3A_534 = arith.addi %parallel_loop3A_63, %parallel_loop3A_533 : i32
        %parallel_loop3A_535 = arith.index_cast %parallel_loop3A_534 : i32 to index
        %parallel_loop3A_536 = arith.constant 16 : index
        %parallel_loop3A_537 = tpu.vector_load %arg10[%parallel_loop3A_535, %parallel_loop3A_536] {strides = array<i32>} : memref<80x32xf32, #tpu.memory_space<vmem>>, vector<1x16xf32>,
        %parallel_loop3A_538 = vector.shape_cast %parallel_loop3A_537 : vector<1x16xf32> to vector<16xf32>
        %parallel_loop3A_539 = vector.broadcast %parallel_loop3A_517 : f32 to vector<16xf32>
        %parallel_loop3A_540 = arith.mulf %parallel_loop3A_538, %parallel_loop3A_539 : vector<16xf32>
        %parallel_loop3A_541 = arith.constant 14 : i32
        %parallel_loop3A_542 = arith.addi %parallel_loop3A_63, %parallel_loop3A_541 : i32
        %parallel_loop3A_543 = arith.index_cast %parallel_loop3A_542 : i32 to index
        %parallel_loop3A_544 = arith.constant 16 : index
        %parallel_loop3A_545 = tpu.vector_load %arg10[%parallel_loop3A_543, %parallel_loop3A_544] {strides = array<i32>} : memref<80x32xf32, #tpu.memory_space<vmem>>, vector<1x16xf32>,
        %parallel_loop3A_546 = vector.shape_cast %parallel_loop3A_545 : vector<1x16xf32> to vector<16xf32>
        %parallel_loop3A_547 = vector.shape_cast %parallel_loop3A_540 : vector<16xf32> to vector<1x16xf32>
        tpu.vector_store %arg10[%parallel_loop3A_543, %parallel_loop3A_544], %parallel_loop3A_547 {strides = array<i32>} : memref<80x32xf32, #tpu.memory_space<vmem>>, vector<1x16xf32>,
        %parallel_loop3A_548 = vector.extract_strided_slice %parallel_loop3A_67 {offsets = [15], sizes = [1], strides = [1]} : vector<16xf32> to vector<1xf32>
        %parallel_loop3A_549 = vector.extract %parallel_loop3A_548[0] : f32 from vector<1xf32>
        %parallel_loop3A_550 = arith.constant 15 : i32
        %parallel_loop3A_551 = arith.addi %parallel_loop3A_63, %parallel_loop3A_550 : i32
        %parallel_loop3A_552 = arith.index_cast %parallel_loop3A_551 : i32 to index
        %parallel_loop3A_553 = arith.constant 0 : index
        %parallel_loop3A_554 = tpu.vector_load %arg10[%parallel_loop3A_552, %parallel_loop3A_553] {strides = array<i32>} : memref<80x32xf32, #tpu.memory_space<vmem>>, vector<1x16xf32>,
        %parallel_loop3A_555 = vector.shape_cast %parallel_loop3A_554 : vector<1x16xf32> to vector<16xf32>
        %parallel_loop3A_556 = vector.broadcast %parallel_loop3A_549 : f32 to vector<16xf32>
        %parallel_loop3A_557 = arith.mulf %parallel_loop3A_555, %parallel_loop3A_556 : vector<16xf32>
        %parallel_loop3A_558 = arith.constant 15 : i32
        %parallel_loop3A_559 = arith.addi %parallel_loop3A_63, %parallel_loop3A_558 : i32
        %parallel_loop3A_560 = arith.index_cast %parallel_loop3A_559 : i32 to index
        %parallel_loop3A_561 = arith.constant 0 : index
        %parallel_loop3A_562 = tpu.vector_load %arg10[%parallel_loop3A_560, %parallel_loop3A_561] {strides = array<i32>} : memref<80x32xf32, #tpu.memory_space<vmem>>, vector<1x16xf32>,
        %parallel_loop3A_563 = vector.shape_cast %parallel_loop3A_562 : vector<1x16xf32> to vector<16xf32>
        %parallel_loop3A_564 = vector.shape_cast %parallel_loop3A_557 : vector<16xf32> to vector<1x16xf32>
        tpu.vector_store %arg10[%parallel_loop3A_560, %parallel_loop3A_561], %parallel_loop3A_564 {strides = array<i32>} : memref<80x32xf32, #tpu.memory_space<vmem>>, vector<1x16xf32>,
        %parallel_loop3A_565 = arith.constant 15 : i32
        %parallel_loop3A_566 = arith.addi %parallel_loop3A_63, %parallel_loop3A_565 : i32
        %parallel_loop3A_567 = arith.index_cast %parallel_loop3A_566 : i32 to index
        %parallel_loop3A_568 = arith.constant 16 : index
        %parallel_loop3A_569 = tpu.vector_load %arg10[%parallel_loop3A_567, %parallel_loop3A_568] {strides = array<i32>} : memref<80x32xf32, #tpu.memory_space<vmem>>, vector<1x16xf32>,
        %parallel_loop3A_570 = vector.shape_cast %parallel_loop3A_569 : vector<1x16xf32> to vector<16xf32>
        %parallel_loop3A_571 = vector.broadcast %parallel_loop3A_549 : f32 to vector<16xf32>
        %parallel_loop3A_572 = arith.mulf %parallel_loop3A_570, %parallel_loop3A_571 : vector<16xf32>
        %parallel_loop3A_573 = arith.constant 15 : i32
        %parallel_loop3A_574 = arith.addi %parallel_loop3A_63, %parallel_loop3A_573 : i32
        %parallel_loop3A_575 = arith.index_cast %parallel_loop3A_574 : i32 to index
        %parallel_loop3A_576 = arith.constant 16 : index
        %parallel_loop3A_577 = tpu.vector_load %arg10[%parallel_loop3A_575, %parallel_loop3A_576] {strides = array<i32>} : memref<80x32xf32, #tpu.memory_space<vmem>>, vector<1x16xf32>,
        %parallel_loop3A_578 = vector.shape_cast %parallel_loop3A_577 : vector<1x16xf32> to vector<16xf32>
        %parallel_loop3A_579 = vector.shape_cast %parallel_loop3A_572 : vector<16xf32> to vector<1x16xf32>
        tpu.vector_store %arg10[%parallel_loop3A_575, %parallel_loop3A_576], %parallel_loop3A_579 {strides = array<i32>} : memref<80x32xf32, #tpu.memory_space<vmem>>, vector<1x16xf32>,
      } {sc.loop_unroll_factor = 1 : i64, sc.parallel_access}
      "tpu.region"() ({
        %run_scoped3A = tpu.sem_alloc : memref<!tpu.dma_semaphore, #tpu.memory_space<semaphore_mem>>
        %dma_start3A_63 = arith.constant 0 : i32
        %dma_start3A_64 = tpu.memref_slice %arg8[%mul3A_34, %dma_start3A_63] : memref<250x80xi32, #tpu.memory_space<vmem>> -> memref<1x80xi32, #tpu.memory_space<vmem>>
        %dma_start3A_65 = tpu.memref_squeeze %dma_start3A_64 : memref<1x80xi32, #tpu.memory_space<vmem>> -> memref<80xi32, #tpu.memory_space<vmem>>
        %dma_start3A_66 = arith.constant 0 : i32
        %dma_start3A_67 = arith.constant 0 : i32
        %dma_start3A_68 = tpu.memref_slice %arg13[%dma_start3A_66, %dma_start3A_67] : memref<10000x32xf32, #tpu.memory_space<vmem_shared>> -> memref<10000x32xf32, #tpu.memory_space<vmem_shared>>
        tpu.enqueue_indirect_dma source(%arg10 : memref<80x32xf32, #tpu.memory_space<vmem>>) target(%dma_start3A_68 : memref<10000x32xf32, #tpu.memory_space<vmem_shared>>) offsets(%dma_start3A_65 : memref<80xi32, #tpu.memory_space<vmem>>) semaphore(%run_scoped3A : memref<!tpu.dma_semaphore, #tpu.memory_space<semaphore_mem>>) {add = true}
        %dma_wait3A_69 = arith.constant 0 : i32
        %dma_wait3A_70 = tpu.memref_slice %arg8[%mul3A_34, %dma_wait3A_69] : memref<250x80xi32, #tpu.memory_space<vmem>> -> memref<1x80xi32, #tpu.memory_space<vmem>>
        %dma_wait3A_71 = tpu.memref_squeeze %dma_wait3A_70 : memref<1x80xi32, #tpu.memory_space<vmem>> -> memref<80xi32, #tpu.memory_space<vmem>>
        %dma_wait3A_72 = arith.constant 0 : i32
        %dma_wait3A_73 = arith.constant 0 : i32
        %dma_wait3A_74 = tpu.memref_slice %arg13[%dma_wait3A_72, %dma_wait3A_73] : memref<10000x32xf32, #tpu.memory_space<vmem_shared>> -> memref<10000x32xf32, #tpu.memory_space<vmem_shared>>
        tpu.wait_indirect_dma semaphore(%run_scoped3A : memref<!tpu.dma_semaphore, #tpu.memory_space<semaphore_mem>>) src(%arg10 : memref<80x32xf32, #tpu.memory_space<vmem>>) dst(%dma_wait3A_74 : memref<10000x32xf32, #tpu.memory_space<vmem_shared>>)
        tpu.yield
      }) : () -> ()
      %add3A_50 = arith.constant 1 : i32
      %add3A_51 = arith.addi %add3A_36, %add3A_50 : i32
      %lt3A = arith.constant 250 : i32
      %lt3A_52 = arith.cmpi slt, %add3A_51, %lt3A : i32
      %convert_element_type3A = arith.extui %lt3A_52 : i1 to i32
      %cond3A = arith.constant 0 : i32
      %cond3A_53 = arith.cmpi ne, %convert_element_type3A, %cond3A : i32
      scf.if %cond3A_53 {
        %add3A_63 = arith.constant 1 : i32
        %add3A_64 = arith.addi %add3A_36, %add3A_63 : i32
        %dma_start3A_65 = arith.constant 0 : i32
        %dma_start3A_66 = tpu.memref_slice %arg7[%add3A_64, %dma_start3A_65] : memref<250x80xi32, #tpu.memory_space<vmem>> -> memref<1x80xi32, #tpu.memory_space<vmem>>
        %dma_start3A_67 = tpu.memref_squeeze %dma_start3A_66 : memref<1x80xi32, #tpu.memory_space<vmem>> -> memref<80xi32, #tpu.memory_space<vmem>>
        %dma_start3A_68 = arith.constant 0 : i32
        %dma_start3A_69 = arith.constant 0 : i32
        %dma_start3A_70 = tpu.memref_slice %arg2[%dma_start3A_68, %dma_start3A_69] : memref<20000x32xf32, #tpu.memory_space<hbm>> -> memref<20000x32xf32, #tpu.memory_space<hbm>>
        tpu.enqueue_indirect_dma source(%dma_start3A_70 : memref<20000x32xf32, #tpu.memory_space<hbm>>) target(%arg10 : memref<80x32xf32, #tpu.memory_space<vmem>>) offsets(%dma_start3A_67 : memref<80xi32, #tpu.memory_space<vmem>>) semaphore(%arg14 : memref<!tpu.dma_semaphore, #tpu.memory_space<semaphore_mem>>)
      } else {
      }
      %dma_wait3A_54 = arith.constant 0 : i32
      %dma_wait3A_55 = tpu.memref_slice %arg7[%add3A_36, %dma_wait3A_54] : memref<250x80xi32, #tpu.memory_space<vmem>> -> memref<1x80xi32, #tpu.memory_space<vmem>>
      %dma_wait3A_56 = tpu.memref_squeeze %dma_wait3A_55 : memref<1x80xi32, #tpu.memory_space<vmem>> -> memref<80xi32, #tpu.memory_space<vmem>>
      %dma_wait3A_57 = arith.constant 0 : i32
      %dma_wait3A_58 = arith.constant 0 : i32
      %dma_wait3A_59 = tpu.memref_slice %arg2[%dma_wait3A_57, %dma_wait3A_58] : memref<20000x32xf32, #tpu.memory_space<hbm>> -> memref<20000x32xf32, #tpu.memory_space<hbm>>
      tpu.wait_indirect_dma semaphore(%arg15 : memref<!tpu.dma_semaphore, #tpu.memory_space<semaphore_mem>>) src(%dma_wait3A_59 : memref<20000x32xf32, #tpu.memory_space<hbm>>) dst(%arg11 : memref<80x32xf32, #tpu.memory_space<vmem>>)
      %parallel_loop3A_60 = arith.constant 0 : i32
      %parallel_loop3A_61 = arith.constant 80 : i32
      %parallel_loop3A_62 = arith.constant 16 : i32
      scf.for %parallel_loop3A_63 = %parallel_loop3A_60 to %parallel_loop3A_61 step %parallel_loop3A_62  : i32 {
        %parallel_loop3A_64 = arith.index_cast %add3A_36 : i32 to index
        %parallel_loop3A_65 = arith.index_cast %parallel_loop3A_63 : i32 to index
        %parallel_loop3A_66 = tpu.vector_load %arg9[%parallel_loop3A_64, %parallel_loop3A_65] {strides = array<i32>} : memref<250x80xf32, #tpu.memory_space<vmem>>, vector<1x16xf32>,
        %parallel_loop3A_67 = vector.shape_cast %parallel_loop3A_66 : vector<1x16xf32> to vector<16xf32>
        %parallel_loop3A_68 = vector.extract_strided_slice %parallel_loop3A_67 {offsets = [0], sizes = [1], strides = [1]} : vector<16xf32> to vector<1xf32>
        %parallel_loop3A_69 = vector.extract %parallel_loop3A_68[0] : f32 from vector<1xf32>
        %parallel_loop3A_70 = arith.constant 0 : i32
        %parallel_loop3A_71 = arith.addi %parallel_loop3A_63, %parallel_loop3A_70 : i32
        %parallel_loop3A_72 = arith.index_cast %parallel_loop3A_71 : i32 to index
        %parallel_loop3A_73 = arith.constant 0 : index
        %parallel_loop3A_74 = tpu.vector_load %arg11[%parallel_loop3A_72, %parallel_loop3A_73] {strides = array<i32>} : memref<80x32xf32, #tpu.memory_space<vmem>>, vector<1x16xf32>,
        %parallel_loop3A_75 = vector.shape_cast %parallel_loop3A_74 : vector<1x16xf32> to vector<16xf32>
        %parallel_loop3A_76 = vector.broadcast %parallel_loop3A_69 : f32 to vector<16xf32>
        %parallel_loop3A_77 = arith.mulf %parallel_loop3A_75, %parallel_loop3A_76 : vector<16xf32>
        %parallel_loop3A_78 = arith.constant 0 : i32
        %parallel_loop3A_79 = arith.addi %parallel_loop3A_63, %parallel_loop3A_78 : i32
        %parallel_loop3A_80 = arith.index_cast %parallel_loop3A_79 : i32 to index
        %parallel_loop3A_81 = arith.constant 0 : index
        %parallel_loop3A_82 = tpu.vector_load %arg11[%parallel_loop3A_80, %parallel_loop3A_81] {strides = array<i32>} : memref<80x32xf32, #tpu.memory_space<vmem>>, vector<1x16xf32>,
        %parallel_loop3A_83 = vector.shape_cast %parallel_loop3A_82 : vector<1x16xf32> to vector<16xf32>
        %parallel_loop3A_84 = vector.shape_cast %parallel_loop3A_77 : vector<16xf32> to vector<1x16xf32>
        tpu.vector_store %arg11[%parallel_loop3A_80, %parallel_loop3A_81], %parallel_loop3A_84 {strides = array<i32>} : memref<80x32xf32, #tpu.memory_space<vmem>>, vector<1x16xf32>,
        %parallel_loop3A_85 = arith.constant 0 : i32
        %parallel_loop3A_86 = arith.addi %parallel_loop3A_63, %parallel_loop3A_85 : i32
        %parallel_loop3A_87 = arith.index_cast %parallel_loop3A_86 : i32 to index
        %parallel_loop3A_88 = arith.constant 16 : index
        %parallel_loop3A_89 = tpu.vector_load %arg11[%parallel_loop3A_87, %parallel_loop3A_88] {strides = array<i32>} : memref<80x32xf32, #tpu.memory_space<vmem>>, vector<1x16xf32>,
        %parallel_loop3A_90 = vector.shape_cast %parallel_loop3A_89 : vector<1x16xf32> to vector<16xf32>
        %parallel_loop3A_91 = vector.broadcast %parallel_loop3A_69 : f32 to vector<16xf32>
        %parallel_loop3A_92 = arith.mulf %parallel_loop3A_90, %parallel_loop3A_91 : vector<16xf32>
        %parallel_loop3A_93 = arith.constant 0 : i32
        %parallel_loop3A_94 = arith.addi %parallel_loop3A_63, %parallel_loop3A_93 : i32
        %parallel_loop3A_95 = arith.index_cast %parallel_loop3A_94 : i32 to index
        %parallel_loop3A_96 = arith.constant 16 : index
        %parallel_loop3A_97 = tpu.vector_load %arg11[%parallel_loop3A_95, %parallel_loop3A_96] {strides = array<i32>} : memref<80x32xf32, #tpu.memory_space<vmem>>, vector<1x16xf32>,
        %parallel_loop3A_98 = vector.shape_cast %parallel_loop3A_97 : vector<1x16xf32> to vector<16xf32>
        %parallel_loop3A_99 = vector.shape_cast %parallel_loop3A_92 : vector<16xf32> to vector<1x16xf32>
        tpu.vector_store %arg11[%parallel_loop3A_95, %parallel_loop3A_96], %parallel_loop3A_99 {strides = array<i32>} : memref<80x32xf32, #tpu.memory_space<vmem>>, vector<1x16xf32>,
        %parallel_loop3A_100 = vector.extract_strided_slice %parallel_loop3A_67 {offsets = [1], sizes = [1], strides = [1]} : vector<16xf32> to vector<1xf32>
        %parallel_loop3A_101 = vector.extract %parallel_loop3A_100[0] : f32 from vector<1xf32>
        %parallel_loop3A_102 = arith.constant 1 : i32
        %parallel_loop3A_103 = arith.addi %parallel_loop3A_63, %parallel_loop3A_102 : i32
        %parallel_loop3A_104 = arith.index_cast %parallel_loop3A_103 : i32 to index
        %parallel_loop3A_105 = arith.constant 0 : index
        %parallel_loop3A_106 = tpu.vector_load %arg11[%parallel_loop3A_104, %parallel_loop3A_105] {strides = array<i32>} : memref<80x32xf32, #tpu.memory_space<vmem>>, vector<1x16xf32>,
        %parallel_loop3A_107 = vector.shape_cast %parallel_loop3A_106 : vector<1x16xf32> to vector<16xf32>
        %parallel_loop3A_108 = vector.broadcast %parallel_loop3A_101 : f32 to vector<16xf32>
        %parallel_loop3A_109 = arith.mulf %parallel_loop3A_107, %parallel_loop3A_108 : vector<16xf32>
        %parallel_loop3A_110 = arith.constant 1 : i32
        %parallel_loop3A_111 = arith.addi %parallel_loop3A_63, %parallel_loop3A_110 : i32
        %parallel_loop3A_112 = arith.index_cast %parallel_loop3A_111 : i32 to index
        %parallel_loop3A_113 = arith.constant 0 : index
        %parallel_loop3A_114 = tpu.vector_load %arg11[%parallel_loop3A_112, %parallel_loop3A_113] {strides = array<i32>} : memref<80x32xf32, #tpu.memory_space<vmem>>, vector<1x16xf32>,
        %parallel_loop3A_115 = vector.shape_cast %parallel_loop3A_114 : vector<1x16xf32> to vector<16xf32>
        %parallel_loop3A_116 = vector.shape_cast %parallel_loop3A_109 : vector<16xf32> to vector<1x16xf32>
        tpu.vector_store %arg11[%parallel_loop3A_112, %parallel_loop3A_113], %parallel_loop3A_116 {strides = array<i32>} : memref<80x32xf32, #tpu.memory_space<vmem>>, vector<1x16xf32>,
        %parallel_loop3A_117 = arith.constant 1 : i32
        %parallel_loop3A_118 = arith.addi %parallel_loop3A_63, %parallel_loop3A_117 : i32
        %parallel_loop3A_119 = arith.index_cast %parallel_loop3A_118 : i32 to index
        %parallel_loop3A_120 = arith.constant 16 : index
        %parallel_loop3A_121 = tpu.vector_load %arg11[%parallel_loop3A_119, %parallel_loop3A_120] {strides = array<i32>} : memref<80x32xf32, #tpu.memory_space<vmem>>, vector<1x16xf32>,
        %parallel_loop3A_122 = vector.shape_cast %parallel_loop3A_121 : vector<1x16xf32> to vector<16xf32>
        %parallel_loop3A_123 = vector.broadcast %parallel_loop3A_101 : f32 to vector<16xf32>
        %parallel_loop3A_124 = arith.mulf %parallel_loop3A_122, %parallel_loop3A_123 : vector<16xf32>
        %parallel_loop3A_125 = arith.constant 1 : i32
        %parallel_loop3A_126 = arith.addi %parallel_loop3A_63, %parallel_loop3A_125 : i32
        %parallel_loop3A_127 = arith.index_cast %parallel_loop3A_126 : i32 to index
        %parallel_loop3A_128 = arith.constant 16 : index
        %parallel_loop3A_129 = tpu.vector_load %arg11[%parallel_loop3A_127, %parallel_loop3A_128] {strides = array<i32>} : memref<80x32xf32, #tpu.memory_space<vmem>>, vector<1x16xf32>,
        %parallel_loop3A_130 = vector.shape_cast %parallel_loop3A_129 : vector<1x16xf32> to vector<16xf32>
        %parallel_loop3A_131 = vector.shape_cast %parallel_loop3A_124 : vector<16xf32> to vector<1x16xf32>
        tpu.vector_store %arg11[%parallel_loop3A_127, %parallel_loop3A_128], %parallel_loop3A_131 {strides = array<i32>} : memref<80x32xf32, #tpu.memory_space<vmem>>, vector<1x16xf32>,
        %parallel_loop3A_132 = vector.extract_strided_slice %parallel_loop3A_67 {offsets = [2], sizes = [1], strides = [1]} : vector<16xf32> to vector<1xf32>
        %parallel_loop3A_133 = vector.extract %parallel_loop3A_132[0] : f32 from vector<1xf32>
        %parallel_loop3A_134 = arith.constant 2 : i32
        %parallel_loop3A_135 = arith.addi %parallel_loop3A_63, %parallel_loop3A_134 : i32
        %parallel_loop3A_136 = arith.index_cast %parallel_loop3A_135 : i32 to index
        %parallel_loop3A_137 = arith.constant 0 : index
        %parallel_loop3A_138 = tpu.vector_load %arg11[%parallel_loop3A_136, %parallel_loop3A_137] {strides = array<i32>} : memref<80x32xf32, #tpu.memory_space<vmem>>, vector<1x16xf32>,
        %parallel_loop3A_139 = vector.shape_cast %parallel_loop3A_138 : vector<1x16xf32> to vector<16xf32>
        %parallel_loop3A_140 = vector.broadcast %parallel_loop3A_133 : f32 to vector<16xf32>
        %parallel_loop3A_141 = arith.mulf %parallel_loop3A_139, %parallel_loop3A_140 : vector<16xf32>
        %parallel_loop3A_142 = arith.constant 2 : i32
        %parallel_loop3A_143 = arith.addi %parallel_loop3A_63, %parallel_loop3A_142 : i32
        %parallel_loop3A_144 = arith.index_cast %parallel_loop3A_143 : i32 to index
        %parallel_loop3A_145 = arith.constant 0 : index
        %parallel_loop3A_146 = tpu.vector_load %arg11[%parallel_loop3A_144, %parallel_loop3A_145] {strides = array<i32>} : memref<80x32xf32, #tpu.memory_space<vmem>>, vector<1x16xf32>,
        %parallel_loop3A_147 = vector.shape_cast %parallel_loop3A_146 : vector<1x16xf32> to vector<16xf32>
        %parallel_loop3A_148 = vector.shape_cast %parallel_loop3A_141 : vector<16xf32> to vector<1x16xf32>
        tpu.vector_store %arg11[%parallel_loop3A_144, %parallel_loop3A_145], %parallel_loop3A_148 {strides = array<i32>} : memref<80x32xf32, #tpu.memory_space<vmem>>, vector<1x16xf32>,
        %parallel_loop3A_149 = arith.constant 2 : i32
        %parallel_loop3A_150 = arith.addi %parallel_loop3A_63, %parallel_loop3A_149 : i32
        %parallel_loop3A_151 = arith.index_cast %parallel_loop3A_150 : i32 to index
        %parallel_loop3A_152 = arith.constant 16 : index
        %parallel_loop3A_153 = tpu.vector_load %arg11[%parallel_loop3A_151, %parallel_loop3A_152] {strides = array<i32>} : memref<80x32xf32, #tpu.memory_space<vmem>>, vector<1x16xf32>,
        %parallel_loop3A_154 = vector.shape_cast %parallel_loop3A_153 : vector<1x16xf32> to vector<16xf32>
        %parallel_loop3A_155 = vector.broadcast %parallel_loop3A_133 : f32 to vector<16xf32>
        %parallel_loop3A_156 = arith.mulf %parallel_loop3A_154, %parallel_loop3A_155 : vector<16xf32>
        %parallel_loop3A_157 = arith.constant 2 : i32
        %parallel_loop3A_158 = arith.addi %parallel_loop3A_63, %parallel_loop3A_157 : i32
        %parallel_loop3A_159 = arith.index_cast %parallel_loop3A_158 : i32 to index
        %parallel_loop3A_160 = arith.constant 16 : index
        %parallel_loop3A_161 = tpu.vector_load %arg11[%parallel_loop3A_159, %parallel_loop3A_160] {strides = array<i32>} : memref<80x32xf32, #tpu.memory_space<vmem>>, vector<1x16xf32>,
        %parallel_loop3A_162 = vector.shape_cast %parallel_loop3A_161 : vector<1x16xf32> to vector<16xf32>
        %parallel_loop3A_163 = vector.shape_cast %parallel_loop3A_156 : vector<16xf32> to vector<1x16xf32>
        tpu.vector_store %arg11[%parallel_loop3A_159, %parallel_loop3A_160], %parallel_loop3A_163 {strides = array<i32>} : memref<80x32xf32, #tpu.memory_space<vmem>>, vector<1x16xf32>,
        %parallel_loop3A_164 = vector.extract_strided_slice %parallel_loop3A_67 {offsets = [3], sizes = [1], strides = [1]} : vector<16xf32> to vector<1xf32>
        %parallel_loop3A_165 = vector.extract %parallel_loop3A_164[0] : f32 from vector<1xf32>
        %parallel_loop3A_166 = arith.constant 3 : i32
        %parallel_loop3A_167 = arith.addi %parallel_loop3A_63, %parallel_loop3A_166 : i32
        %parallel_loop3A_168 = arith.index_cast %parallel_loop3A_167 : i32 to index
        %parallel_loop3A_169 = arith.constant 0 : index
        %parallel_loop3A_170 = tpu.vector_load %arg11[%parallel_loop3A_168, %parallel_loop3A_169] {strides = array<i32>} : memref<80x32xf32, #tpu.memory_space<vmem>>, vector<1x16xf32>,
        %parallel_loop3A_171 = vector.shape_cast %parallel_loop3A_170 : vector<1x16xf32> to vector<16xf32>
        %parallel_loop3A_172 = vector.broadcast %parallel_loop3A_165 : f32 to vector<16xf32>
        %parallel_loop3A_173 = arith.mulf %parallel_loop3A_171, %parallel_loop3A_172 : vector<16xf32>
        %parallel_loop3A_174 = arith.constant 3 : i32
        %parallel_loop3A_175 = arith.addi %parallel_loop3A_63, %parallel_loop3A_174 : i32
        %parallel_loop3A_176 = arith.index_cast %parallel_loop3A_175 : i32 to index
        %parallel_loop3A_177 = arith.constant 0 : index
        %parallel_loop3A_178 = tpu.vector_load %arg11[%parallel_loop3A_176, %parallel_loop3A_177] {strides = array<i32>} : memref<80x32xf32, #tpu.memory_space<vmem>>, vector<1x16xf32>,
        %parallel_loop3A_179 = vector.shape_cast %parallel_loop3A_178 : vector<1x16xf32> to vector<16xf32>
        %parallel_loop3A_180 = vector.shape_cast %parallel_loop3A_173 : vector<16xf32> to vector<1x16xf32>
        tpu.vector_store %arg11[%parallel_loop3A_176, %parallel_loop3A_177], %parallel_loop3A_180 {strides = array<i32>} : memref<80x32xf32, #tpu.memory_space<vmem>>, vector<1x16xf32>,
        %parallel_loop3A_181 = arith.constant 3 : i32
        %parallel_loop3A_182 = arith.addi %parallel_loop3A_63, %parallel_loop3A_181 : i32
        %parallel_loop3A_183 = arith.index_cast %parallel_loop3A_182 : i32 to index
        %parallel_loop3A_184 = arith.constant 16 : index
        %parallel_loop3A_185 = tpu.vector_load %arg11[%parallel_loop3A_183, %parallel_loop3A_184] {strides = array<i32>} : memref<80x32xf32, #tpu.memory_space<vmem>>, vector<1x16xf32>,
        %parallel_loop3A_186 = vector.shape_cast %parallel_loop3A_185 : vector<1x16xf32> to vector<16xf32>
        %parallel_loop3A_187 = vector.broadcast %parallel_loop3A_165 : f32 to vector<16xf32>
        %parallel_loop3A_188 = arith.mulf %parallel_loop3A_186, %parallel_loop3A_187 : vector<16xf32>
        %parallel_loop3A_189 = arith.constant 3 : i32
        %parallel_loop3A_190 = arith.addi %parallel_loop3A_63, %parallel_loop3A_189 : i32
        %parallel_loop3A_191 = arith.index_cast %parallel_loop3A_190 : i32 to index
        %parallel_loop3A_192 = arith.constant 16 : index
        %parallel_loop3A_193 = tpu.vector_load %arg11[%parallel_loop3A_191, %parallel_loop3A_192] {strides = array<i32>} : memref<80x32xf32, #tpu.memory_space<vmem>>, vector<1x16xf32>,
        %parallel_loop3A_194 = vector.shape_cast %parallel_loop3A_193 : vector<1x16xf32> to vector<16xf32>
        %parallel_loop3A_195 = vector.shape_cast %parallel_loop3A_188 : vector<16xf32> to vector<1x16xf32>
        tpu.vector_store %arg11[%parallel_loop3A_191, %parallel_loop3A_192], %parallel_loop3A_195 {strides = array<i32>} : memref<80x32xf32, #tpu.memory_space<vmem>>, vector<1x16xf32>,
        %parallel_loop3A_196 = vector.extract_strided_slice %parallel_loop3A_67 {offsets = [4], sizes = [1], strides = [1]} : vector<16xf32> to vector<1xf32>
        %parallel_loop3A_197 = vector.extract %parallel_loop3A_196[0] : f32 from vector<1xf32>
        %parallel_loop3A_198 = arith.constant 4 : i32
        %parallel_loop3A_199 = arith.addi %parallel_loop3A_63, %parallel_loop3A_198 : i32
        %parallel_loop3A_200 = arith.index_cast %parallel_loop3A_199 : i32 to index
        %parallel_loop3A_201 = arith.constant 0 : index
        %parallel_loop3A_202 = tpu.vector_load %arg11[%parallel_loop3A_200, %parallel_loop3A_201] {strides = array<i32>} : memref<80x32xf32, #tpu.memory_space<vmem>>, vector<1x16xf32>,
        %parallel_loop3A_203 = vector.shape_cast %parallel_loop3A_202 : vector<1x16xf32> to vector<16xf32>
        %parallel_loop3A_204 = vector.broadcast %parallel_loop3A_197 : f32 to vector<16xf32>
        %parallel_loop3A_205 = arith.mulf %parallel_loop3A_203, %parallel_loop3A_204 : vector<16xf32>
        %parallel_loop3A_206 = arith.constant 4 : i32
        %parallel_loop3A_207 = arith.addi %parallel_loop3A_63, %parallel_loop3A_206 : i32
        %parallel_loop3A_208 = arith.index_cast %parallel_loop3A_207 : i32 to index
        %parallel_loop3A_209 = arith.constant 0 : index
        %parallel_loop3A_210 = tpu.vector_load %arg11[%parallel_loop3A_208, %parallel_loop3A_209] {strides = array<i32>} : memref<80x32xf32, #tpu.memory_space<vmem>>, vector<1x16xf32>,
        %parallel_loop3A_211 = vector.shape_cast %parallel_loop3A_210 : vector<1x16xf32> to vector<16xf32>
        %parallel_loop3A_212 = vector.shape_cast %parallel_loop3A_205 : vector<16xf32> to vector<1x16xf32>
        tpu.vector_store %arg11[%parallel_loop3A_208, %parallel_loop3A_209], %parallel_loop3A_212 {strides = array<i32>} : memref<80x32xf32, #tpu.memory_space<vmem>>, vector<1x16xf32>,
        %parallel_loop3A_213 = arith.constant 4 : i32
        %parallel_loop3A_214 = arith.addi %parallel_loop3A_63, %parallel_loop3A_213 : i32
        %parallel_loop3A_215 = arith.index_cast %parallel_loop3A_214 : i32 to index
        %parallel_loop3A_216 = arith.constant 16 : index
        %parallel_loop3A_217 = tpu.vector_load %arg11[%parallel_loop3A_215, %parallel_loop3A_216] {strides = array<i32>} : memref<80x32xf32, #tpu.memory_space<vmem>>, vector<1x16xf32>,
        %parallel_loop3A_218 = vector.shape_cast %parallel_loop3A_217 : vector<1x16xf32> to vector<16xf32>
        %parallel_loop3A_219 = vector.broadcast %parallel_loop3A_197 : f32 to vector<16xf32>
        %parallel_loop3A_220 = arith.mulf %parallel_loop3A_218, %parallel_loop3A_219 : vector<16xf32>
        %parallel_loop3A_221 = arith.constant 4 : i32
        %parallel_loop3A_222 = arith.addi %parallel_loop3A_63, %parallel_loop3A_221 : i32
        %parallel_loop3A_223 = arith.index_cast %parallel_loop3A_222 : i32 to index
        %parallel_loop3A_224 = arith.constant 16 : index
        %parallel_loop3A_225 = tpu.vector_load %arg11[%parallel_loop3A_223, %parallel_loop3A_224] {strides = array<i32>} : memref<80x32xf32, #tpu.memory_space<vmem>>, vector<1x16xf32>,
        %parallel_loop3A_226 = vector.shape_cast %parallel_loop3A_225 : vector<1x16xf32> to vector<16xf32>
        %parallel_loop3A_227 = vector.shape_cast %parallel_loop3A_220 : vector<16xf32> to vector<1x16xf32>
        tpu.vector_store %arg11[%parallel_loop3A_223, %parallel_loop3A_224], %parallel_loop3A_227 {strides = array<i32>} : memref<80x32xf32, #tpu.memory_space<vmem>>, vector<1x16xf32>,
        %parallel_loop3A_228 = vector.extract_strided_slice %parallel_loop3A_67 {offsets = [5], sizes = [1], strides = [1]} : vector<16xf32> to vector<1xf32>
        %parallel_loop3A_229 = vector.extract %parallel_loop3A_228[0] : f32 from vector<1xf32>
        %parallel_loop3A_230 = arith.constant 5 : i32
        %parallel_loop3A_231 = arith.addi %parallel_loop3A_63, %parallel_loop3A_230 : i32
        %parallel_loop3A_232 = arith.index_cast %parallel_loop3A_231 : i32 to index
        %parallel_loop3A_233 = arith.constant 0 : index
        %parallel_loop3A_234 = tpu.vector_load %arg11[%parallel_loop3A_232, %parallel_loop3A_233] {strides = array<i32>} : memref<80x32xf32, #tpu.memory_space<vmem>>, vector<1x16xf32>,
        %parallel_loop3A_235 = vector.shape_cast %parallel_loop3A_234 : vector<1x16xf32> to vector<16xf32>
        %parallel_loop3A_236 = vector.broadcast %parallel_loop3A_229 : f32 to vector<16xf32>
        %parallel_loop3A_237 = arith.mulf %parallel_loop3A_235, %parallel_loop3A_236 : vector<16xf32>
        %parallel_loop3A_238 = arith.constant 5 : i32
        %parallel_loop3A_239 = arith.addi %parallel_loop3A_63, %parallel_loop3A_238 : i32
        %parallel_loop3A_240 = arith.index_cast %parallel_loop3A_239 : i32 to index
        %parallel_loop3A_241 = arith.constant 0 : index
        %parallel_loop3A_242 = tpu.vector_load %arg11[%parallel_loop3A_240, %parallel_loop3A_241] {strides = array<i32>} : memref<80x32xf32, #tpu.memory_space<vmem>>, vector<1x16xf32>,
        %parallel_loop3A_243 = vector.shape_cast %parallel_loop3A_242 : vector<1x16xf32> to vector<16xf32>
        %parallel_loop3A_244 = vector.shape_cast %parallel_loop3A_237 : vector<16xf32> to vector<1x16xf32>
        tpu.vector_store %arg11[%parallel_loop3A_240, %parallel_loop3A_241], %parallel_loop3A_244 {strides = array<i32>} : memref<80x32xf32, #tpu.memory_space<vmem>>, vector<1x16xf32>,
        %parallel_loop3A_245 = arith.constant 5 : i32
        %parallel_loop3A_246 = arith.addi %parallel_loop3A_63, %parallel_loop3A_245 : i32
        %parallel_loop3A_247 = arith.index_cast %parallel_loop3A_246 : i32 to index
        %parallel_loop3A_248 = arith.constant 16 : index
        %parallel_loop3A_249 = tpu.vector_load %arg11[%parallel_loop3A_247, %parallel_loop3A_248] {strides = array<i32>} : memref<80x32xf32, #tpu.memory_space<vmem>>, vector<1x16xf32>,
        %parallel_loop3A_250 = vector.shape_cast %parallel_loop3A_249 : vector<1x16xf32> to vector<16xf32>
        %parallel_loop3A_251 = vector.broadcast %parallel_loop3A_229 : f32 to vector<16xf32>
        %parallel_loop3A_252 = arith.mulf %parallel_loop3A_250, %parallel_loop3A_251 : vector<16xf32>
        %parallel_loop3A_253 = arith.constant 5 : i32
        %parallel_loop3A_254 = arith.addi %parallel_loop3A_63, %parallel_loop3A_253 : i32
        %parallel_loop3A_255 = arith.index_cast %parallel_loop3A_254 : i32 to index
        %parallel_loop3A_256 = arith.constant 16 : index
        %parallel_loop3A_257 = tpu.vector_load %arg11[%parallel_loop3A_255, %parallel_loop3A_256] {strides = array<i32>} : memref<80x32xf32, #tpu.memory_space<vmem>>, vector<1x16xf32>,
        %parallel_loop3A_258 = vector.shape_cast %parallel_loop3A_257 : vector<1x16xf32> to vector<16xf32>
        %parallel_loop3A_259 = vector.shape_cast %parallel_loop3A_252 : vector<16xf32> to vector<1x16xf32>
        tpu.vector_store %arg11[%parallel_loop3A_255, %parallel_loop3A_256], %parallel_loop3A_259 {strides = array<i32>} : memref<80x32xf32, #tpu.memory_space<vmem>>, vector<1x16xf32>,
        %parallel_loop3A_260 = vector.extract_strided_slice %parallel_loop3A_67 {offsets = [6], sizes = [1], strides = [1]} : vector<16xf32> to vector<1xf32>
        %parallel_loop3A_261 = vector.extract %parallel_loop3A_260[0] : f32 from vector<1xf32>
        %parallel_loop3A_262 = arith.constant 6 : i32
        %parallel_loop3A_263 = arith.addi %parallel_loop3A_63, %parallel_loop3A_262 : i32
        %parallel_loop3A_264 = arith.index_cast %parallel_loop3A_263 : i32 to index
        %parallel_loop3A_265 = arith.constant 0 : index
        %parallel_loop3A_266 = tpu.vector_load %arg11[%parallel_loop3A_264, %parallel_loop3A_265] {strides = array<i32>} : memref<80x32xf32, #tpu.memory_space<vmem>>, vector<1x16xf32>,
        %parallel_loop3A_267 = vector.shape_cast %parallel_loop3A_266 : vector<1x16xf32> to vector<16xf32>
        %parallel_loop3A_268 = vector.broadcast %parallel_loop3A_261 : f32 to vector<16xf32>
        %parallel_loop3A_269 = arith.mulf %parallel_loop3A_267, %parallel_loop3A_268 : vector<16xf32>
        %parallel_loop3A_270 = arith.constant 6 : i32
        %parallel_loop3A_271 = arith.addi %parallel_loop3A_63, %parallel_loop3A_270 : i32
        %parallel_loop3A_272 = arith.index_cast %parallel_loop3A_271 : i32 to index
        %parallel_loop3A_273 = arith.constant 0 : index
        %parallel_loop3A_274 = tpu.vector_load %arg11[%parallel_loop3A_272, %parallel_loop3A_273] {strides = array<i32>} : memref<80x32xf32, #tpu.memory_space<vmem>>, vector<1x16xf32>,
        %parallel_loop3A_275 = vector.shape_cast %parallel_loop3A_274 : vector<1x16xf32> to vector<16xf32>
        %parallel_loop3A_276 = vector.shape_cast %parallel_loop3A_269 : vector<16xf32> to vector<1x16xf32>
        tpu.vector_store %arg11[%parallel_loop3A_272, %parallel_loop3A_273], %parallel_loop3A_276 {strides = array<i32>} : memref<80x32xf32, #tpu.memory_space<vmem>>, vector<1x16xf32>,
        %parallel_loop3A_277 = arith.constant 6 : i32
        %parallel_loop3A_278 = arith.addi %parallel_loop3A_63, %parallel_loop3A_277 : i32
        %parallel_loop3A_279 = arith.index_cast %parallel_loop3A_278 : i32 to index
        %parallel_loop3A_280 = arith.constant 16 : index
        %parallel_loop3A_281 = tpu.vector_load %arg11[%parallel_loop3A_279, %parallel_loop3A_280] {strides = array<i32>} : memref<80x32xf32, #tpu.memory_space<vmem>>, vector<1x16xf32>,
        %parallel_loop3A_282 = vector.shape_cast %parallel_loop3A_281 : vector<1x16xf32> to vector<16xf32>
        %parallel_loop3A_283 = vector.broadcast %parallel_loop3A_261 : f32 to vector<16xf32>
        %parallel_loop3A_284 = arith.mulf %parallel_loop3A_282, %parallel_loop3A_283 : vector<16xf32>
        %parallel_loop3A_285 = arith.constant 6 : i32
        %parallel_loop3A_286 = arith.addi %parallel_loop3A_63, %parallel_loop3A_285 : i32
        %parallel_loop3A_287 = arith.index_cast %parallel_loop3A_286 : i32 to index
        %parallel_loop3A_288 = arith.constant 16 : index
        %parallel_loop3A_289 = tpu.vector_load %arg11[%parallel_loop3A_287, %parallel_loop3A_288] {strides = array<i32>} : memref<80x32xf32, #tpu.memory_space<vmem>>, vector<1x16xf32>,
        %parallel_loop3A_290 = vector.shape_cast %parallel_loop3A_289 : vector<1x16xf32> to vector<16xf32>
        %parallel_loop3A_291 = vector.shape_cast %parallel_loop3A_284 : vector<16xf32> to vector<1x16xf32>
        tpu.vector_store %arg11[%parallel_loop3A_287, %parallel_loop3A_288], %parallel_loop3A_291 {strides = array<i32>} : memref<80x32xf32, #tpu.memory_space<vmem>>, vector<1x16xf32>,
        %parallel_loop3A_292 = vector.extract_strided_slice %parallel_loop3A_67 {offsets = [7], sizes = [1], strides = [1]} : vector<16xf32> to vector<1xf32>
        %parallel_loop3A_293 = vector.extract %parallel_loop3A_292[0] : f32 from vector<1xf32>
        %parallel_loop3A_294 = arith.constant 7 : i32
        %parallel_loop3A_295 = arith.addi %parallel_loop3A_63, %parallel_loop3A_294 : i32
        %parallel_loop3A_296 = arith.index_cast %parallel_loop3A_295 : i32 to index
        %parallel_loop3A_297 = arith.constant 0 : index
        %parallel_loop3A_298 = tpu.vector_load %arg11[%parallel_loop3A_296, %parallel_loop3A_297] {strides = array<i32>} : memref<80x32xf32, #tpu.memory_space<vmem>>, vector<1x16xf32>,
        %parallel_loop3A_299 = vector.shape_cast %parallel_loop3A_298 : vector<1x16xf32> to vector<16xf32>
        %parallel_loop3A_300 = vector.broadcast %parallel_loop3A_293 : f32 to vector<16xf32>
        %parallel_loop3A_301 = arith.mulf %parallel_loop3A_299, %parallel_loop3A_300 : vector<16xf32>
        %parallel_loop3A_302 = arith.constant 7 : i32
        %parallel_loop3A_303 = arith.addi %parallel_loop3A_63, %parallel_loop3A_302 : i32
        %parallel_loop3A_304 = arith.index_cast %parallel_loop3A_303 : i32 to index
        %parallel_loop3A_305 = arith.constant 0 : index
        %parallel_loop3A_306 = tpu.vector_load %arg11[%parallel_loop3A_304, %parallel_loop3A_305] {strides = array<i32>} : memref<80x32xf32, #tpu.memory_space<vmem>>, vector<1x16xf32>,
        %parallel_loop3A_307 = vector.shape_cast %parallel_loop3A_306 : vector<1x16xf32> to vector<16xf32>
        %parallel_loop3A_308 = vector.shape_cast %parallel_loop3A_301 : vector<16xf32> to vector<1x16xf32>
        tpu.vector_store %arg11[%parallel_loop3A_304, %parallel_loop3A_305], %parallel_loop3A_308 {strides = array<i32>} : memref<80x32xf32, #tpu.memory_space<vmem>>, vector<1x16xf32>,
        %parallel_loop3A_309 = arith.constant 7 : i32
        %parallel_loop3A_310 = arith.addi %parallel_loop3A_63, %parallel_loop3A_309 : i32
        %parallel_loop3A_311 = arith.index_cast %parallel_loop3A_310 : i32 to index
        %parallel_loop3A_312 = arith.constant 16 : index
        %parallel_loop3A_313 = tpu.vector_load %arg11[%parallel_loop3A_311, %parallel_loop3A_312] {strides = array<i32>} : memref<80x32xf32, #tpu.memory_space<vmem>>, vector<1x16xf32>,
        %parallel_loop3A_314 = vector.shape_cast %parallel_loop3A_313 : vector<1x16xf32> to vector<16xf32>
        %parallel_loop3A_315 = vector.broadcast %parallel_loop3A_293 : f32 to vector<16xf32>
        %parallel_loop3A_316 = arith.mulf %parallel_loop3A_314, %parallel_loop3A_315 : vector<16xf32>
        %parallel_loop3A_317 = arith.constant 7 : i32
        %parallel_loop3A_318 = arith.addi %parallel_loop3A_63, %parallel_loop3A_317 : i32
        %parallel_loop3A_319 = arith.index_cast %parallel_loop3A_318 : i32 to index
        %parallel_loop3A_320 = arith.constant 16 : index
        %parallel_loop3A_321 = tpu.vector_load %arg11[%parallel_loop3A_319, %parallel_loop3A_320] {strides = array<i32>} : memref<80x32xf32, #tpu.memory_space<vmem>>, vector<1x16xf32>,
        %parallel_loop3A_322 = vector.shape_cast %parallel_loop3A_321 : vector<1x16xf32> to vector<16xf32>
        %parallel_loop3A_323 = vector.shape_cast %parallel_loop3A_316 : vector<16xf32> to vector<1x16xf32>
        tpu.vector_store %arg11[%parallel_loop3A_319, %parallel_loop3A_320], %parallel_loop3A_323 {strides = array<i32>} : memref<80x32xf32, #tpu.memory_space<vmem>>, vector<1x16xf32>,
        %parallel_loop3A_324 = vector.extract_strided_slice %parallel_loop3A_67 {offsets = [8], sizes = [1], strides = [1]} : vector<16xf32> to vector<1xf32>
        %parallel_loop3A_325 = vector.extract %parallel_loop3A_324[0] : f32 from vector<1xf32>
        %parallel_loop3A_326 = arith.constant 8 : i32
        %parallel_loop3A_327 = arith.addi %parallel_loop3A_63, %parallel_loop3A_326 : i32
        %parallel_loop3A_328 = arith.index_cast %parallel_loop3A_327 : i32 to index
        %parallel_loop3A_329 = arith.constant 0 : index
        %parallel_loop3A_330 = tpu.vector_load %arg11[%parallel_loop3A_328, %parallel_loop3A_329] {strides = array<i32>} : memref<80x32xf32, #tpu.memory_space<vmem>>, vector<1x16xf32>,
        %parallel_loop3A_331 = vector.shape_cast %parallel_loop3A_330 : vector<1x16xf32> to vector<16xf32>
        %parallel_loop3A_332 = vector.broadcast %parallel_loop3A_325 : f32 to vector<16xf32>
        %parallel_loop3A_333 = arith.mulf %parallel_loop3A_331, %parallel_loop3A_332 : vector<16xf32>
        %parallel_loop3A_334 = arith.constant 8 : i32
        %parallel_loop3A_335 = arith.addi %parallel_loop3A_63, %parallel_loop3A_334 : i32
        %parallel_loop3A_336 = arith.index_cast %parallel_loop3A_335 : i32 to index
        %parallel_loop3A_337 = arith.constant 0 : index
        %parallel_loop3A_338 = tpu.vector_load %arg11[%parallel_loop3A_336, %parallel_loop3A_337] {strides = array<i32>} : memref<80x32xf32, #tpu.memory_space<vmem>>, vector<1x16xf32>,
        %parallel_loop3A_339 = vector.shape_cast %parallel_loop3A_338 : vector<1x16xf32> to vector<16xf32>
        %parallel_loop3A_340 = vector.shape_cast %parallel_loop3A_333 : vector<16xf32> to vector<1x16xf32>
        tpu.vector_store %arg11[%parallel_loop3A_336, %parallel_loop3A_337], %parallel_loop3A_340 {strides = array<i32>} : memref<80x32xf32, #tpu.memory_space<vmem>>, vector<1x16xf32>,
        %parallel_loop3A_341 = arith.constant 8 : i32
        %parallel_loop3A_342 = arith.addi %parallel_loop3A_63, %parallel_loop3A_341 : i32
        %parallel_loop3A_343 = arith.index_cast %parallel_loop3A_342 : i32 to index
        %parallel_loop3A_344 = arith.constant 16 : index
        %parallel_loop3A_345 = tpu.vector_load %arg11[%parallel_loop3A_343, %parallel_loop3A_344] {strides = array<i32>} : memref<80x32xf32, #tpu.memory_space<vmem>>, vector<1x16xf32>,
        %parallel_loop3A_346 = vector.shape_cast %parallel_loop3A_345 : vector<1x16xf32> to vector<16xf32>
        %parallel_loop3A_347 = vector.broadcast %parallel_loop3A_325 : f32 to vector<16xf32>
        %parallel_loop3A_348 = arith.mulf %parallel_loop3A_346, %parallel_loop3A_347 : vector<16xf32>
        %parallel_loop3A_349 = arith.constant 8 : i32
        %parallel_loop3A_350 = arith.addi %parallel_loop3A_63, %parallel_loop3A_349 : i32
        %parallel_loop3A_351 = arith.index_cast %parallel_loop3A_350 : i32 to index
        %parallel_loop3A_352 = arith.constant 16 : index
        %parallel_loop3A_353 = tpu.vector_load %arg11[%parallel_loop3A_351, %parallel_loop3A_352] {strides = array<i32>} : memref<80x32xf32, #tpu.memory_space<vmem>>, vector<1x16xf32>,
        %parallel_loop3A_354 = vector.shape_cast %parallel_loop3A_353 : vector<1x16xf32> to vector<16xf32>
        %parallel_loop3A_355 = vector.shape_cast %parallel_loop3A_348 : vector<16xf32> to vector<1x16xf32>
        tpu.vector_store %arg11[%parallel_loop3A_351, %parallel_loop3A_352], %parallel_loop3A_355 {strides = array<i32>} : memref<80x32xf32, #tpu.memory_space<vmem>>, vector<1x16xf32>,
        %parallel_loop3A_356 = vector.extract_strided_slice %parallel_loop3A_67 {offsets = [9], sizes = [1], strides = [1]} : vector<16xf32> to vector<1xf32>
        %parallel_loop3A_357 = vector.extract %parallel_loop3A_356[0] : f32 from vector<1xf32>
        %parallel_loop3A_358 = arith.constant 9 : i32
        %parallel_loop3A_359 = arith.addi %parallel_loop3A_63, %parallel_loop3A_358 : i32
        %parallel_loop3A_360 = arith.index_cast %parallel_loop3A_359 : i32 to index
        %parallel_loop3A_361 = arith.constant 0 : index
        %parallel_loop3A_362 = tpu.vector_load %arg11[%parallel_loop3A_360, %parallel_loop3A_361] {strides = array<i32>} : memref<80x32xf32, #tpu.memory_space<vmem>>, vector<1x16xf32>,
        %parallel_loop3A_363 = vector.shape_cast %parallel_loop3A_362 : vector<1x16xf32> to vector<16xf32>
        %parallel_loop3A_364 = vector.broadcast %parallel_loop3A_357 : f32 to vector<16xf32>
        %parallel_loop3A_365 = arith.mulf %parallel_loop3A_363, %parallel_loop3A_364 : vector<16xf32>
        %parallel_loop3A_366 = arith.constant 9 : i32
        %parallel_loop3A_367 = arith.addi %parallel_loop3A_63, %parallel_loop3A_366 : i32
        %parallel_loop3A_368 = arith.index_cast %parallel_loop3A_367 : i32 to index
        %parallel_loop3A_369 = arith.constant 0 : index
        %parallel_loop3A_370 = tpu.vector_load %arg11[%parallel_loop3A_368, %parallel_loop3A_369] {strides = array<i32>} : memref<80x32xf32, #tpu.memory_space<vmem>>, vector<1x16xf32>,
        %parallel_loop3A_371 = vector.shape_cast %parallel_loop3A_370 : vector<1x16xf32> to vector<16xf32>
        %parallel_loop3A_372 = vector.shape_cast %parallel_loop3A_365 : vector<16xf32> to vector<1x16xf32>
        tpu.vector_store %arg11[%parallel_loop3A_368, %parallel_loop3A_369], %parallel_loop3A_372 {strides = array<i32>} : memref<80x32xf32, #tpu.memory_space<vmem>>, vector<1x16xf32>,
        %parallel_loop3A_373 = arith.constant 9 : i32
        %parallel_loop3A_374 = arith.addi %parallel_loop3A_63, %parallel_loop3A_373 : i32
        %parallel_loop3A_375 = arith.index_cast %parallel_loop3A_374 : i32 to index
        %parallel_loop3A_376 = arith.constant 16 : index
        %parallel_loop3A_377 = tpu.vector_load %arg11[%parallel_loop3A_375, %parallel_loop3A_376] {strides = array<i32>} : memref<80x32xf32, #tpu.memory_space<vmem>>, vector<1x16xf32>,
        %parallel_loop3A_378 = vector.shape_cast %parallel_loop3A_377 : vector<1x16xf32> to vector<16xf32>
        %parallel_loop3A_379 = vector.broadcast %parallel_loop3A_357 : f32 to vector<16xf32>
        %parallel_loop3A_380 = arith.mulf %parallel_loop3A_378, %parallel_loop3A_379 : vector<16xf32>
        %parallel_loop3A_381 = arith.constant 9 : i32
        %parallel_loop3A_382 = arith.addi %parallel_loop3A_63, %parallel_loop3A_381 : i32
        %parallel_loop3A_383 = arith.index_cast %parallel_loop3A_382 : i32 to index
        %parallel_loop3A_384 = arith.constant 16 : index
        %parallel_loop3A_385 = tpu.vector_load %arg11[%parallel_loop3A_383, %parallel_loop3A_384] {strides = array<i32>} : memref<80x32xf32, #tpu.memory_space<vmem>>, vector<1x16xf32>,
        %parallel_loop3A_386 = vector.shape_cast %parallel_loop3A_385 : vector<1x16xf32> to vector<16xf32>
        %parallel_loop3A_387 = vector.shape_cast %parallel_loop3A_380 : vector<16xf32> to vector<1x16xf32>
        tpu.vector_store %arg11[%parallel_loop3A_383, %parallel_loop3A_384], %parallel_loop3A_387 {strides = array<i32>} : memref<80x32xf32, #tpu.memory_space<vmem>>, vector<1x16xf32>,
        %parallel_loop3A_388 = vector.extract_strided_slice %parallel_loop3A_67 {offsets = [10], sizes = [1], strides = [1]} : vector<16xf32> to vector<1xf32>
        %parallel_loop3A_389 = vector.extract %parallel_loop3A_388[0] : f32 from vector<1xf32>
        %parallel_loop3A_390 = arith.constant 10 : i32
        %parallel_loop3A_391 = arith.addi %parallel_loop3A_63, %parallel_loop3A_390 : i32
        %parallel_loop3A_392 = arith.index_cast %parallel_loop3A_391 : i32 to index
        %parallel_loop3A_393 = arith.constant 0 : index
        %parallel_loop3A_394 = tpu.vector_load %arg11[%parallel_loop3A_392, %parallel_loop3A_393] {strides = array<i32>} : memref<80x32xf32, #tpu.memory_space<vmem>>, vector<1x16xf32>,
        %parallel_loop3A_395 = vector.shape_cast %parallel_loop3A_394 : vector<1x16xf32> to vector<16xf32>
        %parallel_loop3A_396 = vector.broadcast %parallel_loop3A_389 : f32 to vector<16xf32>
        %parallel_loop3A_397 = arith.mulf %parallel_loop3A_395, %parallel_loop3A_396 : vector<16xf32>
        %parallel_loop3A_398 = arith.constant 10 : i32
        %parallel_loop3A_399 = arith.addi %parallel_loop3A_63, %parallel_loop3A_398 : i32
        %parallel_loop3A_400 = arith.index_cast %parallel_loop3A_399 : i32 to index
        %parallel_loop3A_401 = arith.constant 0 : index
        %parallel_loop3A_402 = tpu.vector_load %arg11[%parallel_loop3A_400, %parallel_loop3A_401] {strides = array<i32>} : memref<80x32xf32, #tpu.memory_space<vmem>>, vector<1x16xf32>,
        %parallel_loop3A_403 = vector.shape_cast %parallel_loop3A_402 : vector<1x16xf32> to vector<16xf32>
        %parallel_loop3A_404 = vector.shape_cast %parallel_loop3A_397 : vector<16xf32> to vector<1x16xf32>
        tpu.vector_store %arg11[%parallel_loop3A_400, %parallel_loop3A_401], %parallel_loop3A_404 {strides = array<i32>} : memref<80x32xf32, #tpu.memory_space<vmem>>, vector<1x16xf32>,
        %parallel_loop3A_405 = arith.constant 10 : i32
        %parallel_loop3A_406 = arith.addi %parallel_loop3A_63, %parallel_loop3A_405 : i32
        %parallel_loop3A_407 = arith.index_cast %parallel_loop3A_406 : i32 to index
        %parallel_loop3A_408 = arith.constant 16 : index
        %parallel_loop3A_409 = tpu.vector_load %arg11[%parallel_loop3A_407, %parallel_loop3A_408] {strides = array<i32>} : memref<80x32xf32, #tpu.memory_space<vmem>>, vector<1x16xf32>,
        %parallel_loop3A_410 = vector.shape_cast %parallel_loop3A_409 : vector<1x16xf32> to vector<16xf32>
        %parallel_loop3A_411 = vector.broadcast %parallel_loop3A_389 : f32 to vector<16xf32>
        %parallel_loop3A_412 = arith.mulf %parallel_loop3A_410, %parallel_loop3A_411 : vector<16xf32>
        %parallel_loop3A_413 = arith.constant 10 : i32
        %parallel_loop3A_414 = arith.addi %parallel_loop3A_63, %parallel_loop3A_413 : i32
        %parallel_loop3A_415 = arith.index_cast %parallel_loop3A_414 : i32 to index
        %parallel_loop3A_416 = arith.constant 16 : index
        %parallel_loop3A_417 = tpu.vector_load %arg11[%parallel_loop3A_415, %parallel_loop3A_416] {strides = array<i32>} : memref<80x32xf32, #tpu.memory_space<vmem>>, vector<1x16xf32>,
        %parallel_loop3A_418 = vector.shape_cast %parallel_loop3A_417 : vector<1x16xf32> to vector<16xf32>
        %parallel_loop3A_419 = vector.shape_cast %parallel_loop3A_412 : vector<16xf32> to vector<1x16xf32>
        tpu.vector_store %arg11[%parallel_loop3A_415, %parallel_loop3A_416], %parallel_loop3A_419 {strides = array<i32>} : memref<80x32xf32, #tpu.memory_space<vmem>>, vector<1x16xf32>,
        %parallel_loop3A_420 = vector.extract_strided_slice %parallel_loop3A_67 {offsets = [11], sizes = [1], strides = [1]} : vector<16xf32> to vector<1xf32>
        %parallel_loop3A_421 = vector.extract %parallel_loop3A_420[0] : f32 from vector<1xf32>
        %parallel_loop3A_422 = arith.constant 11 : i32
        %parallel_loop3A_423 = arith.addi %parallel_loop3A_63, %parallel_loop3A_422 : i32
        %parallel_loop3A_424 = arith.index_cast %parallel_loop3A_423 : i32 to index
        %parallel_loop3A_425 = arith.constant 0 : index
        %parallel_loop3A_426 = tpu.vector_load %arg11[%parallel_loop3A_424, %parallel_loop3A_425] {strides = array<i32>} : memref<80x32xf32, #tpu.memory_space<vmem>>, vector<1x16xf32>,
        %parallel_loop3A_427 = vector.shape_cast %parallel_loop3A_426 : vector<1x16xf32> to vector<16xf32>
        %parallel_loop3A_428 = vector.broadcast %parallel_loop3A_421 : f32 to vector<16xf32>
        %parallel_loop3A_429 = arith.mulf %parallel_loop3A_427, %parallel_loop3A_428 : vector<16xf32>
        %parallel_loop3A_430 = arith.constant 11 : i32
        %parallel_loop3A_431 = arith.addi %parallel_loop3A_63, %parallel_loop3A_430 : i32
        %parallel_loop3A_432 = arith.index_cast %parallel_loop3A_431 : i32 to index
        %parallel_loop3A_433 = arith.constant 0 : index
        %parallel_loop3A_434 = tpu.vector_load %arg11[%parallel_loop3A_432, %parallel_loop3A_433] {strides = array<i32>} : memref<80x32xf32, #tpu.memory_space<vmem>>, vector<1x16xf32>,
        %parallel_loop3A_435 = vector.shape_cast %parallel_loop3A_434 : vector<1x16xf32> to vector<16xf32>
        %parallel_loop3A_436 = vector.shape_cast %parallel_loop3A_429 : vector<16xf32> to vector<1x16xf32>
        tpu.vector_store %arg11[%parallel_loop3A_432, %parallel_loop3A_433], %parallel_loop3A_436 {strides = array<i32>} : memref<80x32xf32, #tpu.memory_space<vmem>>, vector<1x16xf32>,
        %parallel_loop3A_437 = arith.constant 11 : i32
        %parallel_loop3A_438 = arith.addi %parallel_loop3A_63, %parallel_loop3A_437 : i32
        %parallel_loop3A_439 = arith.index_cast %parallel_loop3A_438 : i32 to index
        %parallel_loop3A_440 = arith.constant 16 : index
        %parallel_loop3A_441 = tpu.vector_load %arg11[%parallel_loop3A_439, %parallel_loop3A_440] {strides = array<i32>} : memref<80x32xf32, #tpu.memory_space<vmem>>, vector<1x16xf32>,
        %parallel_loop3A_442 = vector.shape_cast %parallel_loop3A_441 : vector<1x16xf32> to vector<16xf32>
        %parallel_loop3A_443 = vector.broadcast %parallel_loop3A_421 : f32 to vector<16xf32>
        %parallel_loop3A_444 = arith.mulf %parallel_loop3A_442, %parallel_loop3A_443 : vector<16xf32>
        %parallel_loop3A_445 = arith.constant 11 : i32
        %parallel_loop3A_446 = arith.addi %parallel_loop3A_63, %parallel_loop3A_445 : i32
        %parallel_loop3A_447 = arith.index_cast %parallel_loop3A_446 : i32 to index
        %parallel_loop3A_448 = arith.constant 16 : index
        %parallel_loop3A_449 = tpu.vector_load %arg11[%parallel_loop3A_447, %parallel_loop3A_448] {strides = array<i32>} : memref<80x32xf32, #tpu.memory_space<vmem>>, vector<1x16xf32>,
        %parallel_loop3A_450 = vector.shape_cast %parallel_loop3A_449 : vector<1x16xf32> to vector<16xf32>
        %parallel_loop3A_451 = vector.shape_cast %parallel_loop3A_444 : vector<16xf32> to vector<1x16xf32>
        tpu.vector_store %arg11[%parallel_loop3A_447, %parallel_loop3A_448], %parallel_loop3A_451 {strides = array<i32>} : memref<80x32xf32, #tpu.memory_space<vmem>>, vector<1x16xf32>,
        %parallel_loop3A_452 = vector.extract_strided_slice %parallel_loop3A_67 {offsets = [12], sizes = [1], strides = [1]} : vector<16xf32> to vector<1xf32>
        %parallel_loop3A_453 = vector.extract %parallel_loop3A_452[0] : f32 from vector<1xf32>
        %parallel_loop3A_454 = arith.constant 12 : i32
        %parallel_loop3A_455 = arith.addi %parallel_loop3A_63, %parallel_loop3A_454 : i32
        %parallel_loop3A_456 = arith.index_cast %parallel_loop3A_455 : i32 to index
        %parallel_loop3A_457 = arith.constant 0 : index
        %parallel_loop3A_458 = tpu.vector_load %arg11[%parallel_loop3A_456, %parallel_loop3A_457] {strides = array<i32>} : memref<80x32xf32, #tpu.memory_space<vmem>>, vector<1x16xf32>,
        %parallel_loop3A_459 = vector.shape_cast %parallel_loop3A_458 : vector<1x16xf32> to vector<16xf32>
        %parallel_loop3A_460 = vector.broadcast %parallel_loop3A_453 : f32 to vector<16xf32>
        %parallel_loop3A_461 = arith.mulf %parallel_loop3A_459, %parallel_loop3A_460 : vector<16xf32>
        %parallel_loop3A_462 = arith.constant 12 : i32
        %parallel_loop3A_463 = arith.addi %parallel_loop3A_63, %parallel_loop3A_462 : i32
        %parallel_loop3A_464 = arith.index_cast %parallel_loop3A_463 : i32 to index
        %parallel_loop3A_465 = arith.constant 0 : index
        %parallel_loop3A_466 = tpu.vector_load %arg11[%parallel_loop3A_464, %parallel_loop3A_465] {strides = array<i32>} : memref<80x32xf32, #tpu.memory_space<vmem>>, vector<1x16xf32>,
        %parallel_loop3A_467 = vector.shape_cast %parallel_loop3A_466 : vector<1x16xf32> to vector<16xf32>
        %parallel_loop3A_468 = vector.shape_cast %parallel_loop3A_461 : vector<16xf32> to vector<1x16xf32>
        tpu.vector_store %arg11[%parallel_loop3A_464, %parallel_loop3A_465], %parallel_loop3A_468 {strides = array<i32>} : memref<80x32xf32, #tpu.memory_space<vmem>>, vector<1x16xf32>,
        %parallel_loop3A_469 = arith.constant 12 : i32
        %parallel_loop3A_470 = arith.addi %parallel_loop3A_63, %parallel_loop3A_469 : i32
        %parallel_loop3A_471 = arith.index_cast %parallel_loop3A_470 : i32 to index
        %parallel_loop3A_472 = arith.constant 16 : index
        %parallel_loop3A_473 = tpu.vector_load %arg11[%parallel_loop3A_471, %parallel_loop3A_472] {strides = array<i32>} : memref<80x32xf32, #tpu.memory_space<vmem>>, vector<1x16xf32>,
        %parallel_loop3A_474 = vector.shape_cast %parallel_loop3A_473 : vector<1x16xf32> to vector<16xf32>
        %parallel_loop3A_475 = vector.broadcast %parallel_loop3A_453 : f32 to vector<16xf32>
        %parallel_loop3A_476 = arith.mulf %parallel_loop3A_474, %parallel_loop3A_475 : vector<16xf32>
        %parallel_loop3A_477 = arith.constant 12 : i32
        %parallel_loop3A_478 = arith.addi %parallel_loop3A_63, %parallel_loop3A_477 : i32
        %parallel_loop3A_479 = arith.index_cast %parallel_loop3A_478 : i32 to index
        %parallel_loop3A_480 = arith.constant 16 : index
        %parallel_loop3A_481 = tpu.vector_load %arg11[%parallel_loop3A_479, %parallel_loop3A_480] {strides = array<i32>} : memref<80x32xf32, #tpu.memory_space<vmem>>, vector<1x16xf32>,
        %parallel_loop3A_482 = vector.shape_cast %parallel_loop3A_481 : vector<1x16xf32> to vector<16xf32>
        %parallel_loop3A_483 = vector.shape_cast %parallel_loop3A_476 : vector<16xf32> to vector<1x16xf32>
        tpu.vector_store %arg11[%parallel_loop3A_479, %parallel_loop3A_480], %parallel_loop3A_483 {strides = array<i32>} : memref<80x32xf32, #tpu.memory_space<vmem>>, vector<1x16xf32>,
        %parallel_loop3A_484 = vector.extract_strided_slice %parallel_loop3A_67 {offsets = [13], sizes = [1], strides = [1]} : vector<16xf32> to vector<1xf32>
        %parallel_loop3A_485 = vector.extract %parallel_loop3A_484[0] : f32 from vector<1xf32>
        %parallel_loop3A_486 = arith.constant 13 : i32
        %parallel_loop3A_487 = arith.addi %parallel_loop3A_63, %parallel_loop3A_486 : i32
        %parallel_loop3A_488 = arith.index_cast %parallel_loop3A_487 : i32 to index
        %parallel_loop3A_489 = arith.constant 0 : index
        %parallel_loop3A_490 = tpu.vector_load %arg11[%parallel_loop3A_488, %parallel_loop3A_489] {strides = array<i32>} : memref<80x32xf32, #tpu.memory_space<vmem>>, vector<1x16xf32>,
        %parallel_loop3A_491 = vector.shape_cast %parallel_loop3A_490 : vector<1x16xf32> to vector<16xf32>
        %parallel_loop3A_492 = vector.broadcast %parallel_loop3A_485 : f32 to vector<16xf32>
        %parallel_loop3A_493 = arith.mulf %parallel_loop3A_491, %parallel_loop3A_492 : vector<16xf32>
        %parallel_loop3A_494 = arith.constant 13 : i32
        %parallel_loop3A_495 = arith.addi %parallel_loop3A_63, %parallel_loop3A_494 : i32
        %parallel_loop3A_496 = arith.index_cast %parallel_loop3A_495 : i32 to index
        %parallel_loop3A_497 = arith.constant 0 : index
        %parallel_loop3A_498 = tpu.vector_load %arg11[%parallel_loop3A_496, %parallel_loop3A_497] {strides = array<i32>} : memref<80x32xf32, #tpu.memory_space<vmem>>, vector<1x16xf32>,
        %parallel_loop3A_499 = vector.shape_cast %parallel_loop3A_498 : vector<1x16xf32> to vector<16xf32>
        %parallel_loop3A_500 = vector.shape_cast %parallel_loop3A_493 : vector<16xf32> to vector<1x16xf32>
        tpu.vector_store %arg11[%parallel_loop3A_496, %parallel_loop3A_497], %parallel_loop3A_500 {strides = array<i32>} : memref<80x32xf32, #tpu.memory_space<vmem>>, vector<1x16xf32>,
        %parallel_loop3A_501 = arith.constant 13 : i32
        %parallel_loop3A_502 = arith.addi %parallel_loop3A_63, %parallel_loop3A_501 : i32
        %parallel_loop3A_503 = arith.index_cast %parallel_loop3A_502 : i32 to index
        %parallel_loop3A_504 = arith.constant 16 : index
        %parallel_loop3A_505 = tpu.vector_load %arg11[%parallel_loop3A_503, %parallel_loop3A_504] {strides = array<i32>} : memref<80x32xf32, #tpu.memory_space<vmem>>, vector<1x16xf32>,
        %parallel_loop3A_506 = vector.shape_cast %parallel_loop3A_505 : vector<1x16xf32> to vector<16xf32>
        %parallel_loop3A_507 = vector.broadcast %parallel_loop3A_485 : f32 to vector<16xf32>
        %parallel_loop3A_508 = arith.mulf %parallel_loop3A_506, %parallel_loop3A_507 : vector<16xf32>
        %parallel_loop3A_509 = arith.constant 13 : i32
        %parallel_loop3A_510 = arith.addi %parallel_loop3A_63, %parallel_loop3A_509 : i32
        %parallel_loop3A_511 = arith.index_cast %parallel_loop3A_510 : i32 to index
        %parallel_loop3A_512 = arith.constant 16 : index
        %parallel_loop3A_513 = tpu.vector_load %arg11[%parallel_loop3A_511, %parallel_loop3A_512] {strides = array<i32>} : memref<80x32xf32, #tpu.memory_space<vmem>>, vector<1x16xf32>,
        %parallel_loop3A_514 = vector.shape_cast %parallel_loop3A_513 : vector<1x16xf32> to vector<16xf32>
        %parallel_loop3A_515 = vector.shape_cast %parallel_loop3A_508 : vector<16xf32> to vector<1x16xf32>
        tpu.vector_store %arg11[%parallel_loop3A_511, %parallel_loop3A_512], %parallel_loop3A_515 {strides = array<i32>} : memref<80x32xf32, #tpu.memory_space<vmem>>, vector<1x16xf32>,
        %parallel_loop3A_516 = vector.extract_strided_slice %parallel_loop3A_67 {offsets = [14], sizes = [1], strides = [1]} : vector<16xf32> to vector<1xf32>
        %parallel_loop3A_517 = vector.extract %parallel_loop3A_516[0] : f32 from vector<1xf32>
        %parallel_loop3A_518 = arith.constant 14 : i32
        %parallel_loop3A_519 = arith.addi %parallel_loop3A_63, %parallel_loop3A_518 : i32
        %parallel_loop3A_520 = arith.index_cast %parallel_loop3A_519 : i32 to index
        %parallel_loop3A_521 = arith.constant 0 : index
        %parallel_loop3A_522 = tpu.vector_load %arg11[%parallel_loop3A_520, %parallel_loop3A_521] {strides = array<i32>} : memref<80x32xf32, #tpu.memory_space<vmem>>, vector<1x16xf32>,
        %parallel_loop3A_523 = vector.shape_cast %parallel_loop3A_522 : vector<1x16xf32> to vector<16xf32>
        %parallel_loop3A_524 = vector.broadcast %parallel_loop3A_517 : f32 to vector<16xf32>
        %parallel_loop3A_525 = arith.mulf %parallel_loop3A_523, %parallel_loop3A_524 : vector<16xf32>
        %parallel_loop3A_526 = arith.constant 14 : i32
        %parallel_loop3A_527 = arith.addi %parallel_loop3A_63, %parallel_loop3A_526 : i32
        %parallel_loop3A_528 = arith.index_cast %parallel_loop3A_527 : i32 to index
        %parallel_loop3A_529 = arith.constant 0 : index
        %parallel_loop3A_530 = tpu.vector_load %arg11[%parallel_loop3A_528, %parallel_loop3A_529] {strides = array<i32>} : memref<80x32xf32, #tpu.memory_space<vmem>>, vector<1x16xf32>,
        %parallel_loop3A_531 = vector.shape_cast %parallel_loop3A_530 : vector<1x16xf32> to vector<16xf32>
        %parallel_loop3A_532 = vector.shape_cast %parallel_loop3A_525 : vector<16xf32> to vector<1x16xf32>
        tpu.vector_store %arg11[%parallel_loop3A_528, %parallel_loop3A_529], %parallel_loop3A_532 {strides = array<i32>} : memref<80x32xf32, #tpu.memory_space<vmem>>, vector<1x16xf32>,
        %parallel_loop3A_533 = arith.constant 14 : i32
        %parallel_loop3A_534 = arith.addi %parallel_loop3A_63, %parallel_loop3A_533 : i32
        %parallel_loop3A_535 = arith.index_cast %parallel_loop3A_534 : i32 to index
        %parallel_loop3A_536 = arith.constant 16 : index
        %parallel_loop3A_537 = tpu.vector_load %arg11[%parallel_loop3A_535, %parallel_loop3A_536] {strides = array<i32>} : memref<80x32xf32, #tpu.memory_space<vmem>>, vector<1x16xf32>,
        %parallel_loop3A_538 = vector.shape_cast %parallel_loop3A_537 : vector<1x16xf32> to vector<16xf32>
        %parallel_loop3A_539 = vector.broadcast %parallel_loop3A_517 : f32 to vector<16xf32>
        %parallel_loop3A_540 = arith.mulf %parallel_loop3A_538, %parallel_loop3A_539 : vector<16xf32>
        %parallel_loop3A_541 = arith.constant 14 : i32
        %parallel_loop3A_542 = arith.addi %parallel_loop3A_63, %parallel_loop3A_541 : i32
        %parallel_loop3A_543 = arith.index_cast %parallel_loop3A_542 : i32 to index
        %parallel_loop3A_544 = arith.constant 16 : index
        %parallel_loop3A_545 = tpu.vector_load %arg11[%parallel_loop3A_543, %parallel_loop3A_544] {strides = array<i32>} : memref<80x32xf32, #tpu.memory_space<vmem>>, vector<1x16xf32>,
        %parallel_loop3A_546 = vector.shape_cast %parallel_loop3A_545 : vector<1x16xf32> to vector<16xf32>
        %parallel_loop3A_547 = vector.shape_cast %parallel_loop3A_540 : vector<16xf32> to vector<1x16xf32>
        tpu.vector_store %arg11[%parallel_loop3A_543, %parallel_loop3A_544], %parallel_loop3A_547 {strides = array<i32>} : memref<80x32xf32, #tpu.memory_space<vmem>>, vector<1x16xf32>,
        %parallel_loop3A_548 = vector.extract_strided_slice %parallel_loop3A_67 {offsets = [15], sizes = [1], strides = [1]} : vector<16xf32> to vector<1xf32>
        %parallel_loop3A_549 = vector.extract %parallel_loop3A_548[0] : f32 from vector<1xf32>
        %parallel_loop3A_550 = arith.constant 15 : i32
        %parallel_loop3A_551 = arith.addi %parallel_loop3A_63, %parallel_loop3A_550 : i32
        %parallel_loop3A_552 = arith.index_cast %parallel_loop3A_551 : i32 to index
        %parallel_loop3A_553 = arith.constant 0 : index
        %parallel_loop3A_554 = tpu.vector_load %arg11[%parallel_loop3A_552, %parallel_loop3A_553] {strides = array<i32>} : memref<80x32xf32, #tpu.memory_space<vmem>>, vector<1x16xf32>,
        %parallel_loop3A_555 = vector.shape_cast %parallel_loop3A_554 : vector<1x16xf32> to vector<16xf32>
        %parallel_loop3A_556 = vector.broadcast %parallel_loop3A_549 : f32 to vector<16xf32>
        %parallel_loop3A_557 = arith.mulf %parallel_loop3A_555, %parallel_loop3A_556 : vector<16xf32>
        %parallel_loop3A_558 = arith.constant 15 : i32
        %parallel_loop3A_559 = arith.addi %parallel_loop3A_63, %parallel_loop3A_558 : i32
        %parallel_loop3A_560 = arith.index_cast %parallel_loop3A_559 : i32 to index
        %parallel_loop3A_561 = arith.constant 0 : index
        %parallel_loop3A_562 = tpu.vector_load %arg11[%parallel_loop3A_560, %parallel_loop3A_561] {strides = array<i32>} : memref<80x32xf32, #tpu.memory_space<vmem>>, vector<1x16xf32>,
        %parallel_loop3A_563 = vector.shape_cast %parallel_loop3A_562 : vector<1x16xf32> to vector<16xf32>
        %parallel_loop3A_564 = vector.shape_cast %parallel_loop3A_557 : vector<16xf32> to vector<1x16xf32>
        tpu.vector_store %arg11[%parallel_loop3A_560, %parallel_loop3A_561], %parallel_loop3A_564 {strides = array<i32>} : memref<80x32xf32, #tpu.memory_space<vmem>>, vector<1x16xf32>,
        %parallel_loop3A_565 = arith.constant 15 : i32
        %parallel_loop3A_566 = arith.addi %parallel_loop3A_63, %parallel_loop3A_565 : i32
        %parallel_loop3A_567 = arith.index_cast %parallel_loop3A_566 : i32 to index
        %parallel_loop3A_568 = arith.constant 16 : index
        %parallel_loop3A_569 = tpu.vector_load %arg11[%parallel_loop3A_567, %parallel_loop3A_568] {strides = array<i32>} : memref<80x32xf32, #tpu.memory_space<vmem>>, vector<1x16xf32>,
        %parallel_loop3A_570 = vector.shape_cast %parallel_loop3A_569 : vector<1x16xf32> to vector<16xf32>
        %parallel_loop3A_571 = vector.broadcast %parallel_loop3A_549 : f32 to vector<16xf32>
        %parallel_loop3A_572 = arith.mulf %parallel_loop3A_570, %parallel_loop3A_571 : vector<16xf32>
        %parallel_loop3A_573 = arith.constant 15 : i32
        %parallel_loop3A_574 = arith.addi %parallel_loop3A_63, %parallel_loop3A_573 : i32
        %parallel_loop3A_575 = arith.index_cast %parallel_loop3A_574 : i32 to index
        %parallel_loop3A_576 = arith.constant 16 : index
        %parallel_loop3A_577 = tpu.vector_load %arg11[%parallel_loop3A_575, %parallel_loop3A_576] {strides = array<i32>} : memref<80x32xf32, #tpu.memory_space<vmem>>, vector<1x16xf32>,
        %parallel_loop3A_578 = vector.shape_cast %parallel_loop3A_577 : vector<1x16xf32> to vector<16xf32>
        %parallel_loop3A_579 = vector.shape_cast %parallel_loop3A_572 : vector<16xf32> to vector<1x16xf32>
        tpu.vector_store %arg11[%parallel_loop3A_575, %parallel_loop3A_576], %parallel_loop3A_579 {strides = array<i32>} : memref<80x32xf32, #tpu.memory_space<vmem>>, vector<1x16xf32>,
      } {sc.loop_unroll_factor = 1 : i64, sc.parallel_access}
      "tpu.region"() ({
        %run_scoped3A = tpu.sem_alloc : memref<!tpu.dma_semaphore, #tpu.memory_space<semaphore_mem>>
        %dma_start3A_63 = arith.constant 0 : i32
        %dma_start3A_64 = tpu.memref_slice %arg8[%add3A_36, %dma_start3A_63] : memref<250x80xi32, #tpu.memory_space<vmem>> -> memref<1x80xi32, #tpu.memory_space<vmem>>
        %dma_start3A_65 = tpu.memref_squeeze %dma_start3A_64 : memref<1x80xi32, #tpu.memory_space<vmem>> -> memref<80xi32, #tpu.memory_space<vmem>>
        %dma_start3A_66 = arith.constant 0 : i32
        %dma_start3A_67 = arith.constant 0 : i32
        %dma_start3A_68 = tpu.memref_slice %arg13[%dma_start3A_66, %dma_start3A_67] : memref<10000x32xf32, #tpu.memory_space<vmem_shared>> -> memref<10000x32xf32, #tpu.memory_space<vmem_shared>>
        tpu.enqueue_indirect_dma source(%arg11 : memref<80x32xf32, #tpu.memory_space<vmem>>) target(%dma_start3A_68 : memref<10000x32xf32, #tpu.memory_space<vmem_shared>>) offsets(%dma_start3A_65 : memref<80xi32, #tpu.memory_space<vmem>>) semaphore(%run_scoped3A : memref<!tpu.dma_semaphore, #tpu.memory_space<semaphore_mem>>) {add = true}
        %dma_wait3A_69 = arith.constant 0 : i32
        %dma_wait3A_70 = tpu.memref_slice %arg8[%add3A_36, %dma_wait3A_69] : memref<250x80xi32, #tpu.memory_space<vmem>> -> memref<1x80xi32, #tpu.memory_space<vmem>>
        %dma_wait3A_71 = tpu.memref_squeeze %dma_wait3A_70 : memref<1x80xi32, #tpu.memory_space<vmem>> -> memref<80xi32, #tpu.memory_space<vmem>>
        %dma_wait3A_72 = arith.constant 0 : i32
        %dma_wait3A_73 = arith.constant 0 : i32
        %dma_wait3A_74 = tpu.memref_slice %arg13[%dma_wait3A_72, %dma_wait3A_73] : memref<10000x32xf32, #tpu.memory_space<vmem_shared>> -> memref<10000x32xf32, #tpu.memory_space<vmem_shared>>
        tpu.wait_indirect_dma semaphore(%run_scoped3A : memref<!tpu.dma_semaphore, #tpu.memory_space<semaphore_mem>>) src(%arg11 : memref<80x32xf32, #tpu.memory_space<vmem>>) dst(%dma_wait3A_74 : memref<10000x32xf32, #tpu.memory_space<vmem_shared>>)
        tpu.yield
      }) : () -> ()
    }
    %scan3A_24 = arith.constant 125 : i32
    %barrier3A_25 = arith.constant 0 : index
    tpu.barrier barrier_id(%barrier3A_25)
    %scan3A_26 = arith.constant 0 : i32
    %scan3A_27 = arith.constant 0 : i32
    %scan3A_28 = arith.constant 8 : i32
    %scan3A_29 = arith.addi %scan3A_27, %scan3A_28 : i32
    %scan3A_30 = arith.constant 1 : i32
    scf.for %scan3A_32 = %scan3A_27 to %scan3A_29 step %scan3A_30  : i32 {
      %mul3A_33 = arith.constant 16 : i32
      %mul3A_34 = arith.muli %scan3A_32, %mul3A_33 : i32
      %add3A_35 = arith.addi %mul3A_34, %arg1 : i32
      %lt3A = arith.constant 125 : i32
      %lt3A_36 = arith.cmpi slt, %add3A_35, %lt3A : i32
      %convert_element_type3A = arith.extui %lt3A_36 : i1 to i32
      %cond3A = arith.constant 0 : i32
      %cond3A_37 = arith.cmpi ne, %convert_element_type3A, %cond3A : i32
      scf.if %cond3A_37 {
        %mul3A_38 = arith.constant 80 : i32
        %mul3A_39 = arith.muli %add3A_35, %mul3A_38 : i32
        %mul3A_40 = arith.constant 10000 : i32
        %mul3A_41 = arith.muli %arg0, %mul3A_40 : i32
        %add3A_42 = arith.addi %mul3A_41, %mul3A_39 : i32
        "tpu.region"() ({
          %run_scoped3A = tpu.sem_alloc : memref<!tpu.dma_semaphore, #tpu.memory_space<semaphore_mem>>
          %dma_start3A_43 = arith.constant 0 : i32
          %dma_start3A_44 = tpu.memref_slice %arg6[%add3A_42, %dma_start3A_43] : memref<20000x32xf32, #tpu.memory_space<hbm>> -> memref<80x32xf32, #tpu.memory_space<hbm>>
          %dma_start3A_45 = arith.constant 0 : i32
          %dma_start3A_46 = tpu.memref_slice %arg13[%mul3A_39, %dma_start3A_45] : memref<10000x32xf32, #tpu.memory_space<vmem_shared>> -> memref<80x32xf32, #tpu.memory_space<vmem_shared>>
          tpu.enqueue_dma source(%dma_start3A_46 : memref<80x32xf32, #tpu.memory_space<vmem_shared>>) target(%dma_start3A_44 : memref<80x32xf32, #tpu.memory_space<hbm>>) target_semaphore(%run_scoped3A : memref<!tpu.dma_semaphore, #tpu.memory_space<semaphore_mem>>)
          %dma_wait3A = arith.constant 0 : i32
          %dma_wait3A_47 = tpu.memref_slice %arg6[%add3A_42, %dma_wait3A] : memref<20000x32xf32, #tpu.memory_space<hbm>> -> memref<80x32xf32, #tpu.memory_space<hbm>>
          %dma_wait3A_48 = arith.constant 0 : i32
          %dma_wait3A_49 = tpu.memref_slice %arg13[%mul3A_39, %dma_wait3A_48] : memref<10000x32xf32, #tpu.memory_space<vmem_shared>> -> memref<80x32xf32, #tpu.memory_space<vmem_shared>>
          tpu.wait_dma2 semaphore(%run_scoped3A : memref<!tpu.dma_semaphore, #tpu.memory_space<semaphore_mem>>) src(%dma_wait3A_49 : memref<80x32xf32, #tpu.memory_space<vmem_shared>>) dst(%dma_wait3A_47 : memref<80x32xf32, #tpu.memory_space<hbm>>)
          tpu.yield
        }) : () -> ()
      } else {
      }
    }
    %scan3A_31 = arith.constant 8 : i32
    return
  }
}

module attributes {stable_mosaic.version = 14 : i64} {
  func.func @_mm1_body(%arg0: i32, %arg1: i32, %arg2: memref<1000x128xf32, #tpu.memory_space<vmem>>, %arg3: memref<1x128x64xf32, #tpu.memory_space<vmem>>, %arg4: memref<1000x64xf32, #tpu.memory_space<vmem>>) attributes {dimension_semantics = [#tpu.dimension_semantics<arbitrary>, #tpu.dimension_semantics<arbitrary>], iteration_bounds = array<i64: 2, 10>, scalar_prefetch = 0 : i64, scratch_operands = 0 : i64, tpu.core_type = #tpu.core_type<tc>, window_params = [{transform_indices = @transform_0, window_bounds = array<i64: 1000, 128>}, {transform_indices = @transform_1, window_bounds = array<i64: 1, 128, 64>}, {transform_indices = @transform_2, window_bounds = array<i64: 1000, 64>}]} {
    %get3A = arith.constant 0 : index
    %get3A_0 = arith.constant 0 : index
    %get3A_1 = vector.load %arg2[%get3A, %get3A_0] : memref<1000x128xf32, #tpu.memory_space<vmem>>, vector<1000x128xf32>
    %get3A_2 = arith.constant 0 : index
    %get3A_3 = arith.constant 0 : index
    %get3A_4 = arith.constant 0 : index
    %get3A_5 = vector.load %arg3[%get3A_2, %get3A_3, %get3A_4] : memref<1x128x64xf32, #tpu.memory_space<vmem>>, vector<1x128x64xf32>
    %get3A_6 = vector.shape_cast %get3A_5 : vector<1x128x64xf32> to vector<128x64xf32>
    %dot_general3A = arith.constant dense<0.000000e+00> : vector<1000x64xf32>
    %dot_general3A_7 = tpu.matmul %get3A_1, %get3A_6, %dot_general3A {dimension_numbers = #tpu.dot_dimension_numbers<[1], [0], [0], [1], [0, 0, 1, 1], [], []>, transpose_lhs_hint = false} : vector<1000x128xf32>, vector<128x64xf32>, vector<1000x64xf32> -> vector<1000x64xf32>
    %swap3A = arith.constant 0 : index
    %swap3A_8 = arith.constant 0 : index
    %swap3A_9 = vector.load %arg4[%swap3A, %swap3A_8] : memref<1000x64xf32, #tpu.memory_space<vmem>>, vector<1000x64xf32>
    tpu.vector_store %arg4[%swap3A, %swap3A_8], %dot_general3A_7 {strides = array<i32>} : memref<1000x64xf32, #tpu.memory_space<vmem>>, vector<1000x64xf32>,
    return
  }
  func.func @transform_0(%arg0: i32, %arg1: i32) -> (i32, i32) {
    %c0_i32 = arith.constant 0 : i32
    %c0_i32_0 = arith.constant 0 : i32
    return %arg1, %c0_i32 : i32, i32
  }
  func.func @transform_1(%arg0: i32, %arg1: i32) -> (i32, i32, i32) {
    %c0_i32 = arith.constant 0 : i32
    %c0_i32_0 = arith.constant 0 : i32
    %c0_i32_1 = arith.constant 0 : i32
    return %arg0, %c0_i32, %c0_i32_0 : i32, i32, i32
  }
  func.func @transform_2(%arg0: i32, %arg1: i32) -> (i32, i32) {
    %mul3A = arith.constant 10 : i32
    %mul3A_0 = arith.muli %arg0, %mul3A : i32
    %add3A = arith.addi %mul3A_0, %arg1 : i32
    %c0_i32 = arith.constant 0 : i32
    %c0_i32_1 = arith.constant 0 : i32
    return %add3A, %c0_i32 : i32, i32
  }
}

module attributes {stable_mosaic.version = 14 : i64} {
  func.func @_mm2_body(%arg0: i32, %arg1: i32, %arg2: memref<1000x64xf32, #tpu.memory_space<vmem>>, %arg3: memref<1000x64xf32, #tpu.memory_space<vmem>>, %arg4: memref<1x128xf32, #tpu.memory_space<vmem>>, %arg5: memref<1x128x32xf32, #tpu.memory_space<vmem>>, %arg6: memref<1000x32xf32, #tpu.memory_space<vmem>>) attributes {dimension_semantics = [#tpu.dimension_semantics<arbitrary>, #tpu.dimension_semantics<arbitrary>], iteration_bounds = array<i64: 2, 10>, scalar_prefetch = 0 : i64, scratch_operands = 0 : i64, tpu.core_type = #tpu.core_type<tc>, window_params = [{transform_indices = @transform_0, window_bounds = array<i64: 1000, 64>}, {transform_indices = @transform_1, window_bounds = array<i64: 1000, 64>}, {pipeline_mode = #tpu.pipeline_mode<synchronous>, transform_indices = @transform_2, window_bounds = array<i64: 1, 128>}, {transform_indices = @transform_3, window_bounds = array<i64: 1, 128, 32>}, {transform_indices = @transform_4, window_bounds = array<i64: 1000, 32>}]} {
    %get3A = arith.constant 0 : index
    %get3A_0 = arith.constant 0 : index
    %get3A_1 = vector.load %arg2[%get3A, %get3A_0] : memref<1000x64xf32, #tpu.memory_space<vmem>>, vector<1000x64xf32>
    %get3A_2 = arith.constant 0 : index
    %get3A_3 = arith.constant 0 : index
    %get3A_4 = vector.load %arg3[%get3A_2, %get3A_3] : memref<1000x64xf32, #tpu.memory_space<vmem>>, vector<1000x64xf32>
    %concatenate3A = tpu.concatenate %get3A_1, %get3A_4 in 1 : vector<1000x64xf32>, vector<1000x64xf32> -> vector<1000x128xf32>
    %get3A_5 = arith.constant 0 : index
    %get3A_6 = arith.constant 0 : index
    %get3A_7 = vector.load %arg4[%get3A_5, %get3A_6] : memref<1x128xf32, #tpu.memory_space<vmem>>, vector<1x128xf32>
    %add3A = vector.broadcast %get3A_7 : vector<1x128xf32> to vector<1000x128xf32>
    %add3A_8 = arith.addf %concatenate3A, %add3A : vector<1000x128xf32>
    %max3A = arith.constant 0.000000e+00 : f32
    %max3A_9 = vector.broadcast %max3A : f32 to vector<1000x128xf32>
    %max3A_10 = arith.maximumf %add3A_8, %max3A_9 : vector<1000x128xf32>
    %get3A_11 = arith.constant 0 : index
    %get3A_12 = arith.constant 0 : index
    %get3A_13 = arith.constant 0 : index
    %get3A_14 = vector.load %arg5[%get3A_11, %get3A_12, %get3A_13] : memref<1x128x32xf32, #tpu.memory_space<vmem>>, vector<1x128x32xf32>
    %get3A_15 = vector.shape_cast %get3A_14 : vector<1x128x32xf32> to vector<128x32xf32>
    %dot_general3A = arith.constant dense<0.000000e+00> : vector<1000x32xf32>
    %dot_general3A_16 = tpu.matmul %max3A_10, %get3A_15, %dot_general3A {dimension_numbers = #tpu.dot_dimension_numbers<[1], [0], [0], [1], [0, 0, 1, 1], [], []>, transpose_lhs_hint = false} : vector<1000x128xf32>, vector<128x32xf32>, vector<1000x32xf32> -> vector<1000x32xf32>
    %swap3A = arith.constant 0 : index
    %swap3A_17 = arith.constant 0 : index
    %swap3A_18 = vector.load %arg6[%swap3A, %swap3A_17] : memref<1000x32xf32, #tpu.memory_space<vmem>>, vector<1000x32xf32>
    tpu.vector_store %arg6[%swap3A, %swap3A_17], %dot_general3A_16 {strides = array<i32>} : memref<1000x32xf32, #tpu.memory_space<vmem>>, vector<1000x32xf32>,
    return
  }
  func.func @transform_0(%arg0: i32, %arg1: i32) -> (i32, i32) {
    %c0_i32 = arith.constant 0 : i32
    %c0_i32_0 = arith.constant 0 : i32
    return %arg1, %c0_i32 : i32, i32
  }
  func.func @transform_1(%arg0: i32, %arg1: i32) -> (i32, i32) {
    %add3A = arith.constant 10 : i32
    %add3A_0 = arith.addi %arg1, %add3A : i32
    %c0_i32 = arith.constant 0 : i32
    %c0_i32_1 = arith.constant 0 : i32
    return %add3A_0, %c0_i32 : i32, i32
  }
  func.func @transform_2(%arg0: i32, %arg1: i32) -> (i32, i32) {
    %c0_i32 = arith.constant 0 : i32
    %c0_i32_0 = arith.constant 0 : i32
    %c0_i32_1 = arith.constant 0 : i32
    return %c0_i32, %c0_i32_0 : i32, i32
  }
  func.func @transform_3(%arg0: i32, %arg1: i32) -> (i32, i32, i32) {
    %c0_i32 = arith.constant 0 : i32
    %c0_i32_0 = arith.constant 0 : i32
    %c0_i32_1 = arith.constant 0 : i32
    return %arg0, %c0_i32, %c0_i32_0 : i32, i32, i32
  }
  func.func @transform_4(%arg0: i32, %arg1: i32) -> (i32, i32) {
    %mul3A = arith.constant 10 : i32
    %mul3A_0 = arith.muli %arg0, %mul3A : i32
    %add3A = arith.addi %mul3A_0, %arg1 : i32
    %c0_i32 = arith.constant 0 : i32
    %c0_i32_1 = arith.constant 0 : i32
    return %add3A, %c0_i32 : i32, i32
  }
}

module attributes {stable_mosaic.version = 14 : i64} {
  func.func @_out_body(%arg0: i32, %arg1: memref<1000x32xf32, #tpu.memory_space<vmem>>, %arg2: memref<1000x32xf32, #tpu.memory_space<vmem>>, %arg3: memref<1x40xf32, #tpu.memory_space<vmem>>, %arg4: memref<1000x40xf32, #tpu.memory_space<vmem>>) attributes {dimension_semantics = [#tpu.dimension_semantics<arbitrary>], iteration_bounds = array<i64: 10>, scalar_prefetch = 0 : i64, scratch_operands = 0 : i64, tpu.core_type = #tpu.core_type<tc>, window_params = [{transform_indices = @transform_0, window_bounds = array<i64: 1000, 32>}, {transform_indices = @transform_1, window_bounds = array<i64: 1000, 32>}, {pipeline_mode = #tpu.pipeline_mode<synchronous>, transform_indices = @transform_2, window_bounds = array<i64: 1, 40>}, {transform_indices = @transform_3, window_bounds = array<i64: 1000, 40>}]} {
    %get3A = arith.constant 0 : index
    %get3A_0 = arith.constant 0 : index
    %get3A_1 = vector.load %arg1[%get3A, %get3A_0] : memref<1000x32xf32, #tpu.memory_space<vmem>>, vector<1000x32xf32>
    %get3A_2 = arith.constant 0 : index
    %get3A_3 = arith.constant 0 : index
    %get3A_4 = vector.load %arg2[%get3A_2, %get3A_3] : memref<1000x32xf32, #tpu.memory_space<vmem>>, vector<1000x32xf32>
    %concatenate3A = tpu.concatenate %get3A_1, %get3A_4 in 1 : vector<1000x32xf32>, vector<1000x32xf32> -> vector<1000x64xf32>
    %slice3A = vector.extract_strided_slice %concatenate3A {offsets = [0, 0], sizes = [1000, 40], strides = [1, 1]} : vector<1000x64xf32> to vector<1000x40xf32>
    %get3A_5 = arith.constant 0 : index
    %get3A_6 = arith.constant 0 : index
    %get3A_7 = vector.load %arg3[%get3A_5, %get3A_6] : memref<1x40xf32, #tpu.memory_space<vmem>>, vector<1x40xf32>
    %add3A = vector.broadcast %get3A_7 : vector<1x40xf32> to vector<1000x40xf32>
    %add3A_8 = arith.addf %slice3A, %add3A : vector<1000x40xf32>
    %reduce_max3A = arith.constant dense<0xFF800000> : vector<1000xf32>
    %reduce_max3A_9 = vector.multi_reduction <maximumf>, %add3A_8, %reduce_max3A [1] : vector<1000x40xf32> to vector<1000xf32>
    %broadcast_in_dim3A = vector.shape_cast %reduce_max3A_9 : vector<1000xf32> to vector<1000x1xf32>
    %sub3A = vector.broadcast %broadcast_in_dim3A : vector<1000x1xf32> to vector<1000x40xf32>
    %sub3A_10 = arith.subf %add3A_8, %sub3A : vector<1000x40xf32>
    %exp3A = math.exp %sub3A_10 : vector<1000x40xf32>
    %reduce_sum3A = arith.constant dense<0.000000e+00> : vector<1000xf32>
    %reduce_sum3A_11 = vector.multi_reduction <add>, %exp3A, %reduce_sum3A [1] : vector<1000x40xf32> to vector<1000xf32>
    %broadcast_in_dim3A_12 = vector.shape_cast %reduce_sum3A_11 : vector<1000xf32> to vector<1000x1xf32>
    %log3A = math.log %broadcast_in_dim3A_12 : vector<1000x1xf32>
    %sub3A_13 = vector.broadcast %log3A : vector<1000x1xf32> to vector<1000x40xf32>
    %sub3A_14 = arith.subf %sub3A_10, %sub3A_13 : vector<1000x40xf32>
    %swap3A = arith.constant 0 : index
    %swap3A_15 = arith.constant 0 : index
    %swap3A_16 = vector.load %arg4[%swap3A, %swap3A_15] : memref<1000x40xf32, #tpu.memory_space<vmem>>, vector<1000x40xf32>
    tpu.vector_store %arg4[%swap3A, %swap3A_15], %sub3A_14 {strides = array<i32>} : memref<1000x40xf32, #tpu.memory_space<vmem>>, vector<1000x40xf32>,
    return
  }
  func.func @transform_0(%arg0: i32) -> (i32, i32) {
    %c0_i32 = arith.constant 0 : i32
    %c0_i32_0 = arith.constant 0 : i32
    return %arg0, %c0_i32 : i32, i32
  }
  func.func @transform_1(%arg0: i32) -> (i32, i32) {
    %add3A = arith.constant 10 : i32
    %add3A_0 = arith.addi %arg0, %add3A : i32
    %c0_i32 = arith.constant 0 : i32
    %c0_i32_1 = arith.constant 0 : i32
    return %add3A_0, %c0_i32 : i32, i32
  }
  func.func @transform_2(%arg0: i32) -> (i32, i32) {
    %c0_i32 = arith.constant 0 : i32
    %c0_i32_0 = arith.constant 0 : i32
    %c0_i32_1 = arith.constant 0 : i32
    return %c0_i32, %c0_i32_0 : i32, i32
  }
  func.func @transform_3(%arg0: i32) -> (i32, i32) {
    %c0_i32 = arith.constant 0 : i32
    %c0_i32_0 = arith.constant 0 : i32
    return %arg0, %c0_i32 : i32, i32
  }
}

</mosaic_0001>

<sc_bundles>
// kernel: kernel.10.cloned.1.call-start
scs
__scs_entry_jumppad:
0x0: {  	(pc) =	sbr.rel $0x88, $3  }
0x1: {  	(tag) =	ssettag $0x0;
	lr =	simm.s32 $0x1  }
0x2: {  	[smem:$0x3F9A] =	sst lr;
	_ =	strace $0xD0000000  }
0x3: {  	_ = 	snop  }
0x4: {  	_ = 	snop  }
0x5: {  	_ = 	snop  }
0x6: {  	_ = 	snop  }
0x7: {  	_ = 	snop  }
__scs_overlays_trampoline_lowered:
0x8: {  	[smem:$0x3FA9] =	sst s0  }
0x9: {  	[smem:$0x3FAA] =	sst s1  }
0xa: {  	[smem:$0x3FAB] =	sst s2  }
0xb: {  	[smem:$0x3FAC] =	sst s3  }
0xc: {  	[smem:$0x3FAD] =	sst s4  }
0xd: {  	[smem:$0x3FAE] =	sst s5  }
0xe: {  	[smem:$0x3FAF] =	sst s6  }
0xf: {  	[smem:$0x3FB0] =	sst s7  }
0x10: {  	[smem:$0x3FB1] =	sst s8  }
0x11: {  	[smem:$0x3FB2] =	sst s9;
	s0 =	simm.s32 @!p0 $0x0  }
0x12: {  	s1 =	sld [smem:$0x3F98];
	s0 =	simm.s32 @p0 $0x1  }
0x13: {  	[smem:$0x3FB3] =	sst s0;
	s0 =	simm.s32 @!p1 $0x0  }
0x14: {  	s2 =	sld [smem:$0x3F97];
	s0 =	simm.s32 @p1 $0x1  }
0x15: {  	[smem:$0x3FB4] =	sst s0;
	s0 =	simm.s32 @!p2 $0x0  }
0x16: {  	s3 =	sld [smem:$0x3FDB];
	s0 =	simm.s32 @p2 $0x1  }
0x17: {  	s4 =	simm.s32 $0x1BF5;
	[smem:$0x3FB6] =	sst s0  }
0x18: {  	s0 =	sld [smem:$0x3F99];
	_ =	swait.ge [sflag:s4], $0x0  }
0x19: {  	s7 =	sld [smem:$0x3F9A]  }
0x1a: {  	s8 =	sadd.s32 $0xFFFFE003, lr  }
0x1b: {  	s9 =	sadd.s32 $0xFFFFFEF7, lr;
	s5 =	simm.s32 $0xFFFFFFFF;
	p2 =	slt.u32 s8, $0xFFFFF086  }
0x1c: {  	p1 =	slt.u32 s9, $0xF7A;
	s5 =	simm.s32 @!p2 $0x0  }
0x1d: {  	s5 =	simm.s32 @p1 $0x1;
	p0 =	seq.s32 s7, s2  }
0x1e: {  	s7 =	smul.u32 @!p0 $0xF7A, s2;
	p2 =	seq.s32 @!p0 s5, $0x0  }
0x1f: {  	s9 =	smul.u32 $0xF7A, s1;
	s8 =	simm.s32 @!p0 $0x1BF5;
	p2 =	por !p2, p0  }
0x20: {  	[sflag:s8] =	ssyncset.s32 @!p0 $0xFFFFF086;
	s6 =	sadd.s32 @!p0 s3, s7;
	s7 =	simm.s32 @!p0 $0x108  }
0x21: {  	s3 =	sadd.s32 s3, s9;
	s6 =	sadd.s32 @!p0 $0x88, s6;
	s7 =	simm.s32 @p2 $0x1082  }
0x22: {  	[simem:s7], [sflag:s8] =	dma.local @!p0 [hbm:s6], $0xF7A  }
0x23: {  	s9 =	sor.u32 $0xD0000000, s2;
	s6 =	simm.s32 $0x108;
	_ =	swait.ge @!p0 [sflag:s8], $0x0  }
0x24: {  	s3 =	sadd.s32 $0x88, s3;
	s6 =	simm.s32 @!p1 $0x1082;
	[sflag:s4] =	ssyncset.s32 $0xFFFFF086  }
0x25: {  	[simem:s6], [sflag:s4] =	dma.local [hbm:s3], $0xF7A  }
0x26: {  	[smem:$0x3F9A] =	sst s1;
	(tag) =	ssettag s2;
	_ =	strace s9  }
0x27: {  	s1 =	sld [smem:$0x3FAA]  }
0x28: {  	s2 =	sld [smem:$0x3FAB]  }
0x29: {  	s4 =	sld [smem:$0x3FAD]  }
0x2a: {  	p0 =	seq.s32 s5, $0x0;
	s5 =	sld [smem:$0x3FAE]  }
0x2b: {  	s6 =	sld [smem:$0x3FAF]  }
0x2c: {  	s7 =	sld [smem:$0x3FB0]  }
0x2d: {  	s3 =	simm.s32 $0x108;
	s8 =	sld [smem:$0x3FB1]  }
0x2e: {  	s3 =	simm.s32 @!p0 $0x1082;
	s9 =	sld [smem:$0x3FB2]  }
0x2f: {  	lr =	sadd.s32 s0, s3;
	s0 =	sld [smem:$0x3FA9]  }
0x30: {  	s3 =	sld [smem:$0x3FAC]  }
0x31: {  	[smem:$0x3FB5] =	sst s10  }
0x32: {  	s10 =	sld [smem:$0x3FB3];
	_ =	sdelay $0x3  }
0x33: {  	p0 =	seq.s32 s10, $0x1;
	s10 =	sld [smem:$0x3FB5];
	_ =	sdelay $0x3  }
0x34: {  	[smem:$0x3FB5] =	sst s10  }
0x35: {  	s10 =	sld [smem:$0x3FB4];
	_ =	sdelay $0x3  }
0x36: {  	p1 =	seq.s32 s10, $0x1;
	s10 =	sld [smem:$0x3FB5];
	_ =	sdelay $0x3  }
0x37: {  	[smem:$0x3FB5] =	sst s10  }
0x38: {  	s10 =	sld [smem:$0x3FB6]  }
0x39: {  	_ = 	snop;
	(pc) =	sbr.ind lr, $3  }
0x3a: {  	_ = 	snop  }
0x3b: {  	_ = 	snop  }
0x3c: {  	p2 =	seq.s32 s10, $0x1;
	s10 =	sld [smem:$0x3FB5]  }
0x3d: {  	_ =	shalt  }
0x3e: {  	_ =	shalt  }
0x3f: {  	_ =	shalt  }
0x40: {  	_ =	shalt  }
0x41: {  	_ =	shalt  }
0x42: {  	_ =	shalt  }
0x43: {  	_ =	shalt  }
0x44: {  	_ =	shalt  }
0x45: {  	_ =	shalt  }
0x46: {  	_ =	shalt  }
0x47: {  	_ =	shalt  }
0x48: {  	_ =	shalt  }
0x49: {  	_ =	shalt  }
0x4a: {  	_ =	shalt  }
0x4b: {  	_ =	shalt  }
0x4c: {  	_ =	shalt  }
0x4d: {  	_ =	shalt  }
0x4e: {  	_ =	shalt  }
0x4f: {  	_ =	shalt  }
0x50: {  	_ =	shalt  }
0x51: {  	_ =	shalt  }
0x52: {  	_ =	shalt  }
0x53: {  	_ =	shalt  }
0x54: {  	_ =	shalt  }
0x55: {  	_ =	shalt  }
0x56: {  	_ =	shalt  }
0x57: {  	_ =	shalt  }
0x58: {  	_ =	shalt  }
0x59: {  	_ =	shalt  }
0x5a: {  	_ =	shalt  }
0x5b: {  	_ =	shalt  }
0x5c: {  	_ =	shalt  }
0x5d: {  	_ =	shalt  }
0x5e: {  	_ =	shalt  }
0x5f: {  	_ =	shalt  }
0x60: {  	_ =	shalt  }
0x61: {  	_ =	shalt  }
0x62: {  	_ =	shalt  }
0x63: {  	_ =	shalt  }
0x64: {  	_ =	shalt  }
0x65: {  	_ =	shalt  }
0x66: {  	_ =	shalt  }
0x67: {  	_ =	shalt  }
0x68: {  	_ =	shalt  }
0x69: {  	_ =	shalt  }
0x6a: {  	_ =	shalt  }
0x6b: {  	_ =	shalt  }
0x6c: {  	_ =	shalt  }
0x6d: {  	_ =	shalt  }
0x6e: {  	_ =	shalt  }
0x6f: {  	_ =	shalt  }
0x70: {  	_ =	shalt  }
0x71: {  	_ =	shalt  }
0x72: {  	_ =	shalt  }
0x73: {  	_ =	shalt  }
0x74: {  	_ =	shalt  }
0x75: {  	_ =	shalt  }
0x76: {  	_ =	shalt  }
0x77: {  	_ =	shalt  }
0x78: {  	_ =	shalt  }
0x79: {  	_ =	shalt  }
0x7a: {  	_ =	shalt  }
0x7b: {  	_ =	shalt  }
0x7c: {  	_ =	shalt  }
0x7d: {  	_ =	shalt  }
0x7e: {  	_ =	shalt  }
0x7f: {  	_ =	shalt  }
0x80: {  	_ =	shalt  }
0x81: {  	_ =	shalt  }
0x82: {  	_ =	shalt  }
0x83: {  	_ =	shalt  }
0x84: {  	_ =	shalt  }
0x85: {  	_ =	shalt  }
0x86: {  	_ =	shalt  }
0x87: {  	_ =	shalt  }
.Lfunc_end0:
.L_simem_size_0:
called_computation.1_lowered:
.L_overlay_start_0:
0x88: {  	s2 =	sld [smem:$0x3FD9]  }
0x89: {  	s3 =	sld [smem:$0x3FFE];
	_ =	sdelay $0x1  }
0x8a: {  	s1 =	srdreg.scid  }
0x8b: {  	s0 =	sand.u32 $0x1, s1  }
0x8c: {  	s16 =	sshll.u32 s0, $0xA;
	s2 =	sadd.s32 s3, s2  }
0x8d: {  	s2 =	sadd.s32 s2, s16  }
0x8e: {  	[smem:$0x3FC1] =	sst s2  }
0x8f: {  	_ = 	snop  }
0x90: {  	(tm) =	ssettm $0x1  }
0x91: {  	s17 =	sld [smem:$0x3FFB];
	_ =	sdelay $0x3  }
0x92: {  	_ =	strace s17  }
0x93: {  	s2 =	sld [smem:$0x3FFC];
	_ =	sdelay $0x3  }
0x94: {  	_ =	strace s2  }
0x95: {  	s2 =	sld [smem:$0x3FFD];
	_ =	sdelay $0x3  }
0x96: {  	_ =	strace s2  }
0x97: {  	_ =	strace $0x8FFFFFFF  }
0x98: {  	s18 =	sld [smem:$0x3FDB];
	_ =	sdelay $0x1  }
0x99: {  	s19 =	simm.s32 $_scs_section_size  }
0x9a: {  	s4 =	simm.s32 $_size__tile_overlayer_lowered;
	s5 =	simm.s32 $_tile_overlayer_lowered  }
0x9b: {  	s22 =	simm.s32 $0x1BFF;
	s21 =	sshll.u32 s5, $0x1;
	s2 =	sadd.s32 s19, s18  }
0x9c: {  	s6 =	simm.s32 $0x0;
	s20 =	sshll.u32 s4, $0x1;
	s4 =	sadd.s32 s21, s2  }
0x9d: {  	[timem:s6], [sflag:s22] =	dma.local [hbm:s4], s20  }
0x9e: {  	_ =	swait.ge [sflag:s22], s20  }
0x9f: {  	s3 =	ssub.s32 $0x0, s20;
	[sflag:s22] =	ssyncset.done $0x0  }
0xa0: {  	[sflag:s22] =	ssyncadd.s32 s3;
	_ =	sdelay $0x1  }
0xa1: {  	s23 =	simm.s32 $0x1B8B  }
0xa2: {  	_ =	swait.ge [sflag:s23], $0x1  }
0xa3: {  	[sflag:s23] =	ssyncset.done $0x0  }
0xa4: {  	s25 =	simm.s32 $0x1B8E;
	s24 =	sld [smem:$0x3FFE];
	[sflag:s23] =	ssyncadd.s32 $0xFFFFFFFF  }
0xa5: {  	s26 =	simm.s32 $execute0_lowered;
	[smem:$0x3FD2] =	sst s25  }
0xa6: {  	s4 =	sshll.u32 s26, $0x1;
	_ =	strace $0x80000049;
	[dreg:$0x1] =	wrdreg $0xFFFFFFFF  }
0xa7: {  	s28 =	simm.s32 $_size_execute0_lowered;
	s2 =	sadd.s32 s2, s4;
	[dreg:$0x0] =	wrdreg $0x0  }
0xa8: {  	s4 =	sshll.u32 s28, $0x1;
	[dreg:$0x2] =	wrdreg s2  }
0xa9: {  	[dreg:$0x3] =	wrdreg s4  }
0xaa: {  	[dreg:$0x4] =	wrdreg $0xC0  }
0xab: {  	_ =	task [dreg:s6], $0x5FFFF  }
0xac: {  	[dreg:$0x1] =	wrdreg $0xFFFFFFFF  }
0xad: {  	[dreg:$0x0] =	wrdreg $0x60  }
0xae: {  	[dreg:$0x2] =	wrdreg s24  }
0xaf: {  	[dreg:$0x3] =	wrdreg $0x108600  }
0xb0: {  	[dreg:$0x4] =	wrdreg $0x9  }
0xb1: {  	_ =	task.clear_ibuf [dreg:s6], $0x5FFFF;
	_ =	strace $0x90000049  }
0xb2: {  	s29 =	simm.s32 $0x9;
	_ =	strace $0x8000004B  }
0xb3: {  	_ =	swait.ge [sflag:s29], $0x1  }
0xb4: {  	[sflag:s29] =	ssyncadd.s32 $0xFFFFFFFF  }
0xb5: {  	_ =	strace $0x9000004B  }
0xb6: {  	_ =	sfence  }
0xb7: {  	s30 =	sld [smem:$0x0];
	_ =	sdelay $0x2  }
0xb8: {  	s31 =	sshll.u32 s1, $0xD;
	s1 =	sshrl.u32 s1, $0x2  }
0xb9: {  	s3 =	sand.u32 $0x4000, s31;
	s1 =	sadd.s32 s1, s30  }
0xba: {  	s0 =	sor.u32 s3, s0;
	s1 =	sshll.u32 s1, $0x11  }
0xbb: {  	s0 =	sor.u32 s1, s0  }
0xbc: {  	s0 =	sadd.s32 $0x8F2B, s0  }
0xbd: {  	[sflag:s0] =	ssyncadd.remote.s32 $0x1  }
0xbe: {  	_ =	sfence.sel $0xFFFF  }
0xbf: {  	[dreg:$0x0] =	wrdreg $0xFFFFFFFF;
	(pc) =	sbr.abs _section_cstart, $3  }
0xc0: {  	[dreg:$0x1] =	wrdreg $0xFFFFFFFF  }
0xc1: {  	_ =	task.clear_ibuf [dreg:s6], $0x2FFFF;
	_ =	strace $0x9FFFFFFF  }
0xc2: {  	(tm) =	ssettm $0x7FFFFFFF  }
0xc3: {  	_ =	shalt  }
tec
execute0_lowered:
.L_overlay_start_1:
0x0: {  	(tag) =	ssettag $0x1  }
0x1: {  	s0 =	srdreg.scid;
	s19 =	stileid.u32  }
0x2: {  	s1 =	rddreg [dreg:$0x0];
	s0 =	sand.u32 $0x1, s0;
	s7 =	smul.u32 $0x2800, s19  }
0x3: {  	s2 =	rddreg [dreg:$0x1];
	s8 =	sor.u32 $0x10, s19;
	s6 =	smul.u32 $0x9C40, s0  }
0x4: {  	s3 =	simm.s32 $0x0;
	s11 =	sor.u32 $0x20, s19;
	s10 =	smul.u32 $0x2800, s8  }
0x5: {  	s29 =	simm.s32 $0xFE60;
	s12 =	sor.u32 $0x30, s19;
	s24 =	smul.u32 $0x2800, s11  }
0x6: {  	s30 =	simm.s32 $0x50;
	s14 =	sor.u32 $0x40, s19;
	s13 =	smul.u32 $0x2800, s12  }
0x7: {  	s31 =	simm.s32 $0xEA60;
	s16 =	sor.u32 $0x50, s19;
	s15 =	smul.u32 $0x2800, s14  }
0x8: {  	s28 =	simm.s32 $0x2;
	s18 =	sor.u32 $0x60, s19;
	s17 =	smul.u32 $0x2800, s16  }
0x9: {  	[smem:$0x7FF] =	sst s3;
	s4 =	sshll.u32 s0, $0x4;
	s22 =	smul.u32 $0x2800, s18  }
0xa: {  	_ =	strace $0x8000004A;
	s0 =	ssub.s32 $0x2, s0;
	s8 =	smul.u32 $0x140, s8  }
0xb: {  	s21 =	smul.u32 $0x140, s14;
	s4 =	sor.u32 s19, s4;
	s9 =	sshrl.u32 s0, $0x1  }
0xc: {  	s7 =	sshrl.u32 s7, $0x2;
	s5 =	smul.u32 $0x9C4, s4;
	s4 =	sadd.s32 $0x3C200, s1  }
0xd: {  	s0 =	ssub.s32 s0, s9;
	s9 =	sadd.s32 s7, s2;
	s20 =	sshrl.u32 s13, $0x2  }
0xe: {  	s23 =	sshrl.u32 s15, $0x2;
	s15 =	sor.u32 $0x70, s19;
	s0 =	smax.u32 s0, $0x1  }
0xf: {  	p0 =	sgt.u32 s15, $0x7C;
	s5 =	sadd.s32 s5, s1;
	s1 =	sadd.s32 s6, s1  }
0x10: {  	[dreg:$0x6] =	wrdreg s0;
	s6 =	smul.u32 $0x140, s12;
	s12 =	sadd.s32 s20, s2  }
0x11: {  	s25 =	sadd.s32 $0x14E00, s5;
	s26 =	sadd.s32 $0x28800, s5;
	s5 =	sadd.s32 $0x1400, s5  }
0x12: {  	s0 =	simm.s32 $0xF460;
	[dreg:$0x5] =	wrdreg s5;
	s5 =	smul.u32 $0x140, s19  }
0x13: {  	s1 =	sadd.s32 $0x4FC00, s1;
	[dreg:$0x4] =	wrdreg s26;
	s26 =	smul.u32 $0x140, s11  }
0x14: {  	[dreg:$0x3] =	wrdreg s25;
	s11 =	sshrl.u32 s24, $0x2;
	s24 =	smul.u32 $0x140, s16  }
0x15: {  	s25 =	sshrl.u32 s10, $0x2;
	s7 =	sadd.s32 s1, s8;
	s8 =	smul.u32 $0x140, s15  }
0x16: {  	s6 =	sadd.s32 s1, s6;
	s13 =	sadd.s32 s1, s21;
	[dreg:$0x8] =	wrdreg s7  }
0x17: {  	s21 =	sadd.s32 s23, s2;
	s10 =	sadd.s32 s25, s2;
	[dreg:$0xa] =	wrdreg s6  }
0x18: {  	s11 =	sadd.s32 s11, s2;
	[dreg:$0xb] =	wrdreg s13;
	s5 =	sadd.s32 s1, s5  }
0x19: {  	s25 =	smul.u32 $0x140, s18;
	s26 =	sadd.s32 s1, s26;
	[dreg:$0x7] =	wrdreg s5  }
0x1a: {  	s18 =	smul.u32 $0x2800, s15;
	s16 =	sadd.s32 s1, s24;
	[dreg:$0x9] =	wrdreg s26  }
0x1b: {  	s20 =	sadd.s32 s1, s8;
	s24 =	sshrl.u32 s17, $0x2;
	[dreg:$0xc] =	wrdreg s16  }
0x1c: {  	s19 =	sadd.s32 s1, s25;
	s25 =	sshrl.u32 s22, $0x2;
	s22 =	sadd.s32 s24, s2  }
0x1d: {  	s26 =	sshrl.u32 s18, $0x2;
	s1 =	simm.s32 $0x0;
	s23 =	sadd.s32 s25, s2  }
0x1e: {  	v0 =	vimm.f32 $0.0e+00;
	s24 =	sadd.s32 s26, s2;
	s25 =	simm.s32 $0x3;
	s26 =	simm.s32 $0x1  }
.LBB2_1:
0x1f: {  	s5 =	rddreg [dreg:$0x3]  }
0x20: {  	[tilespmem:s3], [sflag:$0x3] =	stream.linear.gather [hbm4b:s5+s3], $0x4E20, $0x38;
	[tilespmem:$0x15680] =	vst v63  }
0x21: {  	_ =	swait.ge [sflag:s25], $0x4E20  }
0x22: {  	[sflag:s25] =	ssyncset.done $0x0  }
0x23: {  	s6 =	simm.s32 $0x4E20;
	s16 =	rddreg [dreg:$0x4];
	[sflag:s25] =	ssyncadd.s32 $0xFFFFB1E0  }
0x24: {  	[tilespmem:s6], [sflag:$0x3] =	stream.linear.gather [hbm4b:s16+s3], $0x4E20, $0x38;
	[tilespmem:$0x15680] =	vst v63  }
0x25: {  	_ =	swait.ge [sflag:s25], $0x4E20  }
0x26: {  	[sflag:s25] =	ssyncset.done $0x0  }
0x27: {  	s18 =	simm.s32 $0x9C40;
	s17 =	rddreg [dreg:$0x5];
	[sflag:s25] =	ssyncadd.s32 $0xFFFFB1E0  }
0x28: {  	[tilespmem:s18], [sflag:$0x3] =	stream.linear.gather [hbm4b:s17+s3], $0x4E20, $0x38;
	[tilespmem:$0x15680] =	vst v63  }
0x29: {  	_ =	swait.ge [sflag:s25], $0x4E20  }
0x2a: {  	[sflag:s25] =	ssyncset.done $0x0  }
0x2b: {  	s5 =	simm.s32 $0x80;
	s6 =	simm.s32 $0x0;
	[sflag:s25] =	ssyncadd.s32 $0xFFFFB1E0  }
.LBB2_2:
0x2c: {  	p1 =	sne.s32 s5, $0x2780;
	[tilespmem:s6+$0xFE60] =	vst v0;
	s7 =	smov.u32 s5;
	s5 =	sadd.s32 $0x80, s5  }
.Ltmp0:
0x2d: {  	[tilespmem:s6+$0xFE70] =	vst v0;
	(pc) =	sbr.rel @p1 .LBB2_2-.Ltmp0, $2  }
0x2e: {  	_ =	sdelay $0x2  }
0x2f: {  	s6 =	sshra.s32 s7, $0x2  }
0x30: {  	[tilespmem:s6+$0xFE60] =	vst v0  }
0x31: {  	[tilespmem:s6+$0xFE70] =	vst v0  }
0x32: {  	[spmem:s9] =	stream.linear.scatter [tilespmem:s29], [sflag:$0x3], $0xA00, $0x38;
	[tilespmem:$0x15680] =	vst v63  }
0x33: {  	_ =	swait.ge [sflag:s25], $0xA00  }
0x34: {  	[sflag:s25] =	ssyncset.done $0x0  }
0x35: {  	[sflag:s25] =	ssyncadd.s32 $0xFFFFF600  }
0x36: {  	[spmem:s10] =	stream.linear.scatter [tilespmem:s29], [sflag:$0x3], $0xA00, $0x38;
	[tilespmem:$0x15680] =	vst v63  }
0x37: {  	_ =	swait.ge [sflag:s25], $0xA00  }
0x38: {  	[sflag:s25] =	ssyncset.done $0x0  }
0x39: {  	[sflag:s25] =	ssyncadd.s32 $0xFFFFF600  }
0x3a: {  	[spmem:s11] =	stream.linear.scatter [tilespmem:s29], [sflag:$0x3], $0xA00, $0x38;
	[tilespmem:$0x15680] =	vst v63  }
0x3b: {  	_ =	swait.ge [sflag:s25], $0xA00  }
0x3c: {  	[sflag:s25] =	ssyncset.done $0x0  }
0x3d: {  	[sflag:s25] =	ssyncadd.s32 $0xFFFFF600  }
0x3e: {  	[spmem:s12] =	stream.linear.scatter [tilespmem:s29], [sflag:$0x3], $0xA00, $0x38;
	[tilespmem:$0x15680] =	vst v63  }
0x3f: {  	_ =	swait.ge [sflag:s25], $0xA00  }
0x40: {  	[sflag:s25] =	ssyncset.done $0x0  }
0x41: {  	[sflag:s25] =	ssyncadd.s32 $0xFFFFF600  }
0x42: {  	[spmem:s21] =	stream.linear.scatter [tilespmem:s29], [sflag:$0x3], $0xA00, $0x38;
	[tilespmem:$0x15680] =	vst v63  }
0x43: {  	_ =	swait.ge [sflag:s25], $0xA00  }
0x44: {  	[sflag:s25] =	ssyncset.done $0x0  }
0x45: {  	[sflag:s25] =	ssyncadd.s32 $0xFFFFF600  }
0x46: {  	[spmem:s22] =	stream.linear.scatter [tilespmem:s29], [sflag:$0x3], $0xA00, $0x38;
	[tilespmem:$0x15680] =	vst v63  }
0x47: {  	_ =	swait.ge [sflag:s25], $0xA00  }
0x48: {  	[sflag:s25] =	ssyncset.done $0x0  }
0x49: {  	[sflag:s25] =	ssyncadd.s32 $0xFFFFF600  }
0x4a: {  	[spmem:s23] =	stream.linear.scatter [tilespmem:s29], [sflag:$0x3], $0xA00, $0x38;
	[tilespmem:$0x15680] =	vst v63  }
0x4b: {  	_ =	swait.ge [sflag:s25], $0xA00  }
0x4c: {  	[sflag:s25] =	ssyncset.done $0x0  }
0x4d: {  	s5 =	simm.s32 @!p0 $0xFE60;
	[sflag:s25] =	ssyncadd.s32 $0xFFFFF600  }
0x4e: {  	[spmem:s24] =	stream.linear.scatter @!p0 [tilespmem:s5], [sflag:$0x3], $0xA00, $0x38;
	[tilespmem:$0x15680] =	vst v63  }
0x4f: {  	s5 =	simm.s32 @!p0 $0x3  }
0x50: {  	_ =	swait.ge @!p0 [sflag:s5], $0xA00  }
0x51: {  	[sflag:s5] =	ssyncset.done @!p0 $0x0  }
0x52: {  	s6 =	simm.s32 $0x9C40;
	[sflag:s5] =	ssyncadd.s32 @!p0 $0xFFFFF600  }
0x53: {  	s7 =	simm.s32 $0x9C90;
	s5 =	simm.s32 $0x0;
	[bflag:$0x0] =	sbarrier.arrive $0xFFFF  }
0x54: {  	[tilespmem:s31], [sflag:$0x1] =	stream.indirect.gather [hbm4b:s4+s30], $0x20, s5, s30, $0xb8;
	[tilespmem:$0x15680] =	vst v63  }
.LBB2_4:
0x55: {  	s8 =	smul.u32 $0xA0, s5;
	_ =	sdelay $0x1  }
0x56: {  	s8 =	sadd.s32 $0x50, s8  }
0x57: {  	[tilespmem:s0], [sflag:$0x2] =	stream.indirect.gather [hbm4b:s4+s30], $0x20, s8, s30, $0xb8;
	[tilespmem:$0x15680] =	vst v63  }
0x58: {  	_ =	swait.ge [sflag:s26], $0xA00  }
0x59: {  	[sflag:s26] =	ssyncset.done $0x0  }
0x5a: {  	[sflag:s26] =	ssyncadd.s32 $0xFFFFF600  }
0x5b: {  	s13 =	simm.s32 $0xEB60;
	v3 =	vld [tilespmem:s6+$0x0]  }
0x5c: {  	v1 =	vld [tilespmem:s13+$0xF0]  }
0x5d: {  	v4 =	vld [tilespmem:s13+$0xFFFFFF00]  }
0x5e: {  	v5 =	vld [tilespmem:s13+$0xFFFFFF10]  }
0x5f: {  	v6 =	vld [tilespmem:s13+$0xFFFFFF20]  }
0x60: {  	v7 =	vld [tilespmem:s13+$0xFFFFFF30]  }
0x61: {  	v8 =	vld [tilespmem:s13+$0xFFFFFF40]  }
0x62: {  	v9 =	vld [tilespmem:s13+$0xFFFFFF50]  }
0x63: {  	v10 =	vld [tilespmem:s13+$0xFFFFFF60]  }
0x64: {  	v12 =	vld [tilespmem:s13+$0xFFFFFF80]  }
0x65: {  	v13 =	vld [tilespmem:s13+$0xFFFFFF90]  }
0x66: {  	v14 =	vld [tilespmem:s13+$0xFFFFFFA0];
	v2 =	vbroadcast v3, $0xF  }
0x67: {  	s14 =	simm.s32 $0xED60;
	v15 =	vld [tilespmem:s13+$0xFFFFFFB0];
	v11 =	vbroadcast v3, $0x0  }
0x68: {  	v17 =	vld [tilespmem:s14+$0xF0];
	v1 =	vmul.f32 v1, v2  }
0x69: {  	v18 =	vld [tilespmem:s14+$0xFFFFFF00];
	v16 =	vbroadcast v3, $0x1;
	v4 =	vmul.f32 v11, v4  }
0x6a: {  	v25 =	vld [tilespmem:s13+$0x60];
	v5 =	vmul.f32 v5, v11;
	[tilespmem:s13+$0xF0] =	vst v1  }
0x6b: {  	v19 =	vld [tilespmem:s14+$0xFFFFFF10];
	v20 =	vbroadcast v3, $0x5;
	v6 =	vmul.f32 v6, v16;
	[tilespmem:s13+$0xFFFFFF00] =	vst v4  }
0x6c: {  	v21 =	vld [tilespmem:s14+$0xFFFFFF20];
	v7 =	vmul.f32 v7, v16;
	[tilespmem:s13+$0xFFFFFF10] =	vst v5  }
0x6d: {  	v22 =	vld [tilespmem:s14+$0xFFFFFF30];
	v53 =	vbroadcast v3, $0xB;
	v14 =	vmul.f32 v14, v20;
	[tilespmem:s13+$0xFFFFFF20] =	vst v6  }
0x6e: {  	v11 =	vld [tilespmem:s13+$0xFFFFFFD0];
	v15 =	vmul.f32 v15, v20;
	v5 =	vbroadcast v3, $0x2;
	[tilespmem:s13+$0xFFFFFF30] =	vst v7  }
0x6f: {  	v25 =	vmul.f32 v25, v53;
	v1 =	vld [tilespmem:s13+$0xFFFFFF70];
	[tilespmem:s13+$0xFFFFFFA0] =	vst v14  }
0x70: {  	v16 =	vbroadcast v3, $0x3;
	v4 =	vld [tilespmem:s13+$0xFFFFFFC0];
	[tilespmem:s13+$0xFFFFFFB0] =	vst v15;
	v8 =	vmul.f32 v8, v5  }
0x71: {  	v28 =	vbroadcast v3, $0x6;
	v6 =	vld [tilespmem:s13+$0xFFFFFFE0];
	[tilespmem:s13+$0x60] =	vst v25;
	v5 =	vmul.f32 v9, v5  }
0x72: {  	v7 =	vld [tilespmem:s13+$0xFFFFFFF0];
	v9 =	vmul.f32 v10, v16;
	[tilespmem:s13+$0xFFFFFF40] =	vst v8  }
0x73: {  	v23 =	vld [tilespmem:s14+$0xFFFFFF40];
	v11 =	vmul.f32 v11, v28;
	[tilespmem:s13+$0xFFFFFF50] =	vst v5  }
0x74: {  	v42 =	vbroadcast v3, $0x7;
	v10 =	vld [tilespmem:s13+$0x10];
	[tilespmem:s13+$0xFFFFFF60] =	vst v9;
	v1 =	vmul.f32 v1, v16  }
0x75: {  	v8 =	vld [tilespmem:s13+$0x0];
	v4 =	vmul.f32 v4, v28;
	[tilespmem:s13+$0xFFFFFFD0] =	vst v11  }
0x76: {  	v5 =	vbroadcast v3, $0x4;
	v9 =	vld [tilespmem:s13+$0x20];
	v6 =	vmul.f32 v6, v42;
	[tilespmem:s13+$0xFFFFFF70] =	vst v1  }
0x77: {  	v45 =	vbroadcast v3, $0x8;
	v16 =	vld [tilespmem:s13+$0x30];
	v7 =	vmul.f32 v7, v42;
	[tilespmem:s13+$0xFFFFFFC0] =	vst v4  }
0x78: {  	s16 =	sadd.s32 $0x10, s6;
	v12 =	vmul.f32 v12, v5;
	v1 =	vmul.f32 v13, v5;
	v13 =	vld [tilespmem:s13+$0x50];
	[tilespmem:s13+$0xFFFFFFE0] =	vst v6  }
0x79: {  	v5 =	vld [tilespmem:s16+$0x0];
	[tilespmem:s13+$0xFFFFFFF0] =	vst v7  }
0x7a: {  	v48 =	vbroadcast v3, $0x9;
	v10 =	vmul.f32 v10, v45;
	[tilespmem:s13+$0xFFFFFF80] =	vst v12;
	v12 =	vld [tilespmem:s13+$0x40]  }
0x7b: {  	v24 =	vld [tilespmem:s14+$0xFFFFFF50];
	[tilespmem:s13+$0xFFFFFF90] =	vst v1;
	v8 =	vmul.f32 v8, v45  }
0x7c: {  	v27 =	vld [tilespmem:s14+$0xFFFFFF80];
	v50 =	vbroadcast v3, $0xA;
	v9 =	vmul.f32 v9, v48;
	[tilespmem:s13+$0x10] =	vst v10  }
0x7d: {  	v40 =	vld [tilespmem:s14+$0xFFFFFF90];
	v16 =	vmul.f32 v16, v48;
	[tilespmem:s13+$0x0] =	vst v8  }
0x7e: {  	v29 =	vld [tilespmem:s14+$0xFFFFFFA0];
	[tilespmem:s13+$0x20] =	vst v9;
	v1 =	vbroadcast v5, $0xF;
	v13 =	vmul.f32 v13, v50  }
0x7f: {  	v41 =	vld [tilespmem:s13+$0x70];
	v26 =	vbroadcast v5, $0x0;
	[tilespmem:s13+$0x30] =	vst v16;
	v12 =	vmul.f32 v12, v50  }
0x80: {  	v14 =	vld [tilespmem:s14+$0xFFFFFF60];
	v17 =	vmul.f32 v17, v1;
	[tilespmem:s13+$0x50] =	vst v13  }
0x81: {  	v43 =	vld [tilespmem:s13+$0x90];
	v44 =	vbroadcast v5, $0x2;
	v18 =	vmul.f32 v26, v18;
	[tilespmem:s13+$0x40] =	vst v12  }
0x82: {  	v15 =	vld [tilespmem:s14+$0xFFFFFFB0];
	v19 =	vmul.f32 v19, v26;
	[tilespmem:s14+$0xF0] =	vst v17  }
0x83: {  	v30 =	vld [tilespmem:s14+$0xFFFFFFF0];
	v47 =	vbroadcast v5, $0x3;
	v23 =	vmul.f32 v23, v44;
	[tilespmem:s14+$0xFFFFFF00] =	vst v18  }
0x84: {  	v4 =	vld [tilespmem:s14+$0xFFFFFFC0];
	v52 =	vbroadcast v5, $0x5;
	v7 =	vmul.f32 v24, v44;
	[tilespmem:s14+$0xFFFFFF10] =	vst v19  }
0x85: {  	v11 =	vld [tilespmem:s14+$0xFFFFFFD0];
	v8 =	vmul.f32 v14, v47;
	[tilespmem:s14+$0xFFFFFF40] =	vst v23  }
0x86: {  	v46 =	vld [tilespmem:s13+$0xB0];
	v55 =	vmul.f32 v29, v52;
	[tilespmem:s14+$0xFFFFFF50] =	vst v7  }
0x87: {  	v49 =	vld [tilespmem:s14+$0x0];
	v56 =	vbroadcast v5, $0x6;
	v15 =	vmul.f32 v15, v52;
	[tilespmem:s14+$0xFFFFFF60] =	vst v8  }
0x88: {  	v54 =	vld [tilespmem:s14+$0x40];
	v24 =	vmul.f32 v41, v53;
	[tilespmem:s14+$0xFFFFFFA0] =	vst v55  }
0x89: {  	v6 =	vld [tilespmem:s14+$0xFFFFFFE0];
	v4 =	vmul.f32 v4, v56;
	v18 =	vbroadcast v5, $0x1;
	[tilespmem:s14+$0xFFFFFFB0] =	vst v15  }
0x8a: {  	v10 =	vld [tilespmem:s14+$0x10];
	v58 =	vbroadcast v5, $0x7;
	v11 =	vmul.f32 v11, v56;
	[tilespmem:s13+$0x70] =	vst v24  }
0x8b: {  	v16 =	vld [tilespmem:s13+$0xE0];
	v8 =	vbroadcast v5, $0x4;
	[tilespmem:s14+$0xFFFFFFC0] =	vst v4;
	v21 =	vmul.f32 v21, v18  }
0x8c: {  	v61 =	vbroadcast v5, $0x9;
	v17 =	vld [tilespmem:s14+$0xFFFFFF70];
	[tilespmem:s14+$0xFFFFFFD0] =	vst v11;
	v18 =	vmul.f32 v22, v18  }
0x8d: {  	v19 =	vld [tilespmem:s13+$0x80];
	v11 =	vbroadcast v5, $0x8;
	v51 =	vmul.f32 v27, v8;
	[tilespmem:s14+$0xFFFFFF20] =	vst v21  }
0x8e: {  	v9 =	vld [tilespmem:s14+$0x20];
	v62 =	vbroadcast v5, $0xA;
	v8 =	vmul.f32 v40, v8;
	[tilespmem:s14+$0xFFFFFF30] =	vst v18  }
0x8f: {  	v13 =	vld [tilespmem:s14+$0x50];
	v12 =	vbroadcast v3, $0xC;
	v63 =	vmul.f32 v49, v11;
	[tilespmem:s14+$0xFFFFFF80] =	vst v51  }
0x90: {  	v7 =	vld [tilespmem:s13+$0xC0];
	v4 =	vbroadcast v5, $0xD;
	v11 =	vmul.f32 v10, v11;
	[tilespmem:s14+$0xFFFFFF90] =	vst v8  }
0x91: {  	v2 =	vmul.f32 v16, v2;
	v18 =	vld [tilespmem:s13+$0xA0];
	[tilespmem:s14+$0x0] =	vst v63;
	v14 =	vmul.f32 v17, v47  }
0x92: {  	[tilespmem:s14+$0x10] =	vst v11;
	v17 =	vld [tilespmem:s13+$0xD0];
	v19 =	vmul.f32 v19, v12;
	v12 =	vmul.f32 v43, v12  }
0x93: {  	v57 =	vld [tilespmem:s14+$0x60];
	v8 =	vbroadcast v3, $0xD;
	v3 =	vbroadcast v3, $0xE;
	[tilespmem:s14+$0xFFFFFF70] =	vst v14  }
0x94: {  	v13 =	vmul.f32 v13, v62;
	v14 =	vld [tilespmem:s14+$0x30];
	[tilespmem:s13+$0x90] =	vst v12;
	v12 =	vmul.f32 v30, v58  }
0x95: {  	v59 =	vmul.f32 v46, v8;
	v60 =	vmul.f32 v7, v3;
	[tilespmem:s13+$0x80] =	vst v19;
	v19 =	vld [tilespmem:s14+$0x80]  }
0x96: {  	v15 =	vmul.f32 v18, v8;
	v18 =	vld [tilespmem:s14+$0x70];
	[tilespmem:s14+$0xFFFFFFF0] =	vst v12;
	v12 =	vmul.f32 v9, v61  }
0x97: {  	v7 =	vld [tilespmem:s14+$0x90];
	[tilespmem:s13+$0xB0] =	vst v59;
	v17 =	vmul.f32 v17, v3;
	v3 =	vmul.f32 v6, v58  }
0x98: {  	v8 =	vld [tilespmem:s14+$0xA0];
	v9 =	vmul.f32 v54, v62;
	v6 =	vbroadcast v5, $0xC;
	[tilespmem:s13+$0xA0] =	vst v15  }
0x99: {  	v15 =	vbroadcast v5, $0xB;
	[tilespmem:s14+$0xFFFFFFE0] =	vst v3;
	v3 =	vbroadcast v5, $0xE;
	v5 =	vld [tilespmem:s14+$0xB0]  }
0x9a: {  	s15 =	smul.u32 $0x280, s5;
	v10 =	vld [tilespmem:s14+$0xC0];
	[tilespmem:s13+$0xC0] =	vst v60;
	v16 =	vmul.f32 v14, v61;
	v11 =	vmul.f32 v19, v6  }
0x9b: {  	s17 =	simm.s32 $0x10;
	s18 =	sadd.s32 $0x10, s16;
	s16 =	simm.s32 $0xED60;
	[tilespmem:s13+$0xD0] =	vst v17;
	v17 =	vld [tilespmem:s14+$0xD0];
	v14 =	vmul.f32 v57, v15;
	v15 =	vmul.f32 v18, v15  }
.LBB2_5:
0x9c: {  	v18 =	vld [tilespmem:s18+$0x0];
	s17 =	sadd.s32 $0x10, s17;
	[tilespmem:s14+$0x20] =	vst v12;
	v6 =	vmul.f32 v7, v6  }
0x9d: {  	s14 =	sadd.s32 $0x200, s14;
	p1 =	slt.u32 s17, $0x40;
	[tilespmem:s16+$0x30] =	vst v16;
	v7 =	vmul.f32 v8, v4;
	v8 =	vld [tilespmem:s16+$0xE0]  }
0x9e: {  	v12 =	vld [tilespmem:s14+$0xF0];
	[tilespmem:s16+$0x40] =	vst v9;
	v4 =	vmul.f32 v5, v4  }
0x9f: {  	v5 =	vld [tilespmem:s14+$0xFFFFFF00];
	[tilespmem:s16+$0x50] =	vst v13;
	v9 =	vmul.f32 v10, v3  }
0xa0: {  	v10 =	vld [tilespmem:s14+$0xFFFFFF10];
	[tilespmem:s16+$0x60] =	vst v14;
	v3 =	vmul.f32 v17, v3  }
0xa1: {  	v13 =	vbroadcast v18, $0x0;
	v14 =	vld [tilespmem:s14+$0xFFFFFF20];
	v16 =	vbroadcast v18, $0xF;
	[tilespmem:s16+$0x70] =	vst v15  }
0xa2: {  	v15 =	vbroadcast v18, $0x1;
	v19 =	vbroadcast v18, $0x2;
	v17 =	vld [tilespmem:s14+$0xFFFFFF30];
	[tilespmem:s16+$0x80] =	vst v11  }
0xa3: {  	v20 =	vbroadcast v18, $0x3;
	v11 =	vld [tilespmem:s14+$0xFFFFFF40];
	v12 =	vmul.f32 v12, v16;
	[tilespmem:s16+$0x90] =	vst v6  }
0xa4: {  	v22 =	vbroadcast v18, $0x4;
	v23 =	vbroadcast v18, $0x5;
	v21 =	vld [tilespmem:s14+$0xFFFFFF50];
	[tilespmem:s16+$0xA0] =	vst v7  }
0xa5: {  	v24 =	vbroadcast v18, $0x6;
	v25 =	vbroadcast v18, $0x7;
	v7 =	vld [tilespmem:s14+$0xFFFFFF60];
	[tilespmem:s14+$0xF0] =	vst v12  }
0xa6: {  	v26 =	vbroadcast v18, $0x8;
	v27 =	vbroadcast v18, $0x9;
	v12 =	vld [tilespmem:s14+$0xFFFFFF70];
	[tilespmem:s16+$0xB0] =	vst v4  }
0xa7: {  	v29 =	vbroadcast v18, $0xA;
	v30 =	vbroadcast v18, $0xB;
	v28 =	vld [tilespmem:s14+$0xFFFFFF80];
	[tilespmem:s16+$0xC0] =	vst v9  }
0xa8: {  	v6 =	vbroadcast v18, $0xC;
	v4 =	vbroadcast v18, $0xD;
	v9 =	vld [tilespmem:s14+$0xFFFFFF90];
	[tilespmem:s16+$0xD0] =	vst v3  }
0xa9: {  	v5 =	vmul.f32 v13, v5;
	v3 =	vbroadcast v18, $0xE;
	v31 =	vld [tilespmem:s14+$0xFFFFFFA0];
	[tilespmem:s13+$0xE0] =	vst v2;
	s13 =	smov.u32 s16;
	s16 =	smov.u32 s14  }
0xaa: {  	v2 =	vmul.f32 v10, v13;
	v10 =	vmul.f32 v14, v15;
	v13 =	vld [tilespmem:s14+$0xFFFFFFB0]  }
0xab: {  	v11 =	vmul.f32 v11, v19;
	[tilespmem:s14+$0xFFFFFF00] =	vst v5;
	v5 =	vmul.f32 v17, v15;
	v14 =	vld [tilespmem:s14+$0xFFFFFFC0]  }
0xac: {  	v7 =	vmul.f32 v7, v20;
	v15 =	vmul.f32 v21, v19;
	[tilespmem:s14+$0xFFFFFF10] =	vst v2;
	v17 =	vld [tilespmem:s14+$0xFFFFFFD0]  }
0xad: {  	[tilespmem:s14+$0xFFFFFF20] =	vst v10;
	v10 =	vmul.f32 v12, v20;
	v12 =	vmul.f32 v28, v22;
	v18 =	vld [tilespmem:s14+$0xFFFFFFE0]  }
0xae: {  	[tilespmem:s14+$0xFFFFFF30] =	vst v5;
	v5 =	vmul.f32 v9, v22;
	v9 =	vmul.f32 v31, v23;
	v19 =	vld [tilespmem:s14+$0xFFFFFFF0]  }
0xaf: {  	v2 =	vmul.f32 v8, v1;
	v1 =	vmov v16;
	[tilespmem:s14+$0xFFFFFF40] =	vst v11;
	v11 =	vmul.f32 v13, v23;
	v13 =	vld [tilespmem:s14+$0x0]  }
0xb0: {  	[tilespmem:s14+$0xFFFFFF50] =	vst v15;
	v8 =	vmul.f32 v14, v24;
	v14 =	vld [tilespmem:s14+$0x10]  }
0xb1: {  	[tilespmem:s14+$0xFFFFFF60] =	vst v7;
	v7 =	vmul.f32 v17, v24;
	v15 =	vld [tilespmem:s14+$0x20]  }
0xb2: {  	[tilespmem:s14+$0xFFFFFF70] =	vst v10;
	v10 =	vmul.f32 v18, v25;
	v16 =	vld [tilespmem:s14+$0x30]  }
0xb3: {  	[tilespmem:s14+$0xFFFFFF80] =	vst v12;
	v17 =	vmul.f32 v19, v25;
	v18 =	vld [tilespmem:s14+$0x40]  }
0xb4: {  	[tilespmem:s14+$0xFFFFFF90] =	vst v5;
	v19 =	vmul.f32 v13, v26;
	v5 =	vld [tilespmem:s14+$0x50]  }
0xb5: {  	[tilespmem:s14+$0xFFFFFFA0] =	vst v9;
	v20 =	vmul.f32 v14, v26;
	v14 =	vld [tilespmem:s14+$0x60]  }
0xb6: {  	[tilespmem:s14+$0xFFFFFFB0] =	vst v11;
	v12 =	vmul.f32 v15, v27;
	v11 =	vld [tilespmem:s14+$0x70]  }
0xb7: {  	[tilespmem:s14+$0xFFFFFFC0] =	vst v8;
	v16 =	vmul.f32 v16, v27;
	v21 =	vld [tilespmem:s14+$0x80]  }
.Ltmp1:
0xb8: {  	[tilespmem:s14+$0xFFFFFFD0] =	vst v7;
	v9 =	vmul.f32 v18, v29;
	v7 =	vld [tilespmem:s14+$0x90];
	(pc) =	sbr.rel @p1 .LBB2_5-.Ltmp1, $4  }
0xb9: {  	[tilespmem:s14+$0xFFFFFFE0] =	vst v10;
	v13 =	vmul.f32 v5, v29;
	v8 =	vld [tilespmem:s14+$0xA0]  }
0xba: {  	[tilespmem:s14+$0xFFFFFFF0] =	vst v17;
	v14 =	vmul.f32 v14, v30;
	v5 =	vld [tilespmem:s14+$0xB0]  }
0xbb: {  	[tilespmem:s14+$0x0] =	vst v19;
	v15 =	vmul.f32 v11, v30;
	v10 =	vld [tilespmem:s14+$0xC0]  }
0xbc: {  	s18 =	sadd.s32 $0x10, s18;
	[tilespmem:s14+$0x10] =	vst v20;
	v11 =	vmul.f32 v21, v6;
	v17 =	vld [tilespmem:s14+$0xD0]  }
0xbd: {  	[tilespmem:s14+$0x20] =	vst v12  }
0xbe: {  	[tilespmem:s13+$0xE0] =	vst v2  }
0xbf: {  	[tilespmem:s16+$0x30] =	vst v16  }
0xc0: {  	[tilespmem:s16+$0x40] =	vst v9  }
0xc1: {  	[tilespmem:s16+$0x50] =	vst v13  }
0xc2: {  	[tilespmem:s16+$0x60] =	vst v14  }
0xc3: {  	v6 =	vmul.f32 v7, v6;
	v12 =	vld [tilespmem:s16+$0xE0];
	[tilespmem:s16+$0x70] =	vst v15  }
0xc4: {  	v7 =	vmul.f32 v8, v4;
	[tilespmem:s16+$0x80] =	vst v11  }
0xc5: {  	v4 =	vmul.f32 v5, v4;
	[tilespmem:s16+$0x90] =	vst v6  }
0xc6: {  	v5 =	vmul.f32 v10, v3;
	[tilespmem:s16+$0xA0] =	vst v7  }
0xc7: {  	v3 =	vmul.f32 v17, v3;
	[tilespmem:s16+$0xB0] =	vst v4  }
0xc8: {  	[tilespmem:s16+$0xC0] =	vst v5;
	v1 =	vmul.f32 v12, v1  }
0xc9: {  	s17 =	sshra.s32 s15, $0x2;
	[tilespmem:s16+$0xD0] =	vst v3  }
0xca: {  	s13 =	sadd.s32 $0x4E20, s17;
	[tilespmem:s16+$0xE0] =	vst v1  }
0xcb: {  	[spmem:s2] =	stream.indirect.scatter.add.f32 [tilespmem:s31], [sflag:$0x3], $0x20, s13, s30, $0xb8;
	[tilespmem:$0x15680] =	vst v63  }
0xcc: {  	p1 =	seq.s32 s5, $0x7C;
	_ =	swait.ge [sflag:s25], $0xA00  }
0xcd: {  	s14 =	simm.s32 @!p1 $0x50;
	s13 =	sshra.s32 @!p1 s15, $0x2;
	[sflag:s25] =	ssyncset.done $0x0  }
0xce: {  	s15 =	simm.s32 @!p1 $0xEA60;
	s13 =	sadd.s32 @!p1 $0xA0, s13;
	[sflag:s25] =	ssyncadd.s32 $0xFFFFF600  }
0xcf: {  	[tilespmem:s15], [sflag:$0x1] =	stream.indirect.gather @!p1 [hbm4b:s4+s14], $0x20, s13, s14, $0xb8;
	[tilespmem:$0x15680] =	vst v63  }
0xd0: {  	_ =	swait.ge [sflag:s28], $0xA00  }
0xd1: {  	[sflag:s28] =	ssyncset.done $0x0  }
0xd2: {  	[sflag:s28] =	ssyncadd.s32 $0xFFFFF600  }
0xd3: {  	s13 =	simm.s32 $0xF560;
	v3 =	vld [tilespmem:s7+$0x0]  }
0xd4: {  	v1 =	vld [tilespmem:s13+$0xF0]  }
0xd5: {  	v4 =	vld [tilespmem:s13+$0xFFFFFF00]  }
0xd6: {  	v5 =	vld [tilespmem:s13+$0xFFFFFF10]  }
0xd7: {  	v6 =	vld [tilespmem:s13+$0xFFFFFF20]  }
0xd8: {  	v7 =	vld [tilespmem:s13+$0xFFFFFF30]  }
0xd9: {  	v8 =	vld [tilespmem:s13+$0xFFFFFF40]  }
0xda: {  	v9 =	vld [tilespmem:s13+$0xFFFFFF50]  }
0xdb: {  	v10 =	vld [tilespmem:s13+$0xFFFFFF60]  }
0xdc: {  	v12 =	vld [tilespmem:s13+$0xFFFFFF80]  }
0xdd: {  	v13 =	vld [tilespmem:s13+$0xFFFFFF90]  }
0xde: {  	v14 =	vld [tilespmem:s13+$0xFFFFFFA0];
	v2 =	vbroadcast v3, $0xF  }
0xdf: {  	s14 =	simm.s32 $0xF760;
	v15 =	vld [tilespmem:s13+$0xFFFFFFB0];
	v11 =	vbroadcast v3, $0x0  }
0xe0: {  	v17 =	vld [tilespmem:s14+$0xF0];
	v1 =	vmul.f32 v1, v2  }
0xe1: {  	v18 =	vld [tilespmem:s14+$0xFFFFFF00];
	v16 =	vbroadcast v3, $0x1;
	v4 =	vmul.f32 v11, v4  }
0xe2: {  	v25 =	vld [tilespmem:s13+$0x60];
	v5 =	vmul.f32 v5, v11;
	[tilespmem:s13+$0xF0] =	vst v1  }
0xe3: {  	v19 =	vld [tilespmem:s14+$0xFFFFFF10];
	v20 =	vbroadcast v3, $0x5;
	v6 =	vmul.f32 v6, v16;
	[tilespmem:s13+$0xFFFFFF00] =	vst v4  }
0xe4: {  	v21 =	vld [tilespmem:s14+$0xFFFFFF20];
	v7 =	vmul.f32 v7, v16;
	[tilespmem:s13+$0xFFFFFF10] =	vst v5  }
0xe5: {  	v22 =	vld [tilespmem:s14+$0xFFFFFF30];
	v52 =	vbroadcast v3, $0xB;
	v14 =	vmul.f32 v14, v20;
	[tilespmem:s13+$0xFFFFFF20] =	vst v6  }
0xe6: {  	v11 =	vld [tilespmem:s13+$0xFFFFFFD0];
	v15 =	vmul.f32 v15, v20;
	v5 =	vbroadcast v3, $0x2;
	[tilespmem:s13+$0xFFFFFF30] =	vst v7  }
0xe7: {  	v25 =	vmul.f32 v25, v52;
	v1 =	vld [tilespmem:s13+$0xFFFFFF70];
	[tilespmem:s13+$0xFFFFFFA0] =	vst v14  }
0xe8: {  	v16 =	vbroadcast v3, $0x3;
	v4 =	vld [tilespmem:s13+$0xFFFFFFC0];
	[tilespmem:s13+$0xFFFFFFB0] =	vst v15;
	v8 =	vmul.f32 v8, v5  }
0xe9: {  	v28 =	vbroadcast v3, $0x6;
	v6 =	vld [tilespmem:s13+$0xFFFFFFE0];
	[tilespmem:s13+$0x60] =	vst v25;
	v5 =	vmul.f32 v9, v5  }
0xea: {  	v7 =	vld [tilespmem:s13+$0xFFFFFFF0];
	v9 =	vmul.f32 v10, v16;
	[tilespmem:s13+$0xFFFFFF40] =	vst v8  }
0xeb: {  	v23 =	vld [tilespmem:s14+$0xFFFFFF40];
	v11 =	vmul.f32 v11, v28;
	[tilespmem:s13+$0xFFFFFF50] =	vst v5  }
0xec: {  	v41 =	vbroadcast v3, $0x7;
	v10 =	vld [tilespmem:s13+$0x10];
	[tilespmem:s13+$0xFFFFFF60] =	vst v9;
	v1 =	vmul.f32 v1, v16  }
0xed: {  	v8 =	vld [tilespmem:s13+$0x0];
	v4 =	vmul.f32 v4, v28;
	[tilespmem:s13+$0xFFFFFFD0] =	vst v11  }
0xee: {  	v5 =	vbroadcast v3, $0x4;
	v9 =	vld [tilespmem:s13+$0x20];
	v6 =	vmul.f32 v6, v41;
	[tilespmem:s13+$0xFFFFFF70] =	vst v1  }
0xef: {  	v44 =	vbroadcast v3, $0x8;
	v16 =	vld [tilespmem:s13+$0x30];
	v7 =	vmul.f32 v7, v41;
	[tilespmem:s13+$0xFFFFFFC0] =	vst v4  }
0xf0: {  	s18 =	sadd.s32 $0x10, s7;
	v12 =	vmul.f32 v12, v5;
	v1 =	vmul.f32 v13, v5;
	v13 =	vld [tilespmem:s13+$0x50];
	[tilespmem:s13+$0xFFFFFFE0] =	vst v6  }
0xf1: {  	v5 =	vld [tilespmem:s18+$0x0];
	[tilespmem:s13+$0xFFFFFFF0] =	vst v7  }
0xf2: {  	v47 =	vbroadcast v3, $0x9;
	v10 =	vmul.f32 v10, v44;
	[tilespmem:s13+$0xFFFFFF80] =	vst v12;
	v12 =	vld [tilespmem:s13+$0x40]  }
0xf3: {  	v24 =	vld [tilespmem:s14+$0xFFFFFF50];
	[tilespmem:s13+$0xFFFFFF90] =	vst v1;
	v8 =	vmul.f32 v8, v44  }
0xf4: {  	v27 =	vld [tilespmem:s14+$0xFFFFFF80];
	v49 =	vbroadcast v3, $0xA;
	v9 =	vmul.f32 v9, v47;
	[tilespmem:s13+$0x10] =	vst v10  }
0xf5: {  	v39 =	vld [tilespmem:s14+$0xFFFFFF90];
	v16 =	vmul.f32 v16, v47;
	[tilespmem:s13+$0x0] =	vst v8  }
0xf6: {  	v29 =	vld [tilespmem:s14+$0xFFFFFFA0];
	[tilespmem:s13+$0x20] =	vst v9;
	v1 =	vbroadcast v5, $0xF;
	v13 =	vmul.f32 v13, v49  }
0xf7: {  	v40 =	vld [tilespmem:s13+$0x70];
	v26 =	vbroadcast v5, $0x0;
	[tilespmem:s13+$0x30] =	vst v16;
	v12 =	vmul.f32 v12, v49  }
0xf8: {  	v14 =	vld [tilespmem:s14+$0xFFFFFF60];
	v17 =	vmul.f32 v17, v1;
	[tilespmem:s13+$0x50] =	vst v13  }
0xf9: {  	v42 =	vld [tilespmem:s13+$0x90];
	v43 =	vbroadcast v5, $0x2;
	v18 =	vmul.f32 v26, v18;
	[tilespmem:s13+$0x40] =	vst v12  }
0xfa: {  	v15 =	vld [tilespmem:s14+$0xFFFFFFB0];
	v19 =	vmul.f32 v19, v26;
	[tilespmem:s14+$0xF0] =	vst v17  }
0xfb: {  	v30 =	vld [tilespmem:s14+$0xFFFFFFF0];
	v46 =	vbroadcast v5, $0x3;
	v23 =	vmul.f32 v23, v43;
	[tilespmem:s14+$0xFFFFFF00] =	vst v18  }
0xfc: {  	v4 =	vld [tilespmem:s14+$0xFFFFFFC0];
	v51 =	vbroadcast v5, $0x5;
	v7 =	vmul.f32 v24, v43;
	[tilespmem:s14+$0xFFFFFF10] =	vst v19  }
0xfd: {  	v11 =	vld [tilespmem:s14+$0xFFFFFFD0];
	v8 =	vmul.f32 v14, v46;
	[tilespmem:s14+$0xFFFFFF40] =	vst v23  }
0xfe: {  	v45 =	vld [tilespmem:s13+$0xB0];
	v54 =	vmul.f32 v29, v51;
	[tilespmem:s14+$0xFFFFFF50] =	vst v7  }
0xff: {  	v48 =	vld [tilespmem:s14+$0x0];
	v55 =	vbroadcast v5, $0x6;
	v15 =	vmul.f32 v15, v51;
	[tilespmem:s14+$0xFFFFFF60] =	vst v8  }
0x100: {  	v53 =	vld [tilespmem:s14+$0x40];
	v24 =	vmul.f32 v40, v52;
	[tilespmem:s14+$0xFFFFFFA0] =	vst v54  }
0x101: {  	v56 =	vld [tilespmem:s14+$0x60];
	v4 =	vmul.f32 v4, v55;
	v18 =	vbroadcast v5, $0x1;
	[tilespmem:s14+$0xFFFFFFB0] =	vst v15  }
0x102: {  	v10 =	vld [tilespmem:s14+$0x10];
	v57 =	vbroadcast v5, $0x7;
	v11 =	vmul.f32 v11, v55;
	[tilespmem:s13+$0x70] =	vst v24  }
0x103: {  	v16 =	vld [tilespmem:s13+$0xE0];
	v8 =	vbroadcast v5, $0x4;
	[tilespmem:s14+$0xFFFFFFC0] =	vst v4;
	v21 =	vmul.f32 v21, v18  }
0x104: {  	v60 =	vbroadcast v5, $0x9;
	v17 =	vld [tilespmem:s14+$0xFFFFFF70];
	[tilespmem:s14+$0xFFFFFFD0] =	vst v11;
	v18 =	vmul.f32 v22, v18  }
0x105: {  	v19 =	vld [tilespmem:s13+$0x80];
	v11 =	vbroadcast v5, $0x8;
	v50 =	vmul.f32 v27, v8;
	[tilespmem:s14+$0xFFFFFF20] =	vst v21  }
0x106: {  	v6 =	vld [tilespmem:s14+$0xFFFFFFE0];
	v61 =	vbroadcast v5, $0xA;
	v8 =	vmul.f32 v39, v8;
	[tilespmem:s14+$0xFFFFFF30] =	vst v18  }
0x107: {  	v13 =	vld [tilespmem:s14+$0x50];
	v12 =	vbroadcast v3, $0xC;
	v62 =	vmul.f32 v48, v11;
	[tilespmem:s14+$0xFFFFFF80] =	vst v50  }
0x108: {  	v7 =	vld [tilespmem:s13+$0xC0];
	v4 =	vbroadcast v5, $0xD;
	v63 =	vmul.f32 v10, v11;
	[tilespmem:s14+$0xFFFFFF90] =	vst v8  }
0x109: {  	v2 =	vmul.f32 v16, v2;
	v18 =	vld [tilespmem:s13+$0xA0];
	[tilespmem:s14+$0x0] =	vst v62;
	v14 =	vmul.f32 v17, v46  }
0x10a: {  	v8 =	vbroadcast v3, $0xD;
	[tilespmem:s14+$0x10] =	vst v63;
	v17 =	vld [tilespmem:s13+$0xD0];
	v19 =	vmul.f32 v19, v12  }
0x10b: {  	v9 =	vld [tilespmem:s14+$0x20];
	v10 =	vmul.f32 v53, v61;
	v12 =	vmul.f32 v42, v12;
	[tilespmem:s14+$0xFFFFFF70] =	vst v14  }
0x10c: {  	v3 =	vbroadcast v3, $0xE;
	v58 =	vmul.f32 v45, v8;
	v14 =	vld [tilespmem:s14+$0x30];
	[tilespmem:s13+$0x80] =	vst v19  }
0x10d: {  	v13 =	vmul.f32 v13, v61;
	v19 =	vld [tilespmem:s14+$0x80];
	[tilespmem:s13+$0x90] =	vst v12;
	v12 =	vmul.f32 v30, v57  }
0x10e: {  	v59 =	vmul.f32 v7, v3;
	[tilespmem:s13+$0xB0] =	vst v58;
	v15 =	vmul.f32 v18, v8;
	v18 =	vld [tilespmem:s14+$0x70]  }
0x10f: {  	v7 =	vld [tilespmem:s14+$0x90];
	[tilespmem:s14+$0xFFFFFFF0] =	vst v12;
	v17 =	vmul.f32 v17, v3;
	v3 =	vmul.f32 v6, v57  }
0x110: {  	v8 =	vld [tilespmem:s14+$0xA0];
	v12 =	vmul.f32 v9, v60;
	v6 =	vbroadcast v5, $0xC;
	[tilespmem:s13+$0xA0] =	vst v15  }
0x111: {  	v15 =	vbroadcast v5, $0xB;
	[tilespmem:s14+$0xFFFFFFE0] =	vst v3;
	v3 =	vbroadcast v5, $0xE;
	v5 =	vld [tilespmem:s14+$0xB0]  }
0x112: {  	v11 =	vld [tilespmem:s14+$0xC0];
	[tilespmem:s13+$0xC0] =	vst v59;
	v16 =	vmul.f32 v14, v60;
	v9 =	vmul.f32 v19, v6  }
0x113: {  	s17 =	sadd.s32 $0x10, s18;
	s16 =	simm.s32 $0x10;
	s15 =	simm.s32 $0xF760;
	[tilespmem:s13+$0xD0] =	vst v17;
	v17 =	vld [tilespmem:s14+$0xD0];
	v14 =	vmul.f32 v56, v15;
	v15 =	vmul.f32 v18, v15  }
.LBB2_7:
0x114: {  	v18 =	vld [tilespmem:s17+$0x0];
	s16 =	sadd.s32 $0x10, s16;
	[tilespmem:s14+$0x20] =	vst v12;
	v6 =	vmul.f32 v7, v6  }
0x115: {  	s14 =	sadd.s32 $0x200, s14;
	p1 =	slt.u32 s16, $0x40;
	[tilespmem:s15+$0x30] =	vst v16;
	v7 =	vmul.f32 v8, v4;
	v8 =	vld [tilespmem:s15+$0xE0]  }
0x116: {  	v12 =	vld [tilespmem:s14+$0xF0];
	[tilespmem:s15+$0x40] =	vst v10;
	v4 =	vmul.f32 v5, v4  }
0x117: {  	v5 =	vld [tilespmem:s14+$0xFFFFFF00];
	[tilespmem:s15+$0x50] =	vst v13;
	v10 =	vmul.f32 v11, v3  }
0x118: {  	v11 =	vld [tilespmem:s14+$0xFFFFFF10];
	[tilespmem:s15+$0x60] =	vst v14;
	v3 =	vmul.f32 v17, v3  }
0x119: {  	v13 =	vbroadcast v18, $0x0;
	v14 =	vld [tilespmem:s14+$0xFFFFFF20];
	v16 =	vbroadcast v18, $0xF;
	[tilespmem:s15+$0x70] =	vst v15  }
0x11a: {  	v15 =	vbroadcast v18, $0x1;
	v19 =	vbroadcast v18, $0x2;
	v17 =	vld [tilespmem:s14+$0xFFFFFF30];
	[tilespmem:s15+$0x80] =	vst v9  }
0x11b: {  	v20 =	vbroadcast v18, $0x3;
	v9 =	vld [tilespmem:s14+$0xFFFFFF40];
	v12 =	vmul.f32 v12, v16;
	[tilespmem:s15+$0x90] =	vst v6  }
0x11c: {  	v22 =	vbroadcast v18, $0x4;
	v23 =	vbroadcast v18, $0x5;
	v21 =	vld [tilespmem:s14+$0xFFFFFF50];
	[tilespmem:s15+$0xA0] =	vst v7  }
0x11d: {  	v24 =	vbroadcast v18, $0x6;
	v25 =	vbroadcast v18, $0x7;
	v7 =	vld [tilespmem:s14+$0xFFFFFF60];
	[tilespmem:s14+$0xF0] =	vst v12  }
0x11e: {  	v26 =	vbroadcast v18, $0x8;
	v27 =	vbroadcast v18, $0x9;
	v12 =	vld [tilespmem:s14+$0xFFFFFF70];
	[tilespmem:s15+$0xB0] =	vst v4  }
0x11f: {  	v29 =	vbroadcast v18, $0xA;
	v30 =	vbroadcast v18, $0xB;
	v28 =	vld [tilespmem:s14+$0xFFFFFF80];
	[tilespmem:s15+$0xC0] =	vst v10  }
0x120: {  	v6 =	vbroadcast v18, $0xC;
	v4 =	vbroadcast v18, $0xD;
	v10 =	vld [tilespmem:s14+$0xFFFFFF90];
	[tilespmem:s15+$0xD0] =	vst v3  }
0x121: {  	v5 =	vmul.f32 v13, v5;
	v3 =	vbroadcast v18, $0xE;
	v31 =	vld [tilespmem:s14+$0xFFFFFFA0];
	[tilespmem:s13+$0xE0] =	vst v2;
	s13 =	smov.u32 s15;
	s15 =	smov.u32 s14  }
0x122: {  	v2 =	vmul.f32 v11, v13;
	v11 =	vmul.f32 v14, v15;
	v13 =	vld [tilespmem:s14+$0xFFFFFFB0]  }
0x123: {  	v9 =	vmul.f32 v9, v19;
	[tilespmem:s14+$0xFFFFFF00] =	vst v5;
	v5 =	vmul.f32 v17, v15;
	v14 =	vld [tilespmem:s14+$0xFFFFFFC0]  }
0x124: {  	v7 =	vmul.f32 v7, v20;
	v15 =	vmul.f32 v21, v19;
	[tilespmem:s14+$0xFFFFFF10] =	vst v2;
	v17 =	vld [tilespmem:s14+$0xFFFFFFD0]  }
0x125: {  	[tilespmem:s14+$0xFFFFFF20] =	vst v11;
	v11 =	vmul.f32 v12, v20;
	v12 =	vmul.f32 v28, v22;
	v18 =	vld [tilespmem:s14+$0xFFFFFFE0]  }
0x126: {  	[tilespmem:s14+$0xFFFFFF30] =	vst v5;
	v5 =	vmul.f32 v10, v22;
	v10 =	vmul.f32 v31, v23;
	v19 =	vld [tilespmem:s14+$0xFFFFFFF0]  }
0x127: {  	v2 =	vmul.f32 v8, v1;
	v1 =	vmov v16;
	[tilespmem:s14+$0xFFFFFF40] =	vst v9;
	v9 =	vmul.f32 v13, v23;
	v13 =	vld [tilespmem:s14+$0x0]  }
0x128: {  	[tilespmem:s14+$0xFFFFFF50] =	vst v15;
	v8 =	vmul.f32 v14, v24;
	v14 =	vld [tilespmem:s14+$0x10]  }
0x129: {  	[tilespmem:s14+$0xFFFFFF60] =	vst v7;
	v7 =	vmul.f32 v17, v24;
	v15 =	vld [tilespmem:s14+$0x20]  }
0x12a: {  	[tilespmem:s14+$0xFFFFFF70] =	vst v11;
	v11 =	vmul.f32 v18, v25;
	v16 =	vld [tilespmem:s14+$0x30]  }
0x12b: {  	[tilespmem:s14+$0xFFFFFF80] =	vst v12;
	v17 =	vmul.f32 v19, v25;
	v18 =	vld [tilespmem:s14+$0x40]  }
0x12c: {  	[tilespmem:s14+$0xFFFFFF90] =	vst v5;
	v19 =	vmul.f32 v13, v26;
	v5 =	vld [tilespmem:s14+$0x50]  }
0x12d: {  	[tilespmem:s14+$0xFFFFFFA0] =	vst v10;
	v20 =	vmul.f32 v14, v26;
	v14 =	vld [tilespmem:s14+$0x60]  }
0x12e: {  	[tilespmem:s14+$0xFFFFFFB0] =	vst v9;
	v12 =	vmul.f32 v15, v27;
	v9 =	vld [tilespmem:s14+$0x70]  }
0x12f: {  	[tilespmem:s14+$0xFFFFFFC0] =	vst v8;
	v16 =	vmul.f32 v16, v27;
	v21 =	vld [tilespmem:s14+$0x80]  }
.Ltmp2:
0x130: {  	[tilespmem:s14+$0xFFFFFFD0] =	vst v7;
	v10 =	vmul.f32 v18, v29;
	v7 =	vld [tilespmem:s14+$0x90];
	(pc) =	sbr.rel @p1 .LBB2_7-.Ltmp2, $4  }
0x131: {  	[tilespmem:s14+$0xFFFFFFE0] =	vst v11;
	v13 =	vmul.f32 v5, v29;
	v8 =	vld [tilespmem:s14+$0xA0]  }
0x132: {  	[tilespmem:s14+$0xFFFFFFF0] =	vst v17;
	v14 =	vmul.f32 v14, v30;
	v5 =	vld [tilespmem:s14+$0xB0]  }
0x133: {  	[tilespmem:s14+$0x0] =	vst v19;
	v15 =	vmul.f32 v9, v30;
	v11 =	vld [tilespmem:s14+$0xC0]  }
0x134: {  	s17 =	sadd.s32 $0x10, s17;
	[tilespmem:s14+$0x10] =	vst v20;
	v9 =	vmul.f32 v21, v6;
	v17 =	vld [tilespmem:s14+$0xD0]  }
0x135: {  	[tilespmem:s14+$0x20] =	vst v12  }
0x136: {  	[tilespmem:s13+$0xE0] =	vst v2  }
0x137: {  	[tilespmem:s15+$0x30] =	vst v16  }
0x138: {  	[tilespmem:s15+$0x40] =	vst v10  }
0x139: {  	[tilespmem:s15+$0x50] =	vst v13  }
0x13a: {  	[tilespmem:s15+$0x60] =	vst v14  }
0x13b: {  	v6 =	vmul.f32 v7, v6;
	v12 =	vld [tilespmem:s15+$0xE0];
	[tilespmem:s15+$0x70] =	vst v15  }
0x13c: {  	v61 =	vmul.f32 v8, v4;
	[tilespmem:s15+$0x80] =	vst v9  }
0x13d: {  	v62 =	vmul.f32 v5, v4;
	[tilespmem:s15+$0x90] =	vst v6  }
0x13e: {  	v63 =	vmul.f32 v11, v3;
	[tilespmem:s15+$0xA0] =	vst v61  }
0x13f: {  	v3 =	vmul.f32 v17, v3;
	[tilespmem:s15+$0xB0] =	vst v62  }
0x140: {  	s5 =	sadd.s32 $0x1, s5;
	[tilespmem:s15+$0xC0] =	vst v63;
	v1 =	vmul.f32 v12, v1  }
0x141: {  	p1 =	sne.s32 s5, $0x7D;
	[tilespmem:s15+$0xD0] =	vst v3  }
.Ltmp3:
0x142: {  	s8 =	sadd.s32 $0x4E20, s8;
	[tilespmem:s15+$0xE0] =	vst v1;
	(pc) =	sbr.rel @p1 .LBB2_4-.Ltmp3, $4  }
0x143: {  	[spmem:s2] =	stream.indirect.scatter.add.f32 [tilespmem:s0], [sflag:$0x3], $0x20, s8, s30, $0xb8;
	[tilespmem:$0x15680] =	vst v63  }
0x144: {  	_ =	swait.ge [sflag:s25], $0xA00  }
0x145: {  	[sflag:s25] =	ssyncset.done $0x0  }
0x146: {  	s6 =	sadd.s32 $0xA0, s6;
	s7 =	sadd.s32 $0xA0, s7;
	[sflag:s25] =	ssyncadd.s32 $0xFFFFF600  }
0x147: {  	s5 =	stileid.u32  }
0x148: {  	[bflag:$0x0] =	sbarrier.arrive $0xFFFF;
	s5 =	sshll.u32 s5, $0x6  }
0x149: {  	s6 =	sshrl.u32 s9, $0x3;
	s7 =	rddreg [dreg:$0x7];
	s5 =	sor.u32 $0x1C03, s5  }
0x14a: {  	[hbm:s7], [sflag:s5] =	dma.local [spmem:s6], $0x140  }
0x14b: {  	_ =	swait.ge [sflag:s25], $0x140  }
0x14c: {  	[sflag:s25] =	ssyncset.done $0x0  }
0x14d: {  	s15 =	sshrl.u32 s10, $0x3;
	s16 =	rddreg [dreg:$0x8];
	[sflag:s25] =	ssyncadd.s32 $0xFFFFFEC0  }
0x14e: {  	[hbm:s16], [sflag:s5] =	dma.local [spmem:s15], $0x140  }
0x14f: {  	_ =	swait.ge [sflag:s25], $0x140  }
0x150: {  	[sflag:s25] =	ssyncset.done $0x0  }
0x151: {  	s17 =	sshrl.u32 s11, $0x3;
	s18 =	rddreg [dreg:$0x9];
	[sflag:s25] =	ssyncadd.s32 $0xFFFFFEC0  }
0x152: {  	[hbm:s18], [sflag:s5] =	dma.local [spmem:s17], $0x140  }
0x153: {  	_ =	swait.ge [sflag:s25], $0x140  }
0x154: {  	[sflag:s25] =	ssyncset.done $0x0  }
0x155: {  	s7 =	sshrl.u32 s12, $0x3;
	s8 =	rddreg [dreg:$0xa];
	[sflag:s25] =	ssyncadd.s32 $0xFFFFFEC0  }
0x156: {  	[hbm:s8], [sflag:s5] =	dma.local [spmem:s7], $0x140  }
0x157: {  	_ =	swait.ge [sflag:s25], $0x140  }
0x158: {  	[sflag:s25] =	ssyncset.done $0x0  }
0x159: {  	s13 =	sshrl.u32 s21, $0x3;
	s14 =	rddreg [dreg:$0xb];
	[sflag:s25] =	ssyncadd.s32 $0xFFFFFEC0  }
0x15a: {  	[hbm:s14], [sflag:s5] =	dma.local [spmem:s13], $0x140  }
0x15b: {  	_ =	swait.ge [sflag:s25], $0x140  }
0x15c: {  	[sflag:s25] =	ssyncset.done $0x0  }
0x15d: {  	s15 =	sshrl.u32 s22, $0x3;
	s16 =	rddreg [dreg:$0xc];
	[sflag:s25] =	ssyncadd.s32 $0xFFFFFEC0  }
0x15e: {  	[hbm:s16], [sflag:s5] =	dma.local [spmem:s15], $0x140  }
0x15f: {  	_ =	swait.ge [sflag:s25], $0x140  }
0x160: {  	[sflag:s25] =	ssyncset.done $0x0  }
0x161: {  	s17 =	sshrl.u32 s23, $0x3;
	[sflag:s25] =	ssyncadd.s32 $0xFFFFFEC0  }
0x162: {  	[hbm:s19], [sflag:s5] =	dma.local [spmem:s17], $0x140  }
0x163: {  	_ =	swait.ge [sflag:s25], $0x140  }
0x164: {  	[sflag:s25] =	ssyncset.done $0x0  }
0x165: {  	s6 =	sshrl.u32 @!p0 s24, $0x3;
	[sflag:s25] =	ssyncadd.s32 $0xFFFFFEC0  }
0x166: {  	[hbm:s20], [sflag:s5] =	dma.local @!p0 [spmem:s6], $0x140  }
0x167: {  	s5 =	simm.s32 @!p0 $0x3  }
0x168: {  	_ =	swait.ge @!p0 [sflag:s5], $0x140  }
0x169: {  	s1 =	sadd.s32 $0x1, s1;
	s18 =	rddreg [dreg:$0x6]  }
0x16a: {  	p1 =	sne.s32 s1, s18  }
.Ltmp4:
0x16b: {  	_ = 	snop;
	(pc) =	sbr.rel @p1 .LBB2_1-.Ltmp4, $3  }
0x16c: {  	_ =	sdelay $0x1  }
0x16d: {  	[sflag:s5] =	ssyncset.done @!p0 $0x0  }
0x16e: {  	[sflag:s5] =	ssyncadd.s32 @!p0 $0xFFFFFEC0  }
0x16f: {  	_ =	sfence.sel $0x180000  }
0x170: {  	[bflag:$0x0] =	sbarrier.arrive $0xFFFF  }
0x171: {  	_ =	strace $0x9000004A  }
0x172: {  	s0 =	stileid.u32;
	[bflag:$0x2] =	sbarrier.arrive $0xFFFF  }
0x173: {  	p0 =	sne.s32 s0, $0x0;
	s0 =	rddreg [dreg:$0x2]  }
0x174: {  	s0 =	sadd.s32 @!p0 $0x100000, s0  }
0x175: {  	[sflag:s0] =	ssyncadd.tile.s32 @!p0 $0x1;
	_ =	shalt  }
.Lfunc_end2:
_tile_overlayer_lowered:
.L_overlay_start_2:
0x176: {  	(tag) =	ssettag $0x2  }
0x177: {  	s0 =	rddreg [dreg:$0x0];
	s2 =	stileid.u32  }
0x178: {  	s1 =	rddreg [dreg:$0x1];
	p0 =	sne.s32 s2, $0x0  }
0x179: {  	s3 =	rddreg [dreg:$0x2];
	[bflag:$0x3] =	sbarrier.arrive $0xFFFF;
	s2 =	simm.s32 @!p0 $0x1C03  }
0x17a: {  	[timem:s3], [sflag:s2] =	dma.local @!p0 [hbm:s0], s1  }
0x17b: {  	s0 =	simm.s32 @!p0 $0x3  }
0x17c: {  	_ =	swait.ge @!p0 [sflag:s0], s1  }
0x17d: {  	s1 =	ssub.s32 @!p0 $0x0, s1;
	[sflag:s0] =	ssyncset.done @!p0 $0x0  }
0x17e: {  	[sflag:s0] =	ssyncadd.s32 @!p0 s1  }
0x17f: {  	[bflag:$0x3] =	sbarrier.arrive $0xFFFF  }
0x180: {  	_ =	shalt  }

// kernel: kernel.7.cloned.1.call-start
scs
__scs_entry_jumppad:
0x0: {  	(pc) =	sbr.rel $0x88, $3  }
0x1: {  	(tag) =	ssettag $0x0;
	lr =	simm.s32 $0x1  }
0x2: {  	[smem:$0x3F9A] =	sst lr;
	_ =	strace $0xD0000000  }
0x3: {  	_ = 	snop  }
0x4: {  	_ = 	snop  }
0x5: {  	_ = 	snop  }
0x6: {  	_ = 	snop  }
0x7: {  	_ = 	snop  }
__scs_overlays_trampoline_lowered:
0x8: {  	[smem:$0x3FA9] =	sst s0  }
0x9: {  	[smem:$0x3FAA] =	sst s1  }
0xa: {  	[smem:$0x3FAB] =	sst s2  }
0xb: {  	[smem:$0x3FAC] =	sst s3  }
0xc: {  	[smem:$0x3FAD] =	sst s4  }
0xd: {  	[smem:$0x3FAE] =	sst s5  }
0xe: {  	[smem:$0x3FAF] =	sst s6  }
0xf: {  	[smem:$0x3FB0] =	sst s7  }
0x10: {  	[smem:$0x3FB1] =	sst s8  }
0x11: {  	[smem:$0x3FB2] =	sst s9;
	s0 =	simm.s32 @!p0 $0x0  }
0x12: {  	s1 =	sld [smem:$0x3F98];
	s0 =	simm.s32 @p0 $0x1  }
0x13: {  	[smem:$0x3FB3] =	sst s0;
	s0 =	simm.s32 @!p1 $0x0  }
0x14: {  	s2 =	sld [smem:$0x3F97];
	s0 =	simm.s32 @p1 $0x1  }
0x15: {  	[smem:$0x3FB4] =	sst s0;
	s0 =	simm.s32 @!p2 $0x0  }
0x16: {  	s3 =	sld [smem:$0x3FDB];
	s0 =	simm.s32 @p2 $0x1  }
0x17: {  	s4 =	simm.s32 $0x1BF5;
	[smem:$0x3FB6] =	sst s0  }
0x18: {  	s0 =	sld [smem:$0x3F99];
	_ =	swait.ge [sflag:s4], $0x0  }
0x19: {  	s7 =	sld [smem:$0x3F9A]  }
0x1a: {  	s8 =	sadd.s32 $0xFFFFE003, lr  }
0x1b: {  	s9 =	sadd.s32 $0xFFFFFEF7, lr;
	s5 =	simm.s32 $0xFFFFFFFF;
	p2 =	slt.u32 s8, $0xFFFFF086  }
0x1c: {  	p1 =	slt.u32 s9, $0xF7A;
	s5 =	simm.s32 @!p2 $0x0  }
0x1d: {  	s5 =	simm.s32 @p1 $0x1;
	p0 =	seq.s32 s7, s2  }
0x1e: {  	s7 =	smul.u32 @!p0 $0xF7A, s2;
	p2 =	seq.s32 @!p0 s5, $0x0  }
0x1f: {  	s9 =	smul.u32 $0xF7A, s1;
	s8 =	simm.s32 @!p0 $0x1BF5;
	p2 =	por !p2, p0  }
0x20: {  	[sflag:s8] =	ssyncset.s32 @!p0 $0xFFFFF086;
	s6 =	sadd.s32 @!p0 s3, s7;
	s7 =	simm.s32 @!p0 $0x108  }
0x21: {  	s3 =	sadd.s32 s3, s9;
	s6 =	sadd.s32 @!p0 $0x88, s6;
	s7 =	simm.s32 @p2 $0x1082  }
0x22: {  	[simem:s7], [sflag:s8] =	dma.local @!p0 [hbm:s6], $0xF7A  }
0x23: {  	s9 =	sor.u32 $0xD0000000, s2;
	s6 =	simm.s32 $0x108;
	_ =	swait.ge @!p0 [sflag:s8], $0x0  }
0x24: {  	s3 =	sadd.s32 $0x88, s3;
	s6 =	simm.s32 @!p1 $0x1082;
	[sflag:s4] =	ssyncset.s32 $0xFFFFF086  }
0x25: {  	[simem:s6], [sflag:s4] =	dma.local [hbm:s3], $0xF7A  }
0x26: {  	[smem:$0x3F9A] =	sst s1;
	(tag) =	ssettag s2;
	_ =	strace s9  }
0x27: {  	s1 =	sld [smem:$0x3FAA]  }
0x28: {  	s2 =	sld [smem:$0x3FAB]  }
0x29: {  	s4 =	sld [smem:$0x3FAD]  }
0x2a: {  	p0 =	seq.s32 s5, $0x0;
	s5 =	sld [smem:$0x3FAE]  }
0x2b: {  	s6 =	sld [smem:$0x3FAF]  }
0x2c: {  	s7 =	sld [smem:$0x3FB0]  }
0x2d: {  	s3 =	simm.s32 $0x108;
	s8 =	sld [smem:$0x3FB1]  }
0x2e: {  	s3 =	simm.s32 @!p0 $0x1082;
	s9 =	sld [smem:$0x3FB2]  }
0x2f: {  	lr =	sadd.s32 s0, s3;
	s0 =	sld [smem:$0x3FA9]  }
0x30: {  	s3 =	sld [smem:$0x3FAC]  }
0x31: {  	[smem:$0x3FB5] =	sst s10  }
0x32: {  	s10 =	sld [smem:$0x3FB3];
	_ =	sdelay $0x3  }
0x33: {  	p0 =	seq.s32 s10, $0x1;
	s10 =	sld [smem:$0x3FB5];
	_ =	sdelay $0x3  }
0x34: {  	[smem:$0x3FB5] =	sst s10  }
0x35: {  	s10 =	sld [smem:$0x3FB4];
	_ =	sdelay $0x3  }
0x36: {  	p1 =	seq.s32 s10, $0x1;
	s10 =	sld [smem:$0x3FB5];
	_ =	sdelay $0x3  }
0x37: {  	[smem:$0x3FB5] =	sst s10  }
0x38: {  	s10 =	sld [smem:$0x3FB6]  }
0x39: {  	_ = 	snop;
	(pc) =	sbr.ind lr, $3  }
0x3a: {  	_ = 	snop  }
0x3b: {  	_ = 	snop  }
0x3c: {  	p2 =	seq.s32 s10, $0x1;
	s10 =	sld [smem:$0x3FB5]  }
0x3d: {  	_ =	shalt  }
0x3e: {  	_ =	shalt  }
0x3f: {  	_ =	shalt  }
0x40: {  	_ =	shalt  }
0x41: {  	_ =	shalt  }
0x42: {  	_ =	shalt  }
0x43: {  	_ =	shalt  }
0x44: {  	_ =	shalt  }
0x45: {  	_ =	shalt  }
0x46: {  	_ =	shalt  }
0x47: {  	_ =	shalt  }
0x48: {  	_ =	shalt  }
0x49: {  	_ =	shalt  }
0x4a: {  	_ =	shalt  }
0x4b: {  	_ =	shalt  }
0x4c: {  	_ =	shalt  }
0x4d: {  	_ =	shalt  }
0x4e: {  	_ =	shalt  }
0x4f: {  	_ =	shalt  }
0x50: {  	_ =	shalt  }
0x51: {  	_ =	shalt  }
0x52: {  	_ =	shalt  }
0x53: {  	_ =	shalt  }
0x54: {  	_ =	shalt  }
0x55: {  	_ =	shalt  }
0x56: {  	_ =	shalt  }
0x57: {  	_ =	shalt  }
0x58: {  	_ =	shalt  }
0x59: {  	_ =	shalt  }
0x5a: {  	_ =	shalt  }
0x5b: {  	_ =	shalt  }
0x5c: {  	_ =	shalt  }
0x5d: {  	_ =	shalt  }
0x5e: {  	_ =	shalt  }
0x5f: {  	_ =	shalt  }
0x60: {  	_ =	shalt  }
0x61: {  	_ =	shalt  }
0x62: {  	_ =	shalt  }
0x63: {  	_ =	shalt  }
0x64: {  	_ =	shalt  }
0x65: {  	_ =	shalt  }
0x66: {  	_ =	shalt  }
0x67: {  	_ =	shalt  }
0x68: {  	_ =	shalt  }
0x69: {  	_ =	shalt  }
0x6a: {  	_ =	shalt  }
0x6b: {  	_ =	shalt  }
0x6c: {  	_ =	shalt  }
0x6d: {  	_ =	shalt  }
0x6e: {  	_ =	shalt  }
0x6f: {  	_ =	shalt  }
0x70: {  	_ =	shalt  }
0x71: {  	_ =	shalt  }
0x72: {  	_ =	shalt  }
0x73: {  	_ =	shalt  }
0x74: {  	_ =	shalt  }
0x75: {  	_ =	shalt  }
0x76: {  	_ =	shalt  }
0x77: {  	_ =	shalt  }
0x78: {  	_ =	shalt  }
0x79: {  	_ =	shalt  }
0x7a: {  	_ =	shalt  }
0x7b: {  	_ =	shalt  }
0x7c: {  	_ =	shalt  }
0x7d: {  	_ =	shalt  }
0x7e: {  	_ =	shalt  }
0x7f: {  	_ =	shalt  }
0x80: {  	_ =	shalt  }
0x81: {  	_ =	shalt  }
0x82: {  	_ =	shalt  }
0x83: {  	_ =	shalt  }
0x84: {  	_ =	shalt  }
0x85: {  	_ =	shalt  }
0x86: {  	_ =	shalt  }
0x87: {  	_ =	shalt  }
.Lfunc_end0:
.L_simem_size_0:
called_computation_lowered:
.L_overlay_start_0:
0x88: {  	s2 =	sld [smem:$0x3FD9]  }
0x89: {  	s3 =	sld [smem:$0x3FFE];
	_ =	sdelay $0x1  }
0x8a: {  	s1 =	srdreg.scid  }
0x8b: {  	s0 =	sand.u32 $0x1, s1  }
0x8c: {  	s16 =	sshll.u32 s0, $0xA;
	s2 =	sadd.s32 s3, s2  }
0x8d: {  	s2 =	sadd.s32 s2, s16  }
0x8e: {  	[smem:$0x3FC1] =	sst s2  }
0x8f: {  	_ = 	snop  }
0x90: {  	(tm) =	ssettm $0x1  }
0x91: {  	s17 =	sld [smem:$0x3FFB];
	_ =	sdelay $0x3  }
0x92: {  	_ =	strace s17  }
0x93: {  	s2 =	sld [smem:$0x3FFC];
	_ =	sdelay $0x3  }
0x94: {  	_ =	strace s2  }
0x95: {  	s2 =	sld [smem:$0x3FFD];
	_ =	sdelay $0x3  }
0x96: {  	_ =	strace s2  }
0x97: {  	_ =	strace $0x8FFFFFFF  }
0x98: {  	s18 =	sld [smem:$0x3FDB];
	_ =	sdelay $0x1  }
0x99: {  	s19 =	simm.s32 $_scs_section_size  }
0x9a: {  	s4 =	simm.s32 $_size__tile_overlayer_lowered;
	s5 =	simm.s32 $_tile_overlayer_lowered  }
0x9b: {  	s22 =	simm.s32 $0x1BFF;
	s21 =	sshll.u32 s5, $0x1;
	s2 =	sadd.s32 s19, s18  }
0x9c: {  	s6 =	simm.s32 $0x0;
	s20 =	sshll.u32 s4, $0x1;
	s4 =	sadd.s32 s21, s2  }
0x9d: {  	[timem:s6], [sflag:s22] =	dma.local [hbm:s4], s20  }
0x9e: {  	_ =	swait.ge [sflag:s22], s20  }
0x9f: {  	s3 =	ssub.s32 $0x0, s20;
	[sflag:s22] =	ssyncset.done $0x0  }
0xa0: {  	[sflag:s22] =	ssyncadd.s32 s3;
	_ =	sdelay $0x1  }
0xa1: {  	s23 =	simm.s32 $0x1B8B  }
0xa2: {  	_ =	swait.ge [sflag:s23], $0x1  }
0xa3: {  	[sflag:s23] =	ssyncset.done $0x0  }
0xa4: {  	s25 =	simm.s32 $0x1B8E;
	s24 =	sld [smem:$0x3FFE];
	[sflag:s23] =	ssyncadd.s32 $0xFFFFFFFF  }
0xa5: {  	s26 =	simm.s32 $execute0_lowered;
	[smem:$0x3FD2] =	sst s25  }
0xa6: {  	s4 =	sshll.u32 s26, $0x1;
	_ =	strace $0x80000046;
	[dreg:$0x1] =	wrdreg $0xFFFFFFFF  }
0xa7: {  	s28 =	simm.s32 $_size_execute0_lowered;
	s2 =	sadd.s32 s2, s4;
	[dreg:$0x0] =	wrdreg $0x0  }
0xa8: {  	s4 =	sshll.u32 s28, $0x1;
	[dreg:$0x2] =	wrdreg s2  }
0xa9: {  	[dreg:$0x3] =	wrdreg s4  }
0xaa: {  	[dreg:$0x4] =	wrdreg $0xC0  }
0xab: {  	_ =	task [dreg:s6], $0x5FFFF  }
0xac: {  	[dreg:$0x1] =	wrdreg $0xFFFFFFFF  }
0xad: {  	[dreg:$0x0] =	wrdreg $0x60  }
0xae: {  	[dreg:$0x2] =	wrdreg s24  }
0xaf: {  	[dreg:$0x3] =	wrdreg $0x126600  }
0xb0: {  	[dreg:$0x4] =	wrdreg $0x9  }
0xb1: {  	_ =	task.clear_ibuf [dreg:s6], $0x5FFFF;
	_ =	strace $0x90000046  }
0xb2: {  	s29 =	simm.s32 $0x9;
	_ =	strace $0x80000048  }
0xb3: {  	_ =	swait.ge [sflag:s29], $0x1  }
0xb4: {  	[sflag:s29] =	ssyncadd.s32 $0xFFFFFFFF  }
0xb5: {  	_ =	strace $0x90000048  }
0xb6: {  	_ =	sfence  }
0xb7: {  	s30 =	sld [smem:$0x0];
	_ =	sdelay $0x2  }
0xb8: {  	s31 =	sshll.u32 s1, $0xD;
	s1 =	sshrl.u32 s1, $0x2  }
0xb9: {  	s3 =	sand.u32 $0x4000, s31;
	s1 =	sadd.s32 s1, s30  }
0xba: {  	s0 =	sor.u32 s3, s0;
	s1 =	sshll.u32 s1, $0x11  }
0xbb: {  	s0 =	sor.u32 s1, s0  }
0xbc: {  	s0 =	sadd.s32 $0x8F2B, s0  }
0xbd: {  	[sflag:s0] =	ssyncadd.remote.s32 $0x1  }
0xbe: {  	_ =	sfence.sel $0xFFFF  }
0xbf: {  	[dreg:$0x0] =	wrdreg $0xFFFFFFFF;
	(pc) =	sbr.abs _section_cstart, $3  }
0xc0: {  	[dreg:$0x1] =	wrdreg $0xFFFFFFFF  }
0xc1: {  	_ =	task.clear_ibuf [dreg:s6], $0x2FFFF;
	_ =	strace $0x9FFFFFFF  }
0xc2: {  	(tm) =	ssettm $0x7FFFFFFF  }
0xc3: {  	_ =	shalt  }
tec
execute0_lowered:
.L_overlay_start_1:
0x0: {  	(tag) =	ssettag $0x1  }
0x1: {  	s0 =	srdreg.scid;
	s19 =	stileid.u32  }
0x2: {  	s1 =	rddreg [dreg:$0x0];
	s0 =	sand.u32 $0x1, s0;
	s7 =	smul.u32 $0x5000, s19  }
0x3: {  	s2 =	rddreg [dreg:$0x1];
	s8 =	sor.u32 $0x10, s19;
	s6 =	smul.u32 $0x13880, s0  }
0x4: {  	s3 =	simm.s32 $0x0;
	s11 =	sor.u32 $0x20, s19;
	s10 =	smul.u32 $0x5000, s8  }
0x5: {  	s29 =	simm.s32 $0x11260;
	s12 =	sor.u32 $0x30, s19;
	s24 =	smul.u32 $0x5000, s11  }
0x6: {  	s30 =	simm.s32 $0x50;
	s14 =	sor.u32 $0x40, s19;
	s13 =	smul.u32 $0x5000, s12  }
0x7: {  	s31 =	simm.s32 $0xEA60;
	s16 =	sor.u32 $0x50, s19;
	s15 =	smul.u32 $0x5000, s14  }
0x8: {  	s28 =	simm.s32 $0x2;
	s18 =	sor.u32 $0x60, s19;
	s17 =	smul.u32 $0x5000, s16  }
0x9: {  	[smem:$0x7FF] =	sst s3;
	s4 =	sshll.u32 s0, $0x4;
	s22 =	smul.u32 $0x5000, s18  }
0xa: {  	_ =	strace $0x80000047;
	s0 =	ssub.s32 $0x2, s0;
	s8 =	smul.u32 $0x280, s8  }
0xb: {  	s21 =	smul.u32 $0x280, s14;
	s4 =	sor.u32 s19, s4;
	s9 =	sshrl.u32 s0, $0x1  }
0xc: {  	s7 =	sshrl.u32 s7, $0x2;
	s5 =	smul.u32 $0x9C4, s4;
	s4 =	sadd.s32 $0x3C200, s1  }
0xd: {  	s0 =	ssub.s32 s0, s9;
	s9 =	sadd.s32 s7, s2;
	s20 =	sshrl.u32 s13, $0x2  }
0xe: {  	s23 =	sshrl.u32 s15, $0x2;
	s15 =	sor.u32 $0x70, s19;
	s0 =	smax.u32 s0, $0x1  }
0xf: {  	p0 =	sgt.u32 s15, $0x7C;
	s5 =	sadd.s32 s5, s1;
	s1 =	sadd.s32 s6, s1  }
0x10: {  	[dreg:$0x6] =	wrdreg s0;
	s6 =	smul.u32 $0x280, s12;
	s12 =	sadd.s32 s20, s2  }
0x11: {  	s25 =	sadd.s32 $0x14E00, s5;
	s26 =	sadd.s32 $0x28800, s5;
	s5 =	sadd.s32 $0x1400, s5  }
0x12: {  	s0 =	simm.s32 $0xFE60;
	[dreg:$0x5] =	wrdreg s5;
	s5 =	smul.u32 $0x280, s19  }
0x13: {  	s1 =	sadd.s32 $0x63400, s1;
	[dreg:$0x4] =	wrdreg s26;
	s26 =	smul.u32 $0x280, s11  }
0x14: {  	[dreg:$0x3] =	wrdreg s25;
	s11 =	sshrl.u32 s24, $0x2;
	s24 =	smul.u32 $0x280, s16  }
0x15: {  	s25 =	sshrl.u32 s10, $0x2;
	s7 =	sadd.s32 s1, s8;
	s8 =	smul.u32 $0x280, s15  }
0x16: {  	s6 =	sadd.s32 s1, s6;
	s13 =	sadd.s32 s1, s21;
	[dreg:$0x8] =	wrdreg s7  }
0x17: {  	s21 =	sadd.s32 s23, s2;
	s10 =	sadd.s32 s25, s2;
	[dreg:$0xa] =	wrdreg s6  }
0x18: {  	s11 =	sadd.s32 s11, s2;
	[dreg:$0xb] =	wrdreg s13;
	s5 =	sadd.s32 s1, s5  }
0x19: {  	s25 =	smul.u32 $0x280, s18;
	s26 =	sadd.s32 s1, s26;
	[dreg:$0x7] =	wrdreg s5  }
0x1a: {  	s18 =	smul.u32 $0x5000, s15;
	s16 =	sadd.s32 s1, s24;
	[dreg:$0x9] =	wrdreg s26  }
0x1b: {  	s20 =	sadd.s32 s1, s8;
	s24 =	sshrl.u32 s17, $0x2;
	[dreg:$0xc] =	wrdreg s16  }
0x1c: {  	s19 =	sadd.s32 s1, s25;
	s25 =	sshrl.u32 s22, $0x2;
	s22 =	sadd.s32 s24, s2  }
0x1d: {  	s26 =	sshrl.u32 s18, $0x2;
	s1 =	simm.s32 $0x0;
	s23 =	sadd.s32 s25, s2  }
0x1e: {  	v0 =	vimm.f32 $0.0e+00;
	s24 =	sadd.s32 s26, s2;
	s25 =	simm.s32 $0x3;
	s26 =	simm.s32 $0x1  }
.LBB2_1:
0x1f: {  	s5 =	rddreg [dreg:$0x3]  }
0x20: {  	[tilespmem:s3], [sflag:$0x3] =	stream.linear.gather [hbm4b:s5+s3], $0x4E20, $0x38;
	[tilespmem:$0x1C2A0] =	vst v63  }
0x21: {  	_ =	swait.ge [sflag:s25], $0x4E20  }
0x22: {  	[sflag:s25] =	ssyncset.done $0x0  }
0x23: {  	s6 =	simm.s32 $0x4E20;
	s16 =	rddreg [dreg:$0x4];
	[sflag:s25] =	ssyncadd.s32 $0xFFFFB1E0  }
0x24: {  	[tilespmem:s6], [sflag:$0x3] =	stream.linear.gather [hbm4b:s16+s3], $0x4E20, $0x38;
	[tilespmem:$0x1C2A0] =	vst v63  }
0x25: {  	_ =	swait.ge [sflag:s25], $0x4E20  }
0x26: {  	[sflag:s25] =	ssyncset.done $0x0  }
0x27: {  	s18 =	simm.s32 $0x9C40;
	s17 =	rddreg [dreg:$0x5];
	[sflag:s25] =	ssyncadd.s32 $0xFFFFB1E0  }
0x28: {  	[tilespmem:s18], [sflag:$0x3] =	stream.linear.gather [hbm4b:s17+s3], $0x4E20, $0x38;
	[tilespmem:$0x1C2A0] =	vst v63  }
0x29: {  	_ =	swait.ge [sflag:s25], $0x4E20  }
0x2a: {  	[sflag:s25] =	ssyncset.done $0x0  }
0x2b: {  	s5 =	simm.s32 $0x0;
	s6 =	simm.s32 $0x100;
	[sflag:s25] =	ssyncadd.s32 $0xFFFFB1E0  }
.LBB2_2:
0x2c: {  	p1 =	sne.s32 s6, $0x4F00;
	[tilespmem:s5+$0x11290] =	vst v0;
	s7 =	smov.u32 s6;
	s6 =	sadd.s32 $0x100, s6  }
.Ltmp0:
0x2d: {  	[tilespmem:s5+$0x11280] =	vst v0;
	(pc) =	sbr.rel @p1 .LBB2_2-.Ltmp0, $3  }
0x2e: {  	[tilespmem:s5+$0x11260] =	vst v0  }
0x2f: {  	[tilespmem:s5+$0x11270] =	vst v0;
	_ =	sdelay $0x1  }
0x30: {  	s5 =	sshra.s32 s7, $0x2  }
0x31: {  	[tilespmem:s5+$0x11290] =	vst v0  }
0x32: {  	[tilespmem:s5+$0x11280] =	vst v0  }
0x33: {  	[tilespmem:s5+$0x11260] =	vst v0  }
0x34: {  	[tilespmem:s5+$0x11270] =	vst v0  }
0x35: {  	[spmem:s9] =	stream.linear.scatter [tilespmem:s29], [sflag:$0x3], $0x1400, $0x38;
	[tilespmem:$0x1C2A0] =	vst v63  }
0x36: {  	_ =	swait.ge [sflag:s25], $0x1400  }
0x37: {  	[sflag:s25] =	ssyncset.done $0x0  }
0x38: {  	[sflag:s25] =	ssyncadd.s32 $0xFFFFEC00  }
0x39: {  	[spmem:s10] =	stream.linear.scatter [tilespmem:s29], [sflag:$0x3], $0x1400, $0x38;
	[tilespmem:$0x1C2A0] =	vst v63  }
0x3a: {  	_ =	swait.ge [sflag:s25], $0x1400  }
0x3b: {  	[sflag:s25] =	ssyncset.done $0x0  }
0x3c: {  	[sflag:s25] =	ssyncadd.s32 $0xFFFFEC00  }
0x3d: {  	[spmem:s11] =	stream.linear.scatter [tilespmem:s29], [sflag:$0x3], $0x1400, $0x38;
	[tilespmem:$0x1C2A0] =	vst v63  }
0x3e: {  	_ =	swait.ge [sflag:s25], $0x1400  }
0x3f: {  	[sflag:s25] =	ssyncset.done $0x0  }
0x40: {  	[sflag:s25] =	ssyncadd.s32 $0xFFFFEC00  }
0x41: {  	[spmem:s12] =	stream.linear.scatter [tilespmem:s29], [sflag:$0x3], $0x1400, $0x38;
	[tilespmem:$0x1C2A0] =	vst v63  }
0x42: {  	_ =	swait.ge [sflag:s25], $0x1400  }
0x43: {  	[sflag:s25] =	ssyncset.done $0x0  }
0x44: {  	[sflag:s25] =	ssyncadd.s32 $0xFFFFEC00  }
0x45: {  	[spmem:s21] =	stream.linear.scatter [tilespmem:s29], [sflag:$0x3], $0x1400, $0x38;
	[tilespmem:$0x1C2A0] =	vst v63  }
0x46: {  	_ =	swait.ge [sflag:s25], $0x1400  }
0x47: {  	[sflag:s25] =	ssyncset.done $0x0  }
0x48: {  	[sflag:s25] =	ssyncadd.s32 $0xFFFFEC00  }
0x49: {  	[spmem:s22] =	stream.linear.scatter [tilespmem:s29], [sflag:$0x3], $0x1400, $0x38;
	[tilespmem:$0x1C2A0] =	vst v63  }
0x4a: {  	_ =	swait.ge [sflag:s25], $0x1400  }
0x4b: {  	[sflag:s25] =	ssyncset.done $0x0  }
0x4c: {  	[sflag:s25] =	ssyncadd.s32 $0xFFFFEC00  }
0x4d: {  	[spmem:s23] =	stream.linear.scatter [tilespmem:s29], [sflag:$0x3], $0x1400, $0x38;
	[tilespmem:$0x1C2A0] =	vst v63  }
0x4e: {  	_ =	swait.ge [sflag:s25], $0x1400  }
0x4f: {  	[sflag:s25] =	ssyncset.done $0x0  }
0x50: {  	s5 =	simm.s32 @!p0 $0x11260;
	[sflag:s25] =	ssyncadd.s32 $0xFFFFEC00  }
0x51: {  	[spmem:s24] =	stream.linear.scatter @!p0 [tilespmem:s5], [sflag:$0x3], $0x1400, $0x38;
	[tilespmem:$0x1C2A0] =	vst v63  }
0x52: {  	s5 =	simm.s32 @!p0 $0x3  }
0x53: {  	_ =	swait.ge @!p0 [sflag:s5], $0x1400  }
0x54: {  	[sflag:s5] =	ssyncset.done @!p0 $0x0  }
0x55: {  	s6 =	simm.s32 $0x9C40;
	[sflag:s5] =	ssyncadd.s32 @!p0 $0xFFFFEC00  }
0x56: {  	s7 =	simm.s32 $0x9C90;
	s5 =	simm.s32 $0x0;
	[bflag:$0x0] =	sbarrier.arrive $0xFFFF  }
0x57: {  	[tilespmem:s31], [sflag:$0x1] =	stream.indirect.gather [hbm4b:s4+s30], $0x40, s5, s30, $0xb8;
	[tilespmem:$0x1C2A0] =	vst v63  }
.LBB2_4:
0x58: {  	s8 =	smul.u32 $0xA0, s5;
	_ =	sdelay $0x1  }
0x59: {  	s8 =	sadd.s32 $0x50, s8  }
0x5a: {  	[tilespmem:s0], [sflag:$0x2] =	stream.indirect.gather [hbm4b:s4+s30], $0x40, s8, s30, $0xb8;
	[tilespmem:$0x1C2A0] =	vst v63  }
0x5b: {  	_ =	swait.ge [sflag:s26], $0x1400  }
0x5c: {  	[sflag:s26] =	ssyncset.done $0x0  }
0x5d: {  	[sflag:s26] =	ssyncadd.s32 $0xFFFFEC00  }
0x5e: {  	s13 =	simm.s32 $0xEC60;
	v3 =	vld [tilespmem:s6+$0x0]  }
0x5f: {  	v1 =	vld [tilespmem:s13+$0x1F0]  }
0x60: {  	v4 =	vld [tilespmem:s13+$0xFFFFFE00]  }
0x61: {  	v5 =	vld [tilespmem:s13+$0xFFFFFE10]  }
0x62: {  	v6 =	vld [tilespmem:s13+$0xFFFFFE20]  }
0x63: {  	v7 =	vld [tilespmem:s13+$0xFFFFFE30]  }
0x64: {  	v8 =	vld [tilespmem:s13+$0xFFFFFE40]  }
0x65: {  	v9 =	vld [tilespmem:s13+$0xFFFFFE50]  }
0x66: {  	v10 =	vld [tilespmem:s13+$0xFFFFFE60]  }
0x67: {  	v12 =	vld [tilespmem:s13+$0xFFFFFE80]  }
0x68: {  	v13 =	vld [tilespmem:s13+$0xFFFFFE90]  }
0x69: {  	v14 =	vld [tilespmem:s13+$0xFFFFFEA0];
	v2 =	vbroadcast v3, $0xF  }
0x6a: {  	v15 =	vld [tilespmem:s13+$0xFFFFFEB0];
	v11 =	vbroadcast v3, $0x0  }
0x6b: {  	v16 =	vld [tilespmem:s13+$0xFFFFFEC0];
	v1 =	vmul.f32 v1, v2  }
0x6c: {  	s14 =	simm.s32 $0xF060;
	v17 =	vld [tilespmem:s13+$0xFFFFFF50];
	v4 =	vmul.f32 v11, v4  }
0x6d: {  	v18 =	vld [tilespmem:s14+$0x1F0];
	v5 =	vmul.f32 v5, v11;
	[tilespmem:s13+$0x1F0] =	vst v1  }
0x6e: {  	v19 =	vld [tilespmem:s14+$0xFFFFFE00];
	v28 =	vbroadcast v3, $0x3;
	v7 =	vmul.f32 v7, v11;
	[tilespmem:s13+$0xFFFFFE00] =	vst v4  }
0x6f: {  	v1 =	vld [tilespmem:s13+$0xFFFFFE70];
	v4 =	vmul.f32 v6, v11;
	[tilespmem:s13+$0xFFFFFE10] =	vst v5;
	v6 =	vbroadcast v3, $0x1  }
0x70: {  	v16 =	vmul.f32 v16, v28;
	v5 =	vld [tilespmem:s13+$0xFFFFFED0];
	[tilespmem:s13+$0xFFFFFE30] =	vst v7  }
0x71: {  	v11 =	vld [tilespmem:s13+$0xFFFFFEE0];
	[tilespmem:s13+$0xFFFFFE20] =	vst v4;
	v4 =	vmul.f32 v8, v6  }
0x72: {  	v20 =	vld [tilespmem:s14+$0xFFFFFE10];
	[tilespmem:s13+$0xFFFFFEC0] =	vst v16;
	v8 =	vmul.f32 v9, v6  }
0x73: {  	v7 =	vld [tilespmem:s13+$0xFFFFFEF0];
	[tilespmem:s13+$0xFFFFFE40] =	vst v4;
	v4 =	vmul.f32 v10, v6  }
0x74: {  	v21 =	vld [tilespmem:s14+$0xFFFFFE20];
	[tilespmem:s13+$0xFFFFFE50] =	vst v8;
	v1 =	vmul.f32 v1, v6  }
0x75: {  	v22 =	vld [tilespmem:s14+$0xFFFFFE30];
	v10 =	vbroadcast v3, $0x2;
	v5 =	vmul.f32 v5, v28;
	[tilespmem:s13+$0xFFFFFE60] =	vst v4  }
0x76: {  	v9 =	vld [tilespmem:s13+$0xFFFFFF00];
	v11 =	vmul.f32 v11, v28;
	[tilespmem:s13+$0xFFFFFE70] =	vst v1  }
0x77: {  	v8 =	vld [tilespmem:s13+$0xFFFFFF10];
	v4 =	vmul.f32 v12, v10;
	[tilespmem:s13+$0xFFFFFED0] =	vst v5  }
0x78: {  	s15 =	sadd.s32 $0x10, s6;
	v6 =	vld [tilespmem:s13+$0xFFFFFF20];
	v7 =	vmul.f32 v7, v28;
	[tilespmem:s13+$0xFFFFFEE0] =	vst v11  }
0x79: {  	v14 =	vmul.f32 v14, v10;
	[tilespmem:s13+$0xFFFFFE80] =	vst v4;
	v4 =	vld [tilespmem:s15+$0x0]  }
0x7a: {  	v38 =	vbroadcast v3, $0x4;
	v12 =	vld [tilespmem:s13+$0xFFFFFF30];
	v1 =	vmul.f32 v13, v10;
	[tilespmem:s13+$0xFFFFFEF0] =	vst v7  }
0x7b: {  	v23 =	vld [tilespmem:s14+$0xFFFFFE40];
	v10 =	vmul.f32 v15, v10;
	[tilespmem:s13+$0xFFFFFEA0] =	vst v14  }
0x7c: {  	v24 =	vld [tilespmem:s14+$0xFFFFFE50];
	v9 =	vmul.f32 v9, v38;
	[tilespmem:s13+$0xFFFFFE90] =	vst v1  }
0x7d: {  	v25 =	vld [tilespmem:s13+$0xFFFFFF60];
	[tilespmem:s13+$0xFFFFFEB0] =	vst v10;
	v8 =	vmul.f32 v8, v38  }
0x7e: {  	v34 =	vld [tilespmem:s14+$0xFFFFFE70];
	[tilespmem:s13+$0xFFFFFF00] =	vst v9;
	v6 =	vmul.f32 v6, v38;
	v1 =	vbroadcast v4, $0xF  }
0x7f: {  	v27 =	vld [tilespmem:s14+$0xFFFFFE80];
	[tilespmem:s13+$0xFFFFFF10] =	vst v8;
	v12 =	vmul.f32 v12, v38;
	v26 =	vbroadcast v4, $0x0  }
0x80: {  	v29 =	vld [tilespmem:s14+$0xFFFFFEA0];
	[tilespmem:s13+$0xFFFFFF20] =	vst v6;
	v18 =	vmul.f32 v18, v1  }
0x81: {  	v30 =	vld [tilespmem:s13+$0xFFFFFF70];
	[tilespmem:s13+$0xFFFFFF30] =	vst v12;
	v19 =	vmul.f32 v26, v19  }
0x82: {  	v14 =	vld [tilespmem:s14+$0xFFFFFE60];
	v20 =	vmul.f32 v20, v26;
	[tilespmem:s14+$0x1F0] =	vst v18  }
0x83: {  	v35 =	vld [tilespmem:s13+$0xFFFFFF80];
	v37 =	vbroadcast v4, $0x1;
	v21 =	vmul.f32 v21, v26;
	[tilespmem:s14+$0xFFFFFE00] =	vst v19  }
0x84: {  	v15 =	vld [tilespmem:s14+$0xFFFFFE90];
	v22 =	vmul.f32 v22, v26;
	[tilespmem:s14+$0xFFFFFE10] =	vst v20  }
0x85: {  	v36 =	vld [tilespmem:s13+$0xFFFFFF90];
	v23 =	vmul.f32 v23, v37;
	[tilespmem:s14+$0xFFFFFE20] =	vst v21  }
0x86: {  	v10 =	vld [tilespmem:s14+$0xFFFFFEB0];
	v43 =	vbroadcast v4, $0x2;
	v24 =	vmul.f32 v24, v37;
	[tilespmem:s14+$0xFFFFFE30] =	vst v22  }
0x87: {  	v16 =	vld [tilespmem:s14+$0xFFFFFEC0];
	v14 =	vmul.f32 v14, v37;
	[tilespmem:s14+$0xFFFFFE40] =	vst v23  }
0x88: {  	v5 =	vld [tilespmem:s14+$0xFFFFFED0];
	v27 =	vmul.f32 v27, v43;
	[tilespmem:s14+$0xFFFFFE50] =	vst v24  }
0x89: {  	v11 =	vld [tilespmem:s14+$0xFFFFFEE0];
	v15 =	vmul.f32 v15, v43;
	[tilespmem:s14+$0xFFFFFE60] =	vst v14  }
0x8a: {  	v7 =	vld [tilespmem:s14+$0xFFFFFEF0];
	v48 =	vbroadcast v4, $0x3;
	v29 =	vmul.f32 v29, v43;
	[tilespmem:s14+$0xFFFFFE80] =	vst v27  }
0x8b: {  	v9 =	vld [tilespmem:s14+$0xFFFFFF00];
	v10 =	vmul.f32 v10, v43;
	[tilespmem:s14+$0xFFFFFE90] =	vst v15  }
0x8c: {  	v8 =	vld [tilespmem:s14+$0xFFFFFF10];
	v16 =	vmul.f32 v16, v48;
	[tilespmem:s14+$0xFFFFFEA0] =	vst v29  }
0x8d: {  	v39 =	vld [tilespmem:s13+$0xFFFFFFA0];
	v5 =	vmul.f32 v5, v48;
	[tilespmem:s14+$0xFFFFFEB0] =	vst v10  }
0x8e: {  	v40 =	vld [tilespmem:s13+$0xFFFFFFB0];
	v54 =	vbroadcast v4, $0x4;
	v11 =	vmul.f32 v11, v48;
	[tilespmem:s14+$0xFFFFFEC0] =	vst v16  }
0x8f: {  	v41 =	vld [tilespmem:s13+$0xFFFFFFC0];
	v7 =	vmul.f32 v7, v48;
	[tilespmem:s14+$0xFFFFFED0] =	vst v5  }
0x90: {  	v42 =	vld [tilespmem:s13+$0xFFFFFFD0];
	v9 =	vmul.f32 v9, v54;
	[tilespmem:s14+$0xFFFFFEE0] =	vst v11  }
0x91: {  	v44 =	vld [tilespmem:s13+$0xFFFFFFE0];
	v49 =	vbroadcast v3, $0x6;
	v8 =	vmul.f32 v8, v54;
	[tilespmem:s14+$0xFFFFFEF0] =	vst v7  }
0x92: {  	v6 =	vld [tilespmem:s14+$0xFFFFFF20];
	v18 =	vmul.f32 v34, v37;
	[tilespmem:s14+$0xFFFFFF00] =	vst v9  }
0x93: {  	v12 =	vld [tilespmem:s14+$0xFFFFFF30];
	v10 =	vmul.f32 v35, v49;
	[tilespmem:s14+$0xFFFFFF10] =	vst v8  }
0x94: {  	v13 =	vld [tilespmem:s13+$0xFFFFFF40];
	v16 =	vmul.f32 v36, v49;
	[tilespmem:s14+$0xFFFFFE70] =	vst v18  }
0x95: {  	v45 =	vld [tilespmem:s13+$0xFFFFFFF0];
	v5 =	vmul.f32 v39, v49;
	[tilespmem:s13+$0xFFFFFF80] =	vst v10  }
0x96: {  	v46 =	vld [tilespmem:s13+$0x0];
	v22 =	vmul.f32 v40, v49;
	[tilespmem:s13+$0xFFFFFF90] =	vst v16  }
0x97: {  	v47 =	vld [tilespmem:s13+$0x10];
	v14 =	vbroadcast v3, $0x5;
	v6 =	vmul.f32 v6, v54;
	[tilespmem:s13+$0xFFFFFFA0] =	vst v5  }
0x98: {  	v50 =	vld [tilespmem:s13+$0x20];
	v12 =	vmul.f32 v12, v54;
	[tilespmem:s13+$0xFFFFFFB0] =	vst v22  }
0x99: {  	v51 =	vld [tilespmem:s13+$0x30];
	v13 =	vmul.f32 v13, v14;
	[tilespmem:s14+$0xFFFFFF20] =	vst v6  }
0x9a: {  	v52 =	vld [tilespmem:s13+$0x40];
	v17 =	vmul.f32 v17, v14;
	[tilespmem:s14+$0xFFFFFF30] =	vst v12  }
0x9b: {  	v53 =	vld [tilespmem:s13+$0x50];
	v11 =	vbroadcast v3, $0x7;
	v15 =	vmul.f32 v25, v14;
	[tilespmem:s13+$0xFFFFFF40] =	vst v13  }
0x9c: {  	v56 =	vld [tilespmem:s14+$0xFFFFFFB0];
	v14 =	vmul.f32 v30, v14;
	[tilespmem:s13+$0xFFFFFF50] =	vst v17  }
0x9d: {  	v55 =	vld [tilespmem:s13+$0x60];
	v7 =	vmul.f32 v41, v11;
	[tilespmem:s13+$0xFFFFFF60] =	vst v15  }
0x9e: {  	v43 =	vld [tilespmem:s14+$0x80];
	v9 =	vmul.f32 v42, v11;
	[tilespmem:s13+$0xFFFFFF70] =	vst v14  }
0x9f: {  	v34 =	vbroadcast v4, $0x6;
	v10 =	vld [tilespmem:s14+$0xFFFFFF80];
	v8 =	vmul.f32 v44, v11;
	[tilespmem:s13+$0xFFFFFFC0] =	vst v7  }
0xa0: {  	v16 =	vld [tilespmem:s14+$0xFFFFFF90];
	v6 =	vbroadcast v3, $0x8;
	v11 =	vmul.f32 v45, v11;
	[tilespmem:s13+$0xFFFFFFD0] =	vst v9  }
0xa1: {  	v5 =	vld [tilespmem:s14+$0xFFFFFFA0];
	v22 =	vmul.f32 v56, v34;
	v56 =	vbroadcast v4, $0xA;
	[tilespmem:s13+$0xFFFFFFE0] =	vst v8  }
0xa2: {  	v13 =	vld [tilespmem:s14+$0xFFFFFF40];
	v12 =	vmul.f32 v46, v6;
	[tilespmem:s13+$0xFFFFFFF0] =	vst v11  }
0xa3: {  	v17 =	vld [tilespmem:s14+$0xFFFFFF50];
	[tilespmem:s14+$0xFFFFFFB0] =	vst v22;
	v21 =	vmul.f32 v43, v56  }
0xa4: {  	v15 =	vld [tilespmem:s14+$0xFFFFFF60];
	[tilespmem:s13+$0x0] =	vst v12;
	v10 =	vmul.f32 v10, v34  }
0xa5: {  	v60 =	vbroadcast v4, $0x5;
	v14 =	vld [tilespmem:s14+$0xFFFFFF70];
	[tilespmem:s14+$0x80] =	vst v21;
	v16 =	vmul.f32 v16, v34  }
0xa6: {  	v7 =	vld [tilespmem:s14+$0xFFFFFFC0];
	v5 =	vmul.f32 v5, v34;
	[tilespmem:s14+$0xFFFFFF80] =	vst v10  }
0xa7: {  	v9 =	vld [tilespmem:s14+$0xFFFFFFD0];
	v13 =	vmul.f32 v13, v60;
	[tilespmem:s14+$0xFFFFFF90] =	vst v16  }
0xa8: {  	v8 =	vld [tilespmem:s14+$0xFFFFFFE0];
	v17 =	vmul.f32 v17, v60;
	[tilespmem:s14+$0xFFFFFFA0] =	vst v5  }
0xa9: {  	v39 =	vbroadcast v4, $0x7;
	v11 =	vld [tilespmem:s14+$0xFFFFFFF0];
	v15 =	vmul.f32 v15, v60;
	[tilespmem:s14+$0xFFFFFF40] =	vst v13  }
0xaa: {  	v57 =	vld [tilespmem:s13+$0x70];
	v14 =	vmul.f32 v14, v60;
	[tilespmem:s14+$0xFFFFFF50] =	vst v17  }
0xab: {  	v58 =	vld [tilespmem:s13+$0x80];
	v7 =	vmul.f32 v7, v39;
	[tilespmem:s14+$0xFFFFFF60] =	vst v15  }
0xac: {  	v59 =	vld [tilespmem:s13+$0x90];
	v9 =	vmul.f32 v9, v39;
	[tilespmem:s14+$0xFFFFFF70] =	vst v14  }
0xad: {  	v61 =	vld [tilespmem:s13+$0xA0];
	v8 =	vmul.f32 v8, v39;
	[tilespmem:s14+$0xFFFFFFC0] =	vst v7  }
0xae: {  	v62 =	vld [tilespmem:s13+$0xB0];
	v11 =	vmul.f32 v11, v39;
	[tilespmem:s14+$0xFFFFFFD0] =	vst v9  }
0xaf: {  	v63 =	vld [tilespmem:s13+$0xC0];
	v13 =	vmul.f32 v47, v6;
	[tilespmem:s14+$0xFFFFFFE0] =	vst v8  }
0xb0: {  	v33 =	vld [tilespmem:s13+$0xD0];
	v5 =	vbroadcast v3, $0xA;
	v17 =	vmul.f32 v50, v6;
	[tilespmem:s14+$0xFFFFFFF0] =	vst v11  }
0xb1: {  	v12 =	vld [tilespmem:s14+$0x0];
	v6 =	vmul.f32 v51, v6;
	[tilespmem:s13+$0x10] =	vst v13  }
0xb2: {  	v38 =	vld [tilespmem:s13+$0x110];
	v41 =	vmul.f32 v58, v5;
	[tilespmem:s13+$0x20] =	vst v17  }
0xb3: {  	v48 =	vld [tilespmem:s13+$0x170];
	v7 =	vmul.f32 v59, v5;
	[tilespmem:s13+$0x30] =	vst v6  }
0xb4: {  	v35 =	vld [tilespmem:s13+$0xE0];
	v46 =	vbroadcast v4, $0x8;
	v9 =	vmul.f32 v61, v5;
	[tilespmem:s13+$0x80] =	vst v41  }
0xb5: {  	v36 =	vld [tilespmem:s13+$0xF0];
	v15 =	vbroadcast v3, $0x9;
	v5 =	vmul.f32 v62, v5;
	[tilespmem:s13+$0x90] =	vst v7  }
0xb6: {  	v37 =	vld [tilespmem:s13+$0x100];
	v12 =	vmul.f32 v12, v46;
	[tilespmem:s13+$0xA0] =	vst v9  }
0xb7: {  	v40 =	vld [tilespmem:s13+$0x120];
	v14 =	vmul.f32 v52, v15;
	[tilespmem:s13+$0xB0] =	vst v5  }
0xb8: {  	v13 =	vld [tilespmem:s14+$0x10];
	v10 =	vmul.f32 v53, v15;
	[tilespmem:s14+$0x0] =	vst v12  }
0xb9: {  	v8 =	vbroadcast v3, $0xB;
	v17 =	vld [tilespmem:s14+$0x20];
	v16 =	vmul.f32 v55, v15;
	[tilespmem:s13+$0x40] =	vst v14  }
0xba: {  	v6 =	vld [tilespmem:s14+$0x30];
	v15 =	vmul.f32 v57, v15;
	[tilespmem:s13+$0x50] =	vst v10  }
0xbb: {  	v7 =	vld [tilespmem:s14+$0x90];
	v11 =	vmul.f32 v63, v8;
	[tilespmem:s13+$0x60] =	vst v16  }
0xbc: {  	v9 =	vld [tilespmem:s14+$0xA0];
	v12 =	vmul.f32 v33, v8;
	[tilespmem:s13+$0x70] =	vst v15  }
0xbd: {  	v5 =	vld [tilespmem:s14+$0xB0];
	[tilespmem:s13+$0xC0] =	vst v11;
	v13 =	vmul.f32 v13, v46  }
0xbe: {  	v55 =	vld [tilespmem:s13+$0x1D0];
	[tilespmem:s13+$0xD0] =	vst v12;
	v17 =	vmul.f32 v17, v46  }
0xbf: {  	v49 =	vld [tilespmem:s13+$0x180];
	v6 =	vmul.f32 v6, v46;
	[tilespmem:s14+$0x10] =	vst v13  }
0xc0: {  	v54 =	vld [tilespmem:s14+$0x100];
	v7 =	vmul.f32 v7, v56;
	[tilespmem:s14+$0x20] =	vst v17  }
0xc1: {  	v14 =	vld [tilespmem:s14+$0x40];
	v9 =	vmul.f32 v9, v56;
	[tilespmem:s14+$0x30] =	vst v6  }
0xc2: {  	v10 =	vld [tilespmem:s14+$0x50];
	v5 =	vmul.f32 v5, v56;
	[tilespmem:s14+$0x90] =	vst v7  }
0xc3: {  	v16 =	vld [tilespmem:s14+$0x60];
	v61 =	vmul.f32 v55, v2;
	[tilespmem:s14+$0xA0] =	vst v9  }
0xc4: {  	v51 =	vbroadcast v4, $0x9;
	v15 =	vld [tilespmem:s14+$0x70];
	v13 =	vmul.f32 v35, v8;
	[tilespmem:s14+$0xB0] =	vst v5  }
0xc5: {  	v42 =	vld [tilespmem:s13+$0x130];
	v8 =	vmul.f32 v36, v8;
	[tilespmem:s13+$0x1D0] =	vst v61  }
0xc6: {  	v44 =	vld [tilespmem:s13+$0x140];
	v14 =	vmul.f32 v14, v51;
	[tilespmem:s13+$0xE0] =	vst v13  }
0xc7: {  	v45 =	vld [tilespmem:s13+$0x150];
	v10 =	vmul.f32 v10, v51;
	[tilespmem:s13+$0xF0] =	vst v8  }
0xc8: {  	v60 =	vld [tilespmem:s14+$0x180];
	v17 =	vbroadcast v3, $0xC;
	v16 =	vmul.f32 v16, v51;
	[tilespmem:s14+$0x40] =	vst v14  }
0xc9: {  	v47 =	vld [tilespmem:s13+$0x160];
	v15 =	vmul.f32 v15, v51;
	[tilespmem:s14+$0x50] =	vst v10  }
0xca: {  	v50 =	vld [tilespmem:s13+$0x190];
	v6 =	vmul.f32 v37, v17;
	[tilespmem:s14+$0x60] =	vst v16  }
0xcb: {  	v52 =	vld [tilespmem:s13+$0x1A0];
	v14 =	vmul.f32 v38, v17;
	[tilespmem:s14+$0x70] =	vst v15  }
0xcc: {  	v53 =	vld [tilespmem:s13+$0x1B0];
	v10 =	vmul.f32 v40, v17;
	v16 =	vbroadcast v3, $0xD;
	[tilespmem:s13+$0x100] =	vst v6  }
0xcd: {  	v57 =	vld [tilespmem:s13+$0x1E0];
	v17 =	vmul.f32 v42, v17;
	[tilespmem:s13+$0x110] =	vst v14  }
0xce: {  	v11 =	vld [tilespmem:s14+$0xC0];
	[tilespmem:s13+$0x120] =	vst v10;
	v15 =	vmul.f32 v44, v16  }
0xcf: {  	v12 =	vld [tilespmem:s14+$0xD0];
	[tilespmem:s13+$0x130] =	vst v17;
	v18 =	vmul.f32 v45, v16  }
0xd0: {  	v13 =	vld [tilespmem:s14+$0xE0];
	v3 =	vbroadcast v3, $0xE;
	v7 =	vmul.f32 v47, v16;
	[tilespmem:s13+$0x140] =	vst v15  }
0xd1: {  	v59 =	vbroadcast v4, $0xB;
	v8 =	vld [tilespmem:s14+$0xF0];
	v9 =	vmul.f32 v48, v16;
	[tilespmem:s13+$0x150] =	vst v18  }
0xd2: {  	v14 =	vld [tilespmem:s14+$0x110];
	v5 =	vmul.f32 v49, v3;
	[tilespmem:s13+$0x160] =	vst v7  }
0xd3: {  	v10 =	vld [tilespmem:s14+$0x120];
	v7 =	vmul.f32 v11, v59;
	[tilespmem:s13+$0x170] =	vst v9  }
0xd4: {  	v17 =	vld [tilespmem:s14+$0x130];
	v11 =	vmul.f32 v12, v59;
	[tilespmem:s13+$0x180] =	vst v5  }
0xd5: {  	v16 =	vld [tilespmem:s14+$0x160];
	v12 =	vmul.f32 v13, v59;
	[tilespmem:s14+$0xC0] =	vst v7  }
0xd6: {  	v6 =	vld [tilespmem:s13+$0x1C0];
	v13 =	vbroadcast v4, $0xC;
	v7 =	vmul.f32 v50, v3;
	[tilespmem:s14+$0xD0] =	vst v11  }
0xd7: {  	v62 =	vbroadcast v4, $0xD;
	v15 =	vld [tilespmem:s14+$0x140];
	v11 =	vmul.f32 v52, v3;
	[tilespmem:s14+$0xE0] =	vst v12  }
0xd8: {  	v9 =	vld [tilespmem:s14+$0x170];
	v3 =	vmul.f32 v53, v3;
	v63 =	vmul.f32 v14, v13;
	[tilespmem:s13+$0x190] =	vst v7  }
0xd9: {  	v58 =	vld [tilespmem:s14+$0x150];
	v10 =	vmul.f32 v10, v13;
	v14 =	vmul.f32 v17, v13;
	[tilespmem:s13+$0x1A0] =	vst v11  }
0xda: {  	v5 =	vld [tilespmem:s14+$0x190];
	v12 =	vmul.f32 v16, v62;
	v7 =	vmul.f32 v8, v59;
	[tilespmem:s13+$0x1B0] =	vst v3  }
0xdb: {  	v8 =	vmul.f32 v6, v2;
	v6 =	vld [tilespmem:s14+$0x1A0];
	v11 =	vmul.f32 v54, v13;
	[tilespmem:s14+$0x110] =	vst v63  }
0xdc: {  	v3 =	vbroadcast v4, $0xE;
	v2 =	vmul.f32 v57, v2;
	[tilespmem:s14+$0xF0] =	vst v7;
	v7 =	vld [tilespmem:s14+$0x1B0]  }
0xdd: {  	s16 =	smul.u32 $0x280, s5;
	v4 =	vld [tilespmem:s14+$0x1C0];
	v13 =	vmul.f32 v9, v62;
	[tilespmem:s13+$0x1C0] =	vst v8;
	v8 =	vmul.f32 v15, v62  }
0xde: {  	s17 =	simm.s32 $0x10;
	s18 =	sadd.s32 $0x10, s15;
	s15 =	simm.s32 $0xF060;
	[tilespmem:s14+$0x100] =	vst v11;
	v11 =	vmul.f32 v58, v62;
	v9 =	vmul.f32 v60, v3;
	v15 =	vld [tilespmem:s14+$0x1D0]  }
.LBB2_5:
0xdf: {  	v16 =	vld [tilespmem:s18+$0x0];
	s17 =	sadd.s32 $0x10, s17;
	[tilespmem:s14+$0x120] =	vst v10;
	v5 =	vmul.f32 v5, v3  }
0xe0: {  	s14 =	sadd.s32 $0x400, s14;
	p1 =	slt.u32 s17, $0x40;
	[tilespmem:s15+$0x130] =	vst v14;
	v6 =	vmul.f32 v6, v3;
	v14 =	vld [tilespmem:s15+$0x1E0]  }
0xe1: {  	v10 =	vld [tilespmem:s14+$0x1F0];
	[tilespmem:s15+$0x140] =	vst v8;
	v3 =	vmul.f32 v7, v3  }
0xe2: {  	v17 =	vld [tilespmem:s14+$0xFFFFFE00];
	[tilespmem:s15+$0x150] =	vst v11;
	v4 =	vmul.f32 v4, v1  }
0xe3: {  	v11 =	vld [tilespmem:s14+$0xFFFFFE10];
	[tilespmem:s15+$0x160] =	vst v12;
	v12 =	vmul.f32 v15, v1  }
0xe4: {  	v15 =	vbroadcast v16, $0x0;
	v18 =	vld [tilespmem:s14+$0xFFFFFE20];
	v19 =	vbroadcast v16, $0xF;
	[tilespmem:s15+$0x170] =	vst v13  }
0xe5: {  	v20 =	vbroadcast v16, $0x1;
	v21 =	vbroadcast v16, $0x2;
	v13 =	vld [tilespmem:s14+$0xFFFFFE30];
	[tilespmem:s15+$0x180] =	vst v9  }
0xe6: {  	v23 =	vbroadcast v16, $0x3;
	v22 =	vld [tilespmem:s14+$0xFFFFFE40];
	v7 =	vmul.f32 v10, v19;
	[tilespmem:s15+$0x190] =	vst v5  }
0xe7: {  	v25 =	vbroadcast v16, $0x4;
	v26 =	vbroadcast v16, $0x5;
	v24 =	vld [tilespmem:s14+$0xFFFFFE50];
	[tilespmem:s15+$0x1A0] =	vst v6  }
0xe8: {  	v28 =	vbroadcast v16, $0x6;
	v10 =	vbroadcast v16, $0x7;
	v27 =	vld [tilespmem:s14+$0xFFFFFE60];
	[tilespmem:s14+$0x1F0] =	vst v7  }
0xe9: {  	v8 =	vbroadcast v16, $0x9;
	v9 =	vbroadcast v16, $0x8;
	v29 =	vld [tilespmem:s14+$0xFFFFFE70];
	[tilespmem:s15+$0x1B0] =	vst v3  }
0xea: {  	v6 =	vbroadcast v16, $0xB;
	v7 =	vbroadcast v16, $0xA;
	v30 =	vld [tilespmem:s14+$0xFFFFFE80];
	[tilespmem:s15+$0x1C0] =	vst v4  }
0xeb: {  	v5 =	vbroadcast v16, $0xC;
	v4 =	vbroadcast v16, $0xD;
	v31 =	vld [tilespmem:s14+$0xFFFFFE90];
	[tilespmem:s15+$0x1D0] =	vst v12  }
0xec: {  	v3 =	vbroadcast v16, $0xE;
	v12 =	vmul.f32 v15, v17;
	v17 =	vld [tilespmem:s14+$0xFFFFFEA0];
	[tilespmem:s13+$0x1E0] =	vst v2;
	s13 =	smov.u32 s15;
	s15 =	smov.u32 s14  }
0xed: {  	v2 =	vmul.f32 v11, v15;
	v11 =	vmul.f32 v18, v15;
	v16 =	vld [tilespmem:s14+$0xFFFFFEB0]  }
0xee: {  	[tilespmem:s14+$0xFFFFFE00] =	vst v12;
	v12 =	vmul.f32 v13, v15;
	v13 =	vmul.f32 v22, v20;
	v15 =	vld [tilespmem:s14+$0xFFFFFEC0]  }
0xef: {  	v18 =	vmul.f32 v24, v20;
	v22 =	vmul.f32 v27, v20;
	[tilespmem:s14+$0xFFFFFE10] =	vst v2;
	v24 =	vld [tilespmem:s14+$0xFFFFFED0]  }
0xf0: {  	[tilespmem:s14+$0xFFFFFE20] =	vst v11;
	v11 =	vmul.f32 v29, v20;
	v20 =	vmul.f32 v30, v21;
	v27 =	vld [tilespmem:s14+$0xFFFFFEE0]  }
0xf1: {  	[tilespmem:s14+$0xFFFFFE30] =	vst v12;
	v12 =	vmul.f32 v31, v21;
	v17 =	vmul.f32 v17, v21;
	v29 =	vld [tilespmem:s14+$0xFFFFFEF0]  }
0xf2: {  	v2 =	vmul.f32 v14, v1;
	v1 =	vmov v19;
	[tilespmem:s14+$0xFFFFFE40] =	vst v13;
	v13 =	vmul.f32 v16, v21;
	v16 =	vld [tilespmem:s14+$0xFFFFFF00]  }
0xf3: {  	[tilespmem:s14+$0xFFFFFE50] =	vst v18;
	v14 =	vmul.f32 v15, v23;
	v15 =	vld [tilespmem:s14+$0xFFFFFF10]  }
0xf4: {  	[tilespmem:s14+$0xFFFFFE60] =	vst v22;
	v18 =	vmul.f32 v24, v23;
	v19 =	vld [tilespmem:s14+$0xFFFFFF20]  }
0xf5: {  	[tilespmem:s14+$0xFFFFFE70] =	vst v11;
	v11 =	vmul.f32 v27, v23;
	v21 =	vld [tilespmem:s14+$0xFFFFFF30]  }
0xf6: {  	[tilespmem:s14+$0xFFFFFE80] =	vst v20;
	v20 =	vmul.f32 v29, v23;
	v22 =	vld [tilespmem:s14+$0xFFFFFF40]  }
0xf7: {  	[tilespmem:s14+$0xFFFFFE90] =	vst v12;
	v12 =	vmul.f32 v16, v25;
	v16 =	vld [tilespmem:s14+$0xFFFFFF50]  }
0xf8: {  	[tilespmem:s14+$0xFFFFFEA0] =	vst v17;
	v15 =	vmul.f32 v15, v25;
	v17 =	vld [tilespmem:s14+$0xFFFFFF60]  }
0xf9: {  	[tilespmem:s14+$0xFFFFFEB0] =	vst v13;
	v13 =	vmul.f32 v19, v25;
	v19 =	vld [tilespmem:s14+$0xFFFFFF70]  }
0xfa: {  	[tilespmem:s14+$0xFFFFFEC0] =	vst v14;
	v14 =	vmul.f32 v21, v25;
	v21 =	vld [tilespmem:s14+$0xFFFFFF80]  }
0xfb: {  	[tilespmem:s14+$0xFFFFFED0] =	vst v18;
	v18 =	vmul.f32 v22, v26;
	v22 =	vld [tilespmem:s14+$0xFFFFFF90]  }
0xfc: {  	[tilespmem:s14+$0xFFFFFEE0] =	vst v11;
	v11 =	vmul.f32 v16, v26;
	v16 =	vld [tilespmem:s14+$0xFFFFFFA0]  }
0xfd: {  	[tilespmem:s14+$0xFFFFFEF0] =	vst v20;
	v17 =	vmul.f32 v17, v26;
	v20 =	vld [tilespmem:s14+$0xFFFFFFB0]  }
0xfe: {  	[tilespmem:s14+$0xFFFFFF00] =	vst v12;
	v12 =	vmul.f32 v19, v26;
	v19 =	vld [tilespmem:s14+$0xFFFFFFC0]  }
0xff: {  	[tilespmem:s14+$0xFFFFFF10] =	vst v15;
	v15 =	vmul.f32 v21, v28;
	v21 =	vld [tilespmem:s14+$0xFFFFFFD0]  }
0x100: {  	[tilespmem:s14+$0xFFFFFF20] =	vst v13;
	v13 =	vmul.f32 v22, v28;
	v22 =	vld [tilespmem:s14+$0xFFFFFFE0]  }
0x101: {  	[tilespmem:s14+$0xFFFFFF30] =	vst v14;
	v14 =	vmul.f32 v16, v28;
	v16 =	vld [tilespmem:s14+$0xFFFFFFF0]  }
0x102: {  	[tilespmem:s14+$0xFFFFFF40] =	vst v18;
	v18 =	vmul.f32 v20, v28;
	v20 =	vld [tilespmem:s14+$0x0]  }
0x103: {  	[tilespmem:s14+$0xFFFFFF50] =	vst v11;
	v11 =	vmul.f32 v19, v10;
	v19 =	vld [tilespmem:s14+$0x10]  }
0x104: {  	[tilespmem:s14+$0xFFFFFF60] =	vst v17;
	v17 =	vmul.f32 v21, v10;
	v21 =	vld [tilespmem:s14+$0x20]  }
0x105: {  	[tilespmem:s14+$0xFFFFFF70] =	vst v12;
	v12 =	vmul.f32 v22, v10;
	v22 =	vld [tilespmem:s14+$0x30]  }
0x106: {  	[tilespmem:s14+$0xFFFFFF80] =	vst v15;
	v10 =	vmul.f32 v16, v10;
	v15 =	vld [tilespmem:s14+$0x40]  }
0x107: {  	[tilespmem:s14+$0xFFFFFF90] =	vst v13;
	v13 =	vmul.f32 v20, v9;
	v16 =	vld [tilespmem:s14+$0x50]  }
0x108: {  	[tilespmem:s14+$0xFFFFFFA0] =	vst v14;
	v14 =	vmul.f32 v19, v9;
	v19 =	vld [tilespmem:s14+$0x60]  }
0x109: {  	[tilespmem:s14+$0xFFFFFFB0] =	vst v18;
	v18 =	vmul.f32 v21, v9;
	v20 =	vld [tilespmem:s14+$0x70]  }
0x10a: {  	[tilespmem:s14+$0xFFFFFFC0] =	vst v11;
	v9 =	vmul.f32 v22, v9;
	v11 =	vld [tilespmem:s14+$0x80]  }
0x10b: {  	[tilespmem:s14+$0xFFFFFFD0] =	vst v17;
	v15 =	vmul.f32 v15, v8;
	v17 =	vld [tilespmem:s14+$0x90]  }
0x10c: {  	[tilespmem:s14+$0xFFFFFFE0] =	vst v12;
	v12 =	vmul.f32 v16, v8;
	v16 =	vld [tilespmem:s14+$0xA0]  }
0x10d: {  	[tilespmem:s14+$0xFFFFFFF0] =	vst v10;
	v10 =	vmul.f32 v19, v8;
	v19 =	vld [tilespmem:s14+$0xB0]  }
0x10e: {  	[tilespmem:s14+$0x0] =	vst v13;
	v8 =	vmul.f32 v20, v8;
	v13 =	vld [tilespmem:s14+$0xC0]  }
0x10f: {  	[tilespmem:s14+$0x10] =	vst v14;
	v11 =	vmul.f32 v11, v7;
	v14 =	vld [tilespmem:s14+$0xD0]  }
0x110: {  	[tilespmem:s14+$0x20] =	vst v18;
	v17 =	vmul.f32 v17, v7;
	v18 =	vld [tilespmem:s14+$0xE0]  }
0x111: {  	[tilespmem:s14+$0x30] =	vst v9;
	v9 =	vmul.f32 v16, v7;
	v16 =	vld [tilespmem:s14+$0xF0]  }
0x112: {  	[tilespmem:s14+$0x40] =	vst v15;
	v7 =	vmul.f32 v19, v7;
	v15 =	vld [tilespmem:s14+$0x100]  }
0x113: {  	[tilespmem:s14+$0x50] =	vst v12;
	v12 =	vmul.f32 v13, v6;
	v13 =	vld [tilespmem:s14+$0x110]  }
0x114: {  	[tilespmem:s14+$0x60] =	vst v10;
	v19 =	vmul.f32 v14, v6;
	v10 =	vld [tilespmem:s14+$0x120]  }
0x115: {  	[tilespmem:s14+$0x70] =	vst v8;
	v18 =	vmul.f32 v18, v6;
	v8 =	vld [tilespmem:s14+$0x130]  }
0x116: {  	[tilespmem:s14+$0x80] =	vst v11;
	v16 =	vmul.f32 v16, v6;
	v6 =	vld [tilespmem:s14+$0x140]  }
0x117: {  	[tilespmem:s14+$0x90] =	vst v17;
	v15 =	vmul.f32 v15, v5;
	v11 =	vld [tilespmem:s14+$0x150]  }
0x118: {  	[tilespmem:s14+$0xA0] =	vst v9;
	v9 =	vmul.f32 v13, v5;
	v13 =	vld [tilespmem:s14+$0x160]  }
0x119: {  	[tilespmem:s14+$0xB0] =	vst v7;
	v10 =	vmul.f32 v10, v5;
	v17 =	vld [tilespmem:s14+$0x170]  }
0x11a: {  	[tilespmem:s14+$0xC0] =	vst v12;
	v14 =	vmul.f32 v8, v5;
	v20 =	vld [tilespmem:s14+$0x180]  }
.Ltmp1:
0x11b: {  	[tilespmem:s14+$0xD0] =	vst v19;
	v8 =	vmul.f32 v6, v4;
	v5 =	vld [tilespmem:s14+$0x190];
	(pc) =	sbr.rel @p1 .LBB2_5-.Ltmp1, $4  }
0x11c: {  	[tilespmem:s14+$0xE0] =	vst v18;
	v11 =	vmul.f32 v11, v4;
	v6 =	vld [tilespmem:s14+$0x1A0]  }
0x11d: {  	[tilespmem:s14+$0xF0] =	vst v16;
	v12 =	vmul.f32 v13, v4;
	v7 =	vld [tilespmem:s14+$0x1B0]  }
0x11e: {  	[tilespmem:s14+$0x100] =	vst v15;
	v13 =	vmul.f32 v17, v4;
	v4 =	vld [tilespmem:s14+$0x1C0]  }
0x11f: {  	s18 =	sadd.s32 $0x10, s18;
	[tilespmem:s14+$0x110] =	vst v9;
	v9 =	vmul.f32 v20, v3;
	v15 =	vld [tilespmem:s14+$0x1D0]  }
0x120: {  	[tilespmem:s14+$0x120] =	vst v10  }
0x121: {  	[tilespmem:s13+$0x1E0] =	vst v2  }
0x122: {  	[tilespmem:s15+$0x130] =	vst v14  }
0x123: {  	[tilespmem:s15+$0x140] =	vst v8  }
0x124: {  	[tilespmem:s15+$0x150] =	vst v11  }
0x125: {  	[tilespmem:s15+$0x160] =	vst v12  }
0x126: {  	v5 =	vmul.f32 v5, v3;
	v10 =	vld [tilespmem:s15+$0x1E0];
	[tilespmem:s15+$0x170] =	vst v13  }
0x127: {  	v6 =	vmul.f32 v6, v3;
	[tilespmem:s15+$0x180] =	vst v9  }
0x128: {  	v3 =	vmul.f32 v7, v3;
	[tilespmem:s15+$0x190] =	vst v5  }
0x129: {  	v4 =	vmul.f32 v4, v1;
	[tilespmem:s15+$0x1A0] =	vst v6  }
0x12a: {  	v5 =	vmul.f32 v15, v1;
	[tilespmem:s15+$0x1B0] =	vst v3  }
0x12b: {  	[tilespmem:s15+$0x1C0] =	vst v4;
	v1 =	vmul.f32 v10, v1  }
0x12c: {  	s17 =	sshra.s32 s16, $0x2;
	[tilespmem:s15+$0x1D0] =	vst v5  }
0x12d: {  	s13 =	sadd.s32 $0x4E20, s17;
	[tilespmem:s15+$0x1E0] =	vst v1  }
0x12e: {  	[spmem:s2] =	stream.indirect.scatter.add.f32 [tilespmem:s31], [sflag:$0x3], $0x40, s13, s30, $0xb8;
	[tilespmem:$0x1C2A0] =	vst v63  }
0x12f: {  	p1 =	seq.s32 s5, $0x7C;
	_ =	swait.ge [sflag:s25], $0x1400  }
0x130: {  	s14 =	simm.s32 @!p1 $0x50;
	s13 =	sshra.s32 @!p1 s16, $0x2;
	[sflag:s25] =	ssyncset.done $0x0  }
0x131: {  	s15 =	simm.s32 @!p1 $0xEA60;
	s13 =	sadd.s32 @!p1 $0xA0, s13;
	[sflag:s25] =	ssyncadd.s32 $0xFFFFEC00  }
0x132: {  	[tilespmem:s15], [sflag:$0x1] =	stream.indirect.gather @!p1 [hbm4b:s4+s14], $0x40, s13, s14, $0xb8;
	[tilespmem:$0x1C2A0] =	vst v63  }
0x133: {  	_ =	swait.ge [sflag:s28], $0x1400  }
0x134: {  	[sflag:s28] =	ssyncset.done $0x0  }
0x135: {  	[sflag:s28] =	ssyncadd.s32 $0xFFFFEC00  }
0x136: {  	s13 =	simm.s32 $0x10060;
	v3 =	vld [tilespmem:s7+$0x0]  }
0x137: {  	v1 =	vld [tilespmem:s13+$0x1F0]  }
0x138: {  	v4 =	vld [tilespmem:s13+$0xFFFFFE00]  }
0x139: {  	v5 =	vld [tilespmem:s13+$0xFFFFFE10]  }
0x13a: {  	v6 =	vld [tilespmem:s13+$0xFFFFFE20]  }
0x13b: {  	v7 =	vld [tilespmem:s13+$0xFFFFFE30]  }
0x13c: {  	v8 =	vld [tilespmem:s13+$0xFFFFFE40]  }
0x13d: {  	v9 =	vld [tilespmem:s13+$0xFFFFFE50]  }
0x13e: {  	v10 =	vld [tilespmem:s13+$0xFFFFFE60]  }
0x13f: {  	v12 =	vld [tilespmem:s13+$0xFFFFFE80]  }
0x140: {  	v13 =	vld [tilespmem:s13+$0xFFFFFE90]  }
0x141: {  	v14 =	vld [tilespmem:s13+$0xFFFFFEA0];
	v2 =	vbroadcast v3, $0xF  }
0x142: {  	v15 =	vld [tilespmem:s13+$0xFFFFFEB0];
	v11 =	vbroadcast v3, $0x0  }
0x143: {  	v16 =	vld [tilespmem:s13+$0xFFFFFEC0];
	v1 =	vmul.f32 v1, v2  }
0x144: {  	s14 =	simm.s32 $0x10460;
	v17 =	vld [tilespmem:s13+$0xFFFFFF50];
	v4 =	vmul.f32 v11, v4  }
0x145: {  	v18 =	vld [tilespmem:s14+$0x1F0];
	v5 =	vmul.f32 v5, v11;
	[tilespmem:s13+$0x1F0] =	vst v1  }
0x146: {  	v19 =	vld [tilespmem:s14+$0xFFFFFE00];
	v28 =	vbroadcast v3, $0x3;
	v7 =	vmul.f32 v7, v11;
	[tilespmem:s13+$0xFFFFFE00] =	vst v4  }
0x147: {  	v1 =	vld [tilespmem:s13+$0xFFFFFE70];
	v4 =	vmul.f32 v6, v11;
	[tilespmem:s13+$0xFFFFFE10] =	vst v5;
	v6 =	vbroadcast v3, $0x1  }
0x148: {  	v16 =	vmul.f32 v16, v28;
	v5 =	vld [tilespmem:s13+$0xFFFFFED0];
	[tilespmem:s13+$0xFFFFFE30] =	vst v7  }
0x149: {  	v11 =	vld [tilespmem:s13+$0xFFFFFEE0];
	[tilespmem:s13+$0xFFFFFE20] =	vst v4;
	v4 =	vmul.f32 v8, v6  }
0x14a: {  	v20 =	vld [tilespmem:s14+$0xFFFFFE10];
	[tilespmem:s13+$0xFFFFFEC0] =	vst v16;
	v8 =	vmul.f32 v9, v6  }
0x14b: {  	v7 =	vld [tilespmem:s13+$0xFFFFFEF0];
	[tilespmem:s13+$0xFFFFFE40] =	vst v4;
	v4 =	vmul.f32 v10, v6  }
0x14c: {  	v21 =	vld [tilespmem:s14+$0xFFFFFE20];
	[tilespmem:s13+$0xFFFFFE50] =	vst v8;
	v1 =	vmul.f32 v1, v6  }
0x14d: {  	v22 =	vld [tilespmem:s14+$0xFFFFFE30];
	v10 =	vbroadcast v3, $0x2;
	v5 =	vmul.f32 v5, v28;
	[tilespmem:s13+$0xFFFFFE60] =	vst v4  }
0x14e: {  	v9 =	vld [tilespmem:s13+$0xFFFFFF00];
	v11 =	vmul.f32 v11, v28;
	[tilespmem:s13+$0xFFFFFE70] =	vst v1  }
0x14f: {  	v8 =	vld [tilespmem:s13+$0xFFFFFF10];
	v4 =	vmul.f32 v12, v10;
	[tilespmem:s13+$0xFFFFFED0] =	vst v5  }
0x150: {  	s18 =	sadd.s32 $0x10, s7;
	v6 =	vld [tilespmem:s13+$0xFFFFFF20];
	v7 =	vmul.f32 v7, v28;
	[tilespmem:s13+$0xFFFFFEE0] =	vst v11  }
0x151: {  	v14 =	vmul.f32 v14, v10;
	[tilespmem:s13+$0xFFFFFE80] =	vst v4;
	v4 =	vld [tilespmem:s18+$0x0]  }
0x152: {  	v39 =	vbroadcast v3, $0x4;
	v12 =	vld [tilespmem:s13+$0xFFFFFF30];
	v1 =	vmul.f32 v13, v10;
	[tilespmem:s13+$0xFFFFFEF0] =	vst v7  }
0x153: {  	v23 =	vld [tilespmem:s14+$0xFFFFFE40];
	v10 =	vmul.f32 v15, v10;
	[tilespmem:s13+$0xFFFFFEA0] =	vst v14  }
0x154: {  	v24 =	vld [tilespmem:s14+$0xFFFFFE50];
	v9 =	vmul.f32 v9, v39;
	[tilespmem:s13+$0xFFFFFE90] =	vst v1  }
0x155: {  	v25 =	vld [tilespmem:s13+$0xFFFFFF60];
	[tilespmem:s13+$0xFFFFFEB0] =	vst v10;
	v8 =	vmul.f32 v8, v39  }
0x156: {  	v35 =	vld [tilespmem:s14+$0xFFFFFE70];
	[tilespmem:s13+$0xFFFFFF00] =	vst v9;
	v6 =	vmul.f32 v6, v39;
	v1 =	vbroadcast v4, $0xF  }
0x157: {  	v27 =	vld [tilespmem:s14+$0xFFFFFE80];
	[tilespmem:s13+$0xFFFFFF10] =	vst v8;
	v12 =	vmul.f32 v12, v39;
	v26 =	vbroadcast v4, $0x0  }
0x158: {  	v29 =	vld [tilespmem:s14+$0xFFFFFEA0];
	[tilespmem:s13+$0xFFFFFF20] =	vst v6;
	v18 =	vmul.f32 v18, v1  }
0x159: {  	v30 =	vld [tilespmem:s13+$0xFFFFFF70];
	[tilespmem:s13+$0xFFFFFF30] =	vst v12;
	v19 =	vmul.f32 v26, v19  }
0x15a: {  	v14 =	vld [tilespmem:s14+$0xFFFFFE60];
	v20 =	vmul.f32 v20, v26;
	[tilespmem:s14+$0x1F0] =	vst v18  }
0x15b: {  	v36 =	vld [tilespmem:s13+$0xFFFFFF80];
	v38 =	vbroadcast v4, $0x1;
	v21 =	vmul.f32 v21, v26;
	[tilespmem:s14+$0xFFFFFE00] =	vst v19  }
0x15c: {  	v15 =	vld [tilespmem:s14+$0xFFFFFE90];
	v22 =	vmul.f32 v22, v26;
	[tilespmem:s14+$0xFFFFFE10] =	vst v20  }
0x15d: {  	v37 =	vld [tilespmem:s13+$0xFFFFFF90];
	v23 =	vmul.f32 v23, v38;
	[tilespmem:s14+$0xFFFFFE20] =	vst v21  }
0x15e: {  	v10 =	vld [tilespmem:s14+$0xFFFFFEB0];
	v44 =	vbroadcast v4, $0x2;
	v24 =	vmul.f32 v24, v38;
	[tilespmem:s14+$0xFFFFFE30] =	vst v22  }
0x15f: {  	v16 =	vld [tilespmem:s14+$0xFFFFFEC0];
	v14 =	vmul.f32 v14, v38;
	[tilespmem:s14+$0xFFFFFE40] =	vst v23  }
0x160: {  	v5 =	vld [tilespmem:s14+$0xFFFFFED0];
	v27 =	vmul.f32 v27, v44;
	[tilespmem:s14+$0xFFFFFE50] =	vst v24  }
0x161: {  	v11 =	vld [tilespmem:s14+$0xFFFFFEE0];
	v15 =	vmul.f32 v15, v44;
	[tilespmem:s14+$0xFFFFFE60] =	vst v14  }
0x162: {  	v7 =	vld [tilespmem:s14+$0xFFFFFEF0];
	v49 =	vbroadcast v4, $0x3;
	v29 =	vmul.f32 v29, v44;
	[tilespmem:s14+$0xFFFFFE80] =	vst v27  }
0x163: {  	v9 =	vld [tilespmem:s14+$0xFFFFFF00];
	v10 =	vmul.f32 v10, v44;
	[tilespmem:s14+$0xFFFFFE90] =	vst v15  }
0x164: {  	v8 =	vld [tilespmem:s14+$0xFFFFFF10];
	v16 =	vmul.f32 v16, v49;
	[tilespmem:s14+$0xFFFFFEA0] =	vst v29  }
0x165: {  	v40 =	vld [tilespmem:s13+$0xFFFFFFA0];
	v5 =	vmul.f32 v5, v49;
	[tilespmem:s14+$0xFFFFFEB0] =	vst v10  }
0x166: {  	v41 =	vld [tilespmem:s13+$0xFFFFFFB0];
	v55 =	vbroadcast v4, $0x4;
	v11 =	vmul.f32 v11, v49;
	[tilespmem:s14+$0xFFFFFEC0] =	vst v16  }
0x167: {  	v42 =	vld [tilespmem:s13+$0xFFFFFFC0];
	v7 =	vmul.f32 v7, v49;
	[tilespmem:s14+$0xFFFFFED0] =	vst v5  }
0x168: {  	v43 =	vld [tilespmem:s13+$0xFFFFFFD0];
	v9 =	vmul.f32 v9, v55;
	[tilespmem:s14+$0xFFFFFEE0] =	vst v11  }
0x169: {  	v45 =	vld [tilespmem:s13+$0xFFFFFFE0];
	v50 =	vbroadcast v3, $0x6;
	v8 =	vmul.f32 v8, v55;
	[tilespmem:s14+$0xFFFFFEF0] =	vst v7  }
0x16a: {  	v6 =	vld [tilespmem:s14+$0xFFFFFF20];
	v18 =	vmul.f32 v35, v38;
	[tilespmem:s14+$0xFFFFFF00] =	vst v9  }
0x16b: {  	v12 =	vld [tilespmem:s14+$0xFFFFFF30];
	v10 =	vmul.f32 v36, v50;
	[tilespmem:s14+$0xFFFFFF10] =	vst v8  }
0x16c: {  	v13 =	vld [tilespmem:s13+$0xFFFFFF40];
	v16 =	vmul.f32 v37, v50;
	[tilespmem:s14+$0xFFFFFE70] =	vst v18  }
0x16d: {  	v46 =	vld [tilespmem:s13+$0xFFFFFFF0];
	v5 =	vmul.f32 v40, v50;
	[tilespmem:s13+$0xFFFFFF80] =	vst v10  }
0x16e: {  	v47 =	vld [tilespmem:s13+$0x0];
	v22 =	vmul.f32 v41, v50;
	[tilespmem:s13+$0xFFFFFF90] =	vst v16  }
0x16f: {  	v48 =	vld [tilespmem:s13+$0x10];
	v14 =	vbroadcast v3, $0x5;
	v6 =	vmul.f32 v6, v55;
	[tilespmem:s13+$0xFFFFFFA0] =	vst v5  }
0x170: {  	v51 =	vld [tilespmem:s13+$0x20];
	v12 =	vmul.f32 v12, v55;
	[tilespmem:s13+$0xFFFFFFB0] =	vst v22  }
0x171: {  	v52 =	vld [tilespmem:s13+$0x30];
	v13 =	vmul.f32 v13, v14;
	[tilespmem:s14+$0xFFFFFF20] =	vst v6  }
0x172: {  	v53 =	vld [tilespmem:s13+$0x40];
	v17 =	vmul.f32 v17, v14;
	[tilespmem:s14+$0xFFFFFF30] =	vst v12  }
0x173: {  	v54 =	vld [tilespmem:s13+$0x50];
	v11 =	vbroadcast v3, $0x7;
	v15 =	vmul.f32 v25, v14;
	[tilespmem:s13+$0xFFFFFF40] =	vst v13  }
0x174: {  	v57 =	vld [tilespmem:s14+$0xFFFFFFB0];
	v14 =	vmul.f32 v30, v14;
	[tilespmem:s13+$0xFFFFFF50] =	vst v17  }
0x175: {  	v56 =	vld [tilespmem:s13+$0x60];
	v7 =	vmul.f32 v42, v11;
	[tilespmem:s13+$0xFFFFFF60] =	vst v15  }
0x176: {  	v44 =	vld [tilespmem:s14+$0x80];
	v9 =	vmul.f32 v43, v11;
	[tilespmem:s13+$0xFFFFFF70] =	vst v14  }
0x177: {  	v35 =	vbroadcast v4, $0x6;
	v10 =	vld [tilespmem:s14+$0xFFFFFF80];
	v8 =	vmul.f32 v45, v11;
	[tilespmem:s13+$0xFFFFFFC0] =	vst v7  }
0x178: {  	v16 =	vld [tilespmem:s14+$0xFFFFFF90];
	v6 =	vbroadcast v3, $0x8;
	v11 =	vmul.f32 v46, v11;
	[tilespmem:s13+$0xFFFFFFD0] =	vst v9  }
0x179: {  	v5 =	vld [tilespmem:s14+$0xFFFFFFA0];
	v22 =	vmul.f32 v57, v35;
	v57 =	vbroadcast v4, $0xA;
	[tilespmem:s13+$0xFFFFFFE0] =	vst v8  }
0x17a: {  	v13 =	vld [tilespmem:s14+$0xFFFFFF40];
	v12 =	vmul.f32 v47, v6;
	[tilespmem:s13+$0xFFFFFFF0] =	vst v11  }
0x17b: {  	v17 =	vld [tilespmem:s14+$0xFFFFFF50];
	[tilespmem:s14+$0xFFFFFFB0] =	vst v22;
	v21 =	vmul.f32 v44, v57  }
0x17c: {  	v15 =	vld [tilespmem:s14+$0xFFFFFF60];
	[tilespmem:s13+$0x0] =	vst v12;
	v10 =	vmul.f32 v10, v35  }
0x17d: {  	v61 =	vbroadcast v4, $0x5;
	v14 =	vld [tilespmem:s14+$0xFFFFFF70];
	[tilespmem:s14+$0x80] =	vst v21;
	v16 =	vmul.f32 v16, v35  }
0x17e: {  	v7 =	vld [tilespmem:s14+$0xFFFFFFC0];
	v5 =	vmul.f32 v5, v35;
	[tilespmem:s14+$0xFFFFFF80] =	vst v10  }
0x17f: {  	v9 =	vld [tilespmem:s14+$0xFFFFFFD0];
	v13 =	vmul.f32 v13, v61;
	[tilespmem:s14+$0xFFFFFF90] =	vst v16  }
0x180: {  	v8 =	vld [tilespmem:s14+$0xFFFFFFE0];
	v17 =	vmul.f32 v17, v61;
	[tilespmem:s14+$0xFFFFFFA0] =	vst v5  }
0x181: {  	v40 =	vbroadcast v4, $0x7;
	v11 =	vld [tilespmem:s14+$0xFFFFFFF0];
	v15 =	vmul.f32 v15, v61;
	[tilespmem:s14+$0xFFFFFF40] =	vst v13  }
0x182: {  	v58 =	vld [tilespmem:s13+$0x70];
	v14 =	vmul.f32 v14, v61;
	[tilespmem:s14+$0xFFFFFF50] =	vst v17  }
0x183: {  	v59 =	vld [tilespmem:s13+$0x80];
	v7 =	vmul.f32 v7, v40;
	[tilespmem:s14+$0xFFFFFF60] =	vst v15  }
0x184: {  	v60 =	vld [tilespmem:s13+$0x90];
	v9 =	vmul.f32 v9, v40;
	[tilespmem:s14+$0xFFFFFF70] =	vst v14  }
0x185: {  	v62 =	vld [tilespmem:s13+$0xA0];
	v8 =	vmul.f32 v8, v40;
	[tilespmem:s14+$0xFFFFFFC0] =	vst v7  }
0x186: {  	v63 =	vld [tilespmem:s13+$0xB0];
	v11 =	vmul.f32 v11, v40;
	[tilespmem:s14+$0xFFFFFFD0] =	vst v9  }
0x187: {  	v33 =	vld [tilespmem:s13+$0xC0];
	v13 =	vmul.f32 v48, v6;
	[tilespmem:s14+$0xFFFFFFE0] =	vst v8  }
0x188: {  	v34 =	vld [tilespmem:s13+$0xD0];
	v5 =	vbroadcast v3, $0xA;
	v17 =	vmul.f32 v51, v6;
	[tilespmem:s14+$0xFFFFFFF0] =	vst v11  }
0x189: {  	v12 =	vld [tilespmem:s14+$0x0];
	v6 =	vmul.f32 v52, v6;
	[tilespmem:s13+$0x10] =	vst v13  }
0x18a: {  	v39 =	vld [tilespmem:s13+$0x110];
	v42 =	vmul.f32 v59, v5;
	[tilespmem:s13+$0x20] =	vst v17  }
0x18b: {  	v49 =	vld [tilespmem:s13+$0x170];
	v7 =	vmul.f32 v60, v5;
	[tilespmem:s13+$0x30] =	vst v6  }
0x18c: {  	v36 =	vld [tilespmem:s13+$0xE0];
	v47 =	vbroadcast v4, $0x8;
	v9 =	vmul.f32 v62, v5;
	[tilespmem:s13+$0x80] =	vst v42  }
0x18d: {  	v37 =	vld [tilespmem:s13+$0xF0];
	v15 =	vbroadcast v3, $0x9;
	v5 =	vmul.f32 v63, v5;
	[tilespmem:s13+$0x90] =	vst v7  }
0x18e: {  	v38 =	vld [tilespmem:s13+$0x100];
	v12 =	vmul.f32 v12, v47;
	[tilespmem:s13+$0xA0] =	vst v9  }
0x18f: {  	v41 =	vld [tilespmem:s13+$0x120];
	v14 =	vmul.f32 v53, v15;
	[tilespmem:s13+$0xB0] =	vst v5  }
0x190: {  	v13 =	vld [tilespmem:s14+$0x10];
	v10 =	vmul.f32 v54, v15;
	[tilespmem:s14+$0x0] =	vst v12  }
0x191: {  	v8 =	vbroadcast v3, $0xB;
	v17 =	vld [tilespmem:s14+$0x20];
	v16 =	vmul.f32 v56, v15;
	[tilespmem:s13+$0x40] =	vst v14  }
0x192: {  	v6 =	vld [tilespmem:s14+$0x30];
	v15 =	vmul.f32 v58, v15;
	[tilespmem:s13+$0x50] =	vst v10  }
0x193: {  	v7 =	vld [tilespmem:s14+$0x90];
	v11 =	vmul.f32 v33, v8;
	[tilespmem:s13+$0x60] =	vst v16  }
0x194: {  	v9 =	vld [tilespmem:s14+$0xA0];
	v12 =	vmul.f32 v34, v8;
	[tilespmem:s13+$0x70] =	vst v15  }
0x195: {  	v5 =	vld [tilespmem:s14+$0xB0];
	[tilespmem:s13+$0xC0] =	vst v11;
	v13 =	vmul.f32 v13, v47  }
0x196: {  	v50 =	vld [tilespmem:s13+$0x180];
	[tilespmem:s13+$0xD0] =	vst v12;
	v17 =	vmul.f32 v17, v47  }
0x197: {  	v55 =	vld [tilespmem:s14+$0x100];
	v6 =	vmul.f32 v6, v47;
	[tilespmem:s14+$0x10] =	vst v13  }
0x198: {  	v14 =	vld [tilespmem:s14+$0x40];
	v7 =	vmul.f32 v7, v57;
	[tilespmem:s14+$0x20] =	vst v17  }
0x199: {  	v10 =	vld [tilespmem:s14+$0x50];
	v9 =	vmul.f32 v9, v57;
	[tilespmem:s14+$0x30] =	vst v6  }
0x19a: {  	v16 =	vld [tilespmem:s14+$0x60];
	v5 =	vmul.f32 v5, v57;
	[tilespmem:s14+$0x90] =	vst v7  }
0x19b: {  	v52 =	vbroadcast v4, $0x9;
	v15 =	vld [tilespmem:s14+$0x70];
	v13 =	vmul.f32 v36, v8;
	[tilespmem:s14+$0xA0] =	vst v9  }
0x19c: {  	v43 =	vld [tilespmem:s13+$0x130];
	v8 =	vmul.f32 v37, v8;
	[tilespmem:s14+$0xB0] =	vst v5  }
0x19d: {  	v45 =	vld [tilespmem:s13+$0x140];
	v14 =	vmul.f32 v14, v52;
	[tilespmem:s13+$0xE0] =	vst v13  }
0x19e: {  	v46 =	vld [tilespmem:s13+$0x150];
	v10 =	vmul.f32 v10, v52;
	[tilespmem:s13+$0xF0] =	vst v8  }
0x19f: {  	v61 =	vld [tilespmem:s14+$0x170];
	v17 =	vbroadcast v3, $0xC;
	v16 =	vmul.f32 v16, v52;
	[tilespmem:s14+$0x40] =	vst v14  }
0x1a0: {  	v48 =	vld [tilespmem:s13+$0x160];
	v15 =	vmul.f32 v15, v52;
	[tilespmem:s14+$0x50] =	vst v10  }
0x1a1: {  	v51 =	vld [tilespmem:s13+$0x190];
	v6 =	vmul.f32 v38, v17;
	[tilespmem:s14+$0x60] =	vst v16  }
0x1a2: {  	v59 =	vld [tilespmem:s14+$0x150];
	v14 =	vmul.f32 v39, v17;
	[tilespmem:s14+$0x70] =	vst v15  }
0x1a3: {  	v62 =	vld [tilespmem:s14+$0x180];
	v10 =	vmul.f32 v41, v17;
	v16 =	vbroadcast v3, $0xD;
	[tilespmem:s13+$0x100] =	vst v6  }
0x1a4: {  	v53 =	vld [tilespmem:s13+$0x1A0];
	v17 =	vmul.f32 v43, v17;
	[tilespmem:s13+$0x110] =	vst v14  }
0x1a5: {  	v11 =	vld [tilespmem:s14+$0xC0];
	[tilespmem:s13+$0x120] =	vst v10;
	v15 =	vmul.f32 v45, v16  }
0x1a6: {  	v12 =	vld [tilespmem:s14+$0xD0];
	[tilespmem:s13+$0x130] =	vst v17;
	v18 =	vmul.f32 v46, v16  }
0x1a7: {  	v13 =	vld [tilespmem:s14+$0xE0];
	v3 =	vbroadcast v3, $0xE;
	v7 =	vmul.f32 v48, v16;
	[tilespmem:s13+$0x140] =	vst v15  }
0x1a8: {  	v60 =	vbroadcast v4, $0xB;
	v56 =	vld [tilespmem:s13+$0x1D0];
	v9 =	vmul.f32 v49, v16;
	[tilespmem:s13+$0x150] =	vst v18  }
0x1a9: {  	v54 =	vld [tilespmem:s13+$0x1B0];
	v5 =	vmul.f32 v50, v3;
	[tilespmem:s13+$0x160] =	vst v7  }
0x1aa: {  	v58 =	vld [tilespmem:s13+$0x1E0];
	v7 =	vmul.f32 v11, v60;
	[tilespmem:s13+$0x170] =	vst v9  }
0x1ab: {  	v10 =	vld [tilespmem:s14+$0x120];
	v9 =	vmul.f32 v12, v60;
	[tilespmem:s13+$0x180] =	vst v5  }
0x1ac: {  	v8 =	vld [tilespmem:s14+$0xF0];
	v11 =	vmul.f32 v13, v60;
	[tilespmem:s14+$0xC0] =	vst v7  }
0x1ad: {  	v6 =	vld [tilespmem:s13+$0x1C0];
	v13 =	vmul.f32 v56, v2;
	[tilespmem:s14+$0xD0] =	vst v9  }
0x1ae: {  	v14 =	vld [tilespmem:s14+$0x110];
	v12 =	vbroadcast v4, $0xC;
	v7 =	vmul.f32 v51, v3;
	[tilespmem:s14+$0xE0] =	vst v11  }
0x1af: {  	v63 =	vbroadcast v4, $0xD;
	v17 =	vld [tilespmem:s14+$0x130];
	v9 =	vmul.f32 v53, v3;
	[tilespmem:s13+$0x1D0] =	vst v13  }
0x1b0: {  	v16 =	vld [tilespmem:s14+$0x160];
	v3 =	vmul.f32 v54, v3;
	v10 =	vmul.f32 v10, v12;
	[tilespmem:s13+$0x190] =	vst v7  }
0x1b1: {  	v15 =	vld [tilespmem:s14+$0x140];
	v11 =	vmul.f32 v59, v63;
	v7 =	vmul.f32 v8, v60;
	[tilespmem:s13+$0x1A0] =	vst v9  }
0x1b2: {  	v5 =	vld [tilespmem:s14+$0x190];
	v13 =	vmul.f32 v61, v63;
	v9 =	vmul.f32 v55, v12;
	[tilespmem:s13+$0x1B0] =	vst v3  }
0x1b3: {  	v8 =	vmul.f32 v6, v2;
	v6 =	vld [tilespmem:s14+$0x1A0];
	v3 =	vbroadcast v4, $0xE;
	[tilespmem:s14+$0xF0] =	vst v7  }
0x1b4: {  	v2 =	vmul.f32 v58, v2;
	v4 =	vmul.f32 v14, v12;
	v7 =	vld [tilespmem:s14+$0x1B0];
	[tilespmem:s14+$0x100] =	vst v9  }
0x1b5: {  	v14 =	vmul.f32 v17, v12;
	v12 =	vmul.f32 v16, v63;
	[tilespmem:s13+$0x1C0] =	vst v8;
	v9 =	vld [tilespmem:s14+$0x1C0]  }
0x1b6: {  	s17 =	sadd.s32 $0x10, s18;
	s16 =	simm.s32 $0x10;
	s15 =	simm.s32 $0x10460;
	v8 =	vmul.f32 v15, v63;
	[tilespmem:s14+$0x110] =	vst v4;
	v4 =	vmul.f32 v62, v3;
	v15 =	vld [tilespmem:s14+$0x1D0]  }
.LBB2_7:
0x1b7: {  	v16 =	vld [tilespmem:s17+$0x0];
	s16 =	sadd.s32 $0x10, s16;
	[tilespmem:s14+$0x120] =	vst v10;
	v5 =	vmul.f32 v5, v3  }
0x1b8: {  	s14 =	sadd.s32 $0x400, s14;
	p1 =	slt.u32 s16, $0x40;
	[tilespmem:s15+$0x130] =	vst v14;
	v6 =	vmul.f32 v6, v3;
	v14 =	vld [tilespmem:s15+$0x1E0]  }
0x1b9: {  	v10 =	vld [tilespmem:s14+$0x1F0];
	[tilespmem:s15+$0x140] =	vst v8;
	v3 =	vmul.f32 v7, v3  }
0x1ba: {  	v17 =	vld [tilespmem:s14+$0xFFFFFE00];
	[tilespmem:s15+$0x150] =	vst v11;
	v11 =	vmul.f32 v9, v1  }
0x1bb: {  	v18 =	vld [tilespmem:s14+$0xFFFFFE10];
	[tilespmem:s15+$0x160] =	vst v12;
	v12 =	vmul.f32 v15, v1  }
0x1bc: {  	v15 =	vbroadcast v16, $0x0;
	v19 =	vld [tilespmem:s14+$0xFFFFFE20];
	v20 =	vbroadcast v16, $0xF;
	[tilespmem:s15+$0x170] =	vst v13  }
0x1bd: {  	v21 =	vbroadcast v16, $0x1;
	v22 =	vbroadcast v16, $0x2;
	v13 =	vld [tilespmem:s14+$0xFFFFFE30];
	[tilespmem:s15+$0x180] =	vst v4  }
0x1be: {  	v24 =	vbroadcast v16, $0x3;
	v23 =	vld [tilespmem:s14+$0xFFFFFE40];
	v4 =	vmul.f32 v10, v20;
	[tilespmem:s15+$0x190] =	vst v5  }
0x1bf: {  	v26 =	vbroadcast v16, $0x4;
	v27 =	vbroadcast v16, $0x5;
	v25 =	vld [tilespmem:s14+$0xFFFFFE50];
	[tilespmem:s15+$0x1A0] =	vst v6  }
0x1c0: {  	v29 =	vbroadcast v16, $0x6;
	v10 =	vbroadcast v16, $0x7;
	v28 =	vld [tilespmem:s14+$0xFFFFFE60];
	[tilespmem:s14+$0x1F0] =	vst v4  }
0x1c1: {  	v9 =	vbroadcast v16, $0x8;
	v8 =	vbroadcast v16, $0x9;
	v30 =	vld [tilespmem:s14+$0xFFFFFE70];
	[tilespmem:s15+$0x1B0] =	vst v3  }
0x1c2: {  	v7 =	vbroadcast v16, $0xA;
	v6 =	vbroadcast v16, $0xB;
	v31 =	vld [tilespmem:s14+$0xFFFFFE80];
	[tilespmem:s15+$0x1C0] =	vst v11  }
0x1c3: {  	v5 =	vbroadcast v16, $0xC;
	v4 =	vbroadcast v16, $0xD;
	v11 =	vld [tilespmem:s14+$0xFFFFFE90];
	[tilespmem:s15+$0x1D0] =	vst v12  }
0x1c4: {  	v3 =	vbroadcast v16, $0xE;
	v12 =	vmul.f32 v15, v17;
	v17 =	vld [tilespmem:s14+$0xFFFFFEA0];
	[tilespmem:s13+$0x1E0] =	vst v2;
	s13 =	smov.u32 s15;
	s15 =	smov.u32 s14  }
0x1c5: {  	v16 =	vmul.f32 v19, v15;
	v2 =	vmul.f32 v18, v15;
	v18 =	vld [tilespmem:s14+$0xFFFFFEB0]  }
0x1c6: {  	[tilespmem:s14+$0xFFFFFE00] =	vst v12;
	v12 =	vmul.f32 v13, v15;
	v13 =	vmul.f32 v23, v21;
	v15 =	vld [tilespmem:s14+$0xFFFFFEC0]  }
0x1c7: {  	v19 =	vmul.f32 v25, v21;
	v23 =	vmul.f32 v28, v21;
	[tilespmem:s14+$0xFFFFFE10] =	vst v2;
	v25 =	vld [tilespmem:s14+$0xFFFFFED0]  }
0x1c8: {  	[tilespmem:s14+$0xFFFFFE20] =	vst v16;
	v16 =	vmul.f32 v30, v21;
	v21 =	vmul.f32 v31, v22;
	v28 =	vld [tilespmem:s14+$0xFFFFFEE0]  }
0x1c9: {  	v11 =	vmul.f32 v11, v22;
	[tilespmem:s14+$0xFFFFFE30] =	vst v12;
	v12 =	vmul.f32 v17, v22;
	v17 =	vld [tilespmem:s14+$0xFFFFFEF0]  }
0x1ca: {  	v2 =	vmul.f32 v14, v1;
	v1 =	vmov v20;
	[tilespmem:s14+$0xFFFFFE40] =	vst v13;
	v13 =	vmul.f32 v18, v22;
	v18 =	vld [tilespmem:s14+$0xFFFFFF00]  }
0x1cb: {  	[tilespmem:s14+$0xFFFFFE50] =	vst v19;
	v14 =	vmul.f32 v15, v24;
	v15 =	vld [tilespmem:s14+$0xFFFFFF10]  }
0x1cc: {  	[tilespmem:s14+$0xFFFFFE60] =	vst v23;
	v19 =	vmul.f32 v25, v24;
	v20 =	vld [tilespmem:s14+$0xFFFFFF20]  }
0x1cd: {  	[tilespmem:s14+$0xFFFFFE70] =	vst v16;
	v16 =	vmul.f32 v28, v24;
	v22 =	vld [tilespmem:s14+$0xFFFFFF30]  }
0x1ce: {  	[tilespmem:s14+$0xFFFFFE80] =	vst v21;
	v17 =	vmul.f32 v17, v24;
	v21 =	vld [tilespmem:s14+$0xFFFFFF40]  }
0x1cf: {  	[tilespmem:s14+$0xFFFFFE90] =	vst v11;
	v11 =	vmul.f32 v18, v26;
	v18 =	vld [tilespmem:s14+$0xFFFFFF50]  }
0x1d0: {  	[tilespmem:s14+$0xFFFFFEA0] =	vst v12;
	v12 =	vmul.f32 v15, v26;
	v15 =	vld [tilespmem:s14+$0xFFFFFF60]  }
0x1d1: {  	[tilespmem:s14+$0xFFFFFEB0] =	vst v13;
	v13 =	vmul.f32 v20, v26;
	v20 =	vld [tilespmem:s14+$0xFFFFFF70]  }
0x1d2: {  	[tilespmem:s14+$0xFFFFFEC0] =	vst v14;
	v14 =	vmul.f32 v22, v26;
	v22 =	vld [tilespmem:s14+$0xFFFFFF80]  }
0x1d3: {  	[tilespmem:s14+$0xFFFFFED0] =	vst v19;
	v19 =	vmul.f32 v21, v27;
	v21 =	vld [tilespmem:s14+$0xFFFFFF90]  }
0x1d4: {  	[tilespmem:s14+$0xFFFFFEE0] =	vst v16;
	v16 =	vmul.f32 v18, v27;
	v18 =	vld [tilespmem:s14+$0xFFFFFFA0]  }
0x1d5: {  	[tilespmem:s14+$0xFFFFFEF0] =	vst v17;
	v15 =	vmul.f32 v15, v27;
	v17 =	vld [tilespmem:s14+$0xFFFFFFB0]  }
0x1d6: {  	[tilespmem:s14+$0xFFFFFF00] =	vst v11;
	v11 =	vmul.f32 v20, v27;
	v20 =	vld [tilespmem:s14+$0xFFFFFFC0]  }
0x1d7: {  	[tilespmem:s14+$0xFFFFFF10] =	vst v12;
	v12 =	vmul.f32 v22, v29;
	v22 =	vld [tilespmem:s14+$0xFFFFFFD0]  }
0x1d8: {  	[tilespmem:s14+$0xFFFFFF20] =	vst v13;
	v13 =	vmul.f32 v21, v29;
	v21 =	vld [tilespmem:s14+$0xFFFFFFE0]  }
0x1d9: {  	[tilespmem:s14+$0xFFFFFF30] =	vst v14;
	v14 =	vmul.f32 v18, v29;
	v18 =	vld [tilespmem:s14+$0xFFFFFFF0]  }
0x1da: {  	[tilespmem:s14+$0xFFFFFF40] =	vst v19;
	v17 =	vmul.f32 v17, v29;
	v19 =	vld [tilespmem:s14+$0x0]  }
0x1db: {  	[tilespmem:s14+$0xFFFFFF50] =	vst v16;
	v16 =	vmul.f32 v20, v10;
	v20 =	vld [tilespmem:s14+$0x10]  }
0x1dc: {  	[tilespmem:s14+$0xFFFFFF60] =	vst v15;
	v15 =	vmul.f32 v22, v10;
	v22 =	vld [tilespmem:s14+$0x20]  }
0x1dd: {  	[tilespmem:s14+$0xFFFFFF70] =	vst v11;
	v11 =	vmul.f32 v21, v10;
	v21 =	vld [tilespmem:s14+$0x30]  }
0x1de: {  	[tilespmem:s14+$0xFFFFFF80] =	vst v12;
	v10 =	vmul.f32 v18, v10;
	v12 =	vld [tilespmem:s14+$0x40]  }
0x1df: {  	[tilespmem:s14+$0xFFFFFF90] =	vst v13;
	v13 =	vmul.f32 v19, v9;
	v18 =	vld [tilespmem:s14+$0x50]  }
0x1e0: {  	[tilespmem:s14+$0xFFFFFFA0] =	vst v14;
	v14 =	vmul.f32 v20, v9;
	v19 =	vld [tilespmem:s14+$0x60]  }
0x1e1: {  	[tilespmem:s14+$0xFFFFFFB0] =	vst v17;
	v17 =	vmul.f32 v22, v9;
	v20 =	vld [tilespmem:s14+$0x70]  }
0x1e2: {  	[tilespmem:s14+$0xFFFFFFC0] =	vst v16;
	v9 =	vmul.f32 v21, v9;
	v16 =	vld [tilespmem:s14+$0x80]  }
0x1e3: {  	[tilespmem:s14+$0xFFFFFFD0] =	vst v15;
	v12 =	vmul.f32 v12, v8;
	v15 =	vld [tilespmem:s14+$0x90]  }
0x1e4: {  	[tilespmem:s14+$0xFFFFFFE0] =	vst v11;
	v11 =	vmul.f32 v18, v8;
	v18 =	vld [tilespmem:s14+$0xA0]  }
0x1e5: {  	[tilespmem:s14+$0xFFFFFFF0] =	vst v10;
	v10 =	vmul.f32 v19, v8;
	v19 =	vld [tilespmem:s14+$0xB0]  }
0x1e6: {  	[tilespmem:s14+$0x0] =	vst v13;
	v8 =	vmul.f32 v20, v8;
	v13 =	vld [tilespmem:s14+$0xC0]  }
0x1e7: {  	[tilespmem:s14+$0x10] =	vst v14;
	v14 =	vmul.f32 v16, v7;
	v16 =	vld [tilespmem:s14+$0xD0]  }
0x1e8: {  	[tilespmem:s14+$0x20] =	vst v17;
	v15 =	vmul.f32 v15, v7;
	v17 =	vld [tilespmem:s14+$0xE0]  }
0x1e9: {  	[tilespmem:s14+$0x30] =	vst v9;
	v9 =	vmul.f32 v18, v7;
	v18 =	vld [tilespmem:s14+$0xF0]  }
0x1ea: {  	[tilespmem:s14+$0x40] =	vst v12;
	v7 =	vmul.f32 v19, v7;
	v12 =	vld [tilespmem:s14+$0x100]  }
0x1eb: {  	[tilespmem:s14+$0x50] =	vst v11;
	v11 =	vmul.f32 v13, v6;
	v13 =	vld [tilespmem:s14+$0x110]  }
0x1ec: {  	[tilespmem:s14+$0x60] =	vst v10;
	v16 =	vmul.f32 v16, v6;
	v10 =	vld [tilespmem:s14+$0x120]  }
0x1ed: {  	[tilespmem:s14+$0x70] =	vst v8;
	v17 =	vmul.f32 v17, v6;
	v8 =	vld [tilespmem:s14+$0x130]  }
0x1ee: {  	[tilespmem:s14+$0x80] =	vst v14;
	v18 =	vmul.f32 v18, v6;
	v6 =	vld [tilespmem:s14+$0x140]  }
0x1ef: {  	[tilespmem:s14+$0x90] =	vst v15;
	v15 =	vmul.f32 v12, v5;
	v12 =	vld [tilespmem:s14+$0x150]  }
0x1f0: {  	[tilespmem:s14+$0xA0] =	vst v9;
	v19 =	vmul.f32 v13, v5;
	v9 =	vld [tilespmem:s14+$0x160]  }
0x1f1: {  	[tilespmem:s14+$0xB0] =	vst v7;
	v10 =	vmul.f32 v10, v5;
	v13 =	vld [tilespmem:s14+$0x170]  }
0x1f2: {  	[tilespmem:s14+$0xC0] =	vst v11;
	v14 =	vmul.f32 v8, v5;
	v20 =	vld [tilespmem:s14+$0x180]  }
.Ltmp2:
0x1f3: {  	[tilespmem:s14+$0xD0] =	vst v16;
	v8 =	vmul.f32 v6, v4;
	v5 =	vld [tilespmem:s14+$0x190];
	(pc) =	sbr.rel @p1 .LBB2_7-.Ltmp2, $4  }
0x1f4: {  	[tilespmem:s14+$0xE0] =	vst v17;
	v11 =	vmul.f32 v12, v4;
	v6 =	vld [tilespmem:s14+$0x1A0]  }
0x1f5: {  	[tilespmem:s14+$0xF0] =	vst v18;
	v12 =	vmul.f32 v9, v4;
	v7 =	vld [tilespmem:s14+$0x1B0]  }
0x1f6: {  	[tilespmem:s14+$0x100] =	vst v15;
	v13 =	vmul.f32 v13, v4;
	v9 =	vld [tilespmem:s14+$0x1C0]  }
0x1f7: {  	s17 =	sadd.s32 $0x10, s17;
	[tilespmem:s14+$0x110] =	vst v19;
	v4 =	vmul.f32 v20, v3;
	v15 =	vld [tilespmem:s14+$0x1D0]  }
0x1f8: {  	[tilespmem:s14+$0x120] =	vst v10  }
0x1f9: {  	[tilespmem:s13+$0x1E0] =	vst v2  }
0x1fa: {  	[tilespmem:s15+$0x130] =	vst v14  }
0x1fb: {  	[tilespmem:s15+$0x140] =	vst v8  }
0x1fc: {  	[tilespmem:s15+$0x150] =	vst v11  }
0x1fd: {  	[tilespmem:s15+$0x160] =	vst v12  }
0x1fe: {  	v5 =	vmul.f32 v5, v3;
	v10 =	vld [tilespmem:s15+$0x1E0];
	[tilespmem:s15+$0x170] =	vst v13  }
0x1ff: {  	v6 =	vmul.f32 v6, v3;
	[tilespmem:s15+$0x180] =	vst v4  }
0x200: {  	v3 =	vmul.f32 v7, v3;
	[tilespmem:s15+$0x190] =	vst v5  }
0x201: {  	v62 =	vmul.f32 v9, v1;
	[tilespmem:s15+$0x1A0] =	vst v6  }
0x202: {  	v63 =	vmul.f32 v15, v1;
	[tilespmem:s15+$0x1B0] =	vst v3  }
0x203: {  	s5 =	sadd.s32 $0x1, s5;
	[tilespmem:s15+$0x1C0] =	vst v62;
	v1 =	vmul.f32 v10, v1  }
0x204: {  	p1 =	sne.s32 s5, $0x7D;
	[tilespmem:s15+$0x1D0] =	vst v63  }
.Ltmp3:
0x205: {  	s8 =	sadd.s32 $0x4E20, s8;
	[tilespmem:s15+$0x1E0] =	vst v1;
	(pc) =	sbr.rel @p1 .LBB2_4-.Ltmp3, $4  }
0x206: {  	[spmem:s2] =	stream.indirect.scatter.add.f32 [tilespmem:s0], [sflag:$0x3], $0x40, s8, s30, $0xb8;
	[tilespmem:$0x1C2A0] =	vst v63  }
0x207: {  	_ =	swait.ge [sflag:s25], $0x1400  }
0x208: {  	[sflag:s25] =	ssyncset.done $0x0  }
0x209: {  	s6 =	sadd.s32 $0xA0, s6;
	s7 =	sadd.s32 $0xA0, s7;
	[sflag:s25] =	ssyncadd.s32 $0xFFFFEC00  }
0x20a: {  	s5 =	stileid.u32  }
0x20b: {  	[bflag:$0x0] =	sbarrier.arrive $0xFFFF;
	s5 =	sshll.u32 s5, $0x6  }
0x20c: {  	s6 =	sshrl.u32 s9, $0x3;
	s7 =	rddreg [dreg:$0x7];
	s5 =	sor.u32 $0x1C03, s5  }
0x20d: {  	[hbm:s7], [sflag:s5] =	dma.local [spmem:s6], $0x280  }
0x20e: {  	_ =	swait.ge [sflag:s25], $0x280  }
0x20f: {  	[sflag:s25] =	ssyncset.done $0x0  }
0x210: {  	s15 =	sshrl.u32 s10, $0x3;
	s16 =	rddreg [dreg:$0x8];
	[sflag:s25] =	ssyncadd.s32 $0xFFFFFD80  }
0x211: {  	[hbm:s16], [sflag:s5] =	dma.local [spmem:s15], $0x280  }
0x212: {  	_ =	swait.ge [sflag:s25], $0x280  }
0x213: {  	[sflag:s25] =	ssyncset.done $0x0  }
0x214: {  	s17 =	sshrl.u32 s11, $0x3;
	s18 =	rddreg [dreg:$0x9];
	[sflag:s25] =	ssyncadd.s32 $0xFFFFFD80  }
0x215: {  	[hbm:s18], [sflag:s5] =	dma.local [spmem:s17], $0x280  }
0x216: {  	_ =	swait.ge [sflag:s25], $0x280  }
0x217: {  	[sflag:s25] =	ssyncset.done $0x0  }
0x218: {  	s7 =	sshrl.u32 s12, $0x3;
	s8 =	rddreg [dreg:$0xa];
	[sflag:s25] =	ssyncadd.s32 $0xFFFFFD80  }
0x219: {  	[hbm:s8], [sflag:s5] =	dma.local [spmem:s7], $0x280  }
0x21a: {  	_ =	swait.ge [sflag:s25], $0x280  }
0x21b: {  	[sflag:s25] =	ssyncset.done $0x0  }
0x21c: {  	s13 =	sshrl.u32 s21, $0x3;
	s14 =	rddreg [dreg:$0xb];
	[sflag:s25] =	ssyncadd.s32 $0xFFFFFD80  }
0x21d: {  	[hbm:s14], [sflag:s5] =	dma.local [spmem:s13], $0x280  }
0x21e: {  	_ =	swait.ge [sflag:s25], $0x280  }
0x21f: {  	[sflag:s25] =	ssyncset.done $0x0  }
0x220: {  	s15 =	sshrl.u32 s22, $0x3;
	s16 =	rddreg [dreg:$0xc];
	[sflag:s25] =	ssyncadd.s32 $0xFFFFFD80  }
0x221: {  	[hbm:s16], [sflag:s5] =	dma.local [spmem:s15], $0x280  }
0x222: {  	_ =	swait.ge [sflag:s25], $0x280  }
0x223: {  	[sflag:s25] =	ssyncset.done $0x0  }
0x224: {  	s17 =	sshrl.u32 s23, $0x3;
	[sflag:s25] =	ssyncadd.s32 $0xFFFFFD80  }
0x225: {  	[hbm:s19], [sflag:s5] =	dma.local [spmem:s17], $0x280  }
0x226: {  	_ =	swait.ge [sflag:s25], $0x280  }
0x227: {  	[sflag:s25] =	ssyncset.done $0x0  }
0x228: {  	s6 =	sshrl.u32 @!p0 s24, $0x3;
	[sflag:s25] =	ssyncadd.s32 $0xFFFFFD80  }
0x229: {  	[hbm:s20], [sflag:s5] =	dma.local @!p0 [spmem:s6], $0x280  }
0x22a: {  	s5 =	simm.s32 @!p0 $0x3  }
0x22b: {  	_ =	swait.ge @!p0 [sflag:s5], $0x280  }
0x22c: {  	s1 =	sadd.s32 $0x1, s1;
	s18 =	rddreg [dreg:$0x6]  }
0x22d: {  	p1 =	sne.s32 s1, s18  }
.Ltmp4:
0x22e: {  	_ = 	snop;
	(pc) =	sbr.rel @p1 .LBB2_1-.Ltmp4, $3  }
0x22f: {  	_ =	sdelay $0x1  }
0x230: {  	[sflag:s5] =	ssyncset.done @!p0 $0x0  }
0x231: {  	[sflag:s5] =	ssyncadd.s32 @!p0 $0xFFFFFD80  }
0x232: {  	_ =	sfence.sel $0x180000  }
0x233: {  	[bflag:$0x0] =	sbarrier.arrive $0xFFFF  }
0x234: {  	_ =	strace $0x90000047  }
0x235: {  	s0 =	stileid.u32;
	[bflag:$0x2] =	sbarrier.arrive $0xFFFF  }
0x236: {  	p0 =	sne.s32 s0, $0x0;
	s0 =	rddreg [dreg:$0x2]  }
0x237: {  	s0 =	sadd.s32 @!p0 $0x100000, s0  }
0x238: {  	[sflag:s0] =	ssyncadd.tile.s32 @!p0 $0x1;
	_ =	shalt  }
.Lfunc_end2:
_tile_overlayer_lowered:
.L_overlay_start_2:
0x239: {  	(tag) =	ssettag $0x2  }
0x23a: {  	s0 =	rddreg [dreg:$0x0];
	s2 =	stileid.u32  }
0x23b: {  	s1 =	rddreg [dreg:$0x1];
	p0 =	sne.s32 s2, $0x0  }
0x23c: {  	s3 =	rddreg [dreg:$0x2];
	[bflag:$0x3] =	sbarrier.arrive $0xFFFF;
	s2 =	simm.s32 @!p0 $0x1C03  }
0x23d: {  	[timem:s3], [sflag:s2] =	dma.local @!p0 [hbm:s0], s1  }
0x23e: {  	s0 =	simm.s32 @!p0 $0x3  }
0x23f: {  	_ =	swait.ge @!p0 [sflag:s0], s1  }
0x240: {  	s1 =	ssub.s32 @!p0 $0x0, s1;
	[sflag:s0] =	ssyncset.done @!p0 $0x0  }
0x241: {  	[sflag:s0] =	ssyncadd.s32 @!p0 s1  }
0x242: {  	[bflag:$0x3] =	sbarrier.arrive $0xFFFF  }
0x243: {  	_ =	shalt  }

</sc_bundles>
